<compile_context>
chip_gen: v7x
topology: tpu7x:2x2x1
jax: 0.10.2.dev20260603
libtpu: 0.0.44.dev20260713+nightly
codegen_flags: <defaults>
</compile_context>

<pallas_src>
import functools

import jax
import jax.numpy as jnp
from jax import lax
from jax.experimental import pallas as pl
from jax.experimental.pallas import tpu as pltpu
from jax.experimental.pallas import tpu_sc as plsc

NC = 2
NS = 16
L = 16
NW = NC * NS
BATCH = 16384
DIM = 64
BLK = 8
NBLOCKS = 1000000 // BLK
RPW = BATCH // NW
CHUNK = 16
NCHUNK = RPW // CHUNK

_mesh = plsc.VectorSubcoreMesh(
    core_axis_name="c", subcore_axis_name="s", num_cores=NC, num_subcores=NS
)


@functools.partial(
    pl.kernel,
    out_type=jax.ShapeDtypeStruct((BATCH,), jnp.float32),
    mesh=_mesh,
    compiler_params=pltpu.CompilerParams(needs_layout_passes=False),
    scratch_types=[
        pltpu.VMEM((RPW,), jnp.int32),
        pltpu.VMEM((RPW,), jnp.int32),
        pltpu.VMEM((CHUNK, BLK, DIM), jnp.float32),
        pltpu.VMEM((CHUNK, BLK, DIM), jnp.float32),
        pltpu.VMEM((CHUNK, BLK, DIM), jnp.float32),
        pltpu.VMEM((CHUNK, BLK, DIM), jnp.float32),
        pltpu.VMEM((RPW,), jnp.float32),
        pltpu.SemaphoreType.DMA,
        pltpu.SemaphoreType.DMA,
        pltpu.SemaphoreType.DMA,
        pltpu.SemaphoreType.DMA,
    ],
)
def _bprmf_sc(u_hbm, i_hbm, uw_hbm, iw_hbm, out_hbm,
              uraw, iraw, ublk_a, iblk_a, ublk_b, iblk_b, outv,
              sem_ua, sem_ia, sem_ub, sem_ib):
    wid = lax.axis_index("s") * NC + lax.axis_index("c")
    base = wid * RPW

    pltpu.sync_copy(u_hbm.at[pl.ds(base, RPW)], uraw)
    pltpu.sync_copy(i_hbm.at[pl.ds(base, RPW)], iraw)

    def issue(c, ublk, iblk, sem_u, sem_i):
        for g in range(CHUNK // L):
            sl = pl.ds(c * CHUNK + g * L, L)
            ubv = lax.shift_right_logical(uraw[sl], 3)
            ibv = lax.shift_right_logical(iraw[sl], 3)
            for s in range(L):
                slot = g * L + s
                pltpu.async_copy(uw_hbm.at[ubv[s]], ublk.at[slot], sem_u)
                pltpu.async_copy(iw_hbm.at[ibv[s]], iblk.at[slot], sem_i)

    def drain(ublk, iblk, sem_u, sem_i):
        dummy = pl.ds(0, CHUNK)
        pltpu.make_async_copy(uw_hbm.at[dummy], ublk, sem_u).wait()
        pltpu.make_async_copy(iw_hbm.at[dummy], iblk, sem_i).wait()

    def compute(c, ublk, iblk):
        for g in range(CHUNK // L):
            sl = pl.ds(c * CHUNK + g * L, L)
            ur = jnp.bitwise_and(uraw[sl], 7)
            ir = jnp.bitwise_and(iraw[sl], 7)
            gslots = lax.iota(jnp.int32, L) + g * L
            acc = jnp.zeros((L,), jnp.float32)
            for f in range(DIM):
                fv = jnp.full((L,), f, jnp.int32)
                uv = plsc.load_gather(ublk, [gslots, ur, fv])
                iv = plsc.load_gather(iblk, [gslots, ir, fv])
                acc = acc + uv * iv
            outv[pl.ds(c * CHUNK + g * L, L)] = acc

    issue(0, ublk_a, iblk_a, sem_ua, sem_ia)

    def pair_body(j, carry):
        c = j * 2
        issue(c + 1, ublk_b, iblk_b, sem_ub, sem_ib)
        drain(ublk_a, iblk_a, sem_ua, sem_ia)
        compute(c, ublk_a, iblk_a)

        @pl.when(j < NCHUNK // 2 - 1)
        def _():
            issue(c + 2, ublk_a, iblk_a, sem_ua, sem_ia)

        drain(ublk_b, iblk_b, sem_ub, sem_ib)
        compute(c + 1, ublk_b, iblk_b)
        return carry

    lax.fori_loop(0, NCHUNK // 2, pair_body, 0)

    pltpu.sync_copy(outv, out_hbm.at[pl.ds(base, RPW)])


def kernel(u, i, user_weight, item_weight):
    uw3 = jnp.reshape(user_weight, (NBLOCKS, BLK, DIM))
    iw3 = jnp.reshape(item_weight, (NBLOCKS, BLK, DIM))
    return _bprmf_sc(u.astype(jnp.int32), i.astype(jnp.int32), uw3, iw3)

# --- scband reference (transcript-rebuilt; emitter-appended) ---
"""Pipeline reference for scband-bprmf-41704132444582 (READ-ONLY COPY).

The authoritative reference and input builder live on the scoring server;
editing this copy changes nothing except your own understanding.
"""

import jax, jax.numpy as jnp
import numpy as np

N_USERS = 1000000
N_ITEMS = 1000000
DIM = 64
BATCH = 16384

def setup_inputs(seed: int = 0) -> dict:
    key = jax.random.key(seed)
    k_u, k_i, k_uw, k_iw = jax.random.split(key, 4)
    u = jax.random.randint(k_u, (BATCH,), 0, N_USERS, dtype=jnp.int64 if jax.config.jax_enable_x64 else jnp.int32)
    i = jax.random.randint(k_i, (BATCH,), 0, N_ITEMS, dtype=jnp.int64 if jax.config.jax_enable_x64 else jnp.int32)
    user_weight = jax.random.normal(k_uw, (N_USERS, DIM), dtype=jnp.float32) * 0.01
    item_weight = jax.random.normal(k_iw, (N_ITEMS, DIM), dtype=jnp.float32) * 0.01
    return {"u": u, "i": i, "user_weight": user_weight, "item_weight": item_weight}

def reference(u, i, user_weight, item_weight):
    uemb = jnp.take(user_weight, u, axis=0)
    iemb = jnp.take(item_weight, i, axis=0)
    return (uemb * iemb).sum(-1)

if __name__ == "__main__":
    import jax
    _d = setup_inputs()
    print(jax.jit(kernel)(*tuple(_d.values())))

</pallas_src>

<mosaic_0001>
#map = affine_map<(d0, d1) -> (0)>
#map1 = affine_map<(d0, d1) -> (0, 0, 0)>
module attributes {stable_mosaic.version = 14 : i64} {
  func.func @_bprmf_sc(%arg0: i32, %arg1: i32, %arg2: memref<16384xi32, #tpu.memory_space<hbm>>, %arg3: memref<16384xi32, #tpu.memory_space<hbm>>, %arg4: memref<125000x8x64xf32, #tpu.memory_space<hbm>>, %arg5: memref<125000x8x64xf32, #tpu.memory_space<hbm>>, %arg6: memref<16384xf32, #tpu.memory_space<hbm>>, %arg7: memref<512xi32, #tpu.memory_space<vmem>>, %arg8: memref<512xi32, #tpu.memory_space<vmem>>, %arg9: memref<16x8x64xf32, #tpu.memory_space<vmem>>, %arg10: memref<16x8x64xf32, #tpu.memory_space<vmem>>, %arg11: memref<16x8x64xf32, #tpu.memory_space<vmem>>, %arg12: memref<16x8x64xf32, #tpu.memory_space<vmem>>, %arg13: memref<512xf32, #tpu.memory_space<vmem>>, %arg14: memref<!tpu.dma_semaphore, #tpu.memory_space<semaphore_mem>>, %arg15: memref<!tpu.dma_semaphore, #tpu.memory_space<semaphore_mem>>, %arg16: memref<!tpu.dma_semaphore, #tpu.memory_space<semaphore_mem>>, %arg17: memref<!tpu.dma_semaphore, #tpu.memory_space<semaphore_mem>>) attributes {dimension_semantics = [#tpu.dimension_semantics<core_parallel>, #tpu.dimension_semantics<subcore_parallel>], iteration_bounds = array<i64: 2, 16>, scalar_prefetch = 0 : i64, scratch_operands = 11 : i64, tpu.core_type = #tpu.core_type<sc_vector_subcore>, window_params = [{transform_indices = #map}, {transform_indices = #map}, {transform_indices = #map1}, {transform_indices = #map1}, {transform_indices = #map}]} {
    %mul3A = arith.constant 2 : i32
    %mul3A_0 = arith.muli %arg1, %mul3A : i32
    %add3A = arith.addi %mul3A_0, %arg0 : i32
    %mul3A_1 = arith.constant 512 : i32
    %mul3A_2 = arith.muli %add3A, %mul3A_1 : i32
    "tpu.region"() ({
      %run_scoped3A = tpu.sem_alloc : memref<!tpu.dma_semaphore, #tpu.memory_space<semaphore_mem>>
      %dma_start3A_621 = tpu.memref_slice %arg2[%mul3A_2] : memref<16384xi32, #tpu.memory_space<hbm>> -> memref<512xi32, #tpu.memory_space<hbm>>
      %dma_start3A_622 = tpu.memref_slice %arg2[%mul3A_2] : memref<16384xi32, #tpu.memory_space<hbm>> -> memref<512xi32, #tpu.memory_space<hbm>>
      tpu.enqueue_dma source(%dma_start3A_622 : memref<512xi32, #tpu.memory_space<hbm>>) target(%arg7 : memref<512xi32, #tpu.memory_space<vmem>>) target_semaphore(%run_scoped3A : memref<!tpu.dma_semaphore, #tpu.memory_space<semaphore_mem>>)
      %dma_wait3A = tpu.memref_slice %arg2[%mul3A_2] : memref<16384xi32, #tpu.memory_space<hbm>> -> memref<512xi32, #tpu.memory_space<hbm>>
      %dma_wait3A_623 = tpu.memref_slice %arg2[%mul3A_2] : memref<16384xi32, #tpu.memory_space<hbm>> -> memref<512xi32, #tpu.memory_space<hbm>>
      tpu.wait_dma2 semaphore(%run_scoped3A : memref<!tpu.dma_semaphore, #tpu.memory_space<semaphore_mem>>) src(%dma_wait3A_623 : memref<512xi32, #tpu.memory_space<hbm>>) dst(%arg7 : memref<512xi32, #tpu.memory_space<vmem>>)
      tpu.yield
    }) : () -> ()
    "tpu.region"() ({
      %run_scoped3A = tpu.sem_alloc : memref<!tpu.dma_semaphore, #tpu.memory_space<semaphore_mem>>
      %dma_start3A_621 = tpu.memref_slice %arg3[%mul3A_2] : memref<16384xi32, #tpu.memory_space<hbm>> -> memref<512xi32, #tpu.memory_space<hbm>>
      %dma_start3A_622 = tpu.memref_slice %arg3[%mul3A_2] : memref<16384xi32, #tpu.memory_space<hbm>> -> memref<512xi32, #tpu.memory_space<hbm>>
      tpu.enqueue_dma source(%dma_start3A_622 : memref<512xi32, #tpu.memory_space<hbm>>) target(%arg8 : memref<512xi32, #tpu.memory_space<vmem>>) target_semaphore(%run_scoped3A : memref<!tpu.dma_semaphore, #tpu.memory_space<semaphore_mem>>)
      %dma_wait3A = tpu.memref_slice %arg3[%mul3A_2] : memref<16384xi32, #tpu.memory_space<hbm>> -> memref<512xi32, #tpu.memory_space<hbm>>
      %dma_wait3A_623 = tpu.memref_slice %arg3[%mul3A_2] : memref<16384xi32, #tpu.memory_space<hbm>> -> memref<512xi32, #tpu.memory_space<hbm>>
      tpu.wait_dma2 semaphore(%run_scoped3A : memref<!tpu.dma_semaphore, #tpu.memory_space<semaphore_mem>>) src(%dma_wait3A_623 : memref<512xi32, #tpu.memory_space<hbm>>) dst(%arg8 : memref<512xi32, #tpu.memory_space<vmem>>)
      tpu.yield
    }) : () -> ()
    %get3A = arith.constant 0 : index
    %get3A_3 = tpu.vector_load %arg7[%get3A] {strides = array<i32>} : memref<512xi32, #tpu.memory_space<vmem>>, vector<16xi32>,
    %shift_right_logical3A = arith.constant 3 : i32
    %shift_right_logical3A_4 = vector.broadcast %shift_right_logical3A : i32 to vector<16xi32>
    %shift_right_logical3A_5 = arith.shrui %get3A_3, %shift_right_logical3A_4 : vector<16xi32>
    %get3A_6 = arith.constant 0 : index
    %get3A_7 = tpu.vector_load %arg8[%get3A_6] {strides = array<i32>} : memref<512xi32, #tpu.memory_space<vmem>>, vector<16xi32>,
    %shift_right_logical3A_8 = arith.constant 3 : i32
    %shift_right_logical3A_9 = vector.broadcast %shift_right_logical3A_8 : i32 to vector<16xi32>
    %shift_right_logical3A_10 = arith.shrui %get3A_7, %shift_right_logical3A_9 : vector<16xi32>
    %slice3A = vector.extract_strided_slice %shift_right_logical3A_5 {offsets = [0], sizes = [1], strides = [1]} : vector<16xi32> to vector<1xi32>
    %squeeze3A = vector.extract %slice3A[0] : i32 from vector<1xi32>
    %dma_start3A = arith.constant 0 : i32
    %dma_start3A_11 = arith.constant 0 : i32
    %dma_start3A_12 = arith.constant 0 : i32
    %dma_start3A_13 = tpu.memref_slice %arg9[%dma_start3A, %dma_start3A_11, %dma_start3A_12] : memref<16x8x64xf32, #tpu.memory_space<vmem>> -> memref<1x8x64xf32, #tpu.memory_space<vmem>>
    %dma_start3A_14 = tpu.memref_squeeze %dma_start3A_13 : memref<1x8x64xf32, #tpu.memory_space<vmem>> -> memref<8x64xf32, #tpu.memory_space<vmem>>
    %dma_start3A_15 = arith.constant 0 : i32
    %dma_start3A_16 = arith.constant 0 : i32
    %dma_start3A_17 = tpu.memref_slice %arg4[%squeeze3A, %dma_start3A_15, %dma_start3A_16] : memref<125000x8x64xf32, #tpu.memory_space<hbm>> -> memref<1x8x64xf32, #tpu.memory_space<hbm>>
    %dma_start3A_18 = tpu.memref_squeeze %dma_start3A_17 : memref<1x8x64xf32, #tpu.memory_space<hbm>> -> memref<8x64xf32, #tpu.memory_space<hbm>>
    %dma_start3A_19 = arith.constant 0 : i32
    %dma_start3A_20 = arith.constant 0 : i32
    %dma_start3A_21 = tpu.memref_slice %arg9[%dma_start3A, %dma_start3A_19, %dma_start3A_20] : memref<16x8x64xf32, #tpu.memory_space<vmem>> -> memref<1x8x64xf32, #tpu.memory_space<vmem>>
    %dma_start3A_22 = tpu.memref_squeeze %dma_start3A_21 : memref<1x8x64xf32, #tpu.memory_space<vmem>> -> memref<8x64xf32, #tpu.memory_space<vmem>>
    %dma_start3A_23 = arith.constant 0 : i32
    %dma_start3A_24 = arith.constant 0 : i32
    %dma_start3A_25 = tpu.memref_slice %arg4[%squeeze3A, %dma_start3A_23, %dma_start3A_24] : memref<125000x8x64xf32, #tpu.memory_space<hbm>> -> memref<1x8x64xf32, #tpu.memory_space<hbm>>
    %dma_start3A_26 = tpu.memref_squeeze %dma_start3A_25 : memref<1x8x64xf32, #tpu.memory_space<hbm>> -> memref<8x64xf32, #tpu.memory_space<hbm>>
    tpu.enqueue_dma source(%dma_start3A_26 : memref<8x64xf32, #tpu.memory_space<hbm>>) target(%dma_start3A_22 : memref<8x64xf32, #tpu.memory_space<vmem>>) target_semaphore(%arg14 : memref<!tpu.dma_semaphore, #tpu.memory_space<semaphore_mem>>)
    %slice3A_27 = vector.extract_strided_slice %shift_right_logical3A_10 {offsets = [0], sizes = [1], strides = [1]} : vector<16xi32> to vector<1xi32>
    %squeeze3A_28 = vector.extract %slice3A_27[0] : i32 from vector<1xi32>
    %dma_start3A_29 = arith.constant 0 : i32
    %dma_start3A_30 = arith.constant 0 : i32
    %dma_start3A_31 = arith.constant 0 : i32
    %dma_start3A_32 = tpu.memref_slice %arg10[%dma_start3A_29, %dma_start3A_30, %dma_start3A_31] : memref<16x8x64xf32, #tpu.memory_space<vmem>> -> memref<1x8x64xf32, #tpu.memory_space<vmem>>
    %dma_start3A_33 = tpu.memref_squeeze %dma_start3A_32 : memref<1x8x64xf32, #tpu.memory_space<vmem>> -> memref<8x64xf32, #tpu.memory_space<vmem>>
    %dma_start3A_34 = arith.constant 0 : i32
    %dma_start3A_35 = arith.constant 0 : i32
    %dma_start3A_36 = tpu.memref_slice %arg5[%squeeze3A_28, %dma_start3A_34, %dma_start3A_35] : memref<125000x8x64xf32, #tpu.memory_space<hbm>> -> memref<1x8x64xf32, #tpu.memory_space<hbm>>
    %dma_start3A_37 = tpu.memref_squeeze %dma_start3A_36 : memref<1x8x64xf32, #tpu.memory_space<hbm>> -> memref<8x64xf32, #tpu.memory_space<hbm>>
    %dma_start3A_38 = arith.constant 0 : i32
    %dma_start3A_39 = arith.constant 0 : i32
    %dma_start3A_40 = tpu.memref_slice %arg10[%dma_start3A_29, %dma_start3A_38, %dma_start3A_39] : memref<16x8x64xf32, #tpu.memory_space<vmem>> -> memref<1x8x64xf32, #tpu.memory_space<vmem>>
    %dma_start3A_41 = tpu.memref_squeeze %dma_start3A_40 : memref<1x8x64xf32, #tpu.memory_space<vmem>> -> memref<8x64xf32, #tpu.memory_space<vmem>>
    %dma_start3A_42 = arith.constant 0 : i32
    %dma_start3A_43 = arith.constant 0 : i32
    %dma_start3A_44 = tpu.memref_slice %arg5[%squeeze3A_28, %dma_start3A_42, %dma_start3A_43] : memref<125000x8x64xf32, #tpu.memory_space<hbm>> -> memref<1x8x64xf32, #tpu.memory_space<hbm>>
    %dma_start3A_45 = tpu.memref_squeeze %dma_start3A_44 : memref<1x8x64xf32, #tpu.memory_space<hbm>> -> memref<8x64xf32, #tpu.memory_space<hbm>>
    tpu.enqueue_dma source(%dma_start3A_45 : memref<8x64xf32, #tpu.memory_space<hbm>>) target(%dma_start3A_41 : memref<8x64xf32, #tpu.memory_space<vmem>>) target_semaphore(%arg15 : memref<!tpu.dma_semaphore, #tpu.memory_space<semaphore_mem>>)
    %slice3A_46 = vector.extract_strided_slice %shift_right_logical3A_5 {offsets = [1], sizes = [1], strides = [1]} : vector<16xi32> to vector<1xi32>
    %squeeze3A_47 = vector.extract %slice3A_46[0] : i32 from vector<1xi32>
    %dma_start3A_48 = arith.constant 1 : i32
    %dma_start3A_49 = arith.constant 0 : i32
    %dma_start3A_50 = arith.constant 0 : i32
    %dma_start3A_51 = tpu.memref_slice %arg9[%dma_start3A_48, %dma_start3A_49, %dma_start3A_50] : memref<16x8x64xf32, #tpu.memory_space<vmem>> -> memref<1x8x64xf32, #tpu.memory_space<vmem>>
    %dma_start3A_52 = tpu.memref_squeeze %dma_start3A_51 : memref<1x8x64xf32, #tpu.memory_space<vmem>> -> memref<8x64xf32, #tpu.memory_space<vmem>>
    %dma_start3A_53 = arith.constant 0 : i32
    %dma_start3A_54 = arith.constant 0 : i32
    %dma_start3A_55 = tpu.memref_slice %arg4[%squeeze3A_47, %dma_start3A_53, %dma_start3A_54] : memref<125000x8x64xf32, #tpu.memory_space<hbm>> -> memref<1x8x64xf32, #tpu.memory_space<hbm>>
    %dma_start3A_56 = tpu.memref_squeeze %dma_start3A_55 : memref<1x8x64xf32, #tpu.memory_space<hbm>> -> memref<8x64xf32, #tpu.memory_space<hbm>>
    %dma_start3A_57 = arith.constant 0 : i32
    %dma_start3A_58 = arith.constant 0 : i32
    %dma_start3A_59 = tpu.memref_slice %arg9[%dma_start3A_48, %dma_start3A_57, %dma_start3A_58] : memref<16x8x64xf32, #tpu.memory_space<vmem>> -> memref<1x8x64xf32, #tpu.memory_space<vmem>>
    %dma_start3A_60 = tpu.memref_squeeze %dma_start3A_59 : memref<1x8x64xf32, #tpu.memory_space<vmem>> -> memref<8x64xf32, #tpu.memory_space<vmem>>
    %dma_start3A_61 = arith.constant 0 : i32
    %dma_start3A_62 = arith.constant 0 : i32
    %dma_start3A_63 = tpu.memref_slice %arg4[%squeeze3A_47, %dma_start3A_61, %dma_start3A_62] : memref<125000x8x64xf32, #tpu.memory_space<hbm>> -> memref<1x8x64xf32, #tpu.memory_space<hbm>>
    %dma_start3A_64 = tpu.memref_squeeze %dma_start3A_63 : memref<1x8x64xf32, #tpu.memory_space<hbm>> -> memref<8x64xf32, #tpu.memory_space<hbm>>
    tpu.enqueue_dma source(%dma_start3A_64 : memref<8x64xf32, #tpu.memory_space<hbm>>) target(%dma_start3A_60 : memref<8x64xf32, #tpu.memory_space<vmem>>) target_semaphore(%arg14 : memref<!tpu.dma_semaphore, #tpu.memory_space<semaphore_mem>>)
    %slice3A_65 = vector.extract_strided_slice %shift_right_logical3A_10 {offsets = [1], sizes = [1], strides = [1]} : vector<16xi32> to vector<1xi32>
    %squeeze3A_66 = vector.extract %slice3A_65[0] : i32 from vector<1xi32>
    %dma_start3A_67 = arith.constant 1 : i32
    %dma_start3A_68 = arith.constant 0 : i32
    %dma_start3A_69 = arith.constant 0 : i32
    %dma_start3A_70 = tpu.memref_slice %arg10[%dma_start3A_67, %dma_start3A_68, %dma_start3A_69] : memref<16x8x64xf32, #tpu.memory_space<vmem>> -> memref<1x8x64xf32, #tpu.memory_space<vmem>>
    %dma_start3A_71 = tpu.memref_squeeze %dma_start3A_70 : memref<1x8x64xf32, #tpu.memory_space<vmem>> -> memref<8x64xf32, #tpu.memory_space<vmem>>
    %dma_start3A_72 = arith.constant 0 : i32
    %dma_start3A_73 = arith.constant 0 : i32
    %dma_start3A_74 = tpu.memref_slice %arg5[%squeeze3A_66, %dma_start3A_72, %dma_start3A_73] : memref<125000x8x64xf32, #tpu.memory_space<hbm>> -> memref<1x8x64xf32, #tpu.memory_space<hbm>>
    %dma_start3A_75 = tpu.memref_squeeze %dma_start3A_74 : memref<1x8x64xf32, #tpu.memory_space<hbm>> -> memref<8x64xf32, #tpu.memory_space<hbm>>
    %dma_start3A_76 = arith.constant 0 : i32
    %dma_start3A_77 = arith.constant 0 : i32
    %dma_start3A_78 = tpu.memref_slice %arg10[%dma_start3A_67, %dma_start3A_76, %dma_start3A_77] : memref<16x8x64xf32, #tpu.memory_space<vmem>> -> memref<1x8x64xf32, #tpu.memory_space<vmem>>
    %dma_start3A_79 = tpu.memref_squeeze %dma_start3A_78 : memref<1x8x64xf32, #tpu.memory_space<vmem>> -> memref<8x64xf32, #tpu.memory_space<vmem>>
    %dma_start3A_80 = arith.constant 0 : i32
    %dma_start3A_81 = arith.constant 0 : i32
    %dma_start3A_82 = tpu.memref_slice %arg5[%squeeze3A_66, %dma_start3A_80, %dma_start3A_81] : memref<125000x8x64xf32, #tpu.memory_space<hbm>> -> memref<1x8x64xf32, #tpu.memory_space<hbm>>
    %dma_start3A_83 = tpu.memref_squeeze %dma_start3A_82 : memref<1x8x64xf32, #tpu.memory_space<hbm>> -> memref<8x64xf32, #tpu.memory_space<hbm>>
    tpu.enqueue_dma source(%dma_start3A_83 : memref<8x64xf32, #tpu.memory_space<hbm>>) target(%dma_start3A_79 : memref<8x64xf32, #tpu.memory_space<vmem>>) target_semaphore(%arg15 : memref<!tpu.dma_semaphore, #tpu.memory_space<semaphore_mem>>)
    %slice3A_84 = vector.extract_strided_slice %shift_right_logical3A_5 {offsets = [2], sizes = [1], strides = [1]} : vector<16xi32> to vector<1xi32>
    %squeeze3A_85 = vector.extract %slice3A_84[0] : i32 from vector<1xi32>
    %dma_start3A_86 = arith.constant 2 : i32
    %dma_start3A_87 = arith.constant 0 : i32
    %dma_start3A_88 = arith.constant 0 : i32
    %dma_start3A_89 = tpu.memref_slice %arg9[%dma_start3A_86, %dma_start3A_87, %dma_start3A_88] : memref<16x8x64xf32, #tpu.memory_space<vmem>> -> memref<1x8x64xf32, #tpu.memory_space<vmem>>
    %dma_start3A_90 = tpu.memref_squeeze %dma_start3A_89 : memref<1x8x64xf32, #tpu.memory_space<vmem>> -> memref<8x64xf32, #tpu.memory_space<vmem>>
    %dma_start3A_91 = arith.constant 0 : i32
    %dma_start3A_92 = arith.constant 0 : i32
    %dma_start3A_93 = tpu.memref_slice %arg4[%squeeze3A_85, %dma_start3A_91, %dma_start3A_92] : memref<125000x8x64xf32, #tpu.memory_space<hbm>> -> memref<1x8x64xf32, #tpu.memory_space<hbm>>
    %dma_start3A_94 = tpu.memref_squeeze %dma_start3A_93 : memref<1x8x64xf32, #tpu.memory_space<hbm>> -> memref<8x64xf32, #tpu.memory_space<hbm>>
    %dma_start3A_95 = arith.constant 0 : i32
    %dma_start3A_96 = arith.constant 0 : i32
    %dma_start3A_97 = tpu.memref_slice %arg9[%dma_start3A_86, %dma_start3A_95, %dma_start3A_96] : memref<16x8x64xf32, #tpu.memory_space<vmem>> -> memref<1x8x64xf32, #tpu.memory_space<vmem>>
    %dma_start3A_98 = tpu.memref_squeeze %dma_start3A_97 : memref<1x8x64xf32, #tpu.memory_space<vmem>> -> memref<8x64xf32, #tpu.memory_space<vmem>>
    %dma_start3A_99 = arith.constant 0 : i32
    %dma_start3A_100 = arith.constant 0 : i32
    %dma_start3A_101 = tpu.memref_slice %arg4[%squeeze3A_85, %dma_start3A_99, %dma_start3A_100] : memref<125000x8x64xf32, #tpu.memory_space<hbm>> -> memref<1x8x64xf32, #tpu.memory_space<hbm>>
    %dma_start3A_102 = tpu.memref_squeeze %dma_start3A_101 : memref<1x8x64xf32, #tpu.memory_space<hbm>> -> memref<8x64xf32, #tpu.memory_space<hbm>>
    tpu.enqueue_dma source(%dma_start3A_102 : memref<8x64xf32, #tpu.memory_space<hbm>>) target(%dma_start3A_98 : memref<8x64xf32, #tpu.memory_space<vmem>>) target_semaphore(%arg14 : memref<!tpu.dma_semaphore, #tpu.memory_space<semaphore_mem>>)
    %slice3A_103 = vector.extract_strided_slice %shift_right_logical3A_10 {offsets = [2], sizes = [1], strides = [1]} : vector<16xi32> to vector<1xi32>
    %squeeze3A_104 = vector.extract %slice3A_103[0] : i32 from vector<1xi32>
    %dma_start3A_105 = arith.constant 2 : i32
    %dma_start3A_106 = arith.constant 0 : i32
    %dma_start3A_107 = arith.constant 0 : i32
    %dma_start3A_108 = tpu.memref_slice %arg10[%dma_start3A_105, %dma_start3A_106, %dma_start3A_107] : memref<16x8x64xf32, #tpu.memory_space<vmem>> -> memref<1x8x64xf32, #tpu.memory_space<vmem>>
    %dma_start3A_109 = tpu.memref_squeeze %dma_start3A_108 : memref<1x8x64xf32, #tpu.memory_space<vmem>> -> memref<8x64xf32, #tpu.memory_space<vmem>>
    %dma_start3A_110 = arith.constant 0 : i32
    %dma_start3A_111 = arith.constant 0 : i32
    %dma_start3A_112 = tpu.memref_slice %arg5[%squeeze3A_104, %dma_start3A_110, %dma_start3A_111] : memref<125000x8x64xf32, #tpu.memory_space<hbm>> -> memref<1x8x64xf32, #tpu.memory_space<hbm>>
    %dma_start3A_113 = tpu.memref_squeeze %dma_start3A_112 : memref<1x8x64xf32, #tpu.memory_space<hbm>> -> memref<8x64xf32, #tpu.memory_space<hbm>>
    %dma_start3A_114 = arith.constant 0 : i32
    %dma_start3A_115 = arith.constant 0 : i32
    %dma_start3A_116 = tpu.memref_slice %arg10[%dma_start3A_105, %dma_start3A_114, %dma_start3A_115] : memref<16x8x64xf32, #tpu.memory_space<vmem>> -> memref<1x8x64xf32, #tpu.memory_space<vmem>>
    %dma_start3A_117 = tpu.memref_squeeze %dma_start3A_116 : memref<1x8x64xf32, #tpu.memory_space<vmem>> -> memref<8x64xf32, #tpu.memory_space<vmem>>
    %dma_start3A_118 = arith.constant 0 : i32
    %dma_start3A_119 = arith.constant 0 : i32
    %dma_start3A_120 = tpu.memref_slice %arg5[%squeeze3A_104, %dma_start3A_118, %dma_start3A_119] : memref<125000x8x64xf32, #tpu.memory_space<hbm>> -> memref<1x8x64xf32, #tpu.memory_space<hbm>>
    %dma_start3A_121 = tpu.memref_squeeze %dma_start3A_120 : memref<1x8x64xf32, #tpu.memory_space<hbm>> -> memref<8x64xf32, #tpu.memory_space<hbm>>
    tpu.enqueue_dma source(%dma_start3A_121 : memref<8x64xf32, #tpu.memory_space<hbm>>) target(%dma_start3A_117 : memref<8x64xf32, #tpu.memory_space<vmem>>) target_semaphore(%arg15 : memref<!tpu.dma_semaphore, #tpu.memory_space<semaphore_mem>>)
    %slice3A_122 = vector.extract_strided_slice %shift_right_logical3A_5 {offsets = [3], sizes = [1], strides = [1]} : vector<16xi32> to vector<1xi32>
    %squeeze3A_123 = vector.extract %slice3A_122[0] : i32 from vector<1xi32>
    %dma_start3A_124 = arith.constant 3 : i32
    %dma_start3A_125 = arith.constant 0 : i32
    %dma_start3A_126 = arith.constant 0 : i32
    %dma_start3A_127 = tpu.memref_slice %arg9[%dma_start3A_124, %dma_start3A_125, %dma_start3A_126] : memref<16x8x64xf32, #tpu.memory_space<vmem>> -> memref<1x8x64xf32, #tpu.memory_space<vmem>>
    %dma_start3A_128 = tpu.memref_squeeze %dma_start3A_127 : memref<1x8x64xf32, #tpu.memory_space<vmem>> -> memref<8x64xf32, #tpu.memory_space<vmem>>
    %dma_start3A_129 = arith.constant 0 : i32
    %dma_start3A_130 = arith.constant 0 : i32
    %dma_start3A_131 = tpu.memref_slice %arg4[%squeeze3A_123, %dma_start3A_129, %dma_start3A_130] : memref<125000x8x64xf32, #tpu.memory_space<hbm>> -> memref<1x8x64xf32, #tpu.memory_space<hbm>>
    %dma_start3A_132 = tpu.memref_squeeze %dma_start3A_131 : memref<1x8x64xf32, #tpu.memory_space<hbm>> -> memref<8x64xf32, #tpu.memory_space<hbm>>
    %dma_start3A_133 = arith.constant 0 : i32
    %dma_start3A_134 = arith.constant 0 : i32
    %dma_start3A_135 = tpu.memref_slice %arg9[%dma_start3A_124, %dma_start3A_133, %dma_start3A_134] : memref<16x8x64xf32, #tpu.memory_space<vmem>> -> memref<1x8x64xf32, #tpu.memory_space<vmem>>
    %dma_start3A_136 = tpu.memref_squeeze %dma_start3A_135 : memref<1x8x64xf32, #tpu.memory_space<vmem>> -> memref<8x64xf32, #tpu.memory_space<vmem>>
    %dma_start3A_137 = arith.constant 0 : i32
    %dma_start3A_138 = arith.constant 0 : i32
    %dma_start3A_139 = tpu.memref_slice %arg4[%squeeze3A_123, %dma_start3A_137, %dma_start3A_138] : memref<125000x8x64xf32, #tpu.memory_space<hbm>> -> memref<1x8x64xf32, #tpu.memory_space<hbm>>
    %dma_start3A_140 = tpu.memref_squeeze %dma_start3A_139 : memref<1x8x64xf32, #tpu.memory_space<hbm>> -> memref<8x64xf32, #tpu.memory_space<hbm>>
    tpu.enqueue_dma source(%dma_start3A_140 : memref<8x64xf32, #tpu.memory_space<hbm>>) target(%dma_start3A_136 : memref<8x64xf32, #tpu.memory_space<vmem>>) target_semaphore(%arg14 : memref<!tpu.dma_semaphore, #tpu.memory_space<semaphore_mem>>)
    %slice3A_141 = vector.extract_strided_slice %shift_right_logical3A_10 {offsets = [3], sizes = [1], strides = [1]} : vector<16xi32> to vector<1xi32>
    %squeeze3A_142 = vector.extract %slice3A_141[0] : i32 from vector<1xi32>
    %dma_start3A_143 = arith.constant 3 : i32
    %dma_start3A_144 = arith.constant 0 : i32
    %dma_start3A_145 = arith.constant 0 : i32
    %dma_start3A_146 = tpu.memref_slice %arg10[%dma_start3A_143, %dma_start3A_144, %dma_start3A_145] : memref<16x8x64xf32, #tpu.memory_space<vmem>> -> memref<1x8x64xf32, #tpu.memory_space<vmem>>
    %dma_start3A_147 = tpu.memref_squeeze %dma_start3A_146 : memref<1x8x64xf32, #tpu.memory_space<vmem>> -> memref<8x64xf32, #tpu.memory_space<vmem>>
    %dma_start3A_148 = arith.constant 0 : i32
    %dma_start3A_149 = arith.constant 0 : i32
    %dma_start3A_150 = tpu.memref_slice %arg5[%squeeze3A_142, %dma_start3A_148, %dma_start3A_149] : memref<125000x8x64xf32, #tpu.memory_space<hbm>> -> memref<1x8x64xf32, #tpu.memory_space<hbm>>
    %dma_start3A_151 = tpu.memref_squeeze %dma_start3A_150 : memref<1x8x64xf32, #tpu.memory_space<hbm>> -> memref<8x64xf32, #tpu.memory_space<hbm>>
    %dma_start3A_152 = arith.constant 0 : i32
    %dma_start3A_153 = arith.constant 0 : i32
    %dma_start3A_154 = tpu.memref_slice %arg10[%dma_start3A_143, %dma_start3A_152, %dma_start3A_153] : memref<16x8x64xf32, #tpu.memory_space<vmem>> -> memref<1x8x64xf32, #tpu.memory_space<vmem>>
    %dma_start3A_155 = tpu.memref_squeeze %dma_start3A_154 : memref<1x8x64xf32, #tpu.memory_space<vmem>> -> memref<8x64xf32, #tpu.memory_space<vmem>>
    %dma_start3A_156 = arith.constant 0 : i32
    %dma_start3A_157 = arith.constant 0 : i32
    %dma_start3A_158 = tpu.memref_slice %arg5[%squeeze3A_142, %dma_start3A_156, %dma_start3A_157] : memref<125000x8x64xf32, #tpu.memory_space<hbm>> -> memref<1x8x64xf32, #tpu.memory_space<hbm>>
    %dma_start3A_159 = tpu.memref_squeeze %dma_start3A_158 : memref<1x8x64xf32, #tpu.memory_space<hbm>> -> memref<8x64xf32, #tpu.memory_space<hbm>>
    tpu.enqueue_dma source(%dma_start3A_159 : memref<8x64xf32, #tpu.memory_space<hbm>>) target(%dma_start3A_155 : memref<8x64xf32, #tpu.memory_space<vmem>>) target_semaphore(%arg15 : memref<!tpu.dma_semaphore, #tpu.memory_space<semaphore_mem>>)
    %slice3A_160 = vector.extract_strided_slice %shift_right_logical3A_5 {offsets = [4], sizes = [1], strides = [1]} : vector<16xi32> to vector<1xi32>
    %squeeze3A_161 = vector.extract %slice3A_160[0] : i32 from vector<1xi32>
    %dma_start3A_162 = arith.constant 4 : i32
    %dma_start3A_163 = arith.constant 0 : i32
    %dma_start3A_164 = arith.constant 0 : i32
    %dma_start3A_165 = tpu.memref_slice %arg9[%dma_start3A_162, %dma_start3A_163, %dma_start3A_164] : memref<16x8x64xf32, #tpu.memory_space<vmem>> -> memref<1x8x64xf32, #tpu.memory_space<vmem>>
    %dma_start3A_166 = tpu.memref_squeeze %dma_start3A_165 : memref<1x8x64xf32, #tpu.memory_space<vmem>> -> memref<8x64xf32, #tpu.memory_space<vmem>>
    %dma_start3A_167 = arith.constant 0 : i32
    %dma_start3A_168 = arith.constant 0 : i32
    %dma_start3A_169 = tpu.memref_slice %arg4[%squeeze3A_161, %dma_start3A_167, %dma_start3A_168] : memref<125000x8x64xf32, #tpu.memory_space<hbm>> -> memref<1x8x64xf32, #tpu.memory_space<hbm>>
    %dma_start3A_170 = tpu.memref_squeeze %dma_start3A_169 : memref<1x8x64xf32, #tpu.memory_space<hbm>> -> memref<8x64xf32, #tpu.memory_space<hbm>>
    %dma_start3A_171 = arith.constant 0 : i32
    %dma_start3A_172 = arith.constant 0 : i32
    %dma_start3A_173 = tpu.memref_slice %arg9[%dma_start3A_162, %dma_start3A_171, %dma_start3A_172] : memref<16x8x64xf32, #tpu.memory_space<vmem>> -> memref<1x8x64xf32, #tpu.memory_space<vmem>>
    %dma_start3A_174 = tpu.memref_squeeze %dma_start3A_173 : memref<1x8x64xf32, #tpu.memory_space<vmem>> -> memref<8x64xf32, #tpu.memory_space<vmem>>
    %dma_start3A_175 = arith.constant 0 : i32
    %dma_start3A_176 = arith.constant 0 : i32
    %dma_start3A_177 = tpu.memref_slice %arg4[%squeeze3A_161, %dma_start3A_175, %dma_start3A_176] : memref<125000x8x64xf32, #tpu.memory_space<hbm>> -> memref<1x8x64xf32, #tpu.memory_space<hbm>>
    %dma_start3A_178 = tpu.memref_squeeze %dma_start3A_177 : memref<1x8x64xf32, #tpu.memory_space<hbm>> -> memref<8x64xf32, #tpu.memory_space<hbm>>
    tpu.enqueue_dma source(%dma_start3A_178 : memref<8x64xf32, #tpu.memory_space<hbm>>) target(%dma_start3A_174 : memref<8x64xf32, #tpu.memory_space<vmem>>) target_semaphore(%arg14 : memref<!tpu.dma_semaphore, #tpu.memory_space<semaphore_mem>>)
    %slice3A_179 = vector.extract_strided_slice %shift_right_logical3A_10 {offsets = [4], sizes = [1], strides = [1]} : vector<16xi32> to vector<1xi32>
    %squeeze3A_180 = vector.extract %slice3A_179[0] : i32 from vector<1xi32>
    %dma_start3A_181 = arith.constant 4 : i32
    %dma_start3A_182 = arith.constant 0 : i32
    %dma_start3A_183 = arith.constant 0 : i32
    %dma_start3A_184 = tpu.memref_slice %arg10[%dma_start3A_181, %dma_start3A_182, %dma_start3A_183] : memref<16x8x64xf32, #tpu.memory_space<vmem>> -> memref<1x8x64xf32, #tpu.memory_space<vmem>>
    %dma_start3A_185 = tpu.memref_squeeze %dma_start3A_184 : memref<1x8x64xf32, #tpu.memory_space<vmem>> -> memref<8x64xf32, #tpu.memory_space<vmem>>
    %dma_start3A_186 = arith.constant 0 : i32
    %dma_start3A_187 = arith.constant 0 : i32
    %dma_start3A_188 = tpu.memref_slice %arg5[%squeeze3A_180, %dma_start3A_186, %dma_start3A_187] : memref<125000x8x64xf32, #tpu.memory_space<hbm>> -> memref<1x8x64xf32, #tpu.memory_space<hbm>>
    %dma_start3A_189 = tpu.memref_squeeze %dma_start3A_188 : memref<1x8x64xf32, #tpu.memory_space<hbm>> -> memref<8x64xf32, #tpu.memory_space<hbm>>
    %dma_start3A_190 = arith.constant 0 : i32
    %dma_start3A_191 = arith.constant 0 : i32
    %dma_start3A_192 = tpu.memref_slice %arg10[%dma_start3A_181, %dma_start3A_190, %dma_start3A_191] : memref<16x8x64xf32, #tpu.memory_space<vmem>> -> memref<1x8x64xf32, #tpu.memory_space<vmem>>
    %dma_start3A_193 = tpu.memref_squeeze %dma_start3A_192 : memref<1x8x64xf32, #tpu.memory_space<vmem>> -> memref<8x64xf32, #tpu.memory_space<vmem>>
    %dma_start3A_194 = arith.constant 0 : i32
    %dma_start3A_195 = arith.constant 0 : i32
    %dma_start3A_196 = tpu.memref_slice %arg5[%squeeze3A_180, %dma_start3A_194, %dma_start3A_195] : memref<125000x8x64xf32, #tpu.memory_space<hbm>> -> memref<1x8x64xf32, #tpu.memory_space<hbm>>
    %dma_start3A_197 = tpu.memref_squeeze %dma_start3A_196 : memref<1x8x64xf32, #tpu.memory_space<hbm>> -> memref<8x64xf32, #tpu.memory_space<hbm>>
    tpu.enqueue_dma source(%dma_start3A_197 : memref<8x64xf32, #tpu.memory_space<hbm>>) target(%dma_start3A_193 : memref<8x64xf32, #tpu.memory_space<vmem>>) target_semaphore(%arg15 : memref<!tpu.dma_semaphore, #tpu.memory_space<semaphore_mem>>)
    %slice3A_198 = vector.extract_strided_slice %shift_right_logical3A_5 {offsets = [5], sizes = [1], strides = [1]} : vector<16xi32> to vector<1xi32>
    %squeeze3A_199 = vector.extract %slice3A_198[0] : i32 from vector<1xi32>
    %dma_start3A_200 = arith.constant 5 : i32
    %dma_start3A_201 = arith.constant 0 : i32
    %dma_start3A_202 = arith.constant 0 : i32
    %dma_start3A_203 = tpu.memref_slice %arg9[%dma_start3A_200, %dma_start3A_201, %dma_start3A_202] : memref<16x8x64xf32, #tpu.memory_space<vmem>> -> memref<1x8x64xf32, #tpu.memory_space<vmem>>
    %dma_start3A_204 = tpu.memref_squeeze %dma_start3A_203 : memref<1x8x64xf32, #tpu.memory_space<vmem>> -> memref<8x64xf32, #tpu.memory_space<vmem>>
    %dma_start3A_205 = arith.constant 0 : i32
    %dma_start3A_206 = arith.constant 0 : i32
    %dma_start3A_207 = tpu.memref_slice %arg4[%squeeze3A_199, %dma_start3A_205, %dma_start3A_206] : memref<125000x8x64xf32, #tpu.memory_space<hbm>> -> memref<1x8x64xf32, #tpu.memory_space<hbm>>
    %dma_start3A_208 = tpu.memref_squeeze %dma_start3A_207 : memref<1x8x64xf32, #tpu.memory_space<hbm>> -> memref<8x64xf32, #tpu.memory_space<hbm>>
    %dma_start3A_209 = arith.constant 0 : i32
    %dma_start3A_210 = arith.constant 0 : i32
    %dma_start3A_211 = tpu.memref_slice %arg9[%dma_start3A_200, %dma_start3A_209, %dma_start3A_210] : memref<16x8x64xf32, #tpu.memory_space<vmem>> -> memref<1x8x64xf32, #tpu.memory_space<vmem>>
    %dma_start3A_212 = tpu.memref_squeeze %dma_start3A_211 : memref<1x8x64xf32, #tpu.memory_space<vmem>> -> memref<8x64xf32, #tpu.memory_space<vmem>>
    %dma_start3A_213 = arith.constant 0 : i32
    %dma_start3A_214 = arith.constant 0 : i32
    %dma_start3A_215 = tpu.memref_slice %arg4[%squeeze3A_199, %dma_start3A_213, %dma_start3A_214] : memref<125000x8x64xf32, #tpu.memory_space<hbm>> -> memref<1x8x64xf32, #tpu.memory_space<hbm>>
    %dma_start3A_216 = tpu.memref_squeeze %dma_start3A_215 : memref<1x8x64xf32, #tpu.memory_space<hbm>> -> memref<8x64xf32, #tpu.memory_space<hbm>>
    tpu.enqueue_dma source(%dma_start3A_216 : memref<8x64xf32, #tpu.memory_space<hbm>>) target(%dma_start3A_212 : memref<8x64xf32, #tpu.memory_space<vmem>>) target_semaphore(%arg14 : memref<!tpu.dma_semaphore, #tpu.memory_space<semaphore_mem>>)
    %slice3A_217 = vector.extract_strided_slice %shift_right_logical3A_10 {offsets = [5], sizes = [1], strides = [1]} : vector<16xi32> to vector<1xi32>
    %squeeze3A_218 = vector.extract %slice3A_217[0] : i32 from vector<1xi32>
    %dma_start3A_219 = arith.constant 5 : i32
    %dma_start3A_220 = arith.constant 0 : i32
    %dma_start3A_221 = arith.constant 0 : i32
    %dma_start3A_222 = tpu.memref_slice %arg10[%dma_start3A_219, %dma_start3A_220, %dma_start3A_221] : memref<16x8x64xf32, #tpu.memory_space<vmem>> -> memref<1x8x64xf32, #tpu.memory_space<vmem>>
    %dma_start3A_223 = tpu.memref_squeeze %dma_start3A_222 : memref<1x8x64xf32, #tpu.memory_space<vmem>> -> memref<8x64xf32, #tpu.memory_space<vmem>>
    %dma_start3A_224 = arith.constant 0 : i32
    %dma_start3A_225 = arith.constant 0 : i32
    %dma_start3A_226 = tpu.memref_slice %arg5[%squeeze3A_218, %dma_start3A_224, %dma_start3A_225] : memref<125000x8x64xf32, #tpu.memory_space<hbm>> -> memref<1x8x64xf32, #tpu.memory_space<hbm>>
    %dma_start3A_227 = tpu.memref_squeeze %dma_start3A_226 : memref<1x8x64xf32, #tpu.memory_space<hbm>> -> memref<8x64xf32, #tpu.memory_space<hbm>>
    %dma_start3A_228 = arith.constant 0 : i32
    %dma_start3A_229 = arith.constant 0 : i32
    %dma_start3A_230 = tpu.memref_slice %arg10[%dma_start3A_219, %dma_start3A_228, %dma_start3A_229] : memref<16x8x64xf32, #tpu.memory_space<vmem>> -> memref<1x8x64xf32, #tpu.memory_space<vmem>>
    %dma_start3A_231 = tpu.memref_squeeze %dma_start3A_230 : memref<1x8x64xf32, #tpu.memory_space<vmem>> -> memref<8x64xf32, #tpu.memory_space<vmem>>
    %dma_start3A_232 = arith.constant 0 : i32
    %dma_start3A_233 = arith.constant 0 : i32
    %dma_start3A_234 = tpu.memref_slice %arg5[%squeeze3A_218, %dma_start3A_232, %dma_start3A_233] : memref<125000x8x64xf32, #tpu.memory_space<hbm>> -> memref<1x8x64xf32, #tpu.memory_space<hbm>>
    %dma_start3A_235 = tpu.memref_squeeze %dma_start3A_234 : memref<1x8x64xf32, #tpu.memory_space<hbm>> -> memref<8x64xf32, #tpu.memory_space<hbm>>
    tpu.enqueue_dma source(%dma_start3A_235 : memref<8x64xf32, #tpu.memory_space<hbm>>) target(%dma_start3A_231 : memref<8x64xf32, #tpu.memory_space<vmem>>) target_semaphore(%arg15 : memref<!tpu.dma_semaphore, #tpu.memory_space<semaphore_mem>>)
    %slice3A_236 = vector.extract_strided_slice %shift_right_logical3A_5 {offsets = [6], sizes = [1], strides = [1]} : vector<16xi32> to vector<1xi32>
    %squeeze3A_237 = vector.extract %slice3A_236[0] : i32 from vector<1xi32>
    %dma_start3A_238 = arith.constant 6 : i32
    %dma_start3A_239 = arith.constant 0 : i32
    %dma_start3A_240 = arith.constant 0 : i32
    %dma_start3A_241 = tpu.memref_slice %arg9[%dma_start3A_238, %dma_start3A_239, %dma_start3A_240] : memref<16x8x64xf32, #tpu.memory_space<vmem>> -> memref<1x8x64xf32, #tpu.memory_space<vmem>>
    %dma_start3A_242 = tpu.memref_squeeze %dma_start3A_241 : memref<1x8x64xf32, #tpu.memory_space<vmem>> -> memref<8x64xf32, #tpu.memory_space<vmem>>
    %dma_start3A_243 = arith.constant 0 : i32
    %dma_start3A_244 = arith.constant 0 : i32
    %dma_start3A_245 = tpu.memref_slice %arg4[%squeeze3A_237, %dma_start3A_243, %dma_start3A_244] : memref<125000x8x64xf32, #tpu.memory_space<hbm>> -> memref<1x8x64xf32, #tpu.memory_space<hbm>>
    %dma_start3A_246 = tpu.memref_squeeze %dma_start3A_245 : memref<1x8x64xf32, #tpu.memory_space<hbm>> -> memref<8x64xf32, #tpu.memory_space<hbm>>
    %dma_start3A_247 = arith.constant 0 : i32
    %dma_start3A_248 = arith.constant 0 : i32
    %dma_start3A_249 = tpu.memref_slice %arg9[%dma_start3A_238, %dma_start3A_247, %dma_start3A_248] : memref<16x8x64xf32, #tpu.memory_space<vmem>> -> memref<1x8x64xf32, #tpu.memory_space<vmem>>
    %dma_start3A_250 = tpu.memref_squeeze %dma_start3A_249 : memref<1x8x64xf32, #tpu.memory_space<vmem>> -> memref<8x64xf32, #tpu.memory_space<vmem>>
    %dma_start3A_251 = arith.constant 0 : i32
    %dma_start3A_252 = arith.constant 0 : i32
    %dma_start3A_253 = tpu.memref_slice %arg4[%squeeze3A_237, %dma_start3A_251, %dma_start3A_252] : memref<125000x8x64xf32, #tpu.memory_space<hbm>> -> memref<1x8x64xf32, #tpu.memory_space<hbm>>
    %dma_start3A_254 = tpu.memref_squeeze %dma_start3A_253 : memref<1x8x64xf32, #tpu.memory_space<hbm>> -> memref<8x64xf32, #tpu.memory_space<hbm>>
    tpu.enqueue_dma source(%dma_start3A_254 : memref<8x64xf32, #tpu.memory_space<hbm>>) target(%dma_start3A_250 : memref<8x64xf32, #tpu.memory_space<vmem>>) target_semaphore(%arg14 : memref<!tpu.dma_semaphore, #tpu.memory_space<semaphore_mem>>)
    %slice3A_255 = vector.extract_strided_slice %shift_right_logical3A_10 {offsets = [6], sizes = [1], strides = [1]} : vector<16xi32> to vector<1xi32>
    %squeeze3A_256 = vector.extract %slice3A_255[0] : i32 from vector<1xi32>
    %dma_start3A_257 = arith.constant 6 : i32
    %dma_start3A_258 = arith.constant 0 : i32
    %dma_start3A_259 = arith.constant 0 : i32
    %dma_start3A_260 = tpu.memref_slice %arg10[%dma_start3A_257, %dma_start3A_258, %dma_start3A_259] : memref<16x8x64xf32, #tpu.memory_space<vmem>> -> memref<1x8x64xf32, #tpu.memory_space<vmem>>
    %dma_start3A_261 = tpu.memref_squeeze %dma_start3A_260 : memref<1x8x64xf32, #tpu.memory_space<vmem>> -> memref<8x64xf32, #tpu.memory_space<vmem>>
    %dma_start3A_262 = arith.constant 0 : i32
    %dma_start3A_263 = arith.constant 0 : i32
    %dma_start3A_264 = tpu.memref_slice %arg5[%squeeze3A_256, %dma_start3A_262, %dma_start3A_263] : memref<125000x8x64xf32, #tpu.memory_space<hbm>> -> memref<1x8x64xf32, #tpu.memory_space<hbm>>
    %dma_start3A_265 = tpu.memref_squeeze %dma_start3A_264 : memref<1x8x64xf32, #tpu.memory_space<hbm>> -> memref<8x64xf32, #tpu.memory_space<hbm>>
    %dma_start3A_266 = arith.constant 0 : i32
    %dma_start3A_267 = arith.constant 0 : i32
    %dma_start3A_268 = tpu.memref_slice %arg10[%dma_start3A_257, %dma_start3A_266, %dma_start3A_267] : memref<16x8x64xf32, #tpu.memory_space<vmem>> -> memref<1x8x64xf32, #tpu.memory_space<vmem>>
    %dma_start3A_269 = tpu.memref_squeeze %dma_start3A_268 : memref<1x8x64xf32, #tpu.memory_space<vmem>> -> memref<8x64xf32, #tpu.memory_space<vmem>>
    %dma_start3A_270 = arith.constant 0 : i32
    %dma_start3A_271 = arith.constant 0 : i32
    %dma_start3A_272 = tpu.memref_slice %arg5[%squeeze3A_256, %dma_start3A_270, %dma_start3A_271] : memref<125000x8x64xf32, #tpu.memory_space<hbm>> -> memref<1x8x64xf32, #tpu.memory_space<hbm>>
    %dma_start3A_273 = tpu.memref_squeeze %dma_start3A_272 : memref<1x8x64xf32, #tpu.memory_space<hbm>> -> memref<8x64xf32, #tpu.memory_space<hbm>>
    tpu.enqueue_dma source(%dma_start3A_273 : memref<8x64xf32, #tpu.memory_space<hbm>>) target(%dma_start3A_269 : memref<8x64xf32, #tpu.memory_space<vmem>>) target_semaphore(%arg15 : memref<!tpu.dma_semaphore, #tpu.memory_space<semaphore_mem>>)
    %slice3A_274 = vector.extract_strided_slice %shift_right_logical3A_5 {offsets = [7], sizes = [1], strides = [1]} : vector<16xi32> to vector<1xi32>
    %squeeze3A_275 = vector.extract %slice3A_274[0] : i32 from vector<1xi32>
    %dma_start3A_276 = arith.constant 7 : i32
    %dma_start3A_277 = arith.constant 0 : i32
    %dma_start3A_278 = arith.constant 0 : i32
    %dma_start3A_279 = tpu.memref_slice %arg9[%dma_start3A_276, %dma_start3A_277, %dma_start3A_278] : memref<16x8x64xf32, #tpu.memory_space<vmem>> -> memref<1x8x64xf32, #tpu.memory_space<vmem>>
    %dma_start3A_280 = tpu.memref_squeeze %dma_start3A_279 : memref<1x8x64xf32, #tpu.memory_space<vmem>> -> memref<8x64xf32, #tpu.memory_space<vmem>>
    %dma_start3A_281 = arith.constant 0 : i32
    %dma_start3A_282 = arith.constant 0 : i32
    %dma_start3A_283 = tpu.memref_slice %arg4[%squeeze3A_275, %dma_start3A_281, %dma_start3A_282] : memref<125000x8x64xf32, #tpu.memory_space<hbm>> -> memref<1x8x64xf32, #tpu.memory_space<hbm>>
    %dma_start3A_284 = tpu.memref_squeeze %dma_start3A_283 : memref<1x8x64xf32, #tpu.memory_space<hbm>> -> memref<8x64xf32, #tpu.memory_space<hbm>>
    %dma_start3A_285 = arith.constant 0 : i32
    %dma_start3A_286 = arith.constant 0 : i32
    %dma_start3A_287 = tpu.memref_slice %arg9[%dma_start3A_276, %dma_start3A_285, %dma_start3A_286] : memref<16x8x64xf32, #tpu.memory_space<vmem>> -> memref<1x8x64xf32, #tpu.memory_space<vmem>>
    %dma_start3A_288 = tpu.memref_squeeze %dma_start3A_287 : memref<1x8x64xf32, #tpu.memory_space<vmem>> -> memref<8x64xf32, #tpu.memory_space<vmem>>
    %dma_start3A_289 = arith.constant 0 : i32
    %dma_start3A_290 = arith.constant 0 : i32
    %dma_start3A_291 = tpu.memref_slice %arg4[%squeeze3A_275, %dma_start3A_289, %dma_start3A_290] : memref<125000x8x64xf32, #tpu.memory_space<hbm>> -> memref<1x8x64xf32, #tpu.memory_space<hbm>>
    %dma_start3A_292 = tpu.memref_squeeze %dma_start3A_291 : memref<1x8x64xf32, #tpu.memory_space<hbm>> -> memref<8x64xf32, #tpu.memory_space<hbm>>
    tpu.enqueue_dma source(%dma_start3A_292 : memref<8x64xf32, #tpu.memory_space<hbm>>) target(%dma_start3A_288 : memref<8x64xf32, #tpu.memory_space<vmem>>) target_semaphore(%arg14 : memref<!tpu.dma_semaphore, #tpu.memory_space<semaphore_mem>>)
    %slice3A_293 = vector.extract_strided_slice %shift_right_logical3A_10 {offsets = [7], sizes = [1], strides = [1]} : vector<16xi32> to vector<1xi32>
    %squeeze3A_294 = vector.extract %slice3A_293[0] : i32 from vector<1xi32>
    %dma_start3A_295 = arith.constant 7 : i32
    %dma_start3A_296 = arith.constant 0 : i32
    %dma_start3A_297 = arith.constant 0 : i32
    %dma_start3A_298 = tpu.memref_slice %arg10[%dma_start3A_295, %dma_start3A_296, %dma_start3A_297] : memref<16x8x64xf32, #tpu.memory_space<vmem>> -> memref<1x8x64xf32, #tpu.memory_space<vmem>>
    %dma_start3A_299 = tpu.memref_squeeze %dma_start3A_298 : memref<1x8x64xf32, #tpu.memory_space<vmem>> -> memref<8x64xf32, #tpu.memory_space<vmem>>
    %dma_start3A_300 = arith.constant 0 : i32
    %dma_start3A_301 = arith.constant 0 : i32
    %dma_start3A_302 = tpu.memref_slice %arg5[%squeeze3A_294, %dma_start3A_300, %dma_start3A_301] : memref<125000x8x64xf32, #tpu.memory_space<hbm>> -> memref<1x8x64xf32, #tpu.memory_space<hbm>>
    %dma_start3A_303 = tpu.memref_squeeze %dma_start3A_302 : memref<1x8x64xf32, #tpu.memory_space<hbm>> -> memref<8x64xf32, #tpu.memory_space<hbm>>
    %dma_start3A_304 = arith.constant 0 : i32
    %dma_start3A_305 = arith.constant 0 : i32
    %dma_start3A_306 = tpu.memref_slice %arg10[%dma_start3A_295, %dma_start3A_304, %dma_start3A_305] : memref<16x8x64xf32, #tpu.memory_space<vmem>> -> memref<1x8x64xf32, #tpu.memory_space<vmem>>
    %dma_start3A_307 = tpu.memref_squeeze %dma_start3A_306 : memref<1x8x64xf32, #tpu.memory_space<vmem>> -> memref<8x64xf32, #tpu.memory_space<vmem>>
    %dma_start3A_308 = arith.constant 0 : i32
    %dma_start3A_309 = arith.constant 0 : i32
    %dma_start3A_310 = tpu.memref_slice %arg5[%squeeze3A_294, %dma_start3A_308, %dma_start3A_309] : memref<125000x8x64xf32, #tpu.memory_space<hbm>> -> memref<1x8x64xf32, #tpu.memory_space<hbm>>
    %dma_start3A_311 = tpu.memref_squeeze %dma_start3A_310 : memref<1x8x64xf32, #tpu.memory_space<hbm>> -> memref<8x64xf32, #tpu.memory_space<hbm>>
    tpu.enqueue_dma source(%dma_start3A_311 : memref<8x64xf32, #tpu.memory_space<hbm>>) target(%dma_start3A_307 : memref<8x64xf32, #tpu.memory_space<vmem>>) target_semaphore(%arg15 : memref<!tpu.dma_semaphore, #tpu.memory_space<semaphore_mem>>)
    %slice3A_312 = vector.extract_strided_slice %shift_right_logical3A_5 {offsets = [8], sizes = [1], strides = [1]} : vector<16xi32> to vector<1xi32>
    %squeeze3A_313 = vector.extract %slice3A_312[0] : i32 from vector<1xi32>
    %dma_start3A_314 = arith.constant 8 : i32
    %dma_start3A_315 = arith.constant 0 : i32
    %dma_start3A_316 = arith.constant 0 : i32
    %dma_start3A_317 = tpu.memref_slice %arg9[%dma_start3A_314, %dma_start3A_315, %dma_start3A_316] : memref<16x8x64xf32, #tpu.memory_space<vmem>> -> memref<1x8x64xf32, #tpu.memory_space<vmem>>
    %dma_start3A_318 = tpu.memref_squeeze %dma_start3A_317 : memref<1x8x64xf32, #tpu.memory_space<vmem>> -> memref<8x64xf32, #tpu.memory_space<vmem>>
    %dma_start3A_319 = arith.constant 0 : i32
    %dma_start3A_320 = arith.constant 0 : i32
    %dma_start3A_321 = tpu.memref_slice %arg4[%squeeze3A_313, %dma_start3A_319, %dma_start3A_320] : memref<125000x8x64xf32, #tpu.memory_space<hbm>> -> memref<1x8x64xf32, #tpu.memory_space<hbm>>
    %dma_start3A_322 = tpu.memref_squeeze %dma_start3A_321 : memref<1x8x64xf32, #tpu.memory_space<hbm>> -> memref<8x64xf32, #tpu.memory_space<hbm>>
    %dma_start3A_323 = arith.constant 0 : i32
    %dma_start3A_324 = arith.constant 0 : i32
    %dma_start3A_325 = tpu.memref_slice %arg9[%dma_start3A_314, %dma_start3A_323, %dma_start3A_324] : memref<16x8x64xf32, #tpu.memory_space<vmem>> -> memref<1x8x64xf32, #tpu.memory_space<vmem>>
    %dma_start3A_326 = tpu.memref_squeeze %dma_start3A_325 : memref<1x8x64xf32, #tpu.memory_space<vmem>> -> memref<8x64xf32, #tpu.memory_space<vmem>>
    %dma_start3A_327 = arith.constant 0 : i32
    %dma_start3A_328 = arith.constant 0 : i32
    %dma_start3A_329 = tpu.memref_slice %arg4[%squeeze3A_313, %dma_start3A_327, %dma_start3A_328] : memref<125000x8x64xf32, #tpu.memory_space<hbm>> -> memref<1x8x64xf32, #tpu.memory_space<hbm>>
    %dma_start3A_330 = tpu.memref_squeeze %dma_start3A_329 : memref<1x8x64xf32, #tpu.memory_space<hbm>> -> memref<8x64xf32, #tpu.memory_space<hbm>>
    tpu.enqueue_dma source(%dma_start3A_330 : memref<8x64xf32, #tpu.memory_space<hbm>>) target(%dma_start3A_326 : memref<8x64xf32, #tpu.memory_space<vmem>>) target_semaphore(%arg14 : memref<!tpu.dma_semaphore, #tpu.memory_space<semaphore_mem>>)
    %slice3A_331 = vector.extract_strided_slice %shift_right_logical3A_10 {offsets = [8], sizes = [1], strides = [1]} : vector<16xi32> to vector<1xi32>
    %squeeze3A_332 = vector.extract %slice3A_331[0] : i32 from vector<1xi32>
    %dma_start3A_333 = arith.constant 8 : i32
    %dma_start3A_334 = arith.constant 0 : i32
    %dma_start3A_335 = arith.constant 0 : i32
    %dma_start3A_336 = tpu.memref_slice %arg10[%dma_start3A_333, %dma_start3A_334, %dma_start3A_335] : memref<16x8x64xf32, #tpu.memory_space<vmem>> -> memref<1x8x64xf32, #tpu.memory_space<vmem>>
    %dma_start3A_337 = tpu.memref_squeeze %dma_start3A_336 : memref<1x8x64xf32, #tpu.memory_space<vmem>> -> memref<8x64xf32, #tpu.memory_space<vmem>>
    %dma_start3A_338 = arith.constant 0 : i32
    %dma_start3A_339 = arith.constant 0 : i32
    %dma_start3A_340 = tpu.memref_slice %arg5[%squeeze3A_332, %dma_start3A_338, %dma_start3A_339] : memref<125000x8x64xf32, #tpu.memory_space<hbm>> -> memref<1x8x64xf32, #tpu.memory_space<hbm>>
    %dma_start3A_341 = tpu.memref_squeeze %dma_start3A_340 : memref<1x8x64xf32, #tpu.memory_space<hbm>> -> memref<8x64xf32, #tpu.memory_space<hbm>>
    %dma_start3A_342 = arith.constant 0 : i32
    %dma_start3A_343 = arith.constant 0 : i32
    %dma_start3A_344 = tpu.memref_slice %arg10[%dma_start3A_333, %dma_start3A_342, %dma_start3A_343] : memref<16x8x64xf32, #tpu.memory_space<vmem>> -> memref<1x8x64xf32, #tpu.memory_space<vmem>>
    %dma_start3A_345 = tpu.memref_squeeze %dma_start3A_344 : memref<1x8x64xf32, #tpu.memory_space<vmem>> -> memref<8x64xf32, #tpu.memory_space<vmem>>
    %dma_start3A_346 = arith.constant 0 : i32
    %dma_start3A_347 = arith.constant 0 : i32
    %dma_start3A_348 = tpu.memref_slice %arg5[%squeeze3A_332, %dma_start3A_346, %dma_start3A_347] : memref<125000x8x64xf32, #tpu.memory_space<hbm>> -> memref<1x8x64xf32, #tpu.memory_space<hbm>>
    %dma_start3A_349 = tpu.memref_squeeze %dma_start3A_348 : memref<1x8x64xf32, #tpu.memory_space<hbm>> -> memref<8x64xf32, #tpu.memory_space<hbm>>
    tpu.enqueue_dma source(%dma_start3A_349 : memref<8x64xf32, #tpu.memory_space<hbm>>) target(%dma_start3A_345 : memref<8x64xf32, #tpu.memory_space<vmem>>) target_semaphore(%arg15 : memref<!tpu.dma_semaphore, #tpu.memory_space<semaphore_mem>>)
    %slice3A_350 = vector.extract_strided_slice %shift_right_logical3A_5 {offsets = [9], sizes = [1], strides = [1]} : vector<16xi32> to vector<1xi32>
    %squeeze3A_351 = vector.extract %slice3A_350[0] : i32 from vector<1xi32>
    %dma_start3A_352 = arith.constant 9 : i32
    %dma_start3A_353 = arith.constant 0 : i32
    %dma_start3A_354 = arith.constant 0 : i32
    %dma_start3A_355 = tpu.memref_slice %arg9[%dma_start3A_352, %dma_start3A_353, %dma_start3A_354] : memref<16x8x64xf32, #tpu.memory_space<vmem>> -> memref<1x8x64xf32, #tpu.memory_space<vmem>>
    %dma_start3A_356 = tpu.memref_squeeze %dma_start3A_355 : memref<1x8x64xf32, #tpu.memory_space<vmem>> -> memref<8x64xf32, #tpu.memory_space<vmem>>
    %dma_start3A_357 = arith.constant 0 : i32
    %dma_start3A_358 = arith.constant 0 : i32
    %dma_start3A_359 = tpu.memref_slice %arg4[%squeeze3A_351, %dma_start3A_357, %dma_start3A_358] : memref<125000x8x64xf32, #tpu.memory_space<hbm>> -> memref<1x8x64xf32, #tpu.memory_space<hbm>>
    %dma_start3A_360 = tpu.memref_squeeze %dma_start3A_359 : memref<1x8x64xf32, #tpu.memory_space<hbm>> -> memref<8x64xf32, #tpu.memory_space<hbm>>
    %dma_start3A_361 = arith.constant 0 : i32
    %dma_start3A_362 = arith.constant 0 : i32
    %dma_start3A_363 = tpu.memref_slice %arg9[%dma_start3A_352, %dma_start3A_361, %dma_start3A_362] : memref<16x8x64xf32, #tpu.memory_space<vmem>> -> memref<1x8x64xf32, #tpu.memory_space<vmem>>
    %dma_start3A_364 = tpu.memref_squeeze %dma_start3A_363 : memref<1x8x64xf32, #tpu.memory_space<vmem>> -> memref<8x64xf32, #tpu.memory_space<vmem>>
    %dma_start3A_365 = arith.constant 0 : i32
    %dma_start3A_366 = arith.constant 0 : i32
    %dma_start3A_367 = tpu.memref_slice %arg4[%squeeze3A_351, %dma_start3A_365, %dma_start3A_366] : memref<125000x8x64xf32, #tpu.memory_space<hbm>> -> memref<1x8x64xf32, #tpu.memory_space<hbm>>
    %dma_start3A_368 = tpu.memref_squeeze %dma_start3A_367 : memref<1x8x64xf32, #tpu.memory_space<hbm>> -> memref<8x64xf32, #tpu.memory_space<hbm>>
    tpu.enqueue_dma source(%dma_start3A_368 : memref<8x64xf32, #tpu.memory_space<hbm>>) target(%dma_start3A_364 : memref<8x64xf32, #tpu.memory_space<vmem>>) target_semaphore(%arg14 : memref<!tpu.dma_semaphore, #tpu.memory_space<semaphore_mem>>)
    %slice3A_369 = vector.extract_strided_slice %shift_right_logical3A_10 {offsets = [9], sizes = [1], strides = [1]} : vector<16xi32> to vector<1xi32>
    %squeeze3A_370 = vector.extract %slice3A_369[0] : i32 from vector<1xi32>
    %dma_start3A_371 = arith.constant 9 : i32
    %dma_start3A_372 = arith.constant 0 : i32
    %dma_start3A_373 = arith.constant 0 : i32
    %dma_start3A_374 = tpu.memref_slice %arg10[%dma_start3A_371, %dma_start3A_372, %dma_start3A_373] : memref<16x8x64xf32, #tpu.memory_space<vmem>> -> memref<1x8x64xf32, #tpu.memory_space<vmem>>
    %dma_start3A_375 = tpu.memref_squeeze %dma_start3A_374 : memref<1x8x64xf32, #tpu.memory_space<vmem>> -> memref<8x64xf32, #tpu.memory_space<vmem>>
    %dma_start3A_376 = arith.constant 0 : i32
    %dma_start3A_377 = arith.constant 0 : i32
    %dma_start3A_378 = tpu.memref_slice %arg5[%squeeze3A_370, %dma_start3A_376, %dma_start3A_377] : memref<125000x8x64xf32, #tpu.memory_space<hbm>> -> memref<1x8x64xf32, #tpu.memory_space<hbm>>
    %dma_start3A_379 = tpu.memref_squeeze %dma_start3A_378 : memref<1x8x64xf32, #tpu.memory_space<hbm>> -> memref<8x64xf32, #tpu.memory_space<hbm>>
    %dma_start3A_380 = arith.constant 0 : i32
    %dma_start3A_381 = arith.constant 0 : i32
    %dma_start3A_382 = tpu.memref_slice %arg10[%dma_start3A_371, %dma_start3A_380, %dma_start3A_381] : memref<16x8x64xf32, #tpu.memory_space<vmem>> -> memref<1x8x64xf32, #tpu.memory_space<vmem>>
    %dma_start3A_383 = tpu.memref_squeeze %dma_start3A_382 : memref<1x8x64xf32, #tpu.memory_space<vmem>> -> memref<8x64xf32, #tpu.memory_space<vmem>>
    %dma_start3A_384 = arith.constant 0 : i32
    %dma_start3A_385 = arith.constant 0 : i32
    %dma_start3A_386 = tpu.memref_slice %arg5[%squeeze3A_370, %dma_start3A_384, %dma_start3A_385] : memref<125000x8x64xf32, #tpu.memory_space<hbm>> -> memref<1x8x64xf32, #tpu.memory_space<hbm>>
    %dma_start3A_387 = tpu.memref_squeeze %dma_start3A_386 : memref<1x8x64xf32, #tpu.memory_space<hbm>> -> memref<8x64xf32, #tpu.memory_space<hbm>>
    tpu.enqueue_dma source(%dma_start3A_387 : memref<8x64xf32, #tpu.memory_space<hbm>>) target(%dma_start3A_383 : memref<8x64xf32, #tpu.memory_space<vmem>>) target_semaphore(%arg15 : memref<!tpu.dma_semaphore, #tpu.memory_space<semaphore_mem>>)
    %slice3A_388 = vector.extract_strided_slice %shift_right_logical3A_5 {offsets = [10], sizes = [1], strides = [1]} : vector<16xi32> to vector<1xi32>
    %squeeze3A_389 = vector.extract %slice3A_388[0] : i32 from vector<1xi32>
    %dma_start3A_390 = arith.constant 10 : i32
    %dma_start3A_391 = arith.constant 0 : i32
    %dma_start3A_392 = arith.constant 0 : i32
    %dma_start3A_393 = tpu.memref_slice %arg9[%dma_start3A_390, %dma_start3A_391, %dma_start3A_392] : memref<16x8x64xf32, #tpu.memory_space<vmem>> -> memref<1x8x64xf32, #tpu.memory_space<vmem>>
    %dma_start3A_394 = tpu.memref_squeeze %dma_start3A_393 : memref<1x8x64xf32, #tpu.memory_space<vmem>> -> memref<8x64xf32, #tpu.memory_space<vmem>>
    %dma_start3A_395 = arith.constant 0 : i32
    %dma_start3A_396 = arith.constant 0 : i32
    %dma_start3A_397 = tpu.memref_slice %arg4[%squeeze3A_389, %dma_start3A_395, %dma_start3A_396] : memref<125000x8x64xf32, #tpu.memory_space<hbm>> -> memref<1x8x64xf32, #tpu.memory_space<hbm>>
    %dma_start3A_398 = tpu.memref_squeeze %dma_start3A_397 : memref<1x8x64xf32, #tpu.memory_space<hbm>> -> memref<8x64xf32, #tpu.memory_space<hbm>>
    %dma_start3A_399 = arith.constant 0 : i32
    %dma_start3A_400 = arith.constant 0 : i32
    %dma_start3A_401 = tpu.memref_slice %arg9[%dma_start3A_390, %dma_start3A_399, %dma_start3A_400] : memref<16x8x64xf32, #tpu.memory_space<vmem>> -> memref<1x8x64xf32, #tpu.memory_space<vmem>>
    %dma_start3A_402 = tpu.memref_squeeze %dma_start3A_401 : memref<1x8x64xf32, #tpu.memory_space<vmem>> -> memref<8x64xf32, #tpu.memory_space<vmem>>
    %dma_start3A_403 = arith.constant 0 : i32
    %dma_start3A_404 = arith.constant 0 : i32
    %dma_start3A_405 = tpu.memref_slice %arg4[%squeeze3A_389, %dma_start3A_403, %dma_start3A_404] : memref<125000x8x64xf32, #tpu.memory_space<hbm>> -> memref<1x8x64xf32, #tpu.memory_space<hbm>>
    %dma_start3A_406 = tpu.memref_squeeze %dma_start3A_405 : memref<1x8x64xf32, #tpu.memory_space<hbm>> -> memref<8x64xf32, #tpu.memory_space<hbm>>
    tpu.enqueue_dma source(%dma_start3A_406 : memref<8x64xf32, #tpu.memory_space<hbm>>) target(%dma_start3A_402 : memref<8x64xf32, #tpu.memory_space<vmem>>) target_semaphore(%arg14 : memref<!tpu.dma_semaphore, #tpu.memory_space<semaphore_mem>>)
    %slice3A_407 = vector.extract_strided_slice %shift_right_logical3A_10 {offsets = [10], sizes = [1], strides = [1]} : vector<16xi32> to vector<1xi32>
    %squeeze3A_408 = vector.extract %slice3A_407[0] : i32 from vector<1xi32>
    %dma_start3A_409 = arith.constant 10 : i32
    %dma_start3A_410 = arith.constant 0 : i32
    %dma_start3A_411 = arith.constant 0 : i32
    %dma_start3A_412 = tpu.memref_slice %arg10[%dma_start3A_409, %dma_start3A_410, %dma_start3A_411] : memref<16x8x64xf32, #tpu.memory_space<vmem>> -> memref<1x8x64xf32, #tpu.memory_space<vmem>>
    %dma_start3A_413 = tpu.memref_squeeze %dma_start3A_412 : memref<1x8x64xf32, #tpu.memory_space<vmem>> -> memref<8x64xf32, #tpu.memory_space<vmem>>
    %dma_start3A_414 = arith.constant 0 : i32
    %dma_start3A_415 = arith.constant 0 : i32
    %dma_start3A_416 = tpu.memref_slice %arg5[%squeeze3A_408, %dma_start3A_414, %dma_start3A_415] : memref<125000x8x64xf32, #tpu.memory_space<hbm>> -> memref<1x8x64xf32, #tpu.memory_space<hbm>>
    %dma_start3A_417 = tpu.memref_squeeze %dma_start3A_416 : memref<1x8x64xf32, #tpu.memory_space<hbm>> -> memref<8x64xf32, #tpu.memory_space<hbm>>
    %dma_start3A_418 = arith.constant 0 : i32
    %dma_start3A_419 = arith.constant 0 : i32
    %dma_start3A_420 = tpu.memref_slice %arg10[%dma_start3A_409, %dma_start3A_418, %dma_start3A_419] : memref<16x8x64xf32, #tpu.memory_space<vmem>> -> memref<1x8x64xf32, #tpu.memory_space<vmem>>
    %dma_start3A_421 = tpu.memref_squeeze %dma_start3A_420 : memref<1x8x64xf32, #tpu.memory_space<vmem>> -> memref<8x64xf32, #tpu.memory_space<vmem>>
    %dma_start3A_422 = arith.constant 0 : i32
    %dma_start3A_423 = arith.constant 0 : i32
    %dma_start3A_424 = tpu.memref_slice %arg5[%squeeze3A_408, %dma_start3A_422, %dma_start3A_423] : memref<125000x8x64xf32, #tpu.memory_space<hbm>> -> memref<1x8x64xf32, #tpu.memory_space<hbm>>
    %dma_start3A_425 = tpu.memref_squeeze %dma_start3A_424 : memref<1x8x64xf32, #tpu.memory_space<hbm>> -> memref<8x64xf32, #tpu.memory_space<hbm>>
    tpu.enqueue_dma source(%dma_start3A_425 : memref<8x64xf32, #tpu.memory_space<hbm>>) target(%dma_start3A_421 : memref<8x64xf32, #tpu.memory_space<vmem>>) target_semaphore(%arg15 : memref<!tpu.dma_semaphore, #tpu.memory_space<semaphore_mem>>)
    %slice3A_426 = vector.extract_strided_slice %shift_right_logical3A_5 {offsets = [11], sizes = [1], strides = [1]} : vector<16xi32> to vector<1xi32>
    %squeeze3A_427 = vector.extract %slice3A_426[0] : i32 from vector<1xi32>
    %dma_start3A_428 = arith.constant 11 : i32
    %dma_start3A_429 = arith.constant 0 : i32
    %dma_start3A_430 = arith.constant 0 : i32
    %dma_start3A_431 = tpu.memref_slice %arg9[%dma_start3A_428, %dma_start3A_429, %dma_start3A_430] : memref<16x8x64xf32, #tpu.memory_space<vmem>> -> memref<1x8x64xf32, #tpu.memory_space<vmem>>
    %dma_start3A_432 = tpu.memref_squeeze %dma_start3A_431 : memref<1x8x64xf32, #tpu.memory_space<vmem>> -> memref<8x64xf32, #tpu.memory_space<vmem>>
    %dma_start3A_433 = arith.constant 0 : i32
    %dma_start3A_434 = arith.constant 0 : i32
    %dma_start3A_435 = tpu.memref_slice %arg4[%squeeze3A_427, %dma_start3A_433, %dma_start3A_434] : memref<125000x8x64xf32, #tpu.memory_space<hbm>> -> memref<1x8x64xf32, #tpu.memory_space<hbm>>
    %dma_start3A_436 = tpu.memref_squeeze %dma_start3A_435 : memref<1x8x64xf32, #tpu.memory_space<hbm>> -> memref<8x64xf32, #tpu.memory_space<hbm>>
    %dma_start3A_437 = arith.constant 0 : i32
    %dma_start3A_438 = arith.constant 0 : i32
    %dma_start3A_439 = tpu.memref_slice %arg9[%dma_start3A_428, %dma_start3A_437, %dma_start3A_438] : memref<16x8x64xf32, #tpu.memory_space<vmem>> -> memref<1x8x64xf32, #tpu.memory_space<vmem>>
    %dma_start3A_440 = tpu.memref_squeeze %dma_start3A_439 : memref<1x8x64xf32, #tpu.memory_space<vmem>> -> memref<8x64xf32, #tpu.memory_space<vmem>>
    %dma_start3A_441 = arith.constant 0 : i32
    %dma_start3A_442 = arith.constant 0 : i32
    %dma_start3A_443 = tpu.memref_slice %arg4[%squeeze3A_427, %dma_start3A_441, %dma_start3A_442] : memref<125000x8x64xf32, #tpu.memory_space<hbm>> -> memref<1x8x64xf32, #tpu.memory_space<hbm>>
    %dma_start3A_444 = tpu.memref_squeeze %dma_start3A_443 : memref<1x8x64xf32, #tpu.memory_space<hbm>> -> memref<8x64xf32, #tpu.memory_space<hbm>>
    tpu.enqueue_dma source(%dma_start3A_444 : memref<8x64xf32, #tpu.memory_space<hbm>>) target(%dma_start3A_440 : memref<8x64xf32, #tpu.memory_space<vmem>>) target_semaphore(%arg14 : memref<!tpu.dma_semaphore, #tpu.memory_space<semaphore_mem>>)
    %slice3A_445 = vector.extract_strided_slice %shift_right_logical3A_10 {offsets = [11], sizes = [1], strides = [1]} : vector<16xi32> to vector<1xi32>
    %squeeze3A_446 = vector.extract %slice3A_445[0] : i32 from vector<1xi32>
    %dma_start3A_447 = arith.constant 11 : i32
    %dma_start3A_448 = arith.constant 0 : i32
    %dma_start3A_449 = arith.constant 0 : i32
    %dma_start3A_450 = tpu.memref_slice %arg10[%dma_start3A_447, %dma_start3A_448, %dma_start3A_449] : memref<16x8x64xf32, #tpu.memory_space<vmem>> -> memref<1x8x64xf32, #tpu.memory_space<vmem>>
    %dma_start3A_451 = tpu.memref_squeeze %dma_start3A_450 : memref<1x8x64xf32, #tpu.memory_space<vmem>> -> memref<8x64xf32, #tpu.memory_space<vmem>>
    %dma_start3A_452 = arith.constant 0 : i32
    %dma_start3A_453 = arith.constant 0 : i32
    %dma_start3A_454 = tpu.memref_slice %arg5[%squeeze3A_446, %dma_start3A_452, %dma_start3A_453] : memref<125000x8x64xf32, #tpu.memory_space<hbm>> -> memref<1x8x64xf32, #tpu.memory_space<hbm>>
    %dma_start3A_455 = tpu.memref_squeeze %dma_start3A_454 : memref<1x8x64xf32, #tpu.memory_space<hbm>> -> memref<8x64xf32, #tpu.memory_space<hbm>>
    %dma_start3A_456 = arith.constant 0 : i32
    %dma_start3A_457 = arith.constant 0 : i32
    %dma_start3A_458 = tpu.memref_slice %arg10[%dma_start3A_447, %dma_start3A_456, %dma_start3A_457] : memref<16x8x64xf32, #tpu.memory_space<vmem>> -> memref<1x8x64xf32, #tpu.memory_space<vmem>>
    %dma_start3A_459 = tpu.memref_squeeze %dma_start3A_458 : memref<1x8x64xf32, #tpu.memory_space<vmem>> -> memref<8x64xf32, #tpu.memory_space<vmem>>
    %dma_start3A_460 = arith.constant 0 : i32
    %dma_start3A_461 = arith.constant 0 : i32
    %dma_start3A_462 = tpu.memref_slice %arg5[%squeeze3A_446, %dma_start3A_460, %dma_start3A_461] : memref<125000x8x64xf32, #tpu.memory_space<hbm>> -> memref<1x8x64xf32, #tpu.memory_space<hbm>>
    %dma_start3A_463 = tpu.memref_squeeze %dma_start3A_462 : memref<1x8x64xf32, #tpu.memory_space<hbm>> -> memref<8x64xf32, #tpu.memory_space<hbm>>
    tpu.enqueue_dma source(%dma_start3A_463 : memref<8x64xf32, #tpu.memory_space<hbm>>) target(%dma_start3A_459 : memref<8x64xf32, #tpu.memory_space<vmem>>) target_semaphore(%arg15 : memref<!tpu.dma_semaphore, #tpu.memory_space<semaphore_mem>>)
    %slice3A_464 = vector.extract_strided_slice %shift_right_logical3A_5 {offsets = [12], sizes = [1], strides = [1]} : vector<16xi32> to vector<1xi32>
    %squeeze3A_465 = vector.extract %slice3A_464[0] : i32 from vector<1xi32>
    %dma_start3A_466 = arith.constant 12 : i32
    %dma_start3A_467 = arith.constant 0 : i32
    %dma_start3A_468 = arith.constant 0 : i32
    %dma_start3A_469 = tpu.memref_slice %arg9[%dma_start3A_466, %dma_start3A_467, %dma_start3A_468] : memref<16x8x64xf32, #tpu.memory_space<vmem>> -> memref<1x8x64xf32, #tpu.memory_space<vmem>>
    %dma_start3A_470 = tpu.memref_squeeze %dma_start3A_469 : memref<1x8x64xf32, #tpu.memory_space<vmem>> -> memref<8x64xf32, #tpu.memory_space<vmem>>
    %dma_start3A_471 = arith.constant 0 : i32
    %dma_start3A_472 = arith.constant 0 : i32
    %dma_start3A_473 = tpu.memref_slice %arg4[%squeeze3A_465, %dma_start3A_471, %dma_start3A_472] : memref<125000x8x64xf32, #tpu.memory_space<hbm>> -> memref<1x8x64xf32, #tpu.memory_space<hbm>>
    %dma_start3A_474 = tpu.memref_squeeze %dma_start3A_473 : memref<1x8x64xf32, #tpu.memory_space<hbm>> -> memref<8x64xf32, #tpu.memory_space<hbm>>
    %dma_start3A_475 = arith.constant 0 : i32
    %dma_start3A_476 = arith.constant 0 : i32
    %dma_start3A_477 = tpu.memref_slice %arg9[%dma_start3A_466, %dma_start3A_475, %dma_start3A_476] : memref<16x8x64xf32, #tpu.memory_space<vmem>> -> memref<1x8x64xf32, #tpu.memory_space<vmem>>
    %dma_start3A_478 = tpu.memref_squeeze %dma_start3A_477 : memref<1x8x64xf32, #tpu.memory_space<vmem>> -> memref<8x64xf32, #tpu.memory_space<vmem>>
    %dma_start3A_479 = arith.constant 0 : i32
    %dma_start3A_480 = arith.constant 0 : i32
    %dma_start3A_481 = tpu.memref_slice %arg4[%squeeze3A_465, %dma_start3A_479, %dma_start3A_480] : memref<125000x8x64xf32, #tpu.memory_space<hbm>> -> memref<1x8x64xf32, #tpu.memory_space<hbm>>
    %dma_start3A_482 = tpu.memref_squeeze %dma_start3A_481 : memref<1x8x64xf32, #tpu.memory_space<hbm>> -> memref<8x64xf32, #tpu.memory_space<hbm>>
    tpu.enqueue_dma source(%dma_start3A_482 : memref<8x64xf32, #tpu.memory_space<hbm>>) target(%dma_start3A_478 : memref<8x64xf32, #tpu.memory_space<vmem>>) target_semaphore(%arg14 : memref<!tpu.dma_semaphore, #tpu.memory_space<semaphore_mem>>)
    %slice3A_483 = vector.extract_strided_slice %shift_right_logical3A_10 {offsets = [12], sizes = [1], strides = [1]} : vector<16xi32> to vector<1xi32>
    %squeeze3A_484 = vector.extract %slice3A_483[0] : i32 from vector<1xi32>
    %dma_start3A_485 = arith.constant 12 : i32
    %dma_start3A_486 = arith.constant 0 : i32
    %dma_start3A_487 = arith.constant 0 : i32
    %dma_start3A_488 = tpu.memref_slice %arg10[%dma_start3A_485, %dma_start3A_486, %dma_start3A_487] : memref<16x8x64xf32, #tpu.memory_space<vmem>> -> memref<1x8x64xf32, #tpu.memory_space<vmem>>
    %dma_start3A_489 = tpu.memref_squeeze %dma_start3A_488 : memref<1x8x64xf32, #tpu.memory_space<vmem>> -> memref<8x64xf32, #tpu.memory_space<vmem>>
    %dma_start3A_490 = arith.constant 0 : i32
    %dma_start3A_491 = arith.constant 0 : i32
    %dma_start3A_492 = tpu.memref_slice %arg5[%squeeze3A_484, %dma_start3A_490, %dma_start3A_491] : memref<125000x8x64xf32, #tpu.memory_space<hbm>> -> memref<1x8x64xf32, #tpu.memory_space<hbm>>
    %dma_start3A_493 = tpu.memref_squeeze %dma_start3A_492 : memref<1x8x64xf32, #tpu.memory_space<hbm>> -> memref<8x64xf32, #tpu.memory_space<hbm>>
    %dma_start3A_494 = arith.constant 0 : i32
    %dma_start3A_495 = arith.constant 0 : i32
    %dma_start3A_496 = tpu.memref_slice %arg10[%dma_start3A_485, %dma_start3A_494, %dma_start3A_495] : memref<16x8x64xf32, #tpu.memory_space<vmem>> -> memref<1x8x64xf32, #tpu.memory_space<vmem>>
    %dma_start3A_497 = tpu.memref_squeeze %dma_start3A_496 : memref<1x8x64xf32, #tpu.memory_space<vmem>> -> memref<8x64xf32, #tpu.memory_space<vmem>>
    %dma_start3A_498 = arith.constant 0 : i32
    %dma_start3A_499 = arith.constant 0 : i32
    %dma_start3A_500 = tpu.memref_slice %arg5[%squeeze3A_484, %dma_start3A_498, %dma_start3A_499] : memref<125000x8x64xf32, #tpu.memory_space<hbm>> -> memref<1x8x64xf32, #tpu.memory_space<hbm>>
    %dma_start3A_501 = tpu.memref_squeeze %dma_start3A_500 : memref<1x8x64xf32, #tpu.memory_space<hbm>> -> memref<8x64xf32, #tpu.memory_space<hbm>>
    tpu.enqueue_dma source(%dma_start3A_501 : memref<8x64xf32, #tpu.memory_space<hbm>>) target(%dma_start3A_497 : memref<8x64xf32, #tpu.memory_space<vmem>>) target_semaphore(%arg15 : memref<!tpu.dma_semaphore, #tpu.memory_space<semaphore_mem>>)
    %slice3A_502 = vector.extract_strided_slice %shift_right_logical3A_5 {offsets = [13], sizes = [1], strides = [1]} : vector<16xi32> to vector<1xi32>
    %squeeze3A_503 = vector.extract %slice3A_502[0] : i32 from vector<1xi32>
    %dma_start3A_504 = arith.constant 13 : i32
    %dma_start3A_505 = arith.constant 0 : i32
    %dma_start3A_506 = arith.constant 0 : i32
    %dma_start3A_507 = tpu.memref_slice %arg9[%dma_start3A_504, %dma_start3A_505, %dma_start3A_506] : memref<16x8x64xf32, #tpu.memory_space<vmem>> -> memref<1x8x64xf32, #tpu.memory_space<vmem>>
    %dma_start3A_508 = tpu.memref_squeeze %dma_start3A_507 : memref<1x8x64xf32, #tpu.memory_space<vmem>> -> memref<8x64xf32, #tpu.memory_space<vmem>>
    %dma_start3A_509 = arith.constant 0 : i32
    %dma_start3A_510 = arith.constant 0 : i32
    %dma_start3A_511 = tpu.memref_slice %arg4[%squeeze3A_503, %dma_start3A_509, %dma_start3A_510] : memref<125000x8x64xf32, #tpu.memory_space<hbm>> -> memref<1x8x64xf32, #tpu.memory_space<hbm>>
    %dma_start3A_512 = tpu.memref_squeeze %dma_start3A_511 : memref<1x8x64xf32, #tpu.memory_space<hbm>> -> memref<8x64xf32, #tpu.memory_space<hbm>>
    %dma_start3A_513 = arith.constant 0 : i32
    %dma_start3A_514 = arith.constant 0 : i32
    %dma_start3A_515 = tpu.memref_slice %arg9[%dma_start3A_504, %dma_start3A_513, %dma_start3A_514] : memref<16x8x64xf32, #tpu.memory_space<vmem>> -> memref<1x8x64xf32, #tpu.memory_space<vmem>>
    %dma_start3A_516 = tpu.memref_squeeze %dma_start3A_515 : memref<1x8x64xf32, #tpu.memory_space<vmem>> -> memref<8x64xf32, #tpu.memory_space<vmem>>
    %dma_start3A_517 = arith.constant 0 : i32
    %dma_start3A_518 = arith.constant 0 : i32
    %dma_start3A_519 = tpu.memref_slice %arg4[%squeeze3A_503, %dma_start3A_517, %dma_start3A_518] : memref<125000x8x64xf32, #tpu.memory_space<hbm>> -> memref<1x8x64xf32, #tpu.memory_space<hbm>>
    %dma_start3A_520 = tpu.memref_squeeze %dma_start3A_519 : memref<1x8x64xf32, #tpu.memory_space<hbm>> -> memref<8x64xf32, #tpu.memory_space<hbm>>
    tpu.enqueue_dma source(%dma_start3A_520 : memref<8x64xf32, #tpu.memory_space<hbm>>) target(%dma_start3A_516 : memref<8x64xf32, #tpu.memory_space<vmem>>) target_semaphore(%arg14 : memref<!tpu.dma_semaphore, #tpu.memory_space<semaphore_mem>>)
    %slice3A_521 = vector.extract_strided_slice %shift_right_logical3A_10 {offsets = [13], sizes = [1], strides = [1]} : vector<16xi32> to vector<1xi32>
    %squeeze3A_522 = vector.extract %slice3A_521[0] : i32 from vector<1xi32>
    %dma_start3A_523 = arith.constant 13 : i32
    %dma_start3A_524 = arith.constant 0 : i32
    %dma_start3A_525 = arith.constant 0 : i32
    %dma_start3A_526 = tpu.memref_slice %arg10[%dma_start3A_523, %dma_start3A_524, %dma_start3A_525] : memref<16x8x64xf32, #tpu.memory_space<vmem>> -> memref<1x8x64xf32, #tpu.memory_space<vmem>>
    %dma_start3A_527 = tpu.memref_squeeze %dma_start3A_526 : memref<1x8x64xf32, #tpu.memory_space<vmem>> -> memref<8x64xf32, #tpu.memory_space<vmem>>
    %dma_start3A_528 = arith.constant 0 : i32
    %dma_start3A_529 = arith.constant 0 : i32
    %dma_start3A_530 = tpu.memref_slice %arg5[%squeeze3A_522, %dma_start3A_528, %dma_start3A_529] : memref<125000x8x64xf32, #tpu.memory_space<hbm>> -> memref<1x8x64xf32, #tpu.memory_space<hbm>>
    %dma_start3A_531 = tpu.memref_squeeze %dma_start3A_530 : memref<1x8x64xf32, #tpu.memory_space<hbm>> -> memref<8x64xf32, #tpu.memory_space<hbm>>
    %dma_start3A_532 = arith.constant 0 : i32
    %dma_start3A_533 = arith.constant 0 : i32
    %dma_start3A_534 = tpu.memref_slice %arg10[%dma_start3A_523, %dma_start3A_532, %dma_start3A_533] : memref<16x8x64xf32, #tpu.memory_space<vmem>> -> memref<1x8x64xf32, #tpu.memory_space<vmem>>
    %dma_start3A_535 = tpu.memref_squeeze %dma_start3A_534 : memref<1x8x64xf32, #tpu.memory_space<vmem>> -> memref<8x64xf32, #tpu.memory_space<vmem>>
    %dma_start3A_536 = arith.constant 0 : i32
    %dma_start3A_537 = arith.constant 0 : i32
    %dma_start3A_538 = tpu.memref_slice %arg5[%squeeze3A_522, %dma_start3A_536, %dma_start3A_537] : memref<125000x8x64xf32, #tpu.memory_space<hbm>> -> memref<1x8x64xf32, #tpu.memory_space<hbm>>
    %dma_start3A_539 = tpu.memref_squeeze %dma_start3A_538 : memref<1x8x64xf32, #tpu.memory_space<hbm>> -> memref<8x64xf32, #tpu.memory_space<hbm>>
    tpu.enqueue_dma source(%dma_start3A_539 : memref<8x64xf32, #tpu.memory_space<hbm>>) target(%dma_start3A_535 : memref<8x64xf32, #tpu.memory_space<vmem>>) target_semaphore(%arg15 : memref<!tpu.dma_semaphore, #tpu.memory_space<semaphore_mem>>)
    %slice3A_540 = vector.extract_strided_slice %shift_right_logical3A_5 {offsets = [14], sizes = [1], strides = [1]} : vector<16xi32> to vector<1xi32>
    %squeeze3A_541 = vector.extract %slice3A_540[0] : i32 from vector<1xi32>
    %dma_start3A_542 = arith.constant 14 : i32
    %dma_start3A_543 = arith.constant 0 : i32
    %dma_start3A_544 = arith.constant 0 : i32
    %dma_start3A_545 = tpu.memref_slice %arg9[%dma_start3A_542, %dma_start3A_543, %dma_start3A_544] : memref<16x8x64xf32, #tpu.memory_space<vmem>> -> memref<1x8x64xf32, #tpu.memory_space<vmem>>
    %dma_start3A_546 = tpu.memref_squeeze %dma_start3A_545 : memref<1x8x64xf32, #tpu.memory_space<vmem>> -> memref<8x64xf32, #tpu.memory_space<vmem>>
    %dma_start3A_547 = arith.constant 0 : i32
    %dma_start3A_548 = arith.constant 0 : i32
    %dma_start3A_549 = tpu.memref_slice %arg4[%squeeze3A_541, %dma_start3A_547, %dma_start3A_548] : memref<125000x8x64xf32, #tpu.memory_space<hbm>> -> memref<1x8x64xf32, #tpu.memory_space<hbm>>
    %dma_start3A_550 = tpu.memref_squeeze %dma_start3A_549 : memref<1x8x64xf32, #tpu.memory_space<hbm>> -> memref<8x64xf32, #tpu.memory_space<hbm>>
    %dma_start3A_551 = arith.constant 0 : i32
    %dma_start3A_552 = arith.constant 0 : i32
    %dma_start3A_553 = tpu.memref_slice %arg9[%dma_start3A_542, %dma_start3A_551, %dma_start3A_552] : memref<16x8x64xf32, #tpu.memory_space<vmem>> -> memref<1x8x64xf32, #tpu.memory_space<vmem>>
    %dma_start3A_554 = tpu.memref_squeeze %dma_start3A_553 : memref<1x8x64xf32, #tpu.memory_space<vmem>> -> memref<8x64xf32, #tpu.memory_space<vmem>>
    %dma_start3A_555 = arith.constant 0 : i32
    %dma_start3A_556 = arith.constant 0 : i32
    %dma_start3A_557 = tpu.memref_slice %arg4[%squeeze3A_541, %dma_start3A_555, %dma_start3A_556] : memref<125000x8x64xf32, #tpu.memory_space<hbm>> -> memref<1x8x64xf32, #tpu.memory_space<hbm>>
    %dma_start3A_558 = tpu.memref_squeeze %dma_start3A_557 : memref<1x8x64xf32, #tpu.memory_space<hbm>> -> memref<8x64xf32, #tpu.memory_space<hbm>>
    tpu.enqueue_dma source(%dma_start3A_558 : memref<8x64xf32, #tpu.memory_space<hbm>>) target(%dma_start3A_554 : memref<8x64xf32, #tpu.memory_space<vmem>>) target_semaphore(%arg14 : memref<!tpu.dma_semaphore, #tpu.memory_space<semaphore_mem>>)
    %slice3A_559 = vector.extract_strided_slice %shift_right_logical3A_10 {offsets = [14], sizes = [1], strides = [1]} : vector<16xi32> to vector<1xi32>
    %squeeze3A_560 = vector.extract %slice3A_559[0] : i32 from vector<1xi32>
    %dma_start3A_561 = arith.constant 14 : i32
    %dma_start3A_562 = arith.constant 0 : i32
    %dma_start3A_563 = arith.constant 0 : i32
    %dma_start3A_564 = tpu.memref_slice %arg10[%dma_start3A_561, %dma_start3A_562, %dma_start3A_563] : memref<16x8x64xf32, #tpu.memory_space<vmem>> -> memref<1x8x64xf32, #tpu.memory_space<vmem>>
    %dma_start3A_565 = tpu.memref_squeeze %dma_start3A_564 : memref<1x8x64xf32, #tpu.memory_space<vmem>> -> memref<8x64xf32, #tpu.memory_space<vmem>>
    %dma_start3A_566 = arith.constant 0 : i32
    %dma_start3A_567 = arith.constant 0 : i32
    %dma_start3A_568 = tpu.memref_slice %arg5[%squeeze3A_560, %dma_start3A_566, %dma_start3A_567] : memref<125000x8x64xf32, #tpu.memory_space<hbm>> -> memref<1x8x64xf32, #tpu.memory_space<hbm>>
    %dma_start3A_569 = tpu.memref_squeeze %dma_start3A_568 : memref<1x8x64xf32, #tpu.memory_space<hbm>> -> memref<8x64xf32, #tpu.memory_space<hbm>>
    %dma_start3A_570 = arith.constant 0 : i32
    %dma_start3A_571 = arith.constant 0 : i32
    %dma_start3A_572 = tpu.memref_slice %arg10[%dma_start3A_561, %dma_start3A_570, %dma_start3A_571] : memref<16x8x64xf32, #tpu.memory_space<vmem>> -> memref<1x8x64xf32, #tpu.memory_space<vmem>>
    %dma_start3A_573 = tpu.memref_squeeze %dma_start3A_572 : memref<1x8x64xf32, #tpu.memory_space<vmem>> -> memref<8x64xf32, #tpu.memory_space<vmem>>
    %dma_start3A_574 = arith.constant 0 : i32
    %dma_start3A_575 = arith.constant 0 : i32
    %dma_start3A_576 = tpu.memref_slice %arg5[%squeeze3A_560, %dma_start3A_574, %dma_start3A_575] : memref<125000x8x64xf32, #tpu.memory_space<hbm>> -> memref<1x8x64xf32, #tpu.memory_space<hbm>>
    %dma_start3A_577 = tpu.memref_squeeze %dma_start3A_576 : memref<1x8x64xf32, #tpu.memory_space<hbm>> -> memref<8x64xf32, #tpu.memory_space<hbm>>
    tpu.enqueue_dma source(%dma_start3A_577 : memref<8x64xf32, #tpu.memory_space<hbm>>) target(%dma_start3A_573 : memref<8x64xf32, #tpu.memory_space<vmem>>) target_semaphore(%arg15 : memref<!tpu.dma_semaphore, #tpu.memory_space<semaphore_mem>>)
    %slice3A_578 = vector.extract_strided_slice %shift_right_logical3A_5 {offsets = [15], sizes = [1], strides = [1]} : vector<16xi32> to vector<1xi32>
    %squeeze3A_579 = vector.extract %slice3A_578[0] : i32 from vector<1xi32>
    %dma_start3A_580 = arith.constant 15 : i32
    %dma_start3A_581 = arith.constant 0 : i32
    %dma_start3A_582 = arith.constant 0 : i32
    %dma_start3A_583 = tpu.memref_slice %arg9[%dma_start3A_580, %dma_start3A_581, %dma_start3A_582] : memref<16x8x64xf32, #tpu.memory_space<vmem>> -> memref<1x8x64xf32, #tpu.memory_space<vmem>>
    %dma_start3A_584 = tpu.memref_squeeze %dma_start3A_583 : memref<1x8x64xf32, #tpu.memory_space<vmem>> -> memref<8x64xf32, #tpu.memory_space<vmem>>
    %dma_start3A_585 = arith.constant 0 : i32
    %dma_start3A_586 = arith.constant 0 : i32
    %dma_start3A_587 = tpu.memref_slice %arg4[%squeeze3A_579, %dma_start3A_585, %dma_start3A_586] : memref<125000x8x64xf32, #tpu.memory_space<hbm>> -> memref<1x8x64xf32, #tpu.memory_space<hbm>>
    %dma_start3A_588 = tpu.memref_squeeze %dma_start3A_587 : memref<1x8x64xf32, #tpu.memory_space<hbm>> -> memref<8x64xf32, #tpu.memory_space<hbm>>
    %dma_start3A_589 = arith.constant 0 : i32
    %dma_start3A_590 = arith.constant 0 : i32
    %dma_start3A_591 = tpu.memref_slice %arg9[%dma_start3A_580, %dma_start3A_589, %dma_start3A_590] : memref<16x8x64xf32, #tpu.memory_space<vmem>> -> memref<1x8x64xf32, #tpu.memory_space<vmem>>
    %dma_start3A_592 = tpu.memref_squeeze %dma_start3A_591 : memref<1x8x64xf32, #tpu.memory_space<vmem>> -> memref<8x64xf32, #tpu.memory_space<vmem>>
    %dma_start3A_593 = arith.constant 0 : i32
    %dma_start3A_594 = arith.constant 0 : i32
    %dma_start3A_595 = tpu.memref_slice %arg4[%squeeze3A_579, %dma_start3A_593, %dma_start3A_594] : memref<125000x8x64xf32, #tpu.memory_space<hbm>> -> memref<1x8x64xf32, #tpu.memory_space<hbm>>
    %dma_start3A_596 = tpu.memref_squeeze %dma_start3A_595 : memref<1x8x64xf32, #tpu.memory_space<hbm>> -> memref<8x64xf32, #tpu.memory_space<hbm>>
    tpu.enqueue_dma source(%dma_start3A_596 : memref<8x64xf32, #tpu.memory_space<hbm>>) target(%dma_start3A_592 : memref<8x64xf32, #tpu.memory_space<vmem>>) target_semaphore(%arg14 : memref<!tpu.dma_semaphore, #tpu.memory_space<semaphore_mem>>)
    %slice3A_597 = vector.extract_strided_slice %shift_right_logical3A_10 {offsets = [15], sizes = [1], strides = [1]} : vector<16xi32> to vector<1xi32>
    %squeeze3A_598 = vector.extract %slice3A_597[0] : i32 from vector<1xi32>
    %dma_start3A_599 = arith.constant 15 : i32
    %dma_start3A_600 = arith.constant 0 : i32
    %dma_start3A_601 = arith.constant 0 : i32
    %dma_start3A_602 = tpu.memref_slice %arg10[%dma_start3A_599, %dma_start3A_600, %dma_start3A_601] : memref<16x8x64xf32, #tpu.memory_space<vmem>> -> memref<1x8x64xf32, #tpu.memory_space<vmem>>
    %dma_start3A_603 = tpu.memref_squeeze %dma_start3A_602 : memref<1x8x64xf32, #tpu.memory_space<vmem>> -> memref<8x64xf32, #tpu.memory_space<vmem>>
    %dma_start3A_604 = arith.constant 0 : i32
    %dma_start3A_605 = arith.constant 0 : i32
    %dma_start3A_606 = tpu.memref_slice %arg5[%squeeze3A_598, %dma_start3A_604, %dma_start3A_605] : memref<125000x8x64xf32, #tpu.memory_space<hbm>> -> memref<1x8x64xf32, #tpu.memory_space<hbm>>
    %dma_start3A_607 = tpu.memref_squeeze %dma_start3A_606 : memref<1x8x64xf32, #tpu.memory_space<hbm>> -> memref<8x64xf32, #tpu.memory_space<hbm>>
    %dma_start3A_608 = arith.constant 0 : i32
    %dma_start3A_609 = arith.constant 0 : i32
    %dma_start3A_610 = tpu.memref_slice %arg10[%dma_start3A_599, %dma_start3A_608, %dma_start3A_609] : memref<16x8x64xf32, #tpu.memory_space<vmem>> -> memref<1x8x64xf32, #tpu.memory_space<vmem>>
    %dma_start3A_611 = tpu.memref_squeeze %dma_start3A_610 : memref<1x8x64xf32, #tpu.memory_space<vmem>> -> memref<8x64xf32, #tpu.memory_space<vmem>>
    %dma_start3A_612 = arith.constant 0 : i32
    %dma_start3A_613 = arith.constant 0 : i32
    %dma_start3A_614 = tpu.memref_slice %arg5[%squeeze3A_598, %dma_start3A_612, %dma_start3A_613] : memref<125000x8x64xf32, #tpu.memory_space<hbm>> -> memref<1x8x64xf32, #tpu.memory_space<hbm>>
    %dma_start3A_615 = tpu.memref_squeeze %dma_start3A_614 : memref<1x8x64xf32, #tpu.memory_space<hbm>> -> memref<8x64xf32, #tpu.memory_space<hbm>>
    tpu.enqueue_dma source(%dma_start3A_615 : memref<8x64xf32, #tpu.memory_space<hbm>>) target(%dma_start3A_611 : memref<8x64xf32, #tpu.memory_space<vmem>>) target_semaphore(%arg15 : memref<!tpu.dma_semaphore, #tpu.memory_space<semaphore_mem>>)
    %scan3A = arith.constant 0 : i32
    %scan3A_616 = arith.constant 0 : i32
    %scan3A_617 = arith.constant 16 : i32
    %scan3A_618 = arith.addi %scan3A_616, %scan3A_617 : i32
    %scan3A_619 = arith.constant 1 : i32
    scf.for %scan3A_621 = %scan3A_616 to %scan3A_618 step %scan3A_619  : i32 {
      %mul3A_622 = arith.constant 2 : i32
      %mul3A_623 = arith.muli %scan3A_621, %mul3A_622 : i32
      %add3A_624 = arith.constant 1 : i32
      %add3A_625 = arith.addi %mul3A_623, %add3A_624 : i32
      %mul3A_626 = arith.constant 16 : i32
      %mul3A_627 = arith.muli %add3A_625, %mul3A_626 : i32
      %add3A_628 = arith.constant 0 : i32
      %add3A_629 = arith.addi %mul3A_627, %add3A_628 : i32
      %get3A_630 = arith.index_cast %add3A_629 : i32 to index
      %get3A_631 = tpu.vector_load %arg7[%get3A_630] {strides = array<i32>} : memref<512xi32, #tpu.memory_space<vmem>>, vector<16xi32>,
      %shift_right_logical3A_632 = arith.constant 3 : i32
      %shift_right_logical3A_633 = vector.broadcast %shift_right_logical3A_632 : i32 to vector<16xi32>
      %shift_right_logical3A_634 = arith.shrui %get3A_631, %shift_right_logical3A_633 : vector<16xi32>
      %get3A_635 = arith.index_cast %add3A_629 : i32 to index
      %get3A_636 = tpu.vector_load %arg8[%get3A_635] {strides = array<i32>} : memref<512xi32, #tpu.memory_space<vmem>>, vector<16xi32>,
      %shift_right_logical3A_637 = arith.constant 3 : i32
      %shift_right_logical3A_638 = vector.broadcast %shift_right_logical3A_637 : i32 to vector<16xi32>
      %shift_right_logical3A_639 = arith.shrui %get3A_636, %shift_right_logical3A_638 : vector<16xi32>
      %slice3A_640 = vector.extract_strided_slice %shift_right_logical3A_634 {offsets = [0], sizes = [1], strides = [1]} : vector<16xi32> to vector<1xi32>
      %squeeze3A_641 = vector.extract %slice3A_640[0] : i32 from vector<1xi32>
      %dma_start3A_642 = arith.constant 0 : i32
      %dma_start3A_643 = arith.constant 0 : i32
      %dma_start3A_644 = arith.constant 0 : i32
      %dma_start3A_645 = tpu.memref_slice %arg11[%dma_start3A_642, %dma_start3A_643, %dma_start3A_644] : memref<16x8x64xf32, #tpu.memory_space<vmem>> -> memref<1x8x64xf32, #tpu.memory_space<vmem>>
      %dma_start3A_646 = tpu.memref_squeeze %dma_start3A_645 : memref<1x8x64xf32, #tpu.memory_space<vmem>> -> memref<8x64xf32, #tpu.memory_space<vmem>>
      %dma_start3A_647 = arith.constant 0 : i32
      %dma_start3A_648 = arith.constant 0 : i32
      %dma_start3A_649 = tpu.memref_slice %arg4[%squeeze3A_641, %dma_start3A_647, %dma_start3A_648] : memref<125000x8x64xf32, #tpu.memory_space<hbm>> -> memref<1x8x64xf32, #tpu.memory_space<hbm>>
      %dma_start3A_650 = tpu.memref_squeeze %dma_start3A_649 : memref<1x8x64xf32, #tpu.memory_space<hbm>> -> memref<8x64xf32, #tpu.memory_space<hbm>>
      %dma_start3A_651 = arith.constant 0 : i32
      %dma_start3A_652 = arith.constant 0 : i32
      %dma_start3A_653 = tpu.memref_slice %arg11[%dma_start3A_642, %dma_start3A_651, %dma_start3A_652] : memref<16x8x64xf32, #tpu.memory_space<vmem>> -> memref<1x8x64xf32, #tpu.memory_space<vmem>>
      %dma_start3A_654 = tpu.memref_squeeze %dma_start3A_653 : memref<1x8x64xf32, #tpu.memory_space<vmem>> -> memref<8x64xf32, #tpu.memory_space<vmem>>
      %dma_start3A_655 = arith.constant 0 : i32
      %dma_start3A_656 = arith.constant 0 : i32
      %dma_start3A_657 = tpu.memref_slice %arg4[%squeeze3A_641, %dma_start3A_655, %dma_start3A_656] : memref<125000x8x64xf32, #tpu.memory_space<hbm>> -> memref<1x8x64xf32, #tpu.memory_space<hbm>>
      %dma_start3A_658 = tpu.memref_squeeze %dma_start3A_657 : memref<1x8x64xf32, #tpu.memory_space<hbm>> -> memref<8x64xf32, #tpu.memory_space<hbm>>
      tpu.enqueue_dma source(%dma_start3A_658 : memref<8x64xf32, #tpu.memory_space<hbm>>) target(%dma_start3A_654 : memref<8x64xf32, #tpu.memory_space<vmem>>) target_semaphore(%arg16 : memref<!tpu.dma_semaphore, #tpu.memory_space<semaphore_mem>>)
      %slice3A_659 = vector.extract_strided_slice %shift_right_logical3A_639 {offsets = [0], sizes = [1], strides = [1]} : vector<16xi32> to vector<1xi32>
      %squeeze3A_660 = vector.extract %slice3A_659[0] : i32 from vector<1xi32>
      %dma_start3A_661 = arith.constant 0 : i32
      %dma_start3A_662 = arith.constant 0 : i32
      %dma_start3A_663 = arith.constant 0 : i32
      %dma_start3A_664 = tpu.memref_slice %arg12[%dma_start3A_661, %dma_start3A_662, %dma_start3A_663] : memref<16x8x64xf32, #tpu.memory_space<vmem>> -> memref<1x8x64xf32, #tpu.memory_space<vmem>>
      %dma_start3A_665 = tpu.memref_squeeze %dma_start3A_664 : memref<1x8x64xf32, #tpu.memory_space<vmem>> -> memref<8x64xf32, #tpu.memory_space<vmem>>
      %dma_start3A_666 = arith.constant 0 : i32
      %dma_start3A_667 = arith.constant 0 : i32
      %dma_start3A_668 = tpu.memref_slice %arg5[%squeeze3A_660, %dma_start3A_666, %dma_start3A_667] : memref<125000x8x64xf32, #tpu.memory_space<hbm>> -> memref<1x8x64xf32, #tpu.memory_space<hbm>>
      %dma_start3A_669 = tpu.memref_squeeze %dma_start3A_668 : memref<1x8x64xf32, #tpu.memory_space<hbm>> -> memref<8x64xf32, #tpu.memory_space<hbm>>
      %dma_start3A_670 = arith.constant 0 : i32
      %dma_start3A_671 = arith.constant 0 : i32
      %dma_start3A_672 = tpu.memref_slice %arg12[%dma_start3A_661, %dma_start3A_670, %dma_start3A_671] : memref<16x8x64xf32, #tpu.memory_space<vmem>> -> memref<1x8x64xf32, #tpu.memory_space<vmem>>
      %dma_start3A_673 = tpu.memref_squeeze %dma_start3A_672 : memref<1x8x64xf32, #tpu.memory_space<vmem>> -> memref<8x64xf32, #tpu.memory_space<vmem>>
      %dma_start3A_674 = arith.constant 0 : i32
      %dma_start3A_675 = arith.constant 0 : i32
      %dma_start3A_676 = tpu.memref_slice %arg5[%squeeze3A_660, %dma_start3A_674, %dma_start3A_675] : memref<125000x8x64xf32, #tpu.memory_space<hbm>> -> memref<1x8x64xf32, #tpu.memory_space<hbm>>
      %dma_start3A_677 = tpu.memref_squeeze %dma_start3A_676 : memref<1x8x64xf32, #tpu.memory_space<hbm>> -> memref<8x64xf32, #tpu.memory_space<hbm>>
      tpu.enqueue_dma source(%dma_start3A_677 : memref<8x64xf32, #tpu.memory_space<hbm>>) target(%dma_start3A_673 : memref<8x64xf32, #tpu.memory_space<vmem>>) target_semaphore(%arg17 : memref<!tpu.dma_semaphore, #tpu.memory_space<semaphore_mem>>)
      %slice3A_678 = vector.extract_strided_slice %shift_right_logical3A_634 {offsets = [1], sizes = [1], strides = [1]} : vector<16xi32> to vector<1xi32>
      %squeeze3A_679 = vector.extract %slice3A_678[0] : i32 from vector<1xi32>
      %dma_start3A_680 = arith.constant 1 : i32
      %dma_start3A_681 = arith.constant 0 : i32
      %dma_start3A_682 = arith.constant 0 : i32
      %dma_start3A_683 = tpu.memref_slice %arg11[%dma_start3A_680, %dma_start3A_681, %dma_start3A_682] : memref<16x8x64xf32, #tpu.memory_space<vmem>> -> memref<1x8x64xf32, #tpu.memory_space<vmem>>
      %dma_start3A_684 = tpu.memref_squeeze %dma_start3A_683 : memref<1x8x64xf32, #tpu.memory_space<vmem>> -> memref<8x64xf32, #tpu.memory_space<vmem>>
      %dma_start3A_685 = arith.constant 0 : i32
      %dma_start3A_686 = arith.constant 0 : i32
      %dma_start3A_687 = tpu.memref_slice %arg4[%squeeze3A_679, %dma_start3A_685, %dma_start3A_686] : memref<125000x8x64xf32, #tpu.memory_space<hbm>> -> memref<1x8x64xf32, #tpu.memory_space<hbm>>
      %dma_start3A_688 = tpu.memref_squeeze %dma_start3A_687 : memref<1x8x64xf32, #tpu.memory_space<hbm>> -> memref<8x64xf32, #tpu.memory_space<hbm>>
      %dma_start3A_689 = arith.constant 0 : i32
      %dma_start3A_690 = arith.constant 0 : i32
      %dma_start3A_691 = tpu.memref_slice %arg11[%dma_start3A_680, %dma_start3A_689, %dma_start3A_690] : memref<16x8x64xf32, #tpu.memory_space<vmem>> -> memref<1x8x64xf32, #tpu.memory_space<vmem>>
      %dma_start3A_692 = tpu.memref_squeeze %dma_start3A_691 : memref<1x8x64xf32, #tpu.memory_space<vmem>> -> memref<8x64xf32, #tpu.memory_space<vmem>>
      %dma_start3A_693 = arith.constant 0 : i32
      %dma_start3A_694 = arith.constant 0 : i32
      %dma_start3A_695 = tpu.memref_slice %arg4[%squeeze3A_679, %dma_start3A_693, %dma_start3A_694] : memref<125000x8x64xf32, #tpu.memory_space<hbm>> -> memref<1x8x64xf32, #tpu.memory_space<hbm>>
      %dma_start3A_696 = tpu.memref_squeeze %dma_start3A_695 : memref<1x8x64xf32, #tpu.memory_space<hbm>> -> memref<8x64xf32, #tpu.memory_space<hbm>>
      tpu.enqueue_dma source(%dma_start3A_696 : memref<8x64xf32, #tpu.memory_space<hbm>>) target(%dma_start3A_692 : memref<8x64xf32, #tpu.memory_space<vmem>>) target_semaphore(%arg16 : memref<!tpu.dma_semaphore, #tpu.memory_space<semaphore_mem>>)
      %slice3A_697 = vector.extract_strided_slice %shift_right_logical3A_639 {offsets = [1], sizes = [1], strides = [1]} : vector<16xi32> to vector<1xi32>
      %squeeze3A_698 = vector.extract %slice3A_697[0] : i32 from vector<1xi32>
      %dma_start3A_699 = arith.constant 1 : i32
      %dma_start3A_700 = arith.constant 0 : i32
      %dma_start3A_701 = arith.constant 0 : i32
      %dma_start3A_702 = tpu.memref_slice %arg12[%dma_start3A_699, %dma_start3A_700, %dma_start3A_701] : memref<16x8x64xf32, #tpu.memory_space<vmem>> -> memref<1x8x64xf32, #tpu.memory_space<vmem>>
      %dma_start3A_703 = tpu.memref_squeeze %dma_start3A_702 : memref<1x8x64xf32, #tpu.memory_space<vmem>> -> memref<8x64xf32, #tpu.memory_space<vmem>>
      %dma_start3A_704 = arith.constant 0 : i32
      %dma_start3A_705 = arith.constant 0 : i32
      %dma_start3A_706 = tpu.memref_slice %arg5[%squeeze3A_698, %dma_start3A_704, %dma_start3A_705] : memref<125000x8x64xf32, #tpu.memory_space<hbm>> -> memref<1x8x64xf32, #tpu.memory_space<hbm>>
      %dma_start3A_707 = tpu.memref_squeeze %dma_start3A_706 : memref<1x8x64xf32, #tpu.memory_space<hbm>> -> memref<8x64xf32, #tpu.memory_space<hbm>>
      %dma_start3A_708 = arith.constant 0 : i32
      %dma_start3A_709 = arith.constant 0 : i32
      %dma_start3A_710 = tpu.memref_slice %arg12[%dma_start3A_699, %dma_start3A_708, %dma_start3A_709] : memref<16x8x64xf32, #tpu.memory_space<vmem>> -> memref<1x8x64xf32, #tpu.memory_space<vmem>>
      %dma_start3A_711 = tpu.memref_squeeze %dma_start3A_710 : memref<1x8x64xf32, #tpu.memory_space<vmem>> -> memref<8x64xf32, #tpu.memory_space<vmem>>
      %dma_start3A_712 = arith.constant 0 : i32
      %dma_start3A_713 = arith.constant 0 : i32
      %dma_start3A_714 = tpu.memref_slice %arg5[%squeeze3A_698, %dma_start3A_712, %dma_start3A_713] : memref<125000x8x64xf32, #tpu.memory_space<hbm>> -> memref<1x8x64xf32, #tpu.memory_space<hbm>>
      %dma_start3A_715 = tpu.memref_squeeze %dma_start3A_714 : memref<1x8x64xf32, #tpu.memory_space<hbm>> -> memref<8x64xf32, #tpu.memory_space<hbm>>
      tpu.enqueue_dma source(%dma_start3A_715 : memref<8x64xf32, #tpu.memory_space<hbm>>) target(%dma_start3A_711 : memref<8x64xf32, #tpu.memory_space<vmem>>) target_semaphore(%arg17 : memref<!tpu.dma_semaphore, #tpu.memory_space<semaphore_mem>>)
      %slice3A_716 = vector.extract_strided_slice %shift_right_logical3A_634 {offsets = [2], sizes = [1], strides = [1]} : vector<16xi32> to vector<1xi32>
      %squeeze3A_717 = vector.extract %slice3A_716[0] : i32 from vector<1xi32>
      %dma_start3A_718 = arith.constant 2 : i32
      %dma_start3A_719 = arith.constant 0 : i32
      %dma_start3A_720 = arith.constant 0 : i32
      %dma_start3A_721 = tpu.memref_slice %arg11[%dma_start3A_718, %dma_start3A_719, %dma_start3A_720] : memref<16x8x64xf32, #tpu.memory_space<vmem>> -> memref<1x8x64xf32, #tpu.memory_space<vmem>>
      %dma_start3A_722 = tpu.memref_squeeze %dma_start3A_721 : memref<1x8x64xf32, #tpu.memory_space<vmem>> -> memref<8x64xf32, #tpu.memory_space<vmem>>
      %dma_start3A_723 = arith.constant 0 : i32
      %dma_start3A_724 = arith.constant 0 : i32
      %dma_start3A_725 = tpu.memref_slice %arg4[%squeeze3A_717, %dma_start3A_723, %dma_start3A_724] : memref<125000x8x64xf32, #tpu.memory_space<hbm>> -> memref<1x8x64xf32, #tpu.memory_space<hbm>>
      %dma_start3A_726 = tpu.memref_squeeze %dma_start3A_725 : memref<1x8x64xf32, #tpu.memory_space<hbm>> -> memref<8x64xf32, #tpu.memory_space<hbm>>
      %dma_start3A_727 = arith.constant 0 : i32
      %dma_start3A_728 = arith.constant 0 : i32
      %dma_start3A_729 = tpu.memref_slice %arg11[%dma_start3A_718, %dma_start3A_727, %dma_start3A_728] : memref<16x8x64xf32, #tpu.memory_space<vmem>> -> memref<1x8x64xf32, #tpu.memory_space<vmem>>
      %dma_start3A_730 = tpu.memref_squeeze %dma_start3A_729 : memref<1x8x64xf32, #tpu.memory_space<vmem>> -> memref<8x64xf32, #tpu.memory_space<vmem>>
      %dma_start3A_731 = arith.constant 0 : i32
      %dma_start3A_732 = arith.constant 0 : i32
      %dma_start3A_733 = tpu.memref_slice %arg4[%squeeze3A_717, %dma_start3A_731, %dma_start3A_732] : memref<125000x8x64xf32, #tpu.memory_space<hbm>> -> memref<1x8x64xf32, #tpu.memory_space<hbm>>
      %dma_start3A_734 = tpu.memref_squeeze %dma_start3A_733 : memref<1x8x64xf32, #tpu.memory_space<hbm>> -> memref<8x64xf32, #tpu.memory_space<hbm>>
      tpu.enqueue_dma source(%dma_start3A_734 : memref<8x64xf32, #tpu.memory_space<hbm>>) target(%dma_start3A_730 : memref<8x64xf32, #tpu.memory_space<vmem>>) target_semaphore(%arg16 : memref<!tpu.dma_semaphore, #tpu.memory_space<semaphore_mem>>)
      %slice3A_735 = vector.extract_strided_slice %shift_right_logical3A_639 {offsets = [2], sizes = [1], strides = [1]} : vector<16xi32> to vector<1xi32>
      %squeeze3A_736 = vector.extract %slice3A_735[0] : i32 from vector<1xi32>
      %dma_start3A_737 = arith.constant 2 : i32
      %dma_start3A_738 = arith.constant 0 : i32
      %dma_start3A_739 = arith.constant 0 : i32
      %dma_start3A_740 = tpu.memref_slice %arg12[%dma_start3A_737, %dma_start3A_738, %dma_start3A_739] : memref<16x8x64xf32, #tpu.memory_space<vmem>> -> memref<1x8x64xf32, #tpu.memory_space<vmem>>
      %dma_start3A_741 = tpu.memref_squeeze %dma_start3A_740 : memref<1x8x64xf32, #tpu.memory_space<vmem>> -> memref<8x64xf32, #tpu.memory_space<vmem>>
      %dma_start3A_742 = arith.constant 0 : i32
      %dma_start3A_743 = arith.constant 0 : i32
      %dma_start3A_744 = tpu.memref_slice %arg5[%squeeze3A_736, %dma_start3A_742, %dma_start3A_743] : memref<125000x8x64xf32, #tpu.memory_space<hbm>> -> memref<1x8x64xf32, #tpu.memory_space<hbm>>
      %dma_start3A_745 = tpu.memref_squeeze %dma_start3A_744 : memref<1x8x64xf32, #tpu.memory_space<hbm>> -> memref<8x64xf32, #tpu.memory_space<hbm>>
      %dma_start3A_746 = arith.constant 0 : i32
      %dma_start3A_747 = arith.constant 0 : i32
      %dma_start3A_748 = tpu.memref_slice %arg12[%dma_start3A_737, %dma_start3A_746, %dma_start3A_747] : memref<16x8x64xf32, #tpu.memory_space<vmem>> -> memref<1x8x64xf32, #tpu.memory_space<vmem>>
      %dma_start3A_749 = tpu.memref_squeeze %dma_start3A_748 : memref<1x8x64xf32, #tpu.memory_space<vmem>> -> memref<8x64xf32, #tpu.memory_space<vmem>>
      %dma_start3A_750 = arith.constant 0 : i32
      %dma_start3A_751 = arith.constant 0 : i32
      %dma_start3A_752 = tpu.memref_slice %arg5[%squeeze3A_736, %dma_start3A_750, %dma_start3A_751] : memref<125000x8x64xf32, #tpu.memory_space<hbm>> -> memref<1x8x64xf32, #tpu.memory_space<hbm>>
      %dma_start3A_753 = tpu.memref_squeeze %dma_start3A_752 : memref<1x8x64xf32, #tpu.memory_space<hbm>> -> memref<8x64xf32, #tpu.memory_space<hbm>>
      tpu.enqueue_dma source(%dma_start3A_753 : memref<8x64xf32, #tpu.memory_space<hbm>>) target(%dma_start3A_749 : memref<8x64xf32, #tpu.memory_space<vmem>>) target_semaphore(%arg17 : memref<!tpu.dma_semaphore, #tpu.memory_space<semaphore_mem>>)
      %slice3A_754 = vector.extract_strided_slice %shift_right_logical3A_634 {offsets = [3], sizes = [1], strides = [1]} : vector<16xi32> to vector<1xi32>
      %squeeze3A_755 = vector.extract %slice3A_754[0] : i32 from vector<1xi32>
      %dma_start3A_756 = arith.constant 3 : i32
      %dma_start3A_757 = arith.constant 0 : i32
      %dma_start3A_758 = arith.constant 0 : i32
      %dma_start3A_759 = tpu.memref_slice %arg11[%dma_start3A_756, %dma_start3A_757, %dma_start3A_758] : memref<16x8x64xf32, #tpu.memory_space<vmem>> -> memref<1x8x64xf32, #tpu.memory_space<vmem>>
      %dma_start3A_760 = tpu.memref_squeeze %dma_start3A_759 : memref<1x8x64xf32, #tpu.memory_space<vmem>> -> memref<8x64xf32, #tpu.memory_space<vmem>>
      %dma_start3A_761 = arith.constant 0 : i32
      %dma_start3A_762 = arith.constant 0 : i32
      %dma_start3A_763 = tpu.memref_slice %arg4[%squeeze3A_755, %dma_start3A_761, %dma_start3A_762] : memref<125000x8x64xf32, #tpu.memory_space<hbm>> -> memref<1x8x64xf32, #tpu.memory_space<hbm>>
      %dma_start3A_764 = tpu.memref_squeeze %dma_start3A_763 : memref<1x8x64xf32, #tpu.memory_space<hbm>> -> memref<8x64xf32, #tpu.memory_space<hbm>>
      %dma_start3A_765 = arith.constant 0 : i32
      %dma_start3A_766 = arith.constant 0 : i32
      %dma_start3A_767 = tpu.memref_slice %arg11[%dma_start3A_756, %dma_start3A_765, %dma_start3A_766] : memref<16x8x64xf32, #tpu.memory_space<vmem>> -> memref<1x8x64xf32, #tpu.memory_space<vmem>>
      %dma_start3A_768 = tpu.memref_squeeze %dma_start3A_767 : memref<1x8x64xf32, #tpu.memory_space<vmem>> -> memref<8x64xf32, #tpu.memory_space<vmem>>
      %dma_start3A_769 = arith.constant 0 : i32
      %dma_start3A_770 = arith.constant 0 : i32
      %dma_start3A_771 = tpu.memref_slice %arg4[%squeeze3A_755, %dma_start3A_769, %dma_start3A_770] : memref<125000x8x64xf32, #tpu.memory_space<hbm>> -> memref<1x8x64xf32, #tpu.memory_space<hbm>>
      %dma_start3A_772 = tpu.memref_squeeze %dma_start3A_771 : memref<1x8x64xf32, #tpu.memory_space<hbm>> -> memref<8x64xf32, #tpu.memory_space<hbm>>
      tpu.enqueue_dma source(%dma_start3A_772 : memref<8x64xf32, #tpu.memory_space<hbm>>) target(%dma_start3A_768 : memref<8x64xf32, #tpu.memory_space<vmem>>) target_semaphore(%arg16 : memref<!tpu.dma_semaphore, #tpu.memory_space<semaphore_mem>>)
      %slice3A_773 = vector.extract_strided_slice %shift_right_logical3A_639 {offsets = [3], sizes = [1], strides = [1]} : vector<16xi32> to vector<1xi32>
      %squeeze3A_774 = vector.extract %slice3A_773[0] : i32 from vector<1xi32>
      %dma_start3A_775 = arith.constant 3 : i32
      %dma_start3A_776 = arith.constant 0 : i32
      %dma_start3A_777 = arith.constant 0 : i32
      %dma_start3A_778 = tpu.memref_slice %arg12[%dma_start3A_775, %dma_start3A_776, %dma_start3A_777] : memref<16x8x64xf32, #tpu.memory_space<vmem>> -> memref<1x8x64xf32, #tpu.memory_space<vmem>>
      %dma_start3A_779 = tpu.memref_squeeze %dma_start3A_778 : memref<1x8x64xf32, #tpu.memory_space<vmem>> -> memref<8x64xf32, #tpu.memory_space<vmem>>
      %dma_start3A_780 = arith.constant 0 : i32
      %dma_start3A_781 = arith.constant 0 : i32
      %dma_start3A_782 = tpu.memref_slice %arg5[%squeeze3A_774, %dma_start3A_780, %dma_start3A_781] : memref<125000x8x64xf32, #tpu.memory_space<hbm>> -> memref<1x8x64xf32, #tpu.memory_space<hbm>>
      %dma_start3A_783 = tpu.memref_squeeze %dma_start3A_782 : memref<1x8x64xf32, #tpu.memory_space<hbm>> -> memref<8x64xf32, #tpu.memory_space<hbm>>
      %dma_start3A_784 = arith.constant 0 : i32
      %dma_start3A_785 = arith.constant 0 : i32
      %dma_start3A_786 = tpu.memref_slice %arg12[%dma_start3A_775, %dma_start3A_784, %dma_start3A_785] : memref<16x8x64xf32, #tpu.memory_space<vmem>> -> memref<1x8x64xf32, #tpu.memory_space<vmem>>
      %dma_start3A_787 = tpu.memref_squeeze %dma_start3A_786 : memref<1x8x64xf32, #tpu.memory_space<vmem>> -> memref<8x64xf32, #tpu.memory_space<vmem>>
      %dma_start3A_788 = arith.constant 0 : i32
      %dma_start3A_789 = arith.constant 0 : i32
      %dma_start3A_790 = tpu.memref_slice %arg5[%squeeze3A_774, %dma_start3A_788, %dma_start3A_789] : memref<125000x8x64xf32, #tpu.memory_space<hbm>> -> memref<1x8x64xf32, #tpu.memory_space<hbm>>
      %dma_start3A_791 = tpu.memref_squeeze %dma_start3A_790 : memref<1x8x64xf32, #tpu.memory_space<hbm>> -> memref<8x64xf32, #tpu.memory_space<hbm>>
      tpu.enqueue_dma source(%dma_start3A_791 : memref<8x64xf32, #tpu.memory_space<hbm>>) target(%dma_start3A_787 : memref<8x64xf32, #tpu.memory_space<vmem>>) target_semaphore(%arg17 : memref<!tpu.dma_semaphore, #tpu.memory_space<semaphore_mem>>)
      %slice3A_792 = vector.extract_strided_slice %shift_right_logical3A_634 {offsets = [4], sizes = [1], strides = [1]} : vector<16xi32> to vector<1xi32>
      %squeeze3A_793 = vector.extract %slice3A_792[0] : i32 from vector<1xi32>
      %dma_start3A_794 = arith.constant 4 : i32
      %dma_start3A_795 = arith.constant 0 : i32
      %dma_start3A_796 = arith.constant 0 : i32
      %dma_start3A_797 = tpu.memref_slice %arg11[%dma_start3A_794, %dma_start3A_795, %dma_start3A_796] : memref<16x8x64xf32, #tpu.memory_space<vmem>> -> memref<1x8x64xf32, #tpu.memory_space<vmem>>
      %dma_start3A_798 = tpu.memref_squeeze %dma_start3A_797 : memref<1x8x64xf32, #tpu.memory_space<vmem>> -> memref<8x64xf32, #tpu.memory_space<vmem>>
      %dma_start3A_799 = arith.constant 0 : i32
      %dma_start3A_800 = arith.constant 0 : i32
      %dma_start3A_801 = tpu.memref_slice %arg4[%squeeze3A_793, %dma_start3A_799, %dma_start3A_800] : memref<125000x8x64xf32, #tpu.memory_space<hbm>> -> memref<1x8x64xf32, #tpu.memory_space<hbm>>
      %dma_start3A_802 = tpu.memref_squeeze %dma_start3A_801 : memref<1x8x64xf32, #tpu.memory_space<hbm>> -> memref<8x64xf32, #tpu.memory_space<hbm>>
      %dma_start3A_803 = arith.constant 0 : i32
      %dma_start3A_804 = arith.constant 0 : i32
      %dma_start3A_805 = tpu.memref_slice %arg11[%dma_start3A_794, %dma_start3A_803, %dma_start3A_804] : memref<16x8x64xf32, #tpu.memory_space<vmem>> -> memref<1x8x64xf32, #tpu.memory_space<vmem>>
      %dma_start3A_806 = tpu.memref_squeeze %dma_start3A_805 : memref<1x8x64xf32, #tpu.memory_space<vmem>> -> memref<8x64xf32, #tpu.memory_space<vmem>>
      %dma_start3A_807 = arith.constant 0 : i32
      %dma_start3A_808 = arith.constant 0 : i32
      %dma_start3A_809 = tpu.memref_slice %arg4[%squeeze3A_793, %dma_start3A_807, %dma_start3A_808] : memref<125000x8x64xf32, #tpu.memory_space<hbm>> -> memref<1x8x64xf32, #tpu.memory_space<hbm>>
      %dma_start3A_810 = tpu.memref_squeeze %dma_start3A_809 : memref<1x8x64xf32, #tpu.memory_space<hbm>> -> memref<8x64xf32, #tpu.memory_space<hbm>>
      tpu.enqueue_dma source(%dma_start3A_810 : memref<8x64xf32, #tpu.memory_space<hbm>>) target(%dma_start3A_806 : memref<8x64xf32, #tpu.memory_space<vmem>>) target_semaphore(%arg16 : memref<!tpu.dma_semaphore, #tpu.memory_space<semaphore_mem>>)
      %slice3A_811 = vector.extract_strided_slice %shift_right_logical3A_639 {offsets = [4], sizes = [1], strides = [1]} : vector<16xi32> to vector<1xi32>
      %squeeze3A_812 = vector.extract %slice3A_811[0] : i32 from vector<1xi32>
      %dma_start3A_813 = arith.constant 4 : i32
      %dma_start3A_814 = arith.constant 0 : i32
      %dma_start3A_815 = arith.constant 0 : i32
      %dma_start3A_816 = tpu.memref_slice %arg12[%dma_start3A_813, %dma_start3A_814, %dma_start3A_815] : memref<16x8x64xf32, #tpu.memory_space<vmem>> -> memref<1x8x64xf32, #tpu.memory_space<vmem>>
      %dma_start3A_817 = tpu.memref_squeeze %dma_start3A_816 : memref<1x8x64xf32, #tpu.memory_space<vmem>> -> memref<8x64xf32, #tpu.memory_space<vmem>>
      %dma_start3A_818 = arith.constant 0 : i32
      %dma_start3A_819 = arith.constant 0 : i32
      %dma_start3A_820 = tpu.memref_slice %arg5[%squeeze3A_812, %dma_start3A_818, %dma_start3A_819] : memref<125000x8x64xf32, #tpu.memory_space<hbm>> -> memref<1x8x64xf32, #tpu.memory_space<hbm>>
      %dma_start3A_821 = tpu.memref_squeeze %dma_start3A_820 : memref<1x8x64xf32, #tpu.memory_space<hbm>> -> memref<8x64xf32, #tpu.memory_space<hbm>>
      %dma_start3A_822 = arith.constant 0 : i32
      %dma_start3A_823 = arith.constant 0 : i32
      %dma_start3A_824 = tpu.memref_slice %arg12[%dma_start3A_813, %dma_start3A_822, %dma_start3A_823] : memref<16x8x64xf32, #tpu.memory_space<vmem>> -> memref<1x8x64xf32, #tpu.memory_space<vmem>>
      %dma_start3A_825 = tpu.memref_squeeze %dma_start3A_824 : memref<1x8x64xf32, #tpu.memory_space<vmem>> -> memref<8x64xf32, #tpu.memory_space<vmem>>
      %dma_start3A_826 = arith.constant 0 : i32
      %dma_start3A_827 = arith.constant 0 : i32
      %dma_start3A_828 = tpu.memref_slice %arg5[%squeeze3A_812, %dma_start3A_826, %dma_start3A_827] : memref<125000x8x64xf32, #tpu.memory_space<hbm>> -> memref<1x8x64xf32, #tpu.memory_space<hbm>>
      %dma_start3A_829 = tpu.memref_squeeze %dma_start3A_828 : memref<1x8x64xf32, #tpu.memory_space<hbm>> -> memref<8x64xf32, #tpu.memory_space<hbm>>
      tpu.enqueue_dma source(%dma_start3A_829 : memref<8x64xf32, #tpu.memory_space<hbm>>) target(%dma_start3A_825 : memref<8x64xf32, #tpu.memory_space<vmem>>) target_semaphore(%arg17 : memref<!tpu.dma_semaphore, #tpu.memory_space<semaphore_mem>>)
      %slice3A_830 = vector.extract_strided_slice %shift_right_logical3A_634 {offsets = [5], sizes = [1], strides = [1]} : vector<16xi32> to vector<1xi32>
      %squeeze3A_831 = vector.extract %slice3A_830[0] : i32 from vector<1xi32>
      %dma_start3A_832 = arith.constant 5 : i32
      %dma_start3A_833 = arith.constant 0 : i32
      %dma_start3A_834 = arith.constant 0 : i32
      %dma_start3A_835 = tpu.memref_slice %arg11[%dma_start3A_832, %dma_start3A_833, %dma_start3A_834] : memref<16x8x64xf32, #tpu.memory_space<vmem>> -> memref<1x8x64xf32, #tpu.memory_space<vmem>>
      %dma_start3A_836 = tpu.memref_squeeze %dma_start3A_835 : memref<1x8x64xf32, #tpu.memory_space<vmem>> -> memref<8x64xf32, #tpu.memory_space<vmem>>
      %dma_start3A_837 = arith.constant 0 : i32
      %dma_start3A_838 = arith.constant 0 : i32
      %dma_start3A_839 = tpu.memref_slice %arg4[%squeeze3A_831, %dma_start3A_837, %dma_start3A_838] : memref<125000x8x64xf32, #tpu.memory_space<hbm>> -> memref<1x8x64xf32, #tpu.memory_space<hbm>>
      %dma_start3A_840 = tpu.memref_squeeze %dma_start3A_839 : memref<1x8x64xf32, #tpu.memory_space<hbm>> -> memref<8x64xf32, #tpu.memory_space<hbm>>
      %dma_start3A_841 = arith.constant 0 : i32
      %dma_start3A_842 = arith.constant 0 : i32
      %dma_start3A_843 = tpu.memref_slice %arg11[%dma_start3A_832, %dma_start3A_841, %dma_start3A_842] : memref<16x8x64xf32, #tpu.memory_space<vmem>> -> memref<1x8x64xf32, #tpu.memory_space<vmem>>
      %dma_start3A_844 = tpu.memref_squeeze %dma_start3A_843 : memref<1x8x64xf32, #tpu.memory_space<vmem>> -> memref<8x64xf32, #tpu.memory_space<vmem>>
      %dma_start3A_845 = arith.constant 0 : i32
      %dma_start3A_846 = arith.constant 0 : i32
      %dma_start3A_847 = tpu.memref_slice %arg4[%squeeze3A_831, %dma_start3A_845, %dma_start3A_846] : memref<125000x8x64xf32, #tpu.memory_space<hbm>> -> memref<1x8x64xf32, #tpu.memory_space<hbm>>
      %dma_start3A_848 = tpu.memref_squeeze %dma_start3A_847 : memref<1x8x64xf32, #tpu.memory_space<hbm>> -> memref<8x64xf32, #tpu.memory_space<hbm>>
      tpu.enqueue_dma source(%dma_start3A_848 : memref<8x64xf32, #tpu.memory_space<hbm>>) target(%dma_start3A_844 : memref<8x64xf32, #tpu.memory_space<vmem>>) target_semaphore(%arg16 : memref<!tpu.dma_semaphore, #tpu.memory_space<semaphore_mem>>)
      %slice3A_849 = vector.extract_strided_slice %shift_right_logical3A_639 {offsets = [5], sizes = [1], strides = [1]} : vector<16xi32> to vector<1xi32>
      %squeeze3A_850 = vector.extract %slice3A_849[0] : i32 from vector<1xi32>
      %dma_start3A_851 = arith.constant 5 : i32
      %dma_start3A_852 = arith.constant 0 : i32
      %dma_start3A_853 = arith.constant 0 : i32
      %dma_start3A_854 = tpu.memref_slice %arg12[%dma_start3A_851, %dma_start3A_852, %dma_start3A_853] : memref<16x8x64xf32, #tpu.memory_space<vmem>> -> memref<1x8x64xf32, #tpu.memory_space<vmem>>
      %dma_start3A_855 = tpu.memref_squeeze %dma_start3A_854 : memref<1x8x64xf32, #tpu.memory_space<vmem>> -> memref<8x64xf32, #tpu.memory_space<vmem>>
      %dma_start3A_856 = arith.constant 0 : i32
      %dma_start3A_857 = arith.constant 0 : i32
      %dma_start3A_858 = tpu.memref_slice %arg5[%squeeze3A_850, %dma_start3A_856, %dma_start3A_857] : memref<125000x8x64xf32, #tpu.memory_space<hbm>> -> memref<1x8x64xf32, #tpu.memory_space<hbm>>
      %dma_start3A_859 = tpu.memref_squeeze %dma_start3A_858 : memref<1x8x64xf32, #tpu.memory_space<hbm>> -> memref<8x64xf32, #tpu.memory_space<hbm>>
      %dma_start3A_860 = arith.constant 0 : i32
      %dma_start3A_861 = arith.constant 0 : i32
      %dma_start3A_862 = tpu.memref_slice %arg12[%dma_start3A_851, %dma_start3A_860, %dma_start3A_861] : memref<16x8x64xf32, #tpu.memory_space<vmem>> -> memref<1x8x64xf32, #tpu.memory_space<vmem>>
      %dma_start3A_863 = tpu.memref_squeeze %dma_start3A_862 : memref<1x8x64xf32, #tpu.memory_space<vmem>> -> memref<8x64xf32, #tpu.memory_space<vmem>>
      %dma_start3A_864 = arith.constant 0 : i32
      %dma_start3A_865 = arith.constant 0 : i32
      %dma_start3A_866 = tpu.memref_slice %arg5[%squeeze3A_850, %dma_start3A_864, %dma_start3A_865] : memref<125000x8x64xf32, #tpu.memory_space<hbm>> -> memref<1x8x64xf32, #tpu.memory_space<hbm>>
      %dma_start3A_867 = tpu.memref_squeeze %dma_start3A_866 : memref<1x8x64xf32, #tpu.memory_space<hbm>> -> memref<8x64xf32, #tpu.memory_space<hbm>>
      tpu.enqueue_dma source(%dma_start3A_867 : memref<8x64xf32, #tpu.memory_space<hbm>>) target(%dma_start3A_863 : memref<8x64xf32, #tpu.memory_space<vmem>>) target_semaphore(%arg17 : memref<!tpu.dma_semaphore, #tpu.memory_space<semaphore_mem>>)
      %slice3A_868 = vector.extract_strided_slice %shift_right_logical3A_634 {offsets = [6], sizes = [1], strides = [1]} : vector<16xi32> to vector<1xi32>
      %squeeze3A_869 = vector.extract %slice3A_868[0] : i32 from vector<1xi32>
      %dma_start3A_870 = arith.constant 6 : i32
      %dma_start3A_871 = arith.constant 0 : i32
      %dma_start3A_872 = arith.constant 0 : i32
      %dma_start3A_873 = tpu.memref_slice %arg11[%dma_start3A_870, %dma_start3A_871, %dma_start3A_872] : memref<16x8x64xf32, #tpu.memory_space<vmem>> -> memref<1x8x64xf32, #tpu.memory_space<vmem>>
      %dma_start3A_874 = tpu.memref_squeeze %dma_start3A_873 : memref<1x8x64xf32, #tpu.memory_space<vmem>> -> memref<8x64xf32, #tpu.memory_space<vmem>>
      %dma_start3A_875 = arith.constant 0 : i32
      %dma_start3A_876 = arith.constant 0 : i32
      %dma_start3A_877 = tpu.memref_slice %arg4[%squeeze3A_869, %dma_start3A_875, %dma_start3A_876] : memref<125000x8x64xf32, #tpu.memory_space<hbm>> -> memref<1x8x64xf32, #tpu.memory_space<hbm>>
      %dma_start3A_878 = tpu.memref_squeeze %dma_start3A_877 : memref<1x8x64xf32, #tpu.memory_space<hbm>> -> memref<8x64xf32, #tpu.memory_space<hbm>>
      %dma_start3A_879 = arith.constant 0 : i32
      %dma_start3A_880 = arith.constant 0 : i32
      %dma_start3A_881 = tpu.memref_slice %arg11[%dma_start3A_870, %dma_start3A_879, %dma_start3A_880] : memref<16x8x64xf32, #tpu.memory_space<vmem>> -> memref<1x8x64xf32, #tpu.memory_space<vmem>>
      %dma_start3A_882 = tpu.memref_squeeze %dma_start3A_881 : memref<1x8x64xf32, #tpu.memory_space<vmem>> -> memref<8x64xf32, #tpu.memory_space<vmem>>
      %dma_start3A_883 = arith.constant 0 : i32
      %dma_start3A_884 = arith.constant 0 : i32
      %dma_start3A_885 = tpu.memref_slice %arg4[%squeeze3A_869, %dma_start3A_883, %dma_start3A_884] : memref<125000x8x64xf32, #tpu.memory_space<hbm>> -> memref<1x8x64xf32, #tpu.memory_space<hbm>>
      %dma_start3A_886 = tpu.memref_squeeze %dma_start3A_885 : memref<1x8x64xf32, #tpu.memory_space<hbm>> -> memref<8x64xf32, #tpu.memory_space<hbm>>
      tpu.enqueue_dma source(%dma_start3A_886 : memref<8x64xf32, #tpu.memory_space<hbm>>) target(%dma_start3A_882 : memref<8x64xf32, #tpu.memory_space<vmem>>) target_semaphore(%arg16 : memref<!tpu.dma_semaphore, #tpu.memory_space<semaphore_mem>>)
      %slice3A_887 = vector.extract_strided_slice %shift_right_logical3A_639 {offsets = [6], sizes = [1], strides = [1]} : vector<16xi32> to vector<1xi32>
      %squeeze3A_888 = vector.extract %slice3A_887[0] : i32 from vector<1xi32>
      %dma_start3A_889 = arith.constant 6 : i32
      %dma_start3A_890 = arith.constant 0 : i32
      %dma_start3A_891 = arith.constant 0 : i32
      %dma_start3A_892 = tpu.memref_slice %arg12[%dma_start3A_889, %dma_start3A_890, %dma_start3A_891] : memref<16x8x64xf32, #tpu.memory_space<vmem>> -> memref<1x8x64xf32, #tpu.memory_space<vmem>>
      %dma_start3A_893 = tpu.memref_squeeze %dma_start3A_892 : memref<1x8x64xf32, #tpu.memory_space<vmem>> -> memref<8x64xf32, #tpu.memory_space<vmem>>
      %dma_start3A_894 = arith.constant 0 : i32
      %dma_start3A_895 = arith.constant 0 : i32
      %dma_start3A_896 = tpu.memref_slice %arg5[%squeeze3A_888, %dma_start3A_894, %dma_start3A_895] : memref<125000x8x64xf32, #tpu.memory_space<hbm>> -> memref<1x8x64xf32, #tpu.memory_space<hbm>>
      %dma_start3A_897 = tpu.memref_squeeze %dma_start3A_896 : memref<1x8x64xf32, #tpu.memory_space<hbm>> -> memref<8x64xf32, #tpu.memory_space<hbm>>
      %dma_start3A_898 = arith.constant 0 : i32
      %dma_start3A_899 = arith.constant 0 : i32
      %dma_start3A_900 = tpu.memref_slice %arg12[%dma_start3A_889, %dma_start3A_898, %dma_start3A_899] : memref<16x8x64xf32, #tpu.memory_space<vmem>> -> memref<1x8x64xf32, #tpu.memory_space<vmem>>
      %dma_start3A_901 = tpu.memref_squeeze %dma_start3A_900 : memref<1x8x64xf32, #tpu.memory_space<vmem>> -> memref<8x64xf32, #tpu.memory_space<vmem>>
      %dma_start3A_902 = arith.constant 0 : i32
      %dma_start3A_903 = arith.constant 0 : i32
      %dma_start3A_904 = tpu.memref_slice %arg5[%squeeze3A_888, %dma_start3A_902, %dma_start3A_903] : memref<125000x8x64xf32, #tpu.memory_space<hbm>> -> memref<1x8x64xf32, #tpu.memory_space<hbm>>
      %dma_start3A_905 = tpu.memref_squeeze %dma_start3A_904 : memref<1x8x64xf32, #tpu.memory_space<hbm>> -> memref<8x64xf32, #tpu.memory_space<hbm>>
      tpu.enqueue_dma source(%dma_start3A_905 : memref<8x64xf32, #tpu.memory_space<hbm>>) target(%dma_start3A_901 : memref<8x64xf32, #tpu.memory_space<vmem>>) target_semaphore(%arg17 : memref<!tpu.dma_semaphore, #tpu.memory_space<semaphore_mem>>)
      %slice3A_906 = vector.extract_strided_slice %shift_right_logical3A_634 {offsets = [7], sizes = [1], strides = [1]} : vector<16xi32> to vector<1xi32>
      %squeeze3A_907 = vector.extract %slice3A_906[0] : i32 from vector<1xi32>
      %dma_start3A_908 = arith.constant 7 : i32
      %dma_start3A_909 = arith.constant 0 : i32
      %dma_start3A_910 = arith.constant 0 : i32
      %dma_start3A_911 = tpu.memref_slice %arg11[%dma_start3A_908, %dma_start3A_909, %dma_start3A_910] : memref<16x8x64xf32, #tpu.memory_space<vmem>> -> memref<1x8x64xf32, #tpu.memory_space<vmem>>
      %dma_start3A_912 = tpu.memref_squeeze %dma_start3A_911 : memref<1x8x64xf32, #tpu.memory_space<vmem>> -> memref<8x64xf32, #tpu.memory_space<vmem>>
      %dma_start3A_913 = arith.constant 0 : i32
      %dma_start3A_914 = arith.constant 0 : i32
      %dma_start3A_915 = tpu.memref_slice %arg4[%squeeze3A_907, %dma_start3A_913, %dma_start3A_914] : memref<125000x8x64xf32, #tpu.memory_space<hbm>> -> memref<1x8x64xf32, #tpu.memory_space<hbm>>
      %dma_start3A_916 = tpu.memref_squeeze %dma_start3A_915 : memref<1x8x64xf32, #tpu.memory_space<hbm>> -> memref<8x64xf32, #tpu.memory_space<hbm>>
      %dma_start3A_917 = arith.constant 0 : i32
      %dma_start3A_918 = arith.constant 0 : i32
      %dma_start3A_919 = tpu.memref_slice %arg11[%dma_start3A_908, %dma_start3A_917, %dma_start3A_918] : memref<16x8x64xf32, #tpu.memory_space<vmem>> -> memref<1x8x64xf32, #tpu.memory_space<vmem>>
      %dma_start3A_920 = tpu.memref_squeeze %dma_start3A_919 : memref<1x8x64xf32, #tpu.memory_space<vmem>> -> memref<8x64xf32, #tpu.memory_space<vmem>>
      %dma_start3A_921 = arith.constant 0 : i32
      %dma_start3A_922 = arith.constant 0 : i32
      %dma_start3A_923 = tpu.memref_slice %arg4[%squeeze3A_907, %dma_start3A_921, %dma_start3A_922] : memref<125000x8x64xf32, #tpu.memory_space<hbm>> -> memref<1x8x64xf32, #tpu.memory_space<hbm>>
      %dma_start3A_924 = tpu.memref_squeeze %dma_start3A_923 : memref<1x8x64xf32, #tpu.memory_space<hbm>> -> memref<8x64xf32, #tpu.memory_space<hbm>>
      tpu.enqueue_dma source(%dma_start3A_924 : memref<8x64xf32, #tpu.memory_space<hbm>>) target(%dma_start3A_920 : memref<8x64xf32, #tpu.memory_space<vmem>>) target_semaphore(%arg16 : memref<!tpu.dma_semaphore, #tpu.memory_space<semaphore_mem>>)
      %slice3A_925 = vector.extract_strided_slice %shift_right_logical3A_639 {offsets = [7], sizes = [1], strides = [1]} : vector<16xi32> to vector<1xi32>
      %squeeze3A_926 = vector.extract %slice3A_925[0] : i32 from vector<1xi32>
      %dma_start3A_927 = arith.constant 7 : i32
      %dma_start3A_928 = arith.constant 0 : i32
      %dma_start3A_929 = arith.constant 0 : i32
      %dma_start3A_930 = tpu.memref_slice %arg12[%dma_start3A_927, %dma_start3A_928, %dma_start3A_929] : memref<16x8x64xf32, #tpu.memory_space<vmem>> -> memref<1x8x64xf32, #tpu.memory_space<vmem>>
      %dma_start3A_931 = tpu.memref_squeeze %dma_start3A_930 : memref<1x8x64xf32, #tpu.memory_space<vmem>> -> memref<8x64xf32, #tpu.memory_space<vmem>>
      %dma_start3A_932 = arith.constant 0 : i32
      %dma_start3A_933 = arith.constant 0 : i32
      %dma_start3A_934 = tpu.memref_slice %arg5[%squeeze3A_926, %dma_start3A_932, %dma_start3A_933] : memref<125000x8x64xf32, #tpu.memory_space<hbm>> -> memref<1x8x64xf32, #tpu.memory_space<hbm>>
      %dma_start3A_935 = tpu.memref_squeeze %dma_start3A_934 : memref<1x8x64xf32, #tpu.memory_space<hbm>> -> memref<8x64xf32, #tpu.memory_space<hbm>>
      %dma_start3A_936 = arith.constant 0 : i32
      %dma_start3A_937 = arith.constant 0 : i32
      %dma_start3A_938 = tpu.memref_slice %arg12[%dma_start3A_927, %dma_start3A_936, %dma_start3A_937] : memref<16x8x64xf32, #tpu.memory_space<vmem>> -> memref<1x8x64xf32, #tpu.memory_space<vmem>>
      %dma_start3A_939 = tpu.memref_squeeze %dma_start3A_938 : memref<1x8x64xf32, #tpu.memory_space<vmem>> -> memref<8x64xf32, #tpu.memory_space<vmem>>
      %dma_start3A_940 = arith.constant 0 : i32
      %dma_start3A_941 = arith.constant 0 : i32
      %dma_start3A_942 = tpu.memref_slice %arg5[%squeeze3A_926, %dma_start3A_940, %dma_start3A_941] : memref<125000x8x64xf32, #tpu.memory_space<hbm>> -> memref<1x8x64xf32, #tpu.memory_space<hbm>>
      %dma_start3A_943 = tpu.memref_squeeze %dma_start3A_942 : memref<1x8x64xf32, #tpu.memory_space<hbm>> -> memref<8x64xf32, #tpu.memory_space<hbm>>
      tpu.enqueue_dma source(%dma_start3A_943 : memref<8x64xf32, #tpu.memory_space<hbm>>) target(%dma_start3A_939 : memref<8x64xf32, #tpu.memory_space<vmem>>) target_semaphore(%arg17 : memref<!tpu.dma_semaphore, #tpu.memory_space<semaphore_mem>>)
      %slice3A_944 = vector.extract_strided_slice %shift_right_logical3A_634 {offsets = [8], sizes = [1], strides = [1]} : vector<16xi32> to vector<1xi32>
      %squeeze3A_945 = vector.extract %slice3A_944[0] : i32 from vector<1xi32>
      %dma_start3A_946 = arith.constant 8 : i32
      %dma_start3A_947 = arith.constant 0 : i32
      %dma_start3A_948 = arith.constant 0 : i32
      %dma_start3A_949 = tpu.memref_slice %arg11[%dma_start3A_946, %dma_start3A_947, %dma_start3A_948] : memref<16x8x64xf32, #tpu.memory_space<vmem>> -> memref<1x8x64xf32, #tpu.memory_space<vmem>>
      %dma_start3A_950 = tpu.memref_squeeze %dma_start3A_949 : memref<1x8x64xf32, #tpu.memory_space<vmem>> -> memref<8x64xf32, #tpu.memory_space<vmem>>
      %dma_start3A_951 = arith.constant 0 : i32
      %dma_start3A_952 = arith.constant 0 : i32
      %dma_start3A_953 = tpu.memref_slice %arg4[%squeeze3A_945, %dma_start3A_951, %dma_start3A_952] : memref<125000x8x64xf32, #tpu.memory_space<hbm>> -> memref<1x8x64xf32, #tpu.memory_space<hbm>>
      %dma_start3A_954 = tpu.memref_squeeze %dma_start3A_953 : memref<1x8x64xf32, #tpu.memory_space<hbm>> -> memref<8x64xf32, #tpu.memory_space<hbm>>
      %dma_start3A_955 = arith.constant 0 : i32
      %dma_start3A_956 = arith.constant 0 : i32
      %dma_start3A_957 = tpu.memref_slice %arg11[%dma_start3A_946, %dma_start3A_955, %dma_start3A_956] : memref<16x8x64xf32, #tpu.memory_space<vmem>> -> memref<1x8x64xf32, #tpu.memory_space<vmem>>
      %dma_start3A_958 = tpu.memref_squeeze %dma_start3A_957 : memref<1x8x64xf32, #tpu.memory_space<vmem>> -> memref<8x64xf32, #tpu.memory_space<vmem>>
      %dma_start3A_959 = arith.constant 0 : i32
      %dma_start3A_960 = arith.constant 0 : i32
      %dma_start3A_961 = tpu.memref_slice %arg4[%squeeze3A_945, %dma_start3A_959, %dma_start3A_960] : memref<125000x8x64xf32, #tpu.memory_space<hbm>> -> memref<1x8x64xf32, #tpu.memory_space<hbm>>
      %dma_start3A_962 = tpu.memref_squeeze %dma_start3A_961 : memref<1x8x64xf32, #tpu.memory_space<hbm>> -> memref<8x64xf32, #tpu.memory_space<hbm>>
      tpu.enqueue_dma source(%dma_start3A_962 : memref<8x64xf32, #tpu.memory_space<hbm>>) target(%dma_start3A_958 : memref<8x64xf32, #tpu.memory_space<vmem>>) target_semaphore(%arg16 : memref<!tpu.dma_semaphore, #tpu.memory_space<semaphore_mem>>)
      %slice3A_963 = vector.extract_strided_slice %shift_right_logical3A_639 {offsets = [8], sizes = [1], strides = [1]} : vector<16xi32> to vector<1xi32>
      %squeeze3A_964 = vector.extract %slice3A_963[0] : i32 from vector<1xi32>
      %dma_start3A_965 = arith.constant 8 : i32
      %dma_start3A_966 = arith.constant 0 : i32
      %dma_start3A_967 = arith.constant 0 : i32
      %dma_start3A_968 = tpu.memref_slice %arg12[%dma_start3A_965, %dma_start3A_966, %dma_start3A_967] : memref<16x8x64xf32, #tpu.memory_space<vmem>> -> memref<1x8x64xf32, #tpu.memory_space<vmem>>
      %dma_start3A_969 = tpu.memref_squeeze %dma_start3A_968 : memref<1x8x64xf32, #tpu.memory_space<vmem>> -> memref<8x64xf32, #tpu.memory_space<vmem>>
      %dma_start3A_970 = arith.constant 0 : i32
      %dma_start3A_971 = arith.constant 0 : i32
      %dma_start3A_972 = tpu.memref_slice %arg5[%squeeze3A_964, %dma_start3A_970, %dma_start3A_971] : memref<125000x8x64xf32, #tpu.memory_space<hbm>> -> memref<1x8x64xf32, #tpu.memory_space<hbm>>
      %dma_start3A_973 = tpu.memref_squeeze %dma_start3A_972 : memref<1x8x64xf32, #tpu.memory_space<hbm>> -> memref<8x64xf32, #tpu.memory_space<hbm>>
      %dma_start3A_974 = arith.constant 0 : i32
      %dma_start3A_975 = arith.constant 0 : i32
      %dma_start3A_976 = tpu.memref_slice %arg12[%dma_start3A_965, %dma_start3A_974, %dma_start3A_975] : memref<16x8x64xf32, #tpu.memory_space<vmem>> -> memref<1x8x64xf32, #tpu.memory_space<vmem>>
      %dma_start3A_977 = tpu.memref_squeeze %dma_start3A_976 : memref<1x8x64xf32, #tpu.memory_space<vmem>> -> memref<8x64xf32, #tpu.memory_space<vmem>>
      %dma_start3A_978 = arith.constant 0 : i32
      %dma_start3A_979 = arith.constant 0 : i32
      %dma_start3A_980 = tpu.memref_slice %arg5[%squeeze3A_964, %dma_start3A_978, %dma_start3A_979] : memref<125000x8x64xf32, #tpu.memory_space<hbm>> -> memref<1x8x64xf32, #tpu.memory_space<hbm>>
      %dma_start3A_981 = tpu.memref_squeeze %dma_start3A_980 : memref<1x8x64xf32, #tpu.memory_space<hbm>> -> memref<8x64xf32, #tpu.memory_space<hbm>>
      tpu.enqueue_dma source(%dma_start3A_981 : memref<8x64xf32, #tpu.memory_space<hbm>>) target(%dma_start3A_977 : memref<8x64xf32, #tpu.memory_space<vmem>>) target_semaphore(%arg17 : memref<!tpu.dma_semaphore, #tpu.memory_space<semaphore_mem>>)
      %slice3A_982 = vector.extract_strided_slice %shift_right_logical3A_634 {offsets = [9], sizes = [1], strides = [1]} : vector<16xi32> to vector<1xi32>
      %squeeze3A_983 = vector.extract %slice3A_982[0] : i32 from vector<1xi32>
      %dma_start3A_984 = arith.constant 9 : i32
      %dma_start3A_985 = arith.constant 0 : i32
      %dma_start3A_986 = arith.constant 0 : i32
      %dma_start3A_987 = tpu.memref_slice %arg11[%dma_start3A_984, %dma_start3A_985, %dma_start3A_986] : memref<16x8x64xf32, #tpu.memory_space<vmem>> -> memref<1x8x64xf32, #tpu.memory_space<vmem>>
      %dma_start3A_988 = tpu.memref_squeeze %dma_start3A_987 : memref<1x8x64xf32, #tpu.memory_space<vmem>> -> memref<8x64xf32, #tpu.memory_space<vmem>>
      %dma_start3A_989 = arith.constant 0 : i32
      %dma_start3A_990 = arith.constant 0 : i32
      %dma_start3A_991 = tpu.memref_slice %arg4[%squeeze3A_983, %dma_start3A_989, %dma_start3A_990] : memref<125000x8x64xf32, #tpu.memory_space<hbm>> -> memref<1x8x64xf32, #tpu.memory_space<hbm>>
      %dma_start3A_992 = tpu.memref_squeeze %dma_start3A_991 : memref<1x8x64xf32, #tpu.memory_space<hbm>> -> memref<8x64xf32, #tpu.memory_space<hbm>>
      %dma_start3A_993 = arith.constant 0 : i32
      %dma_start3A_994 = arith.constant 0 : i32
      %dma_start3A_995 = tpu.memref_slice %arg11[%dma_start3A_984, %dma_start3A_993, %dma_start3A_994] : memref<16x8x64xf32, #tpu.memory_space<vmem>> -> memref<1x8x64xf32, #tpu.memory_space<vmem>>
      %dma_start3A_996 = tpu.memref_squeeze %dma_start3A_995 : memref<1x8x64xf32, #tpu.memory_space<vmem>> -> memref<8x64xf32, #tpu.memory_space<vmem>>
      %dma_start3A_997 = arith.constant 0 : i32
      %dma_start3A_998 = arith.constant 0 : i32
      %dma_start3A_999 = tpu.memref_slice %arg4[%squeeze3A_983, %dma_start3A_997, %dma_start3A_998] : memref<125000x8x64xf32, #tpu.memory_space<hbm>> -> memref<1x8x64xf32, #tpu.memory_space<hbm>>
      %dma_start3A_1000 = tpu.memref_squeeze %dma_start3A_999 : memref<1x8x64xf32, #tpu.memory_space<hbm>> -> memref<8x64xf32, #tpu.memory_space<hbm>>
      tpu.enqueue_dma source(%dma_start3A_1000 : memref<8x64xf32, #tpu.memory_space<hbm>>) target(%dma_start3A_996 : memref<8x64xf32, #tpu.memory_space<vmem>>) target_semaphore(%arg16 : memref<!tpu.dma_semaphore, #tpu.memory_space<semaphore_mem>>)
      %slice3A_1001 = vector.extract_strided_slice %shift_right_logical3A_639 {offsets = [9], sizes = [1], strides = [1]} : vector<16xi32> to vector<1xi32>
      %squeeze3A_1002 = vector.extract %slice3A_1001[0] : i32 from vector<1xi32>
      %dma_start3A_1003 = arith.constant 9 : i32
      %dma_start3A_1004 = arith.constant 0 : i32
      %dma_start3A_1005 = arith.constant 0 : i32
      %dma_start3A_1006 = tpu.memref_slice %arg12[%dma_start3A_1003, %dma_start3A_1004, %dma_start3A_1005] : memref<16x8x64xf32, #tpu.memory_space<vmem>> -> memref<1x8x64xf32, #tpu.memory_space<vmem>>
      %dma_start3A_1007 = tpu.memref_squeeze %dma_start3A_1006 : memref<1x8x64xf32, #tpu.memory_space<vmem>> -> memref<8x64xf32, #tpu.memory_space<vmem>>
      %dma_start3A_1008 = arith.constant 0 : i32
      %dma_start3A_1009 = arith.constant 0 : i32
      %dma_start3A_1010 = tpu.memref_slice %arg5[%squeeze3A_1002, %dma_start3A_1008, %dma_start3A_1009] : memref<125000x8x64xf32, #tpu.memory_space<hbm>> -> memref<1x8x64xf32, #tpu.memory_space<hbm>>
      %dma_start3A_1011 = tpu.memref_squeeze %dma_start3A_1010 : memref<1x8x64xf32, #tpu.memory_space<hbm>> -> memref<8x64xf32, #tpu.memory_space<hbm>>
      %dma_start3A_1012 = arith.constant 0 : i32
      %dma_start3A_1013 = arith.constant 0 : i32
      %dma_start3A_1014 = tpu.memref_slice %arg12[%dma_start3A_1003, %dma_start3A_1012, %dma_start3A_1013] : memref<16x8x64xf32, #tpu.memory_space<vmem>> -> memref<1x8x64xf32, #tpu.memory_space<vmem>>
      %dma_start3A_1015 = tpu.memref_squeeze %dma_start3A_1014 : memref<1x8x64xf32, #tpu.memory_space<vmem>> -> memref<8x64xf32, #tpu.memory_space<vmem>>
      %dma_start3A_1016 = arith.constant 0 : i32
      %dma_start3A_1017 = arith.constant 0 : i32
      %dma_start3A_1018 = tpu.memref_slice %arg5[%squeeze3A_1002, %dma_start3A_1016, %dma_start3A_1017] : memref<125000x8x64xf32, #tpu.memory_space<hbm>> -> memref<1x8x64xf32, #tpu.memory_space<hbm>>
      %dma_start3A_1019 = tpu.memref_squeeze %dma_start3A_1018 : memref<1x8x64xf32, #tpu.memory_space<hbm>> -> memref<8x64xf32, #tpu.memory_space<hbm>>
      tpu.enqueue_dma source(%dma_start3A_1019 : memref<8x64xf32, #tpu.memory_space<hbm>>) target(%dma_start3A_1015 : memref<8x64xf32, #tpu.memory_space<vmem>>) target_semaphore(%arg17 : memref<!tpu.dma_semaphore, #tpu.memory_space<semaphore_mem>>)
      %slice3A_1020 = vector.extract_strided_slice %shift_right_logical3A_634 {offsets = [10], sizes = [1], strides = [1]} : vector<16xi32> to vector<1xi32>
      %squeeze3A_1021 = vector.extract %slice3A_1020[0] : i32 from vector<1xi32>
      %dma_start3A_1022 = arith.constant 10 : i32
      %dma_start3A_1023 = arith.constant 0 : i32
      %dma_start3A_1024 = arith.constant 0 : i32
      %dma_start3A_1025 = tpu.memref_slice %arg11[%dma_start3A_1022, %dma_start3A_1023, %dma_start3A_1024] : memref<16x8x64xf32, #tpu.memory_space<vmem>> -> memref<1x8x64xf32, #tpu.memory_space<vmem>>
      %dma_start3A_1026 = tpu.memref_squeeze %dma_start3A_1025 : memref<1x8x64xf32, #tpu.memory_space<vmem>> -> memref<8x64xf32, #tpu.memory_space<vmem>>
      %dma_start3A_1027 = arith.constant 0 : i32
      %dma_start3A_1028 = arith.constant 0 : i32
      %dma_start3A_1029 = tpu.memref_slice %arg4[%squeeze3A_1021, %dma_start3A_1027, %dma_start3A_1028] : memref<125000x8x64xf32, #tpu.memory_space<hbm>> -> memref<1x8x64xf32, #tpu.memory_space<hbm>>
      %dma_start3A_1030 = tpu.memref_squeeze %dma_start3A_1029 : memref<1x8x64xf32, #tpu.memory_space<hbm>> -> memref<8x64xf32, #tpu.memory_space<hbm>>
      %dma_start3A_1031 = arith.constant 0 : i32
      %dma_start3A_1032 = arith.constant 0 : i32
      %dma_start3A_1033 = tpu.memref_slice %arg11[%dma_start3A_1022, %dma_start3A_1031, %dma_start3A_1032] : memref<16x8x64xf32, #tpu.memory_space<vmem>> -> memref<1x8x64xf32, #tpu.memory_space<vmem>>
      %dma_start3A_1034 = tpu.memref_squeeze %dma_start3A_1033 : memref<1x8x64xf32, #tpu.memory_space<vmem>> -> memref<8x64xf32, #tpu.memory_space<vmem>>
      %dma_start3A_1035 = arith.constant 0 : i32
      %dma_start3A_1036 = arith.constant 0 : i32
      %dma_start3A_1037 = tpu.memref_slice %arg4[%squeeze3A_1021, %dma_start3A_1035, %dma_start3A_1036] : memref<125000x8x64xf32, #tpu.memory_space<hbm>> -> memref<1x8x64xf32, #tpu.memory_space<hbm>>
      %dma_start3A_1038 = tpu.memref_squeeze %dma_start3A_1037 : memref<1x8x64xf32, #tpu.memory_space<hbm>> -> memref<8x64xf32, #tpu.memory_space<hbm>>
      tpu.enqueue_dma source(%dma_start3A_1038 : memref<8x64xf32, #tpu.memory_space<hbm>>) target(%dma_start3A_1034 : memref<8x64xf32, #tpu.memory_space<vmem>>) target_semaphore(%arg16 : memref<!tpu.dma_semaphore, #tpu.memory_space<semaphore_mem>>)
      %slice3A_1039 = vector.extract_strided_slice %shift_right_logical3A_639 {offsets = [10], sizes = [1], strides = [1]} : vector<16xi32> to vector<1xi32>
      %squeeze3A_1040 = vector.extract %slice3A_1039[0] : i32 from vector<1xi32>
      %dma_start3A_1041 = arith.constant 10 : i32
      %dma_start3A_1042 = arith.constant 0 : i32
      %dma_start3A_1043 = arith.constant 0 : i32
      %dma_start3A_1044 = tpu.memref_slice %arg12[%dma_start3A_1041, %dma_start3A_1042, %dma_start3A_1043] : memref<16x8x64xf32, #tpu.memory_space<vmem>> -> memref<1x8x64xf32, #tpu.memory_space<vmem>>
      %dma_start3A_1045 = tpu.memref_squeeze %dma_start3A_1044 : memref<1x8x64xf32, #tpu.memory_space<vmem>> -> memref<8x64xf32, #tpu.memory_space<vmem>>
      %dma_start3A_1046 = arith.constant 0 : i32
      %dma_start3A_1047 = arith.constant 0 : i32
      %dma_start3A_1048 = tpu.memref_slice %arg5[%squeeze3A_1040, %dma_start3A_1046, %dma_start3A_1047] : memref<125000x8x64xf32, #tpu.memory_space<hbm>> -> memref<1x8x64xf32, #tpu.memory_space<hbm>>
      %dma_start3A_1049 = tpu.memref_squeeze %dma_start3A_1048 : memref<1x8x64xf32, #tpu.memory_space<hbm>> -> memref<8x64xf32, #tpu.memory_space<hbm>>
      %dma_start3A_1050 = arith.constant 0 : i32
      %dma_start3A_1051 = arith.constant 0 : i32
      %dma_start3A_1052 = tpu.memref_slice %arg12[%dma_start3A_1041, %dma_start3A_1050, %dma_start3A_1051] : memref<16x8x64xf32, #tpu.memory_space<vmem>> -> memref<1x8x64xf32, #tpu.memory_space<vmem>>
      %dma_start3A_1053 = tpu.memref_squeeze %dma_start3A_1052 : memref<1x8x64xf32, #tpu.memory_space<vmem>> -> memref<8x64xf32, #tpu.memory_space<vmem>>
      %dma_start3A_1054 = arith.constant 0 : i32
      %dma_start3A_1055 = arith.constant 0 : i32
      %dma_start3A_1056 = tpu.memref_slice %arg5[%squeeze3A_1040, %dma_start3A_1054, %dma_start3A_1055] : memref<125000x8x64xf32, #tpu.memory_space<hbm>> -> memref<1x8x64xf32, #tpu.memory_space<hbm>>
      %dma_start3A_1057 = tpu.memref_squeeze %dma_start3A_1056 : memref<1x8x64xf32, #tpu.memory_space<hbm>> -> memref<8x64xf32, #tpu.memory_space<hbm>>
      tpu.enqueue_dma source(%dma_start3A_1057 : memref<8x64xf32, #tpu.memory_space<hbm>>) target(%dma_start3A_1053 : memref<8x64xf32, #tpu.memory_space<vmem>>) target_semaphore(%arg17 : memref<!tpu.dma_semaphore, #tpu.memory_space<semaphore_mem>>)
      %slice3A_1058 = vector.extract_strided_slice %shift_right_logical3A_634 {offsets = [11], sizes = [1], strides = [1]} : vector<16xi32> to vector<1xi32>
      %squeeze3A_1059 = vector.extract %slice3A_1058[0] : i32 from vector<1xi32>
      %dma_start3A_1060 = arith.constant 11 : i32
      %dma_start3A_1061 = arith.constant 0 : i32
      %dma_start3A_1062 = arith.constant 0 : i32
      %dma_start3A_1063 = tpu.memref_slice %arg11[%dma_start3A_1060, %dma_start3A_1061, %dma_start3A_1062] : memref<16x8x64xf32, #tpu.memory_space<vmem>> -> memref<1x8x64xf32, #tpu.memory_space<vmem>>
      %dma_start3A_1064 = tpu.memref_squeeze %dma_start3A_1063 : memref<1x8x64xf32, #tpu.memory_space<vmem>> -> memref<8x64xf32, #tpu.memory_space<vmem>>
      %dma_start3A_1065 = arith.constant 0 : i32
      %dma_start3A_1066 = arith.constant 0 : i32
      %dma_start3A_1067 = tpu.memref_slice %arg4[%squeeze3A_1059, %dma_start3A_1065, %dma_start3A_1066] : memref<125000x8x64xf32, #tpu.memory_space<hbm>> -> memref<1x8x64xf32, #tpu.memory_space<hbm>>
      %dma_start3A_1068 = tpu.memref_squeeze %dma_start3A_1067 : memref<1x8x64xf32, #tpu.memory_space<hbm>> -> memref<8x64xf32, #tpu.memory_space<hbm>>
      %dma_start3A_1069 = arith.constant 0 : i32
      %dma_start3A_1070 = arith.constant 0 : i32
      %dma_start3A_1071 = tpu.memref_slice %arg11[%dma_start3A_1060, %dma_start3A_1069, %dma_start3A_1070] : memref<16x8x64xf32, #tpu.memory_space<vmem>> -> memref<1x8x64xf32, #tpu.memory_space<vmem>>
      %dma_start3A_1072 = tpu.memref_squeeze %dma_start3A_1071 : memref<1x8x64xf32, #tpu.memory_space<vmem>> -> memref<8x64xf32, #tpu.memory_space<vmem>>
      %dma_start3A_1073 = arith.constant 0 : i32
      %dma_start3A_1074 = arith.constant 0 : i32
      %dma_start3A_1075 = tpu.memref_slice %arg4[%squeeze3A_1059, %dma_start3A_1073, %dma_start3A_1074] : memref<125000x8x64xf32, #tpu.memory_space<hbm>> -> memref<1x8x64xf32, #tpu.memory_space<hbm>>
      %dma_start3A_1076 = tpu.memref_squeeze %dma_start3A_1075 : memref<1x8x64xf32, #tpu.memory_space<hbm>> -> memref<8x64xf32, #tpu.memory_space<hbm>>
      tpu.enqueue_dma source(%dma_start3A_1076 : memref<8x64xf32, #tpu.memory_space<hbm>>) target(%dma_start3A_1072 : memref<8x64xf32, #tpu.memory_space<vmem>>) target_semaphore(%arg16 : memref<!tpu.dma_semaphore, #tpu.memory_space<semaphore_mem>>)
      %slice3A_1077 = vector.extract_strided_slice %shift_right_logical3A_639 {offsets = [11], sizes = [1], strides = [1]} : vector<16xi32> to vector<1xi32>
      %squeeze3A_1078 = vector.extract %slice3A_1077[0] : i32 from vector<1xi32>
      %dma_start3A_1079 = arith.constant 11 : i32
      %dma_start3A_1080 = arith.constant 0 : i32
      %dma_start3A_1081 = arith.constant 0 : i32
      %dma_start3A_1082 = tpu.memref_slice %arg12[%dma_start3A_1079, %dma_start3A_1080, %dma_start3A_1081] : memref<16x8x64xf32, #tpu.memory_space<vmem>> -> memref<1x8x64xf32, #tpu.memory_space<vmem>>
      %dma_start3A_1083 = tpu.memref_squeeze %dma_start3A_1082 : memref<1x8x64xf32, #tpu.memory_space<vmem>> -> memref<8x64xf32, #tpu.memory_space<vmem>>
      %dma_start3A_1084 = arith.constant 0 : i32
      %dma_start3A_1085 = arith.constant 0 : i32
      %dma_start3A_1086 = tpu.memref_slice %arg5[%squeeze3A_1078, %dma_start3A_1084, %dma_start3A_1085] : memref<125000x8x64xf32, #tpu.memory_space<hbm>> -> memref<1x8x64xf32, #tpu.memory_space<hbm>>
      %dma_start3A_1087 = tpu.memref_squeeze %dma_start3A_1086 : memref<1x8x64xf32, #tpu.memory_space<hbm>> -> memref<8x64xf32, #tpu.memory_space<hbm>>
      %dma_start3A_1088 = arith.constant 0 : i32
      %dma_start3A_1089 = arith.constant 0 : i32
      %dma_start3A_1090 = tpu.memref_slice %arg12[%dma_start3A_1079, %dma_start3A_1088, %dma_start3A_1089] : memref<16x8x64xf32, #tpu.memory_space<vmem>> -> memref<1x8x64xf32, #tpu.memory_space<vmem>>
      %dma_start3A_1091 = tpu.memref_squeeze %dma_start3A_1090 : memref<1x8x64xf32, #tpu.memory_space<vmem>> -> memref<8x64xf32, #tpu.memory_space<vmem>>
      %dma_start3A_1092 = arith.constant 0 : i32
      %dma_start3A_1093 = arith.constant 0 : i32
      %dma_start3A_1094 = tpu.memref_slice %arg5[%squeeze3A_1078, %dma_start3A_1092, %dma_start3A_1093] : memref<125000x8x64xf32, #tpu.memory_space<hbm>> -> memref<1x8x64xf32, #tpu.memory_space<hbm>>
      %dma_start3A_1095 = tpu.memref_squeeze %dma_start3A_1094 : memref<1x8x64xf32, #tpu.memory_space<hbm>> -> memref<8x64xf32, #tpu.memory_space<hbm>>
      tpu.enqueue_dma source(%dma_start3A_1095 : memref<8x64xf32, #tpu.memory_space<hbm>>) target(%dma_start3A_1091 : memref<8x64xf32, #tpu.memory_space<vmem>>) target_semaphore(%arg17 : memref<!tpu.dma_semaphore, #tpu.memory_space<semaphore_mem>>)
      %slice3A_1096 = vector.extract_strided_slice %shift_right_logical3A_634 {offsets = [12], sizes = [1], strides = [1]} : vector<16xi32> to vector<1xi32>
      %squeeze3A_1097 = vector.extract %slice3A_1096[0] : i32 from vector<1xi32>
      %dma_start3A_1098 = arith.constant 12 : i32
      %dma_start3A_1099 = arith.constant 0 : i32
      %dma_start3A_1100 = arith.constant 0 : i32
      %dma_start3A_1101 = tpu.memref_slice %arg11[%dma_start3A_1098, %dma_start3A_1099, %dma_start3A_1100] : memref<16x8x64xf32, #tpu.memory_space<vmem>> -> memref<1x8x64xf32, #tpu.memory_space<vmem>>
      %dma_start3A_1102 = tpu.memref_squeeze %dma_start3A_1101 : memref<1x8x64xf32, #tpu.memory_space<vmem>> -> memref<8x64xf32, #tpu.memory_space<vmem>>
      %dma_start3A_1103 = arith.constant 0 : i32
      %dma_start3A_1104 = arith.constant 0 : i32
      %dma_start3A_1105 = tpu.memref_slice %arg4[%squeeze3A_1097, %dma_start3A_1103, %dma_start3A_1104] : memref<125000x8x64xf32, #tpu.memory_space<hbm>> -> memref<1x8x64xf32, #tpu.memory_space<hbm>>
      %dma_start3A_1106 = tpu.memref_squeeze %dma_start3A_1105 : memref<1x8x64xf32, #tpu.memory_space<hbm>> -> memref<8x64xf32, #tpu.memory_space<hbm>>
      %dma_start3A_1107 = arith.constant 0 : i32
      %dma_start3A_1108 = arith.constant 0 : i32
      %dma_start3A_1109 = tpu.memref_slice %arg11[%dma_start3A_1098, %dma_start3A_1107, %dma_start3A_1108] : memref<16x8x64xf32, #tpu.memory_space<vmem>> -> memref<1x8x64xf32, #tpu.memory_space<vmem>>
      %dma_start3A_1110 = tpu.memref_squeeze %dma_start3A_1109 : memref<1x8x64xf32, #tpu.memory_space<vmem>> -> memref<8x64xf32, #tpu.memory_space<vmem>>
      %dma_start3A_1111 = arith.constant 0 : i32
      %dma_start3A_1112 = arith.constant 0 : i32
      %dma_start3A_1113 = tpu.memref_slice %arg4[%squeeze3A_1097, %dma_start3A_1111, %dma_start3A_1112] : memref<125000x8x64xf32, #tpu.memory_space<hbm>> -> memref<1x8x64xf32, #tpu.memory_space<hbm>>
      %dma_start3A_1114 = tpu.memref_squeeze %dma_start3A_1113 : memref<1x8x64xf32, #tpu.memory_space<hbm>> -> memref<8x64xf32, #tpu.memory_space<hbm>>
      tpu.enqueue_dma source(%dma_start3A_1114 : memref<8x64xf32, #tpu.memory_space<hbm>>) target(%dma_start3A_1110 : memref<8x64xf32, #tpu.memory_space<vmem>>) target_semaphore(%arg16 : memref<!tpu.dma_semaphore, #tpu.memory_space<semaphore_mem>>)
      %slice3A_1115 = vector.extract_strided_slice %shift_right_logical3A_639 {offsets = [12], sizes = [1], strides = [1]} : vector<16xi32> to vector<1xi32>
      %squeeze3A_1116 = vector.extract %slice3A_1115[0] : i32 from vector<1xi32>
      %dma_start3A_1117 = arith.constant 12 : i32
      %dma_start3A_1118 = arith.constant 0 : i32
      %dma_start3A_1119 = arith.constant 0 : i32
      %dma_start3A_1120 = tpu.memref_slice %arg12[%dma_start3A_1117, %dma_start3A_1118, %dma_start3A_1119] : memref<16x8x64xf32, #tpu.memory_space<vmem>> -> memref<1x8x64xf32, #tpu.memory_space<vmem>>
      %dma_start3A_1121 = tpu.memref_squeeze %dma_start3A_1120 : memref<1x8x64xf32, #tpu.memory_space<vmem>> -> memref<8x64xf32, #tpu.memory_space<vmem>>
      %dma_start3A_1122 = arith.constant 0 : i32
      %dma_start3A_1123 = arith.constant 0 : i32
      %dma_start3A_1124 = tpu.memref_slice %arg5[%squeeze3A_1116, %dma_start3A_1122, %dma_start3A_1123] : memref<125000x8x64xf32, #tpu.memory_space<hbm>> -> memref<1x8x64xf32, #tpu.memory_space<hbm>>
      %dma_start3A_1125 = tpu.memref_squeeze %dma_start3A_1124 : memref<1x8x64xf32, #tpu.memory_space<hbm>> -> memref<8x64xf32, #tpu.memory_space<hbm>>
      %dma_start3A_1126 = arith.constant 0 : i32
      %dma_start3A_1127 = arith.constant 0 : i32
      %dma_start3A_1128 = tpu.memref_slice %arg12[%dma_start3A_1117, %dma_start3A_1126, %dma_start3A_1127] : memref<16x8x64xf32, #tpu.memory_space<vmem>> -> memref<1x8x64xf32, #tpu.memory_space<vmem>>
      %dma_start3A_1129 = tpu.memref_squeeze %dma_start3A_1128 : memref<1x8x64xf32, #tpu.memory_space<vmem>> -> memref<8x64xf32, #tpu.memory_space<vmem>>
      %dma_start3A_1130 = arith.constant 0 : i32
      %dma_start3A_1131 = arith.constant 0 : i32
      %dma_start3A_1132 = tpu.memref_slice %arg5[%squeeze3A_1116, %dma_start3A_1130, %dma_start3A_1131] : memref<125000x8x64xf32, #tpu.memory_space<hbm>> -> memref<1x8x64xf32, #tpu.memory_space<hbm>>
      %dma_start3A_1133 = tpu.memref_squeeze %dma_start3A_1132 : memref<1x8x64xf32, #tpu.memory_space<hbm>> -> memref<8x64xf32, #tpu.memory_space<hbm>>
      tpu.enqueue_dma source(%dma_start3A_1133 : memref<8x64xf32, #tpu.memory_space<hbm>>) target(%dma_start3A_1129 : memref<8x64xf32, #tpu.memory_space<vmem>>) target_semaphore(%arg17 : memref<!tpu.dma_semaphore, #tpu.memory_space<semaphore_mem>>)
      %slice3A_1134 = vector.extract_strided_slice %shift_right_logical3A_634 {offsets = [13], sizes = [1], strides = [1]} : vector<16xi32> to vector<1xi32>
      %squeeze3A_1135 = vector.extract %slice3A_1134[0] : i32 from vector<1xi32>
      %dma_start3A_1136 = arith.constant 13 : i32
      %dma_start3A_1137 = arith.constant 0 : i32
      %dma_start3A_1138 = arith.constant 0 : i32
      %dma_start3A_1139 = tpu.memref_slice %arg11[%dma_start3A_1136, %dma_start3A_1137, %dma_start3A_1138] : memref<16x8x64xf32, #tpu.memory_space<vmem>> -> memref<1x8x64xf32, #tpu.memory_space<vmem>>
      %dma_start3A_1140 = tpu.memref_squeeze %dma_start3A_1139 : memref<1x8x64xf32, #tpu.memory_space<vmem>> -> memref<8x64xf32, #tpu.memory_space<vmem>>
      %dma_start3A_1141 = arith.constant 0 : i32
      %dma_start3A_1142 = arith.constant 0 : i32
      %dma_start3A_1143 = tpu.memref_slice %arg4[%squeeze3A_1135, %dma_start3A_1141, %dma_start3A_1142] : memref<125000x8x64xf32, #tpu.memory_space<hbm>> -> memref<1x8x64xf32, #tpu.memory_space<hbm>>
      %dma_start3A_1144 = tpu.memref_squeeze %dma_start3A_1143 : memref<1x8x64xf32, #tpu.memory_space<hbm>> -> memref<8x64xf32, #tpu.memory_space<hbm>>
      %dma_start3A_1145 = arith.constant 0 : i32
      %dma_start3A_1146 = arith.constant 0 : i32
      %dma_start3A_1147 = tpu.memref_slice %arg11[%dma_start3A_1136, %dma_start3A_1145, %dma_start3A_1146] : memref<16x8x64xf32, #tpu.memory_space<vmem>> -> memref<1x8x64xf32, #tpu.memory_space<vmem>>
      %dma_start3A_1148 = tpu.memref_squeeze %dma_start3A_1147 : memref<1x8x64xf32, #tpu.memory_space<vmem>> -> memref<8x64xf32, #tpu.memory_space<vmem>>
      %dma_start3A_1149 = arith.constant 0 : i32
      %dma_start3A_1150 = arith.constant 0 : i32
      %dma_start3A_1151 = tpu.memref_slice %arg4[%squeeze3A_1135, %dma_start3A_1149, %dma_start3A_1150] : memref<125000x8x64xf32, #tpu.memory_space<hbm>> -> memref<1x8x64xf32, #tpu.memory_space<hbm>>
      %dma_start3A_1152 = tpu.memref_squeeze %dma_start3A_1151 : memref<1x8x64xf32, #tpu.memory_space<hbm>> -> memref<8x64xf32, #tpu.memory_space<hbm>>
      tpu.enqueue_dma source(%dma_start3A_1152 : memref<8x64xf32, #tpu.memory_space<hbm>>) target(%dma_start3A_1148 : memref<8x64xf32, #tpu.memory_space<vmem>>) target_semaphore(%arg16 : memref<!tpu.dma_semaphore, #tpu.memory_space<semaphore_mem>>)
      %slice3A_1153 = vector.extract_strided_slice %shift_right_logical3A_639 {offsets = [13], sizes = [1], strides = [1]} : vector<16xi32> to vector<1xi32>
      %squeeze3A_1154 = vector.extract %slice3A_1153[0] : i32 from vector<1xi32>
      %dma_start3A_1155 = arith.constant 13 : i32
      %dma_start3A_1156 = arith.constant 0 : i32
      %dma_start3A_1157 = arith.constant 0 : i32
      %dma_start3A_1158 = tpu.memref_slice %arg12[%dma_start3A_1155, %dma_start3A_1156, %dma_start3A_1157] : memref<16x8x64xf32, #tpu.memory_space<vmem>> -> memref<1x8x64xf32, #tpu.memory_space<vmem>>
      %dma_start3A_1159 = tpu.memref_squeeze %dma_start3A_1158 : memref<1x8x64xf32, #tpu.memory_space<vmem>> -> memref<8x64xf32, #tpu.memory_space<vmem>>
      %dma_start3A_1160 = arith.constant 0 : i32
      %dma_start3A_1161 = arith.constant 0 : i32
      %dma_start3A_1162 = tpu.memref_slice %arg5[%squeeze3A_1154, %dma_start3A_1160, %dma_start3A_1161] : memref<125000x8x64xf32, #tpu.memory_space<hbm>> -> memref<1x8x64xf32, #tpu.memory_space<hbm>>
      %dma_start3A_1163 = tpu.memref_squeeze %dma_start3A_1162 : memref<1x8x64xf32, #tpu.memory_space<hbm>> -> memref<8x64xf32, #tpu.memory_space<hbm>>
      %dma_start3A_1164 = arith.constant 0 : i32
      %dma_start3A_1165 = arith.constant 0 : i32
      %dma_start3A_1166 = tpu.memref_slice %arg12[%dma_start3A_1155, %dma_start3A_1164, %dma_start3A_1165] : memref<16x8x64xf32, #tpu.memory_space<vmem>> -> memref<1x8x64xf32, #tpu.memory_space<vmem>>
      %dma_start3A_1167 = tpu.memref_squeeze %dma_start3A_1166 : memref<1x8x64xf32, #tpu.memory_space<vmem>> -> memref<8x64xf32, #tpu.memory_space<vmem>>
      %dma_start3A_1168 = arith.constant 0 : i32
      %dma_start3A_1169 = arith.constant 0 : i32
      %dma_start3A_1170 = tpu.memref_slice %arg5[%squeeze3A_1154, %dma_start3A_1168, %dma_start3A_1169] : memref<125000x8x64xf32, #tpu.memory_space<hbm>> -> memref<1x8x64xf32, #tpu.memory_space<hbm>>
      %dma_start3A_1171 = tpu.memref_squeeze %dma_start3A_1170 : memref<1x8x64xf32, #tpu.memory_space<hbm>> -> memref<8x64xf32, #tpu.memory_space<hbm>>
      tpu.enqueue_dma source(%dma_start3A_1171 : memref<8x64xf32, #tpu.memory_space<hbm>>) target(%dma_start3A_1167 : memref<8x64xf32, #tpu.memory_space<vmem>>) target_semaphore(%arg17 : memref<!tpu.dma_semaphore, #tpu.memory_space<semaphore_mem>>)
      %slice3A_1172 = vector.extract_strided_slice %shift_right_logical3A_634 {offsets = [14], sizes = [1], strides = [1]} : vector<16xi32> to vector<1xi32>
      %squeeze3A_1173 = vector.extract %slice3A_1172[0] : i32 from vector<1xi32>
      %dma_start3A_1174 = arith.constant 14 : i32
      %dma_start3A_1175 = arith.constant 0 : i32
      %dma_start3A_1176 = arith.constant 0 : i32
      %dma_start3A_1177 = tpu.memref_slice %arg11[%dma_start3A_1174, %dma_start3A_1175, %dma_start3A_1176] : memref<16x8x64xf32, #tpu.memory_space<vmem>> -> memref<1x8x64xf32, #tpu.memory_space<vmem>>
      %dma_start3A_1178 = tpu.memref_squeeze %dma_start3A_1177 : memref<1x8x64xf32, #tpu.memory_space<vmem>> -> memref<8x64xf32, #tpu.memory_space<vmem>>
      %dma_start3A_1179 = arith.constant 0 : i32
      %dma_start3A_1180 = arith.constant 0 : i32
      %dma_start3A_1181 = tpu.memref_slice %arg4[%squeeze3A_1173, %dma_start3A_1179, %dma_start3A_1180] : memref<125000x8x64xf32, #tpu.memory_space<hbm>> -> memref<1x8x64xf32, #tpu.memory_space<hbm>>
      %dma_start3A_1182 = tpu.memref_squeeze %dma_start3A_1181 : memref<1x8x64xf32, #tpu.memory_space<hbm>> -> memref<8x64xf32, #tpu.memory_space<hbm>>
      %dma_start3A_1183 = arith.constant 0 : i32
      %dma_start3A_1184 = arith.constant 0 : i32
      %dma_start3A_1185 = tpu.memref_slice %arg11[%dma_start3A_1174, %dma_start3A_1183, %dma_start3A_1184] : memref<16x8x64xf32, #tpu.memory_space<vmem>> -> memref<1x8x64xf32, #tpu.memory_space<vmem>>
      %dma_start3A_1186 = tpu.memref_squeeze %dma_start3A_1185 : memref<1x8x64xf32, #tpu.memory_space<vmem>> -> memref<8x64xf32, #tpu.memory_space<vmem>>
      %dma_start3A_1187 = arith.constant 0 : i32
      %dma_start3A_1188 = arith.constant 0 : i32
      %dma_start3A_1189 = tpu.memref_slice %arg4[%squeeze3A_1173, %dma_start3A_1187, %dma_start3A_1188] : memref<125000x8x64xf32, #tpu.memory_space<hbm>> -> memref<1x8x64xf32, #tpu.memory_space<hbm>>
      %dma_start3A_1190 = tpu.memref_squeeze %dma_start3A_1189 : memref<1x8x64xf32, #tpu.memory_space<hbm>> -> memref<8x64xf32, #tpu.memory_space<hbm>>
      tpu.enqueue_dma source(%dma_start3A_1190 : memref<8x64xf32, #tpu.memory_space<hbm>>) target(%dma_start3A_1186 : memref<8x64xf32, #tpu.memory_space<vmem>>) target_semaphore(%arg16 : memref<!tpu.dma_semaphore, #tpu.memory_space<semaphore_mem>>)
      %slice3A_1191 = vector.extract_strided_slice %shift_right_logical3A_639 {offsets = [14], sizes = [1], strides = [1]} : vector<16xi32> to vector<1xi32>
      %squeeze3A_1192 = vector.extract %slice3A_1191[0] : i32 from vector<1xi32>
      %dma_start3A_1193 = arith.constant 14 : i32
      %dma_start3A_1194 = arith.constant 0 : i32
      %dma_start3A_1195 = arith.constant 0 : i32
      %dma_start3A_1196 = tpu.memref_slice %arg12[%dma_start3A_1193, %dma_start3A_1194, %dma_start3A_1195] : memref<16x8x64xf32, #tpu.memory_space<vmem>> -> memref<1x8x64xf32, #tpu.memory_space<vmem>>
      %dma_start3A_1197 = tpu.memref_squeeze %dma_start3A_1196 : memref<1x8x64xf32, #tpu.memory_space<vmem>> -> memref<8x64xf32, #tpu.memory_space<vmem>>
      %dma_start3A_1198 = arith.constant 0 : i32
      %dma_start3A_1199 = arith.constant 0 : i32
      %dma_start3A_1200 = tpu.memref_slice %arg5[%squeeze3A_1192, %dma_start3A_1198, %dma_start3A_1199] : memref<125000x8x64xf32, #tpu.memory_space<hbm>> -> memref<1x8x64xf32, #tpu.memory_space<hbm>>
      %dma_start3A_1201 = tpu.memref_squeeze %dma_start3A_1200 : memref<1x8x64xf32, #tpu.memory_space<hbm>> -> memref<8x64xf32, #tpu.memory_space<hbm>>
      %dma_start3A_1202 = arith.constant 0 : i32
      %dma_start3A_1203 = arith.constant 0 : i32
      %dma_start3A_1204 = tpu.memref_slice %arg12[%dma_start3A_1193, %dma_start3A_1202, %dma_start3A_1203] : memref<16x8x64xf32, #tpu.memory_space<vmem>> -> memref<1x8x64xf32, #tpu.memory_space<vmem>>
      %dma_start3A_1205 = tpu.memref_squeeze %dma_start3A_1204 : memref<1x8x64xf32, #tpu.memory_space<vmem>> -> memref<8x64xf32, #tpu.memory_space<vmem>>
      %dma_start3A_1206 = arith.constant 0 : i32
      %dma_start3A_1207 = arith.constant 0 : i32
      %dma_start3A_1208 = tpu.memref_slice %arg5[%squeeze3A_1192, %dma_start3A_1206, %dma_start3A_1207] : memref<125000x8x64xf32, #tpu.memory_space<hbm>> -> memref<1x8x64xf32, #tpu.memory_space<hbm>>
      %dma_start3A_1209 = tpu.memref_squeeze %dma_start3A_1208 : memref<1x8x64xf32, #tpu.memory_space<hbm>> -> memref<8x64xf32, #tpu.memory_space<hbm>>
      tpu.enqueue_dma source(%dma_start3A_1209 : memref<8x64xf32, #tpu.memory_space<hbm>>) target(%dma_start3A_1205 : memref<8x64xf32, #tpu.memory_space<vmem>>) target_semaphore(%arg17 : memref<!tpu.dma_semaphore, #tpu.memory_space<semaphore_mem>>)
      %slice3A_1210 = vector.extract_strided_slice %shift_right_logical3A_634 {offsets = [15], sizes = [1], strides = [1]} : vector<16xi32> to vector<1xi32>
      %squeeze3A_1211 = vector.extract %slice3A_1210[0] : i32 from vector<1xi32>
      %dma_start3A_1212 = arith.constant 15 : i32
      %dma_start3A_1213 = arith.constant 0 : i32
      %dma_start3A_1214 = arith.constant 0 : i32
      %dma_start3A_1215 = tpu.memref_slice %arg11[%dma_start3A_1212, %dma_start3A_1213, %dma_start3A_1214] : memref<16x8x64xf32, #tpu.memory_space<vmem>> -> memref<1x8x64xf32, #tpu.memory_space<vmem>>
      %dma_start3A_1216 = tpu.memref_squeeze %dma_start3A_1215 : memref<1x8x64xf32, #tpu.memory_space<vmem>> -> memref<8x64xf32, #tpu.memory_space<vmem>>
      %dma_start3A_1217 = arith.constant 0 : i32
      %dma_start3A_1218 = arith.constant 0 : i32
      %dma_start3A_1219 = tpu.memref_slice %arg4[%squeeze3A_1211, %dma_start3A_1217, %dma_start3A_1218] : memref<125000x8x64xf32, #tpu.memory_space<hbm>> -> memref<1x8x64xf32, #tpu.memory_space<hbm>>
      %dma_start3A_1220 = tpu.memref_squeeze %dma_start3A_1219 : memref<1x8x64xf32, #tpu.memory_space<hbm>> -> memref<8x64xf32, #tpu.memory_space<hbm>>
      %dma_start3A_1221 = arith.constant 0 : i32
      %dma_start3A_1222 = arith.constant 0 : i32
      %dma_start3A_1223 = tpu.memref_slice %arg11[%dma_start3A_1212, %dma_start3A_1221, %dma_start3A_1222] : memref<16x8x64xf32, #tpu.memory_space<vmem>> -> memref<1x8x64xf32, #tpu.memory_space<vmem>>
      %dma_start3A_1224 = tpu.memref_squeeze %dma_start3A_1223 : memref<1x8x64xf32, #tpu.memory_space<vmem>> -> memref<8x64xf32, #tpu.memory_space<vmem>>
      %dma_start3A_1225 = arith.constant 0 : i32
      %dma_start3A_1226 = arith.constant 0 : i32
      %dma_start3A_1227 = tpu.memref_slice %arg4[%squeeze3A_1211, %dma_start3A_1225, %dma_start3A_1226] : memref<125000x8x64xf32, #tpu.memory_space<hbm>> -> memref<1x8x64xf32, #tpu.memory_space<hbm>>
      %dma_start3A_1228 = tpu.memref_squeeze %dma_start3A_1227 : memref<1x8x64xf32, #tpu.memory_space<hbm>> -> memref<8x64xf32, #tpu.memory_space<hbm>>
      tpu.enqueue_dma source(%dma_start3A_1228 : memref<8x64xf32, #tpu.memory_space<hbm>>) target(%dma_start3A_1224 : memref<8x64xf32, #tpu.memory_space<vmem>>) target_semaphore(%arg16 : memref<!tpu.dma_semaphore, #tpu.memory_space<semaphore_mem>>)
      %slice3A_1229 = vector.extract_strided_slice %shift_right_logical3A_639 {offsets = [15], sizes = [1], strides = [1]} : vector<16xi32> to vector<1xi32>
      %squeeze3A_1230 = vector.extract %slice3A_1229[0] : i32 from vector<1xi32>
      %dma_start3A_1231 = arith.constant 15 : i32
      %dma_start3A_1232 = arith.constant 0 : i32
      %dma_start3A_1233 = arith.constant 0 : i32
      %dma_start3A_1234 = tpu.memref_slice %arg12[%dma_start3A_1231, %dma_start3A_1232, %dma_start3A_1233] : memref<16x8x64xf32, #tpu.memory_space<vmem>> -> memref<1x8x64xf32, #tpu.memory_space<vmem>>
      %dma_start3A_1235 = tpu.memref_squeeze %dma_start3A_1234 : memref<1x8x64xf32, #tpu.memory_space<vmem>> -> memref<8x64xf32, #tpu.memory_space<vmem>>
      %dma_start3A_1236 = arith.constant 0 : i32
      %dma_start3A_1237 = arith.constant 0 : i32
      %dma_start3A_1238 = tpu.memref_slice %arg5[%squeeze3A_1230, %dma_start3A_1236, %dma_start3A_1237] : memref<125000x8x64xf32, #tpu.memory_space<hbm>> -> memref<1x8x64xf32, #tpu.memory_space<hbm>>
      %dma_start3A_1239 = tpu.memref_squeeze %dma_start3A_1238 : memref<1x8x64xf32, #tpu.memory_space<hbm>> -> memref<8x64xf32, #tpu.memory_space<hbm>>
      %dma_start3A_1240 = arith.constant 0 : i32
      %dma_start3A_1241 = arith.constant 0 : i32
      %dma_start3A_1242 = tpu.memref_slice %arg12[%dma_start3A_1231, %dma_start3A_1240, %dma_start3A_1241] : memref<16x8x64xf32, #tpu.memory_space<vmem>> -> memref<1x8x64xf32, #tpu.memory_space<vmem>>
      %dma_start3A_1243 = tpu.memref_squeeze %dma_start3A_1242 : memref<1x8x64xf32, #tpu.memory_space<vmem>> -> memref<8x64xf32, #tpu.memory_space<vmem>>
      %dma_start3A_1244 = arith.constant 0 : i32
      %dma_start3A_1245 = arith.constant 0 : i32
      %dma_start3A_1246 = tpu.memref_slice %arg5[%squeeze3A_1230, %dma_start3A_1244, %dma_start3A_1245] : memref<125000x8x64xf32, #tpu.memory_space<hbm>> -> memref<1x8x64xf32, #tpu.memory_space<hbm>>
      %dma_start3A_1247 = tpu.memref_squeeze %dma_start3A_1246 : memref<1x8x64xf32, #tpu.memory_space<hbm>> -> memref<8x64xf32, #tpu.memory_space<hbm>>
      tpu.enqueue_dma source(%dma_start3A_1247 : memref<8x64xf32, #tpu.memory_space<hbm>>) target(%dma_start3A_1243 : memref<8x64xf32, #tpu.memory_space<vmem>>) target_semaphore(%arg17 : memref<!tpu.dma_semaphore, #tpu.memory_space<semaphore_mem>>)
      %dma_wait3A = arith.constant 0 : i32
      %dma_wait3A_1248 = arith.constant 0 : i32
      %dma_wait3A_1249 = arith.constant 0 : i32
      %dma_wait3A_1250 = tpu.memref_slice %arg4[%dma_wait3A, %dma_wait3A_1248, %dma_wait3A_1249] : memref<125000x8x64xf32, #tpu.memory_space<hbm>> -> memref<16x8x64xf32, #tpu.memory_space<hbm>>
      %dma_wait3A_1251 = arith.constant 0 : i32
      %dma_wait3A_1252 = arith.constant 0 : i32
      %dma_wait3A_1253 = arith.constant 0 : i32
      %dma_wait3A_1254 = tpu.memref_slice %arg4[%dma_wait3A_1251, %dma_wait3A_1252, %dma_wait3A_1253] : memref<125000x8x64xf32, #tpu.memory_space<hbm>> -> memref<16x8x64xf32, #tpu.memory_space<hbm>>
      tpu.wait_dma2 semaphore(%arg14 : memref<!tpu.dma_semaphore, #tpu.memory_space<semaphore_mem>>) src(%dma_wait3A_1254 : memref<16x8x64xf32, #tpu.memory_space<hbm>>) dst(%arg9 : memref<16x8x64xf32, #tpu.memory_space<vmem>>)
      %dma_wait3A_1255 = arith.constant 0 : i32
      %dma_wait3A_1256 = arith.constant 0 : i32
      %dma_wait3A_1257 = arith.constant 0 : i32
      %dma_wait3A_1258 = tpu.memref_slice %arg5[%dma_wait3A_1255, %dma_wait3A_1256, %dma_wait3A_1257] : memref<125000x8x64xf32, #tpu.memory_space<hbm>> -> memref<16x8x64xf32, #tpu.memory_space<hbm>>
      %dma_wait3A_1259 = arith.constant 0 : i32
      %dma_wait3A_1260 = arith.constant 0 : i32
      %dma_wait3A_1261 = arith.constant 0 : i32
      %dma_wait3A_1262 = tpu.memref_slice %arg5[%dma_wait3A_1259, %dma_wait3A_1260, %dma_wait3A_1261] : memref<125000x8x64xf32, #tpu.memory_space<hbm>> -> memref<16x8x64xf32, #tpu.memory_space<hbm>>
      tpu.wait_dma2 semaphore(%arg15 : memref<!tpu.dma_semaphore, #tpu.memory_space<semaphore_mem>>) src(%dma_wait3A_1262 : memref<16x8x64xf32, #tpu.memory_space<hbm>>) dst(%arg10 : memref<16x8x64xf32, #tpu.memory_space<vmem>>)
      %mul3A_1263 = arith.constant 16 : i32
      %mul3A_1264 = arith.muli %mul3A_623, %mul3A_1263 : i32
      %add3A_1265 = arith.constant 0 : i32
      %add3A_1266 = arith.addi %mul3A_1264, %add3A_1265 : i32
      %get3A_1267 = arith.index_cast %add3A_1266 : i32 to index
      %get3A_1268 = tpu.vector_load %arg7[%get3A_1267] {strides = array<i32>} : memref<512xi32, #tpu.memory_space<vmem>>, vector<16xi32>,
      %and3A = arith.constant 7 : i32
      %and3A_1269 = vector.broadcast %and3A : i32 to vector<16xi32>
      %and3A_1270 = arith.andi %get3A_1268, %and3A_1269 : vector<16xi32>
      %get3A_1271 = arith.index_cast %add3A_1266 : i32 to index
      %get3A_1272 = tpu.vector_load %arg8[%get3A_1271] {strides = array<i32>} : memref<512xi32, #tpu.memory_space<vmem>>, vector<16xi32>,
      %and3A_1273 = arith.constant 7 : i32
      %and3A_1274 = vector.broadcast %and3A_1273 : i32 to vector<16xi32>
      %and3A_1275 = arith.andi %get3A_1272, %and3A_1274 : vector<16xi32>
      %iota3A = tpu.iota {dimensions = array<i32: 0>} : vector<16xi32>
      %add3A_1276 = arith.constant 0 : i32
      %add3A_1277 = vector.broadcast %add3A_1276 : i32 to vector<16xi32>
      %add3A_1278 = arith.addi %iota3A, %add3A_1277 : vector<16xi32>
      %broadcast_in_dim3A = arith.constant 0.000000e+00 : f32
      %broadcast_in_dim3A_1279 = vector.broadcast %broadcast_in_dim3A : f32 to vector<16xf32>
      %broadcast_in_dim3A_1280 = arith.constant 0 : i32
      %broadcast_in_dim3A_1281 = vector.broadcast %broadcast_in_dim3A_1280 : i32 to vector<16xi32>
      %gather3A = tpu.vector_load_idx %arg9[%add3A_1278, %and3A_1270, %broadcast_in_dim3A_1281] : memref<16x8x64xf32, #tpu.memory_space<vmem>>[vector<16xi32>, vector<16xi32>, vector<16xi32>], vector<16xf32>,
      %gather3A_1282 = tpu.vector_load_idx %arg10[%add3A_1278, %and3A_1275, %broadcast_in_dim3A_1281] : memref<16x8x64xf32, #tpu.memory_space<vmem>>[vector<16xi32>, vector<16xi32>, vector<16xi32>], vector<16xf32>,
      %mul3A_1283 = arith.mulf %gather3A, %gather3A_1282 : vector<16xf32>
      %add3A_1284 = arith.addf %broadcast_in_dim3A_1279, %mul3A_1283 : vector<16xf32>
      %broadcast_in_dim3A_1285 = arith.constant 1 : i32
      %broadcast_in_dim3A_1286 = vector.broadcast %broadcast_in_dim3A_1285 : i32 to vector<16xi32>
      %gather3A_1287 = tpu.vector_load_idx %arg9[%add3A_1278, %and3A_1270, %broadcast_in_dim3A_1286] : memref<16x8x64xf32, #tpu.memory_space<vmem>>[vector<16xi32>, vector<16xi32>, vector<16xi32>], vector<16xf32>,
      %gather3A_1288 = tpu.vector_load_idx %arg10[%add3A_1278, %and3A_1275, %broadcast_in_dim3A_1286] : memref<16x8x64xf32, #tpu.memory_space<vmem>>[vector<16xi32>, vector<16xi32>, vector<16xi32>], vector<16xf32>,
      %mul3A_1289 = arith.mulf %gather3A_1287, %gather3A_1288 : vector<16xf32>
      %add3A_1290 = arith.addf %add3A_1284, %mul3A_1289 : vector<16xf32>
      %broadcast_in_dim3A_1291 = arith.constant 2 : i32
      %broadcast_in_dim3A_1292 = vector.broadcast %broadcast_in_dim3A_1291 : i32 to vector<16xi32>
      %gather3A_1293 = tpu.vector_load_idx %arg9[%add3A_1278, %and3A_1270, %broadcast_in_dim3A_1292] : memref<16x8x64xf32, #tpu.memory_space<vmem>>[vector<16xi32>, vector<16xi32>, vector<16xi32>], vector<16xf32>,
      %gather3A_1294 = tpu.vector_load_idx %arg10[%add3A_1278, %and3A_1275, %broadcast_in_dim3A_1292] : memref<16x8x64xf32, #tpu.memory_space<vmem>>[vector<16xi32>, vector<16xi32>, vector<16xi32>], vector<16xf32>,
      %mul3A_1295 = arith.mulf %gather3A_1293, %gather3A_1294 : vector<16xf32>
      %add3A_1296 = arith.addf %add3A_1290, %mul3A_1295 : vector<16xf32>
      %broadcast_in_dim3A_1297 = arith.constant 3 : i32
      %broadcast_in_dim3A_1298 = vector.broadcast %broadcast_in_dim3A_1297 : i32 to vector<16xi32>
      %gather3A_1299 = tpu.vector_load_idx %arg9[%add3A_1278, %and3A_1270, %broadcast_in_dim3A_1298] : memref<16x8x64xf32, #tpu.memory_space<vmem>>[vector<16xi32>, vector<16xi32>, vector<16xi32>], vector<16xf32>,
      %gather3A_1300 = tpu.vector_load_idx %arg10[%add3A_1278, %and3A_1275, %broadcast_in_dim3A_1298] : memref<16x8x64xf32, #tpu.memory_space<vmem>>[vector<16xi32>, vector<16xi32>, vector<16xi32>], vector<16xf32>,
      %mul3A_1301 = arith.mulf %gather3A_1299, %gather3A_1300 : vector<16xf32>
      %add3A_1302 = arith.addf %add3A_1296, %mul3A_1301 : vector<16xf32>
      %broadcast_in_dim3A_1303 = arith.constant 4 : i32
      %broadcast_in_dim3A_1304 = vector.broadcast %broadcast_in_dim3A_1303 : i32 to vector<16xi32>
      %gather3A_1305 = tpu.vector_load_idx %arg9[%add3A_1278, %and3A_1270, %broadcast_in_dim3A_1304] : memref<16x8x64xf32, #tpu.memory_space<vmem>>[vector<16xi32>, vector<16xi32>, vector<16xi32>], vector<16xf32>,
      %gather3A_1306 = tpu.vector_load_idx %arg10[%add3A_1278, %and3A_1275, %broadcast_in_dim3A_1304] : memref<16x8x64xf32, #tpu.memory_space<vmem>>[vector<16xi32>, vector<16xi32>, vector<16xi32>], vector<16xf32>,
      %mul3A_1307 = arith.mulf %gather3A_1305, %gather3A_1306 : vector<16xf32>
      %add3A_1308 = arith.addf %add3A_1302, %mul3A_1307 : vector<16xf32>
      %broadcast_in_dim3A_1309 = arith.constant 5 : i32
      %broadcast_in_dim3A_1310 = vector.broadcast %broadcast_in_dim3A_1309 : i32 to vector<16xi32>
      %gather3A_1311 = tpu.vector_load_idx %arg9[%add3A_1278, %and3A_1270, %broadcast_in_dim3A_1310] : memref<16x8x64xf32, #tpu.memory_space<vmem>>[vector<16xi32>, vector<16xi32>, vector<16xi32>], vector<16xf32>,
      %gather3A_1312 = tpu.vector_load_idx %arg10[%add3A_1278, %and3A_1275, %broadcast_in_dim3A_1310] : memref<16x8x64xf32, #tpu.memory_space<vmem>>[vector<16xi32>, vector<16xi32>, vector<16xi32>], vector<16xf32>,
      %mul3A_1313 = arith.mulf %gather3A_1311, %gather3A_1312 : vector<16xf32>
      %add3A_1314 = arith.addf %add3A_1308, %mul3A_1313 : vector<16xf32>
      %broadcast_in_dim3A_1315 = arith.constant 6 : i32
      %broadcast_in_dim3A_1316 = vector.broadcast %broadcast_in_dim3A_1315 : i32 to vector<16xi32>
      %gather3A_1317 = tpu.vector_load_idx %arg9[%add3A_1278, %and3A_1270, %broadcast_in_dim3A_1316] : memref<16x8x64xf32, #tpu.memory_space<vmem>>[vector<16xi32>, vector<16xi32>, vector<16xi32>], vector<16xf32>,
      %gather3A_1318 = tpu.vector_load_idx %arg10[%add3A_1278, %and3A_1275, %broadcast_in_dim3A_1316] : memref<16x8x64xf32, #tpu.memory_space<vmem>>[vector<16xi32>, vector<16xi32>, vector<16xi32>], vector<16xf32>,
      %mul3A_1319 = arith.mulf %gather3A_1317, %gather3A_1318 : vector<16xf32>
      %add3A_1320 = arith.addf %add3A_1314, %mul3A_1319 : vector<16xf32>
      %broadcast_in_dim3A_1321 = arith.constant 7 : i32
      %broadcast_in_dim3A_1322 = vector.broadcast %broadcast_in_dim3A_1321 : i32 to vector<16xi32>
      %gather3A_1323 = tpu.vector_load_idx %arg9[%add3A_1278, %and3A_1270, %broadcast_in_dim3A_1322] : memref<16x8x64xf32, #tpu.memory_space<vmem>>[vector<16xi32>, vector<16xi32>, vector<16xi32>], vector<16xf32>,
      %gather3A_1324 = tpu.vector_load_idx %arg10[%add3A_1278, %and3A_1275, %broadcast_in_dim3A_1322] : memref<16x8x64xf32, #tpu.memory_space<vmem>>[vector<16xi32>, vector<16xi32>, vector<16xi32>], vector<16xf32>,
      %mul3A_1325 = arith.mulf %gather3A_1323, %gather3A_1324 : vector<16xf32>
      %add3A_1326 = arith.addf %add3A_1320, %mul3A_1325 : vector<16xf32>
      %broadcast_in_dim3A_1327 = arith.constant 8 : i32
      %broadcast_in_dim3A_1328 = vector.broadcast %broadcast_in_dim3A_1327 : i32 to vector<16xi32>
      %gather3A_1329 = tpu.vector_load_idx %arg9[%add3A_1278, %and3A_1270, %broadcast_in_dim3A_1328] : memref<16x8x64xf32, #tpu.memory_space<vmem>>[vector<16xi32>, vector<16xi32>, vector<16xi32>], vector<16xf32>,
      %gather3A_1330 = tpu.vector_load_idx %arg10[%add3A_1278, %and3A_1275, %broadcast_in_dim3A_1328] : memref<16x8x64xf32, #tpu.memory_space<vmem>>[vector<16xi32>, vector<16xi32>, vector<16xi32>], vector<16xf32>,
      %mul3A_1331 = arith.mulf %gather3A_1329, %gather3A_1330 : vector<16xf32>
      %add3A_1332 = arith.addf %add3A_1326, %mul3A_1331 : vector<16xf32>
      %broadcast_in_dim3A_1333 = arith.constant 9 : i32
      %broadcast_in_dim3A_1334 = vector.broadcast %broadcast_in_dim3A_1333 : i32 to vector<16xi32>
      %gather3A_1335 = tpu.vector_load_idx %arg9[%add3A_1278, %and3A_1270, %broadcast_in_dim3A_1334] : memref<16x8x64xf32, #tpu.memory_space<vmem>>[vector<16xi32>, vector<16xi32>, vector<16xi32>], vector<16xf32>,
      %gather3A_1336 = tpu.vector_load_idx %arg10[%add3A_1278, %and3A_1275, %broadcast_in_dim3A_1334] : memref<16x8x64xf32, #tpu.memory_space<vmem>>[vector<16xi32>, vector<16xi32>, vector<16xi32>], vector<16xf32>,
      %mul3A_1337 = arith.mulf %gather3A_1335, %gather3A_1336 : vector<16xf32>
      %add3A_1338 = arith.addf %add3A_1332, %mul3A_1337 : vector<16xf32>
      %broadcast_in_dim3A_1339 = arith.constant 10 : i32
      %broadcast_in_dim3A_1340 = vector.broadcast %broadcast_in_dim3A_1339 : i32 to vector<16xi32>
      %gather3A_1341 = tpu.vector_load_idx %arg9[%add3A_1278, %and3A_1270, %broadcast_in_dim3A_1340] : memref<16x8x64xf32, #tpu.memory_space<vmem>>[vector<16xi32>, vector<16xi32>, vector<16xi32>], vector<16xf32>,
      %gather3A_1342 = tpu.vector_load_idx %arg10[%add3A_1278, %and3A_1275, %broadcast_in_dim3A_1340] : memref<16x8x64xf32, #tpu.memory_space<vmem>>[vector<16xi32>, vector<16xi32>, vector<16xi32>], vector<16xf32>,
      %mul3A_1343 = arith.mulf %gather3A_1341, %gather3A_1342 : vector<16xf32>
      %add3A_1344 = arith.addf %add3A_1338, %mul3A_1343 : vector<16xf32>
      %broadcast_in_dim3A_1345 = arith.constant 11 : i32
      %broadcast_in_dim3A_1346 = vector.broadcast %broadcast_in_dim3A_1345 : i32 to vector<16xi32>
      %gather3A_1347 = tpu.vector_load_idx %arg9[%add3A_1278, %and3A_1270, %broadcast_in_dim3A_1346] : memref<16x8x64xf32, #tpu.memory_space<vmem>>[vector<16xi32>, vector<16xi32>, vector<16xi32>], vector<16xf32>,
      %gather3A_1348 = tpu.vector_load_idx %arg10[%add3A_1278, %and3A_1275, %broadcast_in_dim3A_1346] : memref<16x8x64xf32, #tpu.memory_space<vmem>>[vector<16xi32>, vector<16xi32>, vector<16xi32>], vector<16xf32>,
      %mul3A_1349 = arith.mulf %gather3A_1347, %gather3A_1348 : vector<16xf32>
      %add3A_1350 = arith.addf %add3A_1344, %mul3A_1349 : vector<16xf32>
      %broadcast_in_dim3A_1351 = arith.constant 12 : i32
      %broadcast_in_dim3A_1352 = vector.broadcast %broadcast_in_dim3A_1351 : i32 to vector<16xi32>
      %gather3A_1353 = tpu.vector_load_idx %arg9[%add3A_1278, %and3A_1270, %broadcast_in_dim3A_1352] : memref<16x8x64xf32, #tpu.memory_space<vmem>>[vector<16xi32>, vector<16xi32>, vector<16xi32>], vector<16xf32>,
      %gather3A_1354 = tpu.vector_load_idx %arg10[%add3A_1278, %and3A_1275, %broadcast_in_dim3A_1352] : memref<16x8x64xf32, #tpu.memory_space<vmem>>[vector<16xi32>, vector<16xi32>, vector<16xi32>], vector<16xf32>,
      %mul3A_1355 = arith.mulf %gather3A_1353, %gather3A_1354 : vector<16xf32>
      %add3A_1356 = arith.addf %add3A_1350, %mul3A_1355 : vector<16xf32>
      %broadcast_in_dim3A_1357 = arith.constant 13 : i32
      %broadcast_in_dim3A_1358 = vector.broadcast %broadcast_in_dim3A_1357 : i32 to vector<16xi32>
      %gather3A_1359 = tpu.vector_load_idx %arg9[%add3A_1278, %and3A_1270, %broadcast_in_dim3A_1358] : memref<16x8x64xf32, #tpu.memory_space<vmem>>[vector<16xi32>, vector<16xi32>, vector<16xi32>], vector<16xf32>,
      %gather3A_1360 = tpu.vector_load_idx %arg10[%add3A_1278, %and3A_1275, %broadcast_in_dim3A_1358] : memref<16x8x64xf32, #tpu.memory_space<vmem>>[vector<16xi32>, vector<16xi32>, vector<16xi32>], vector<16xf32>,
      %mul3A_1361 = arith.mulf %gather3A_1359, %gather3A_1360 : vector<16xf32>
      %add3A_1362 = arith.addf %add3A_1356, %mul3A_1361 : vector<16xf32>
      %broadcast_in_dim3A_1363 = arith.constant 14 : i32
      %broadcast_in_dim3A_1364 = vector.broadcast %broadcast_in_dim3A_1363 : i32 to vector<16xi32>
      %gather3A_1365 = tpu.vector_load_idx %arg9[%add3A_1278, %and3A_1270, %broadcast_in_dim3A_1364] : memref<16x8x64xf32, #tpu.memory_space<vmem>>[vector<16xi32>, vector<16xi32>, vector<16xi32>], vector<16xf32>,
      %gather3A_1366 = tpu.vector_load_idx %arg10[%add3A_1278, %and3A_1275, %broadcast_in_dim3A_1364] : memref<16x8x64xf32, #tpu.memory_space<vmem>>[vector<16xi32>, vector<16xi32>, vector<16xi32>], vector<16xf32>,
      %mul3A_1367 = arith.mulf %gather3A_1365, %gather3A_1366 : vector<16xf32>
      %add3A_1368 = arith.addf %add3A_1362, %mul3A_1367 : vector<16xf32>
      %broadcast_in_dim3A_1369 = arith.constant 15 : i32
      %broadcast_in_dim3A_1370 = vector.broadcast %broadcast_in_dim3A_1369 : i32 to vector<16xi32>
      %gather3A_1371 = tpu.vector_load_idx %arg9[%add3A_1278, %and3A_1270, %broadcast_in_dim3A_1370] : memref<16x8x64xf32, #tpu.memory_space<vmem>>[vector<16xi32>, vector<16xi32>, vector<16xi32>], vector<16xf32>,
      %gather3A_1372 = tpu.vector_load_idx %arg10[%add3A_1278, %and3A_1275, %broadcast_in_dim3A_1370] : memref<16x8x64xf32, #tpu.memory_space<vmem>>[vector<16xi32>, vector<16xi32>, vector<16xi32>], vector<16xf32>,
      %mul3A_1373 = arith.mulf %gather3A_1371, %gather3A_1372 : vector<16xf32>
      %add3A_1374 = arith.addf %add3A_1368, %mul3A_1373 : vector<16xf32>
      %broadcast_in_dim3A_1375 = arith.constant 16 : i32
      %broadcast_in_dim3A_1376 = vector.broadcast %broadcast_in_dim3A_1375 : i32 to vector<16xi32>
      %gather3A_1377 = tpu.vector_load_idx %arg9[%add3A_1278, %and3A_1270, %broadcast_in_dim3A_1376] : memref<16x8x64xf32, #tpu.memory_space<vmem>>[vector<16xi32>, vector<16xi32>, vector<16xi32>], vector<16xf32>,
      %gather3A_1378 = tpu.vector_load_idx %arg10[%add3A_1278, %and3A_1275, %broadcast_in_dim3A_1376] : memref<16x8x64xf32, #tpu.memory_space<vmem>>[vector<16xi32>, vector<16xi32>, vector<16xi32>], vector<16xf32>,
      %mul3A_1379 = arith.mulf %gather3A_1377, %gather3A_1378 : vector<16xf32>
      %add3A_1380 = arith.addf %add3A_1374, %mul3A_1379 : vector<16xf32>
      %broadcast_in_dim3A_1381 = arith.constant 17 : i32
      %broadcast_in_dim3A_1382 = vector.broadcast %broadcast_in_dim3A_1381 : i32 to vector<16xi32>
      %gather3A_1383 = tpu.vector_load_idx %arg9[%add3A_1278, %and3A_1270, %broadcast_in_dim3A_1382] : memref<16x8x64xf32, #tpu.memory_space<vmem>>[vector<16xi32>, vector<16xi32>, vector<16xi32>], vector<16xf32>,
      %gather3A_1384 = tpu.vector_load_idx %arg10[%add3A_1278, %and3A_1275, %broadcast_in_dim3A_1382] : memref<16x8x64xf32, #tpu.memory_space<vmem>>[vector<16xi32>, vector<16xi32>, vector<16xi32>], vector<16xf32>,
      %mul3A_1385 = arith.mulf %gather3A_1383, %gather3A_1384 : vector<16xf32>
      %add3A_1386 = arith.addf %add3A_1380, %mul3A_1385 : vector<16xf32>
      %broadcast_in_dim3A_1387 = arith.constant 18 : i32
      %broadcast_in_dim3A_1388 = vector.broadcast %broadcast_in_dim3A_1387 : i32 to vector<16xi32>
      %gather3A_1389 = tpu.vector_load_idx %arg9[%add3A_1278, %and3A_1270, %broadcast_in_dim3A_1388] : memref<16x8x64xf32, #tpu.memory_space<vmem>>[vector<16xi32>, vector<16xi32>, vector<16xi32>], vector<16xf32>,
      %gather3A_1390 = tpu.vector_load_idx %arg10[%add3A_1278, %and3A_1275, %broadcast_in_dim3A_1388] : memref<16x8x64xf32, #tpu.memory_space<vmem>>[vector<16xi32>, vector<16xi32>, vector<16xi32>], vector<16xf32>,
      %mul3A_1391 = arith.mulf %gather3A_1389, %gather3A_1390 : vector<16xf32>
      %add3A_1392 = arith.addf %add3A_1386, %mul3A_1391 : vector<16xf32>
      %broadcast_in_dim3A_1393 = arith.constant 19 : i32
      %broadcast_in_dim3A_1394 = vector.broadcast %broadcast_in_dim3A_1393 : i32 to vector<16xi32>
      %gather3A_1395 = tpu.vector_load_idx %arg9[%add3A_1278, %and3A_1270, %broadcast_in_dim3A_1394] : memref<16x8x64xf32, #tpu.memory_space<vmem>>[vector<16xi32>, vector<16xi32>, vector<16xi32>], vector<16xf32>,
      %gather3A_1396 = tpu.vector_load_idx %arg10[%add3A_1278, %and3A_1275, %broadcast_in_dim3A_1394] : memref<16x8x64xf32, #tpu.memory_space<vmem>>[vector<16xi32>, vector<16xi32>, vector<16xi32>], vector<16xf32>,
      %mul3A_1397 = arith.mulf %gather3A_1395, %gather3A_1396 : vector<16xf32>
      %add3A_1398 = arith.addf %add3A_1392, %mul3A_1397 : vector<16xf32>
      %broadcast_in_dim3A_1399 = arith.constant 20 : i32
      %broadcast_in_dim3A_1400 = vector.broadcast %broadcast_in_dim3A_1399 : i32 to vector<16xi32>
      %gather3A_1401 = tpu.vector_load_idx %arg9[%add3A_1278, %and3A_1270, %broadcast_in_dim3A_1400] : memref<16x8x64xf32, #tpu.memory_space<vmem>>[vector<16xi32>, vector<16xi32>, vector<16xi32>], vector<16xf32>,
      %gather3A_1402 = tpu.vector_load_idx %arg10[%add3A_1278, %and3A_1275, %broadcast_in_dim3A_1400] : memref<16x8x64xf32, #tpu.memory_space<vmem>>[vector<16xi32>, vector<16xi32>, vector<16xi32>], vector<16xf32>,
      %mul3A_1403 = arith.mulf %gather3A_1401, %gather3A_1402 : vector<16xf32>
      %add3A_1404 = arith.addf %add3A_1398, %mul3A_1403 : vector<16xf32>
      %broadcast_in_dim3A_1405 = arith.constant 21 : i32
      %broadcast_in_dim3A_1406 = vector.broadcast %broadcast_in_dim3A_1405 : i32 to vector<16xi32>
      %gather3A_1407 = tpu.vector_load_idx %arg9[%add3A_1278, %and3A_1270, %broadcast_in_dim3A_1406] : memref<16x8x64xf32, #tpu.memory_space<vmem>>[vector<16xi32>, vector<16xi32>, vector<16xi32>], vector<16xf32>,
      %gather3A_1408 = tpu.vector_load_idx %arg10[%add3A_1278, %and3A_1275, %broadcast_in_dim3A_1406] : memref<16x8x64xf32, #tpu.memory_space<vmem>>[vector<16xi32>, vector<16xi32>, vector<16xi32>], vector<16xf32>,
      %mul3A_1409 = arith.mulf %gather3A_1407, %gather3A_1408 : vector<16xf32>
      %add3A_1410 = arith.addf %add3A_1404, %mul3A_1409 : vector<16xf32>
      %broadcast_in_dim3A_1411 = arith.constant 22 : i32
      %broadcast_in_dim3A_1412 = vector.broadcast %broadcast_in_dim3A_1411 : i32 to vector<16xi32>
      %gather3A_1413 = tpu.vector_load_idx %arg9[%add3A_1278, %and3A_1270, %broadcast_in_dim3A_1412] : memref<16x8x64xf32, #tpu.memory_space<vmem>>[vector<16xi32>, vector<16xi32>, vector<16xi32>], vector<16xf32>,
      %gather3A_1414 = tpu.vector_load_idx %arg10[%add3A_1278, %and3A_1275, %broadcast_in_dim3A_1412] : memref<16x8x64xf32, #tpu.memory_space<vmem>>[vector<16xi32>, vector<16xi32>, vector<16xi32>], vector<16xf32>,
      %mul3A_1415 = arith.mulf %gather3A_1413, %gather3A_1414 : vector<16xf32>
      %add3A_1416 = arith.addf %add3A_1410, %mul3A_1415 : vector<16xf32>
      %broadcast_in_dim3A_1417 = arith.constant 23 : i32
      %broadcast_in_dim3A_1418 = vector.broadcast %broadcast_in_dim3A_1417 : i32 to vector<16xi32>
      %gather3A_1419 = tpu.vector_load_idx %arg9[%add3A_1278, %and3A_1270, %broadcast_in_dim3A_1418] : memref<16x8x64xf32, #tpu.memory_space<vmem>>[vector<16xi32>, vector<16xi32>, vector<16xi32>], vector<16xf32>,
      %gather3A_1420 = tpu.vector_load_idx %arg10[%add3A_1278, %and3A_1275, %broadcast_in_dim3A_1418] : memref<16x8x64xf32, #tpu.memory_space<vmem>>[vector<16xi32>, vector<16xi32>, vector<16xi32>], vector<16xf32>,
      %mul3A_1421 = arith.mulf %gather3A_1419, %gather3A_1420 : vector<16xf32>
      %add3A_1422 = arith.addf %add3A_1416, %mul3A_1421 : vector<16xf32>
      %broadcast_in_dim3A_1423 = arith.constant 24 : i32
      %broadcast_in_dim3A_1424 = vector.broadcast %broadcast_in_dim3A_1423 : i32 to vector<16xi32>
      %gather3A_1425 = tpu.vector_load_idx %arg9[%add3A_1278, %and3A_1270, %broadcast_in_dim3A_1424] : memref<16x8x64xf32, #tpu.memory_space<vmem>>[vector<16xi32>, vector<16xi32>, vector<16xi32>], vector<16xf32>,
      %gather3A_1426 = tpu.vector_load_idx %arg10[%add3A_1278, %and3A_1275, %broadcast_in_dim3A_1424] : memref<16x8x64xf32, #tpu.memory_space<vmem>>[vector<16xi32>, vector<16xi32>, vector<16xi32>], vector<16xf32>,
      %mul3A_1427 = arith.mulf %gather3A_1425, %gather3A_1426 : vector<16xf32>
      %add3A_1428 = arith.addf %add3A_1422, %mul3A_1427 : vector<16xf32>
      %broadcast_in_dim3A_1429 = arith.constant 25 : i32
      %broadcast_in_dim3A_1430 = vector.broadcast %broadcast_in_dim3A_1429 : i32 to vector<16xi32>
      %gather3A_1431 = tpu.vector_load_idx %arg9[%add3A_1278, %and3A_1270, %broadcast_in_dim3A_1430] : memref<16x8x64xf32, #tpu.memory_space<vmem>>[vector<16xi32>, vector<16xi32>, vector<16xi32>], vector<16xf32>,
      %gather3A_1432 = tpu.vector_load_idx %arg10[%add3A_1278, %and3A_1275, %broadcast_in_dim3A_1430] : memref<16x8x64xf32, #tpu.memory_space<vmem>>[vector<16xi32>, vector<16xi32>, vector<16xi32>], vector<16xf32>,
      %mul3A_1433 = arith.mulf %gather3A_1431, %gather3A_1432 : vector<16xf32>
      %add3A_1434 = arith.addf %add3A_1428, %mul3A_1433 : vector<16xf32>
      %broadcast_in_dim3A_1435 = arith.constant 26 : i32
      %broadcast_in_dim3A_1436 = vector.broadcast %broadcast_in_dim3A_1435 : i32 to vector<16xi32>
      %gather3A_1437 = tpu.vector_load_idx %arg9[%add3A_1278, %and3A_1270, %broadcast_in_dim3A_1436] : memref<16x8x64xf32, #tpu.memory_space<vmem>>[vector<16xi32>, vector<16xi32>, vector<16xi32>], vector<16xf32>,
      %gather3A_1438 = tpu.vector_load_idx %arg10[%add3A_1278, %and3A_1275, %broadcast_in_dim3A_1436] : memref<16x8x64xf32, #tpu.memory_space<vmem>>[vector<16xi32>, vector<16xi32>, vector<16xi32>], vector<16xf32>,
      %mul3A_1439 = arith.mulf %gather3A_1437, %gather3A_1438 : vector<16xf32>
      %add3A_1440 = arith.addf %add3A_1434, %mul3A_1439 : vector<16xf32>
      %broadcast_in_dim3A_1441 = arith.constant 27 : i32
      %broadcast_in_dim3A_1442 = vector.broadcast %broadcast_in_dim3A_1441 : i32 to vector<16xi32>
      %gather3A_1443 = tpu.vector_load_idx %arg9[%add3A_1278, %and3A_1270, %broadcast_in_dim3A_1442] : memref<16x8x64xf32, #tpu.memory_space<vmem>>[vector<16xi32>, vector<16xi32>, vector<16xi32>], vector<16xf32>,
      %gather3A_1444 = tpu.vector_load_idx %arg10[%add3A_1278, %and3A_1275, %broadcast_in_dim3A_1442] : memref<16x8x64xf32, #tpu.memory_space<vmem>>[vector<16xi32>, vector<16xi32>, vector<16xi32>], vector<16xf32>,
      %mul3A_1445 = arith.mulf %gather3A_1443, %gather3A_1444 : vector<16xf32>
      %add3A_1446 = arith.addf %add3A_1440, %mul3A_1445 : vector<16xf32>
      %broadcast_in_dim3A_1447 = arith.constant 28 : i32
      %broadcast_in_dim3A_1448 = vector.broadcast %broadcast_in_dim3A_1447 : i32 to vector<16xi32>
      %gather3A_1449 = tpu.vector_load_idx %arg9[%add3A_1278, %and3A_1270, %broadcast_in_dim3A_1448] : memref<16x8x64xf32, #tpu.memory_space<vmem>>[vector<16xi32>, vector<16xi32>, vector<16xi32>], vector<16xf32>,
      %gather3A_1450 = tpu.vector_load_idx %arg10[%add3A_1278, %and3A_1275, %broadcast_in_dim3A_1448] : memref<16x8x64xf32, #tpu.memory_space<vmem>>[vector<16xi32>, vector<16xi32>, vector<16xi32>], vector<16xf32>,
      %mul3A_1451 = arith.mulf %gather3A_1449, %gather3A_1450 : vector<16xf32>
      %add3A_1452 = arith.addf %add3A_1446, %mul3A_1451 : vector<16xf32>
      %broadcast_in_dim3A_1453 = arith.constant 29 : i32
      %broadcast_in_dim3A_1454 = vector.broadcast %broadcast_in_dim3A_1453 : i32 to vector<16xi32>
      %gather3A_1455 = tpu.vector_load_idx %arg9[%add3A_1278, %and3A_1270, %broadcast_in_dim3A_1454] : memref<16x8x64xf32, #tpu.memory_space<vmem>>[vector<16xi32>, vector<16xi32>, vector<16xi32>], vector<16xf32>,
      %gather3A_1456 = tpu.vector_load_idx %arg10[%add3A_1278, %and3A_1275, %broadcast_in_dim3A_1454] : memref<16x8x64xf32, #tpu.memory_space<vmem>>[vector<16xi32>, vector<16xi32>, vector<16xi32>], vector<16xf32>,
      %mul3A_1457 = arith.mulf %gather3A_1455, %gather3A_1456 : vector<16xf32>
      %add3A_1458 = arith.addf %add3A_1452, %mul3A_1457 : vector<16xf32>
      %broadcast_in_dim3A_1459 = arith.constant 30 : i32
      %broadcast_in_dim3A_1460 = vector.broadcast %broadcast_in_dim3A_1459 : i32 to vector<16xi32>
      %gather3A_1461 = tpu.vector_load_idx %arg9[%add3A_1278, %and3A_1270, %broadcast_in_dim3A_1460] : memref<16x8x64xf32, #tpu.memory_space<vmem>>[vector<16xi32>, vector<16xi32>, vector<16xi32>], vector<16xf32>,
      %gather3A_1462 = tpu.vector_load_idx %arg10[%add3A_1278, %and3A_1275, %broadcast_in_dim3A_1460] : memref<16x8x64xf32, #tpu.memory_space<vmem>>[vector<16xi32>, vector<16xi32>, vector<16xi32>], vector<16xf32>,
      %mul3A_1463 = arith.mulf %gather3A_1461, %gather3A_1462 : vector<16xf32>
      %add3A_1464 = arith.addf %add3A_1458, %mul3A_1463 : vector<16xf32>
      %broadcast_in_dim3A_1465 = arith.constant 31 : i32
      %broadcast_in_dim3A_1466 = vector.broadcast %broadcast_in_dim3A_1465 : i32 to vector<16xi32>
      %gather3A_1467 = tpu.vector_load_idx %arg9[%add3A_1278, %and3A_1270, %broadcast_in_dim3A_1466] : memref<16x8x64xf32, #tpu.memory_space<vmem>>[vector<16xi32>, vector<16xi32>, vector<16xi32>], vector<16xf32>,
      %gather3A_1468 = tpu.vector_load_idx %arg10[%add3A_1278, %and3A_1275, %broadcast_in_dim3A_1466] : memref<16x8x64xf32, #tpu.memory_space<vmem>>[vector<16xi32>, vector<16xi32>, vector<16xi32>], vector<16xf32>,
      %mul3A_1469 = arith.mulf %gather3A_1467, %gather3A_1468 : vector<16xf32>
      %add3A_1470 = arith.addf %add3A_1464, %mul3A_1469 : vector<16xf32>
      %broadcast_in_dim3A_1471 = arith.constant 32 : i32
      %broadcast_in_dim3A_1472 = vector.broadcast %broadcast_in_dim3A_1471 : i32 to vector<16xi32>
      %gather3A_1473 = tpu.vector_load_idx %arg9[%add3A_1278, %and3A_1270, %broadcast_in_dim3A_1472] : memref<16x8x64xf32, #tpu.memory_space<vmem>>[vector<16xi32>, vector<16xi32>, vector<16xi32>], vector<16xf32>,
      %gather3A_1474 = tpu.vector_load_idx %arg10[%add3A_1278, %and3A_1275, %broadcast_in_dim3A_1472] : memref<16x8x64xf32, #tpu.memory_space<vmem>>[vector<16xi32>, vector<16xi32>, vector<16xi32>], vector<16xf32>,
      %mul3A_1475 = arith.mulf %gather3A_1473, %gather3A_1474 : vector<16xf32>
      %add3A_1476 = arith.addf %add3A_1470, %mul3A_1475 : vector<16xf32>
      %broadcast_in_dim3A_1477 = arith.constant 33 : i32
      %broadcast_in_dim3A_1478 = vector.broadcast %broadcast_in_dim3A_1477 : i32 to vector<16xi32>
      %gather3A_1479 = tpu.vector_load_idx %arg9[%add3A_1278, %and3A_1270, %broadcast_in_dim3A_1478] : memref<16x8x64xf32, #tpu.memory_space<vmem>>[vector<16xi32>, vector<16xi32>, vector<16xi32>], vector<16xf32>,
      %gather3A_1480 = tpu.vector_load_idx %arg10[%add3A_1278, %and3A_1275, %broadcast_in_dim3A_1478] : memref<16x8x64xf32, #tpu.memory_space<vmem>>[vector<16xi32>, vector<16xi32>, vector<16xi32>], vector<16xf32>,
      %mul3A_1481 = arith.mulf %gather3A_1479, %gather3A_1480 : vector<16xf32>
      %add3A_1482 = arith.addf %add3A_1476, %mul3A_1481 : vector<16xf32>
      %broadcast_in_dim3A_1483 = arith.constant 34 : i32
      %broadcast_in_dim3A_1484 = vector.broadcast %broadcast_in_dim3A_1483 : i32 to vector<16xi32>
      %gather3A_1485 = tpu.vector_load_idx %arg9[%add3A_1278, %and3A_1270, %broadcast_in_dim3A_1484] : memref<16x8x64xf32, #tpu.memory_space<vmem>>[vector<16xi32>, vector<16xi32>, vector<16xi32>], vector<16xf32>,
      %gather3A_1486 = tpu.vector_load_idx %arg10[%add3A_1278, %and3A_1275, %broadcast_in_dim3A_1484] : memref<16x8x64xf32, #tpu.memory_space<vmem>>[vector<16xi32>, vector<16xi32>, vector<16xi32>], vector<16xf32>,
      %mul3A_1487 = arith.mulf %gather3A_1485, %gather3A_1486 : vector<16xf32>
      %add3A_1488 = arith.addf %add3A_1482, %mul3A_1487 : vector<16xf32>
      %broadcast_in_dim3A_1489 = arith.constant 35 : i32
      %broadcast_in_dim3A_1490 = vector.broadcast %broadcast_in_dim3A_1489 : i32 to vector<16xi32>
      %gather3A_1491 = tpu.vector_load_idx %arg9[%add3A_1278, %and3A_1270, %broadcast_in_dim3A_1490] : memref<16x8x64xf32, #tpu.memory_space<vmem>>[vector<16xi32>, vector<16xi32>, vector<16xi32>], vector<16xf32>,
      %gather3A_1492 = tpu.vector_load_idx %arg10[%add3A_1278, %and3A_1275, %broadcast_in_dim3A_1490] : memref<16x8x64xf32, #tpu.memory_space<vmem>>[vector<16xi32>, vector<16xi32>, vector<16xi32>], vector<16xf32>,
      %mul3A_1493 = arith.mulf %gather3A_1491, %gather3A_1492 : vector<16xf32>
      %add3A_1494 = arith.addf %add3A_1488, %mul3A_1493 : vector<16xf32>
      %broadcast_in_dim3A_1495 = arith.constant 36 : i32
      %broadcast_in_dim3A_1496 = vector.broadcast %broadcast_in_dim3A_1495 : i32 to vector<16xi32>
      %gather3A_1497 = tpu.vector_load_idx %arg9[%add3A_1278, %and3A_1270, %broadcast_in_dim3A_1496] : memref<16x8x64xf32, #tpu.memory_space<vmem>>[vector<16xi32>, vector<16xi32>, vector<16xi32>], vector<16xf32>,
      %gather3A_1498 = tpu.vector_load_idx %arg10[%add3A_1278, %and3A_1275, %broadcast_in_dim3A_1496] : memref<16x8x64xf32, #tpu.memory_space<vmem>>[vector<16xi32>, vector<16xi32>, vector<16xi32>], vector<16xf32>,
      %mul3A_1499 = arith.mulf %gather3A_1497, %gather3A_1498 : vector<16xf32>
      %add3A_1500 = arith.addf %add3A_1494, %mul3A_1499 : vector<16xf32>
      %broadcast_in_dim3A_1501 = arith.constant 37 : i32
      %broadcast_in_dim3A_1502 = vector.broadcast %broadcast_in_dim3A_1501 : i32 to vector<16xi32>
      %gather3A_1503 = tpu.vector_load_idx %arg9[%add3A_1278, %and3A_1270, %broadcast_in_dim3A_1502] : memref<16x8x64xf32, #tpu.memory_space<vmem>>[vector<16xi32>, vector<16xi32>, vector<16xi32>], vector<16xf32>,
      %gather3A_1504 = tpu.vector_load_idx %arg10[%add3A_1278, %and3A_1275, %broadcast_in_dim3A_1502] : memref<16x8x64xf32, #tpu.memory_space<vmem>>[vector<16xi32>, vector<16xi32>, vector<16xi32>], vector<16xf32>,
      %mul3A_1505 = arith.mulf %gather3A_1503, %gather3A_1504 : vector<16xf32>
      %add3A_1506 = arith.addf %add3A_1500, %mul3A_1505 : vector<16xf32>
      %broadcast_in_dim3A_1507 = arith.constant 38 : i32
      %broadcast_in_dim3A_1508 = vector.broadcast %broadcast_in_dim3A_1507 : i32 to vector<16xi32>
      %gather3A_1509 = tpu.vector_load_idx %arg9[%add3A_1278, %and3A_1270, %broadcast_in_dim3A_1508] : memref<16x8x64xf32, #tpu.memory_space<vmem>>[vector<16xi32>, vector<16xi32>, vector<16xi32>], vector<16xf32>,
      %gather3A_1510 = tpu.vector_load_idx %arg10[%add3A_1278, %and3A_1275, %broadcast_in_dim3A_1508] : memref<16x8x64xf32, #tpu.memory_space<vmem>>[vector<16xi32>, vector<16xi32>, vector<16xi32>], vector<16xf32>,
      %mul3A_1511 = arith.mulf %gather3A_1509, %gather3A_1510 : vector<16xf32>
      %add3A_1512 = arith.addf %add3A_1506, %mul3A_1511 : vector<16xf32>
      %broadcast_in_dim3A_1513 = arith.constant 39 : i32
      %broadcast_in_dim3A_1514 = vector.broadcast %broadcast_in_dim3A_1513 : i32 to vector<16xi32>
      %gather3A_1515 = tpu.vector_load_idx %arg9[%add3A_1278, %and3A_1270, %broadcast_in_dim3A_1514] : memref<16x8x64xf32, #tpu.memory_space<vmem>>[vector<16xi32>, vector<16xi32>, vector<16xi32>], vector<16xf32>,
      %gather3A_1516 = tpu.vector_load_idx %arg10[%add3A_1278, %and3A_1275, %broadcast_in_dim3A_1514] : memref<16x8x64xf32, #tpu.memory_space<vmem>>[vector<16xi32>, vector<16xi32>, vector<16xi32>], vector<16xf32>,
      %mul3A_1517 = arith.mulf %gather3A_1515, %gather3A_1516 : vector<16xf32>
      %add3A_1518 = arith.addf %add3A_1512, %mul3A_1517 : vector<16xf32>
      %broadcast_in_dim3A_1519 = arith.constant 40 : i32
      %broadcast_in_dim3A_1520 = vector.broadcast %broadcast_in_dim3A_1519 : i32 to vector<16xi32>
      %gather3A_1521 = tpu.vector_load_idx %arg9[%add3A_1278, %and3A_1270, %broadcast_in_dim3A_1520] : memref<16x8x64xf32, #tpu.memory_space<vmem>>[vector<16xi32>, vector<16xi32>, vector<16xi32>], vector<16xf32>,
      %gather3A_1522 = tpu.vector_load_idx %arg10[%add3A_1278, %and3A_1275, %broadcast_in_dim3A_1520] : memref<16x8x64xf32, #tpu.memory_space<vmem>>[vector<16xi32>, vector<16xi32>, vector<16xi32>], vector<16xf32>,
      %mul3A_1523 = arith.mulf %gather3A_1521, %gather3A_1522 : vector<16xf32>
      %add3A_1524 = arith.addf %add3A_1518, %mul3A_1523 : vector<16xf32>
      %broadcast_in_dim3A_1525 = arith.constant 41 : i32
      %broadcast_in_dim3A_1526 = vector.broadcast %broadcast_in_dim3A_1525 : i32 to vector<16xi32>
      %gather3A_1527 = tpu.vector_load_idx %arg9[%add3A_1278, %and3A_1270, %broadcast_in_dim3A_1526] : memref<16x8x64xf32, #tpu.memory_space<vmem>>[vector<16xi32>, vector<16xi32>, vector<16xi32>], vector<16xf32>,
      %gather3A_1528 = tpu.vector_load_idx %arg10[%add3A_1278, %and3A_1275, %broadcast_in_dim3A_1526] : memref<16x8x64xf32, #tpu.memory_space<vmem>>[vector<16xi32>, vector<16xi32>, vector<16xi32>], vector<16xf32>,
      %mul3A_1529 = arith.mulf %gather3A_1527, %gather3A_1528 : vector<16xf32>
      %add3A_1530 = arith.addf %add3A_1524, %mul3A_1529 : vector<16xf32>
      %broadcast_in_dim3A_1531 = arith.constant 42 : i32
      %broadcast_in_dim3A_1532 = vector.broadcast %broadcast_in_dim3A_1531 : i32 to vector<16xi32>
      %gather3A_1533 = tpu.vector_load_idx %arg9[%add3A_1278, %and3A_1270, %broadcast_in_dim3A_1532] : memref<16x8x64xf32, #tpu.memory_space<vmem>>[vector<16xi32>, vector<16xi32>, vector<16xi32>], vector<16xf32>,
      %gather3A_1534 = tpu.vector_load_idx %arg10[%add3A_1278, %and3A_1275, %broadcast_in_dim3A_1532] : memref<16x8x64xf32, #tpu.memory_space<vmem>>[vector<16xi32>, vector<16xi32>, vector<16xi32>], vector<16xf32>,
      %mul3A_1535 = arith.mulf %gather3A_1533, %gather3A_1534 : vector<16xf32>
      %add3A_1536 = arith.addf %add3A_1530, %mul3A_1535 : vector<16xf32>
      %broadcast_in_dim3A_1537 = arith.constant 43 : i32
      %broadcast_in_dim3A_1538 = vector.broadcast %broadcast_in_dim3A_1537 : i32 to vector<16xi32>
      %gather3A_1539 = tpu.vector_load_idx %arg9[%add3A_1278, %and3A_1270, %broadcast_in_dim3A_1538] : memref<16x8x64xf32, #tpu.memory_space<vmem>>[vector<16xi32>, vector<16xi32>, vector<16xi32>], vector<16xf32>,
      %gather3A_1540 = tpu.vector_load_idx %arg10[%add3A_1278, %and3A_1275, %broadcast_in_dim3A_1538] : memref<16x8x64xf32, #tpu.memory_space<vmem>>[vector<16xi32>, vector<16xi32>, vector<16xi32>], vector<16xf32>,
      %mul3A_1541 = arith.mulf %gather3A_1539, %gather3A_1540 : vector<16xf32>
      %add3A_1542 = arith.addf %add3A_1536, %mul3A_1541 : vector<16xf32>
      %broadcast_in_dim3A_1543 = arith.constant 44 : i32
      %broadcast_in_dim3A_1544 = vector.broadcast %broadcast_in_dim3A_1543 : i32 to vector<16xi32>
      %gather3A_1545 = tpu.vector_load_idx %arg9[%add3A_1278, %and3A_1270, %broadcast_in_dim3A_1544] : memref<16x8x64xf32, #tpu.memory_space<vmem>>[vector<16xi32>, vector<16xi32>, vector<16xi32>], vector<16xf32>,
      %gather3A_1546 = tpu.vector_load_idx %arg10[%add3A_1278, %and3A_1275, %broadcast_in_dim3A_1544] : memref<16x8x64xf32, #tpu.memory_space<vmem>>[vector<16xi32>, vector<16xi32>, vector<16xi32>], vector<16xf32>,
      %mul3A_1547 = arith.mulf %gather3A_1545, %gather3A_1546 : vector<16xf32>
      %add3A_1548 = arith.addf %add3A_1542, %mul3A_1547 : vector<16xf32>
      %broadcast_in_dim3A_1549 = arith.constant 45 : i32
      %broadcast_in_dim3A_1550 = vector.broadcast %broadcast_in_dim3A_1549 : i32 to vector<16xi32>
      %gather3A_1551 = tpu.vector_load_idx %arg9[%add3A_1278, %and3A_1270, %broadcast_in_dim3A_1550] : memref<16x8x64xf32, #tpu.memory_space<vmem>>[vector<16xi32>, vector<16xi32>, vector<16xi32>], vector<16xf32>,
      %gather3A_1552 = tpu.vector_load_idx %arg10[%add3A_1278, %and3A_1275, %broadcast_in_dim3A_1550] : memref<16x8x64xf32, #tpu.memory_space<vmem>>[vector<16xi32>, vector<16xi32>, vector<16xi32>], vector<16xf32>,
      %mul3A_1553 = arith.mulf %gather3A_1551, %gather3A_1552 : vector<16xf32>
      %add3A_1554 = arith.addf %add3A_1548, %mul3A_1553 : vector<16xf32>
      %broadcast_in_dim3A_1555 = arith.constant 46 : i32
      %broadcast_in_dim3A_1556 = vector.broadcast %broadcast_in_dim3A_1555 : i32 to vector<16xi32>
      %gather3A_1557 = tpu.vector_load_idx %arg9[%add3A_1278, %and3A_1270, %broadcast_in_dim3A_1556] : memref<16x8x64xf32, #tpu.memory_space<vmem>>[vector<16xi32>, vector<16xi32>, vector<16xi32>], vector<16xf32>,
      %gather3A_1558 = tpu.vector_load_idx %arg10[%add3A_1278, %and3A_1275, %broadcast_in_dim3A_1556] : memref<16x8x64xf32, #tpu.memory_space<vmem>>[vector<16xi32>, vector<16xi32>, vector<16xi32>], vector<16xf32>,
      %mul3A_1559 = arith.mulf %gather3A_1557, %gather3A_1558 : vector<16xf32>
      %add3A_1560 = arith.addf %add3A_1554, %mul3A_1559 : vector<16xf32>
      %broadcast_in_dim3A_1561 = arith.constant 47 : i32
      %broadcast_in_dim3A_1562 = vector.broadcast %broadcast_in_dim3A_1561 : i32 to vector<16xi32>
      %gather3A_1563 = tpu.vector_load_idx %arg9[%add3A_1278, %and3A_1270, %broadcast_in_dim3A_1562] : memref<16x8x64xf32, #tpu.memory_space<vmem>>[vector<16xi32>, vector<16xi32>, vector<16xi32>], vector<16xf32>,
      %gather3A_1564 = tpu.vector_load_idx %arg10[%add3A_1278, %and3A_1275, %broadcast_in_dim3A_1562] : memref<16x8x64xf32, #tpu.memory_space<vmem>>[vector<16xi32>, vector<16xi32>, vector<16xi32>], vector<16xf32>,
      %mul3A_1565 = arith.mulf %gather3A_1563, %gather3A_1564 : vector<16xf32>
      %add3A_1566 = arith.addf %add3A_1560, %mul3A_1565 : vector<16xf32>
      %broadcast_in_dim3A_1567 = arith.constant 48 : i32
      %broadcast_in_dim3A_1568 = vector.broadcast %broadcast_in_dim3A_1567 : i32 to vector<16xi32>
      %gather3A_1569 = tpu.vector_load_idx %arg9[%add3A_1278, %and3A_1270, %broadcast_in_dim3A_1568] : memref<16x8x64xf32, #tpu.memory_space<vmem>>[vector<16xi32>, vector<16xi32>, vector<16xi32>], vector<16xf32>,
      %gather3A_1570 = tpu.vector_load_idx %arg10[%add3A_1278, %and3A_1275, %broadcast_in_dim3A_1568] : memref<16x8x64xf32, #tpu.memory_space<vmem>>[vector<16xi32>, vector<16xi32>, vector<16xi32>], vector<16xf32>,
      %mul3A_1571 = arith.mulf %gather3A_1569, %gather3A_1570 : vector<16xf32>
      %add3A_1572 = arith.addf %add3A_1566, %mul3A_1571 : vector<16xf32>
      %broadcast_in_dim3A_1573 = arith.constant 49 : i32
      %broadcast_in_dim3A_1574 = vector.broadcast %broadcast_in_dim3A_1573 : i32 to vector<16xi32>
      %gather3A_1575 = tpu.vector_load_idx %arg9[%add3A_1278, %and3A_1270, %broadcast_in_dim3A_1574] : memref<16x8x64xf32, #tpu.memory_space<vmem>>[vector<16xi32>, vector<16xi32>, vector<16xi32>], vector<16xf32>,
      %gather3A_1576 = tpu.vector_load_idx %arg10[%add3A_1278, %and3A_1275, %broadcast_in_dim3A_1574] : memref<16x8x64xf32, #tpu.memory_space<vmem>>[vector<16xi32>, vector<16xi32>, vector<16xi32>], vector<16xf32>,
      %mul3A_1577 = arith.mulf %gather3A_1575, %gather3A_1576 : vector<16xf32>
      %add3A_1578 = arith.addf %add3A_1572, %mul3A_1577 : vector<16xf32>
      %broadcast_in_dim3A_1579 = arith.constant 50 : i32
      %broadcast_in_dim3A_1580 = vector.broadcast %broadcast_in_dim3A_1579 : i32 to vector<16xi32>
      %gather3A_1581 = tpu.vector_load_idx %arg9[%add3A_1278, %and3A_1270, %broadcast_in_dim3A_1580] : memref<16x8x64xf32, #tpu.memory_space<vmem>>[vector<16xi32>, vector<16xi32>, vector<16xi32>], vector<16xf32>,
      %gather3A_1582 = tpu.vector_load_idx %arg10[%add3A_1278, %and3A_1275, %broadcast_in_dim3A_1580] : memref<16x8x64xf32, #tpu.memory_space<vmem>>[vector<16xi32>, vector<16xi32>, vector<16xi32>], vector<16xf32>,
      %mul3A_1583 = arith.mulf %gather3A_1581, %gather3A_1582 : vector<16xf32>
      %add3A_1584 = arith.addf %add3A_1578, %mul3A_1583 : vector<16xf32>
      %broadcast_in_dim3A_1585 = arith.constant 51 : i32
      %broadcast_in_dim3A_1586 = vector.broadcast %broadcast_in_dim3A_1585 : i32 to vector<16xi32>
      %gather3A_1587 = tpu.vector_load_idx %arg9[%add3A_1278, %and3A_1270, %broadcast_in_dim3A_1586] : memref<16x8x64xf32, #tpu.memory_space<vmem>>[vector<16xi32>, vector<16xi32>, vector<16xi32>], vector<16xf32>,
      %gather3A_1588 = tpu.vector_load_idx %arg10[%add3A_1278, %and3A_1275, %broadcast_in_dim3A_1586] : memref<16x8x64xf32, #tpu.memory_space<vmem>>[vector<16xi32>, vector<16xi32>, vector<16xi32>], vector<16xf32>,
      %mul3A_1589 = arith.mulf %gather3A_1587, %gather3A_1588 : vector<16xf32>
      %add3A_1590 = arith.addf %add3A_1584, %mul3A_1589 : vector<16xf32>
      %broadcast_in_dim3A_1591 = arith.constant 52 : i32
      %broadcast_in_dim3A_1592 = vector.broadcast %broadcast_in_dim3A_1591 : i32 to vector<16xi32>
      %gather3A_1593 = tpu.vector_load_idx %arg9[%add3A_1278, %and3A_1270, %broadcast_in_dim3A_1592] : memref<16x8x64xf32, #tpu.memory_space<vmem>>[vector<16xi32>, vector<16xi32>, vector<16xi32>], vector<16xf32>,
      %gather3A_1594 = tpu.vector_load_idx %arg10[%add3A_1278, %and3A_1275, %broadcast_in_dim3A_1592] : memref<16x8x64xf32, #tpu.memory_space<vmem>>[vector<16xi32>, vector<16xi32>, vector<16xi32>], vector<16xf32>,
      %mul3A_1595 = arith.mulf %gather3A_1593, %gather3A_1594 : vector<16xf32>
      %add3A_1596 = arith.addf %add3A_1590, %mul3A_1595 : vector<16xf32>
      %broadcast_in_dim3A_1597 = arith.constant 53 : i32
      %broadcast_in_dim3A_1598 = vector.broadcast %broadcast_in_dim3A_1597 : i32 to vector<16xi32>
      %gather3A_1599 = tpu.vector_load_idx %arg9[%add3A_1278, %and3A_1270, %broadcast_in_dim3A_1598] : memref<16x8x64xf32, #tpu.memory_space<vmem>>[vector<16xi32>, vector<16xi32>, vector<16xi32>], vector<16xf32>,
      %gather3A_1600 = tpu.vector_load_idx %arg10[%add3A_1278, %and3A_1275, %broadcast_in_dim3A_1598] : memref<16x8x64xf32, #tpu.memory_space<vmem>>[vector<16xi32>, vector<16xi32>, vector<16xi32>], vector<16xf32>,
      %mul3A_1601 = arith.mulf %gather3A_1599, %gather3A_1600 : vector<16xf32>
      %add3A_1602 = arith.addf %add3A_1596, %mul3A_1601 : vector<16xf32>
      %broadcast_in_dim3A_1603 = arith.constant 54 : i32
      %broadcast_in_dim3A_1604 = vector.broadcast %broadcast_in_dim3A_1603 : i32 to vector<16xi32>
      %gather3A_1605 = tpu.vector_load_idx %arg9[%add3A_1278, %and3A_1270, %broadcast_in_dim3A_1604] : memref<16x8x64xf32, #tpu.memory_space<vmem>>[vector<16xi32>, vector<16xi32>, vector<16xi32>], vector<16xf32>,
      %gather3A_1606 = tpu.vector_load_idx %arg10[%add3A_1278, %and3A_1275, %broadcast_in_dim3A_1604] : memref<16x8x64xf32, #tpu.memory_space<vmem>>[vector<16xi32>, vector<16xi32>, vector<16xi32>], vector<16xf32>,
      %mul3A_1607 = arith.mulf %gather3A_1605, %gather3A_1606 : vector<16xf32>
      %add3A_1608 = arith.addf %add3A_1602, %mul3A_1607 : vector<16xf32>
      %broadcast_in_dim3A_1609 = arith.constant 55 : i32
      %broadcast_in_dim3A_1610 = vector.broadcast %broadcast_in_dim3A_1609 : i32 to vector<16xi32>
      %gather3A_1611 = tpu.vector_load_idx %arg9[%add3A_1278, %and3A_1270, %broadcast_in_dim3A_1610] : memref<16x8x64xf32, #tpu.memory_space<vmem>>[vector<16xi32>, vector<16xi32>, vector<16xi32>], vector<16xf32>,
      %gather3A_1612 = tpu.vector_load_idx %arg10[%add3A_1278, %and3A_1275, %broadcast_in_dim3A_1610] : memref<16x8x64xf32, #tpu.memory_space<vmem>>[vector<16xi32>, vector<16xi32>, vector<16xi32>], vector<16xf32>,
      %mul3A_1613 = arith.mulf %gather3A_1611, %gather3A_1612 : vector<16xf32>
      %add3A_1614 = arith.addf %add3A_1608, %mul3A_1613 : vector<16xf32>
      %broadcast_in_dim3A_1615 = arith.constant 56 : i32
      %broadcast_in_dim3A_1616 = vector.broadcast %broadcast_in_dim3A_1615 : i32 to vector<16xi32>
      %gather3A_1617 = tpu.vector_load_idx %arg9[%add3A_1278, %and3A_1270, %broadcast_in_dim3A_1616] : memref<16x8x64xf32, #tpu.memory_space<vmem>>[vector<16xi32>, vector<16xi32>, vector<16xi32>], vector<16xf32>,
      %gather3A_1618 = tpu.vector_load_idx %arg10[%add3A_1278, %and3A_1275, %broadcast_in_dim3A_1616] : memref<16x8x64xf32, #tpu.memory_space<vmem>>[vector<16xi32>, vector<16xi32>, vector<16xi32>], vector<16xf32>,
      %mul3A_1619 = arith.mulf %gather3A_1617, %gather3A_1618 : vector<16xf32>
      %add3A_1620 = arith.addf %add3A_1614, %mul3A_1619 : vector<16xf32>
      %broadcast_in_dim3A_1621 = arith.constant 57 : i32
      %broadcast_in_dim3A_1622 = vector.broadcast %broadcast_in_dim3A_1621 : i32 to vector<16xi32>
      %gather3A_1623 = tpu.vector_load_idx %arg9[%add3A_1278, %and3A_1270, %broadcast_in_dim3A_1622] : memref<16x8x64xf32, #tpu.memory_space<vmem>>[vector<16xi32>, vector<16xi32>, vector<16xi32>], vector<16xf32>,
      %gather3A_1624 = tpu.vector_load_idx %arg10[%add3A_1278, %and3A_1275, %broadcast_in_dim3A_1622] : memref<16x8x64xf32, #tpu.memory_space<vmem>>[vector<16xi32>, vector<16xi32>, vector<16xi32>], vector<16xf32>,
      %mul3A_1625 = arith.mulf %gather3A_1623, %gather3A_1624 : vector<16xf32>
      %add3A_1626 = arith.addf %add3A_1620, %mul3A_1625 : vector<16xf32>
      %broadcast_in_dim3A_1627 = arith.constant 58 : i32
      %broadcast_in_dim3A_1628 = vector.broadcast %broadcast_in_dim3A_1627 : i32 to vector<16xi32>
      %gather3A_1629 = tpu.vector_load_idx %arg9[%add3A_1278, %and3A_1270, %broadcast_in_dim3A_1628] : memref<16x8x64xf32, #tpu.memory_space<vmem>>[vector<16xi32>, vector<16xi32>, vector<16xi32>], vector<16xf32>,
      %gather3A_1630 = tpu.vector_load_idx %arg10[%add3A_1278, %and3A_1275, %broadcast_in_dim3A_1628] : memref<16x8x64xf32, #tpu.memory_space<vmem>>[vector<16xi32>, vector<16xi32>, vector<16xi32>], vector<16xf32>,
      %mul3A_1631 = arith.mulf %gather3A_1629, %gather3A_1630 : vector<16xf32>
      %add3A_1632 = arith.addf %add3A_1626, %mul3A_1631 : vector<16xf32>
      %broadcast_in_dim3A_1633 = arith.constant 59 : i32
      %broadcast_in_dim3A_1634 = vector.broadcast %broadcast_in_dim3A_1633 : i32 to vector<16xi32>
      %gather3A_1635 = tpu.vector_load_idx %arg9[%add3A_1278, %and3A_1270, %broadcast_in_dim3A_1634] : memref<16x8x64xf32, #tpu.memory_space<vmem>>[vector<16xi32>, vector<16xi32>, vector<16xi32>], vector<16xf32>,
      %gather3A_1636 = tpu.vector_load_idx %arg10[%add3A_1278, %and3A_1275, %broadcast_in_dim3A_1634] : memref<16x8x64xf32, #tpu.memory_space<vmem>>[vector<16xi32>, vector<16xi32>, vector<16xi32>], vector<16xf32>,
      %mul3A_1637 = arith.mulf %gather3A_1635, %gather3A_1636 : vector<16xf32>
      %add3A_1638 = arith.addf %add3A_1632, %mul3A_1637 : vector<16xf32>
      %broadcast_in_dim3A_1639 = arith.constant 60 : i32
      %broadcast_in_dim3A_1640 = vector.broadcast %broadcast_in_dim3A_1639 : i32 to vector<16xi32>
      %gather3A_1641 = tpu.vector_load_idx %arg9[%add3A_1278, %and3A_1270, %broadcast_in_dim3A_1640] : memref<16x8x64xf32, #tpu.memory_space<vmem>>[vector<16xi32>, vector<16xi32>, vector<16xi32>], vector<16xf32>,
      %gather3A_1642 = tpu.vector_load_idx %arg10[%add3A_1278, %and3A_1275, %broadcast_in_dim3A_1640] : memref<16x8x64xf32, #tpu.memory_space<vmem>>[vector<16xi32>, vector<16xi32>, vector<16xi32>], vector<16xf32>,
      %mul3A_1643 = arith.mulf %gather3A_1641, %gather3A_1642 : vector<16xf32>
      %add3A_1644 = arith.addf %add3A_1638, %mul3A_1643 : vector<16xf32>
      %broadcast_in_dim3A_1645 = arith.constant 61 : i32
      %broadcast_in_dim3A_1646 = vector.broadcast %broadcast_in_dim3A_1645 : i32 to vector<16xi32>
      %gather3A_1647 = tpu.vector_load_idx %arg9[%add3A_1278, %and3A_1270, %broadcast_in_dim3A_1646] : memref<16x8x64xf32, #tpu.memory_space<vmem>>[vector<16xi32>, vector<16xi32>, vector<16xi32>], vector<16xf32>,
      %gather3A_1648 = tpu.vector_load_idx %arg10[%add3A_1278, %and3A_1275, %broadcast_in_dim3A_1646] : memref<16x8x64xf32, #tpu.memory_space<vmem>>[vector<16xi32>, vector<16xi32>, vector<16xi32>], vector<16xf32>,
      %mul3A_1649 = arith.mulf %gather3A_1647, %gather3A_1648 : vector<16xf32>
      %add3A_1650 = arith.addf %add3A_1644, %mul3A_1649 : vector<16xf32>
      %broadcast_in_dim3A_1651 = arith.constant 62 : i32
      %broadcast_in_dim3A_1652 = vector.broadcast %broadcast_in_dim3A_1651 : i32 to vector<16xi32>
      %gather3A_1653 = tpu.vector_load_idx %arg9[%add3A_1278, %and3A_1270, %broadcast_in_dim3A_1652] : memref<16x8x64xf32, #tpu.memory_space<vmem>>[vector<16xi32>, vector<16xi32>, vector<16xi32>], vector<16xf32>,
      %gather3A_1654 = tpu.vector_load_idx %arg10[%add3A_1278, %and3A_1275, %broadcast_in_dim3A_1652] : memref<16x8x64xf32, #tpu.memory_space<vmem>>[vector<16xi32>, vector<16xi32>, vector<16xi32>], vector<16xf32>,
      %mul3A_1655 = arith.mulf %gather3A_1653, %gather3A_1654 : vector<16xf32>
      %add3A_1656 = arith.addf %add3A_1650, %mul3A_1655 : vector<16xf32>
      %broadcast_in_dim3A_1657 = arith.constant 63 : i32
      %broadcast_in_dim3A_1658 = vector.broadcast %broadcast_in_dim3A_1657 : i32 to vector<16xi32>
      %gather3A_1659 = tpu.vector_load_idx %arg9[%add3A_1278, %and3A_1270, %broadcast_in_dim3A_1658] : memref<16x8x64xf32, #tpu.memory_space<vmem>>[vector<16xi32>, vector<16xi32>, vector<16xi32>], vector<16xf32>,
      %gather3A_1660 = tpu.vector_load_idx %arg10[%add3A_1278, %and3A_1275, %broadcast_in_dim3A_1658] : memref<16x8x64xf32, #tpu.memory_space<vmem>>[vector<16xi32>, vector<16xi32>, vector<16xi32>], vector<16xf32>,
      %mul3A_1661 = arith.mulf %gather3A_1659, %gather3A_1660 : vector<16xf32>
      %add3A_1662 = arith.addf %add3A_1656, %mul3A_1661 : vector<16xf32>
      %mul3A_1663 = arith.constant 16 : i32
      %mul3A_1664 = arith.muli %mul3A_623, %mul3A_1663 : i32
      %add3A_1665 = arith.constant 0 : i32
      %add3A_1666 = arith.addi %mul3A_1664, %add3A_1665 : i32
      %swap3A = arith.index_cast %add3A_1666 : i32 to index
      %swap3A_1667 = tpu.vector_load %arg13[%swap3A] {strides = array<i32>} : memref<512xf32, #tpu.memory_space<vmem>>, vector<16xf32>,
      tpu.vector_store %arg13[%swap3A], %add3A_1662 {strides = array<i32>} : memref<512xf32, #tpu.memory_space<vmem>>, vector<16xf32>,
      %lt3A = arith.constant 15 : i32
      %lt3A_1668 = arith.cmpi slt, %scan3A_621, %lt3A : i32
      %convert_element_type3A = arith.extui %lt3A_1668 : i1 to i32
      %cond3A = arith.constant 0 : i32
      %cond3A_1669 = arith.cmpi ne, %convert_element_type3A, %cond3A : i32
      scf.if %cond3A_1669 {
        %add3A_2098 = arith.constant 2 : i32
        %add3A_2099 = arith.addi %mul3A_623, %add3A_2098 : i32
        %mul3A_2100 = arith.constant 16 : i32
        %mul3A_2101 = arith.muli %add3A_2099, %mul3A_2100 : i32
        %add3A_2102 = arith.constant 0 : i32
        %add3A_2103 = arith.addi %mul3A_2101, %add3A_2102 : i32
        %get3A_2104 = arith.index_cast %add3A_2103 : i32 to index
        %get3A_2105 = tpu.vector_load %arg7[%get3A_2104] {strides = array<i32>} : memref<512xi32, #tpu.memory_space<vmem>>, vector<16xi32>,
        %shift_right_logical3A_2106 = arith.constant 3 : i32
        %shift_right_logical3A_2107 = vector.broadcast %shift_right_logical3A_2106 : i32 to vector<16xi32>
        %shift_right_logical3A_2108 = arith.shrui %get3A_2105, %shift_right_logical3A_2107 : vector<16xi32>
        %get3A_2109 = arith.index_cast %add3A_2103 : i32 to index
        %get3A_2110 = tpu.vector_load %arg8[%get3A_2109] {strides = array<i32>} : memref<512xi32, #tpu.memory_space<vmem>>, vector<16xi32>,
        %shift_right_logical3A_2111 = arith.constant 3 : i32
        %shift_right_logical3A_2112 = vector.broadcast %shift_right_logical3A_2111 : i32 to vector<16xi32>
        %shift_right_logical3A_2113 = arith.shrui %get3A_2110, %shift_right_logical3A_2112 : vector<16xi32>
        %slice3A_2114 = vector.extract_strided_slice %shift_right_logical3A_2108 {offsets = [0], sizes = [1], strides = [1]} : vector<16xi32> to vector<1xi32>
        %squeeze3A_2115 = vector.extract %slice3A_2114[0] : i32 from vector<1xi32>
        %dma_start3A_2116 = arith.constant 0 : i32
        %dma_start3A_2117 = arith.constant 0 : i32
        %dma_start3A_2118 = arith.constant 0 : i32
        %dma_start3A_2119 = tpu.memref_slice %arg9[%dma_start3A_2116, %dma_start3A_2117, %dma_start3A_2118] : memref<16x8x64xf32, #tpu.memory_space<vmem>> -> memref<1x8x64xf32, #tpu.memory_space<vmem>>
        %dma_start3A_2120 = tpu.memref_squeeze %dma_start3A_2119 : memref<1x8x64xf32, #tpu.memory_space<vmem>> -> memref<8x64xf32, #tpu.memory_space<vmem>>
        %dma_start3A_2121 = arith.constant 0 : i32
        %dma_start3A_2122 = arith.constant 0 : i32
        %dma_start3A_2123 = tpu.memref_slice %arg4[%squeeze3A_2115, %dma_start3A_2121, %dma_start3A_2122] : memref<125000x8x64xf32, #tpu.memory_space<hbm>> -> memref<1x8x64xf32, #tpu.memory_space<hbm>>
        %dma_start3A_2124 = tpu.memref_squeeze %dma_start3A_2123 : memref<1x8x64xf32, #tpu.memory_space<hbm>> -> memref<8x64xf32, #tpu.memory_space<hbm>>
        %dma_start3A_2125 = arith.constant 0 : i32
        %dma_start3A_2126 = arith.constant 0 : i32
        %dma_start3A_2127 = tpu.memref_slice %arg9[%dma_start3A_2116, %dma_start3A_2125, %dma_start3A_2126] : memref<16x8x64xf32, #tpu.memory_space<vmem>> -> memref<1x8x64xf32, #tpu.memory_space<vmem>>
        %dma_start3A_2128 = tpu.memref_squeeze %dma_start3A_2127 : memref<1x8x64xf32, #tpu.memory_space<vmem>> -> memref<8x64xf32, #tpu.memory_space<vmem>>
        %dma_start3A_2129 = arith.constant 0 : i32
        %dma_start3A_2130 = arith.constant 0 : i32
        %dma_start3A_2131 = tpu.memref_slice %arg4[%squeeze3A_2115, %dma_start3A_2129, %dma_start3A_2130] : memref<125000x8x64xf32, #tpu.memory_space<hbm>> -> memref<1x8x64xf32, #tpu.memory_space<hbm>>
        %dma_start3A_2132 = tpu.memref_squeeze %dma_start3A_2131 : memref<1x8x64xf32, #tpu.memory_space<hbm>> -> memref<8x64xf32, #tpu.memory_space<hbm>>
        tpu.enqueue_dma source(%dma_start3A_2132 : memref<8x64xf32, #tpu.memory_space<hbm>>) target(%dma_start3A_2128 : memref<8x64xf32, #tpu.memory_space<vmem>>) target_semaphore(%arg14 : memref<!tpu.dma_semaphore, #tpu.memory_space<semaphore_mem>>)
        %slice3A_2133 = vector.extract_strided_slice %shift_right_logical3A_2113 {offsets = [0], sizes = [1], strides = [1]} : vector<16xi32> to vector<1xi32>
        %squeeze3A_2134 = vector.extract %slice3A_2133[0] : i32 from vector<1xi32>
        %dma_start3A_2135 = arith.constant 0 : i32
        %dma_start3A_2136 = arith.constant 0 : i32
        %dma_start3A_2137 = arith.constant 0 : i32
        %dma_start3A_2138 = tpu.memref_slice %arg10[%dma_start3A_2135, %dma_start3A_2136, %dma_start3A_2137] : memref<16x8x64xf32, #tpu.memory_space<vmem>> -> memref<1x8x64xf32, #tpu.memory_space<vmem>>
        %dma_start3A_2139 = tpu.memref_squeeze %dma_start3A_2138 : memref<1x8x64xf32, #tpu.memory_space<vmem>> -> memref<8x64xf32, #tpu.memory_space<vmem>>
        %dma_start3A_2140 = arith.constant 0 : i32
        %dma_start3A_2141 = arith.constant 0 : i32
        %dma_start3A_2142 = tpu.memref_slice %arg5[%squeeze3A_2134, %dma_start3A_2140, %dma_start3A_2141] : memref<125000x8x64xf32, #tpu.memory_space<hbm>> -> memref<1x8x64xf32, #tpu.memory_space<hbm>>
        %dma_start3A_2143 = tpu.memref_squeeze %dma_start3A_2142 : memref<1x8x64xf32, #tpu.memory_space<hbm>> -> memref<8x64xf32, #tpu.memory_space<hbm>>
        %dma_start3A_2144 = arith.constant 0 : i32
        %dma_start3A_2145 = arith.constant 0 : i32
        %dma_start3A_2146 = tpu.memref_slice %arg10[%dma_start3A_2135, %dma_start3A_2144, %dma_start3A_2145] : memref<16x8x64xf32, #tpu.memory_space<vmem>> -> memref<1x8x64xf32, #tpu.memory_space<vmem>>
        %dma_start3A_2147 = tpu.memref_squeeze %dma_start3A_2146 : memref<1x8x64xf32, #tpu.memory_space<vmem>> -> memref<8x64xf32, #tpu.memory_space<vmem>>
        %dma_start3A_2148 = arith.constant 0 : i32
        %dma_start3A_2149 = arith.constant 0 : i32
        %dma_start3A_2150 = tpu.memref_slice %arg5[%squeeze3A_2134, %dma_start3A_2148, %dma_start3A_2149] : memref<125000x8x64xf32, #tpu.memory_space<hbm>> -> memref<1x8x64xf32, #tpu.memory_space<hbm>>
        %dma_start3A_2151 = tpu.memref_squeeze %dma_start3A_2150 : memref<1x8x64xf32, #tpu.memory_space<hbm>> -> memref<8x64xf32, #tpu.memory_space<hbm>>
        tpu.enqueue_dma source(%dma_start3A_2151 : memref<8x64xf32, #tpu.memory_space<hbm>>) target(%dma_start3A_2147 : memref<8x64xf32, #tpu.memory_space<vmem>>) target_semaphore(%arg15 : memref<!tpu.dma_semaphore, #tpu.memory_space<semaphore_mem>>)
        %slice3A_2152 = vector.extract_strided_slice %shift_right_logical3A_2108 {offsets = [1], sizes = [1], strides = [1]} : vector<16xi32> to vector<1xi32>
        %squeeze3A_2153 = vector.extract %slice3A_2152[0] : i32 from vector<1xi32>
        %dma_start3A_2154 = arith.constant 1 : i32
        %dma_start3A_2155 = arith.constant 0 : i32
        %dma_start3A_2156 = arith.constant 0 : i32
        %dma_start3A_2157 = tpu.memref_slice %arg9[%dma_start3A_2154, %dma_start3A_2155, %dma_start3A_2156] : memref<16x8x64xf32, #tpu.memory_space<vmem>> -> memref<1x8x64xf32, #tpu.memory_space<vmem>>
        %dma_start3A_2158 = tpu.memref_squeeze %dma_start3A_2157 : memref<1x8x64xf32, #tpu.memory_space<vmem>> -> memref<8x64xf32, #tpu.memory_space<vmem>>
        %dma_start3A_2159 = arith.constant 0 : i32
        %dma_start3A_2160 = arith.constant 0 : i32
        %dma_start3A_2161 = tpu.memref_slice %arg4[%squeeze3A_2153, %dma_start3A_2159, %dma_start3A_2160] : memref<125000x8x64xf32, #tpu.memory_space<hbm>> -> memref<1x8x64xf32, #tpu.memory_space<hbm>>
        %dma_start3A_2162 = tpu.memref_squeeze %dma_start3A_2161 : memref<1x8x64xf32, #tpu.memory_space<hbm>> -> memref<8x64xf32, #tpu.memory_space<hbm>>
        %dma_start3A_2163 = arith.constant 0 : i32
        %dma_start3A_2164 = arith.constant 0 : i32
        %dma_start3A_2165 = tpu.memref_slice %arg9[%dma_start3A_2154, %dma_start3A_2163, %dma_start3A_2164] : memref<16x8x64xf32, #tpu.memory_space<vmem>> -> memref<1x8x64xf32, #tpu.memory_space<vmem>>
        %dma_start3A_2166 = tpu.memref_squeeze %dma_start3A_2165 : memref<1x8x64xf32, #tpu.memory_space<vmem>> -> memref<8x64xf32, #tpu.memory_space<vmem>>
        %dma_start3A_2167 = arith.constant 0 : i32
        %dma_start3A_2168 = arith.constant 0 : i32
        %dma_start3A_2169 = tpu.memref_slice %arg4[%squeeze3A_2153, %dma_start3A_2167, %dma_start3A_2168] : memref<125000x8x64xf32, #tpu.memory_space<hbm>> -> memref<1x8x64xf32, #tpu.memory_space<hbm>>
        %dma_start3A_2170 = tpu.memref_squeeze %dma_start3A_2169 : memref<1x8x64xf32, #tpu.memory_space<hbm>> -> memref<8x64xf32, #tpu.memory_space<hbm>>
        tpu.enqueue_dma source(%dma_start3A_2170 : memref<8x64xf32, #tpu.memory_space<hbm>>) target(%dma_start3A_2166 : memref<8x64xf32, #tpu.memory_space<vmem>>) target_semaphore(%arg14 : memref<!tpu.dma_semaphore, #tpu.memory_space<semaphore_mem>>)
        %slice3A_2171 = vector.extract_strided_slice %shift_right_logical3A_2113 {offsets = [1], sizes = [1], strides = [1]} : vector<16xi32> to vector<1xi32>
        %squeeze3A_2172 = vector.extract %slice3A_2171[0] : i32 from vector<1xi32>
        %dma_start3A_2173 = arith.constant 1 : i32
        %dma_start3A_2174 = arith.constant 0 : i32
        %dma_start3A_2175 = arith.constant 0 : i32
        %dma_start3A_2176 = tpu.memref_slice %arg10[%dma_start3A_2173, %dma_start3A_2174, %dma_start3A_2175] : memref<16x8x64xf32, #tpu.memory_space<vmem>> -> memref<1x8x64xf32, #tpu.memory_space<vmem>>
        %dma_start3A_2177 = tpu.memref_squeeze %dma_start3A_2176 : memref<1x8x64xf32, #tpu.memory_space<vmem>> -> memref<8x64xf32, #tpu.memory_space<vmem>>
        %dma_start3A_2178 = arith.constant 0 : i32
        %dma_start3A_2179 = arith.constant 0 : i32
        %dma_start3A_2180 = tpu.memref_slice %arg5[%squeeze3A_2172, %dma_start3A_2178, %dma_start3A_2179] : memref<125000x8x64xf32, #tpu.memory_space<hbm>> -> memref<1x8x64xf32, #tpu.memory_space<hbm>>
        %dma_start3A_2181 = tpu.memref_squeeze %dma_start3A_2180 : memref<1x8x64xf32, #tpu.memory_space<hbm>> -> memref<8x64xf32, #tpu.memory_space<hbm>>
        %dma_start3A_2182 = arith.constant 0 : i32
        %dma_start3A_2183 = arith.constant 0 : i32
        %dma_start3A_2184 = tpu.memref_slice %arg10[%dma_start3A_2173, %dma_start3A_2182, %dma_start3A_2183] : memref<16x8x64xf32, #tpu.memory_space<vmem>> -> memref<1x8x64xf32, #tpu.memory_space<vmem>>
        %dma_start3A_2185 = tpu.memref_squeeze %dma_start3A_2184 : memref<1x8x64xf32, #tpu.memory_space<vmem>> -> memref<8x64xf32, #tpu.memory_space<vmem>>
        %dma_start3A_2186 = arith.constant 0 : i32
        %dma_start3A_2187 = arith.constant 0 : i32
        %dma_start3A_2188 = tpu.memref_slice %arg5[%squeeze3A_2172, %dma_start3A_2186, %dma_start3A_2187] : memref<125000x8x64xf32, #tpu.memory_space<hbm>> -> memref<1x8x64xf32, #tpu.memory_space<hbm>>
        %dma_start3A_2189 = tpu.memref_squeeze %dma_start3A_2188 : memref<1x8x64xf32, #tpu.memory_space<hbm>> -> memref<8x64xf32, #tpu.memory_space<hbm>>
        tpu.enqueue_dma source(%dma_start3A_2189 : memref<8x64xf32, #tpu.memory_space<hbm>>) target(%dma_start3A_2185 : memref<8x64xf32, #tpu.memory_space<vmem>>) target_semaphore(%arg15 : memref<!tpu.dma_semaphore, #tpu.memory_space<semaphore_mem>>)
        %slice3A_2190 = vector.extract_strided_slice %shift_right_logical3A_2108 {offsets = [2], sizes = [1], strides = [1]} : vector<16xi32> to vector<1xi32>
        %squeeze3A_2191 = vector.extract %slice3A_2190[0] : i32 from vector<1xi32>
        %dma_start3A_2192 = arith.constant 2 : i32
        %dma_start3A_2193 = arith.constant 0 : i32
        %dma_start3A_2194 = arith.constant 0 : i32
        %dma_start3A_2195 = tpu.memref_slice %arg9[%dma_start3A_2192, %dma_start3A_2193, %dma_start3A_2194] : memref<16x8x64xf32, #tpu.memory_space<vmem>> -> memref<1x8x64xf32, #tpu.memory_space<vmem>>
        %dma_start3A_2196 = tpu.memref_squeeze %dma_start3A_2195 : memref<1x8x64xf32, #tpu.memory_space<vmem>> -> memref<8x64xf32, #tpu.memory_space<vmem>>
        %dma_start3A_2197 = arith.constant 0 : i32
        %dma_start3A_2198 = arith.constant 0 : i32
        %dma_start3A_2199 = tpu.memref_slice %arg4[%squeeze3A_2191, %dma_start3A_2197, %dma_start3A_2198] : memref<125000x8x64xf32, #tpu.memory_space<hbm>> -> memref<1x8x64xf32, #tpu.memory_space<hbm>>
        %dma_start3A_2200 = tpu.memref_squeeze %dma_start3A_2199 : memref<1x8x64xf32, #tpu.memory_space<hbm>> -> memref<8x64xf32, #tpu.memory_space<hbm>>
        %dma_start3A_2201 = arith.constant 0 : i32
        %dma_start3A_2202 = arith.constant 0 : i32
        %dma_start3A_2203 = tpu.memref_slice %arg9[%dma_start3A_2192, %dma_start3A_2201, %dma_start3A_2202] : memref<16x8x64xf32, #tpu.memory_space<vmem>> -> memref<1x8x64xf32, #tpu.memory_space<vmem>>
        %dma_start3A_2204 = tpu.memref_squeeze %dma_start3A_2203 : memref<1x8x64xf32, #tpu.memory_space<vmem>> -> memref<8x64xf32, #tpu.memory_space<vmem>>
        %dma_start3A_2205 = arith.constant 0 : i32
        %dma_start3A_2206 = arith.constant 0 : i32
        %dma_start3A_2207 = tpu.memref_slice %arg4[%squeeze3A_2191, %dma_start3A_2205, %dma_start3A_2206] : memref<125000x8x64xf32, #tpu.memory_space<hbm>> -> memref<1x8x64xf32, #tpu.memory_space<hbm>>
        %dma_start3A_2208 = tpu.memref_squeeze %dma_start3A_2207 : memref<1x8x64xf32, #tpu.memory_space<hbm>> -> memref<8x64xf32, #tpu.memory_space<hbm>>
        tpu.enqueue_dma source(%dma_start3A_2208 : memref<8x64xf32, #tpu.memory_space<hbm>>) target(%dma_start3A_2204 : memref<8x64xf32, #tpu.memory_space<vmem>>) target_semaphore(%arg14 : memref<!tpu.dma_semaphore, #tpu.memory_space<semaphore_mem>>)
        %slice3A_2209 = vector.extract_strided_slice %shift_right_logical3A_2113 {offsets = [2], sizes = [1], strides = [1]} : vector<16xi32> to vector<1xi32>
        %squeeze3A_2210 = vector.extract %slice3A_2209[0] : i32 from vector<1xi32>
        %dma_start3A_2211 = arith.constant 2 : i32
        %dma_start3A_2212 = arith.constant 0 : i32
        %dma_start3A_2213 = arith.constant 0 : i32
        %dma_start3A_2214 = tpu.memref_slice %arg10[%dma_start3A_2211, %dma_start3A_2212, %dma_start3A_2213] : memref<16x8x64xf32, #tpu.memory_space<vmem>> -> memref<1x8x64xf32, #tpu.memory_space<vmem>>
        %dma_start3A_2215 = tpu.memref_squeeze %dma_start3A_2214 : memref<1x8x64xf32, #tpu.memory_space<vmem>> -> memref<8x64xf32, #tpu.memory_space<vmem>>
        %dma_start3A_2216 = arith.constant 0 : i32
        %dma_start3A_2217 = arith.constant 0 : i32
        %dma_start3A_2218 = tpu.memref_slice %arg5[%squeeze3A_2210, %dma_start3A_2216, %dma_start3A_2217] : memref<125000x8x64xf32, #tpu.memory_space<hbm>> -> memref<1x8x64xf32, #tpu.memory_space<hbm>>
        %dma_start3A_2219 = tpu.memref_squeeze %dma_start3A_2218 : memref<1x8x64xf32, #tpu.memory_space<hbm>> -> memref<8x64xf32, #tpu.memory_space<hbm>>
        %dma_start3A_2220 = arith.constant 0 : i32
        %dma_start3A_2221 = arith.constant 0 : i32
        %dma_start3A_2222 = tpu.memref_slice %arg10[%dma_start3A_2211, %dma_start3A_2220, %dma_start3A_2221] : memref<16x8x64xf32, #tpu.memory_space<vmem>> -> memref<1x8x64xf32, #tpu.memory_space<vmem>>
        %dma_start3A_2223 = tpu.memref_squeeze %dma_start3A_2222 : memref<1x8x64xf32, #tpu.memory_space<vmem>> -> memref<8x64xf32, #tpu.memory_space<vmem>>
        %dma_start3A_2224 = arith.constant 0 : i32
        %dma_start3A_2225 = arith.constant 0 : i32
        %dma_start3A_2226 = tpu.memref_slice %arg5[%squeeze3A_2210, %dma_start3A_2224, %dma_start3A_2225] : memref<125000x8x64xf32, #tpu.memory_space<hbm>> -> memref<1x8x64xf32, #tpu.memory_space<hbm>>
        %dma_start3A_2227 = tpu.memref_squeeze %dma_start3A_2226 : memref<1x8x64xf32, #tpu.memory_space<hbm>> -> memref<8x64xf32, #tpu.memory_space<hbm>>
        tpu.enqueue_dma source(%dma_start3A_2227 : memref<8x64xf32, #tpu.memory_space<hbm>>) target(%dma_start3A_2223 : memref<8x64xf32, #tpu.memory_space<vmem>>) target_semaphore(%arg15 : memref<!tpu.dma_semaphore, #tpu.memory_space<semaphore_mem>>)
        %slice3A_2228 = vector.extract_strided_slice %shift_right_logical3A_2108 {offsets = [3], sizes = [1], strides = [1]} : vector<16xi32> to vector<1xi32>
        %squeeze3A_2229 = vector.extract %slice3A_2228[0] : i32 from vector<1xi32>
        %dma_start3A_2230 = arith.constant 3 : i32
        %dma_start3A_2231 = arith.constant 0 : i32
        %dma_start3A_2232 = arith.constant 0 : i32
        %dma_start3A_2233 = tpu.memref_slice %arg9[%dma_start3A_2230, %dma_start3A_2231, %dma_start3A_2232] : memref<16x8x64xf32, #tpu.memory_space<vmem>> -> memref<1x8x64xf32, #tpu.memory_space<vmem>>
        %dma_start3A_2234 = tpu.memref_squeeze %dma_start3A_2233 : memref<1x8x64xf32, #tpu.memory_space<vmem>> -> memref<8x64xf32, #tpu.memory_space<vmem>>
        %dma_start3A_2235 = arith.constant 0 : i32
        %dma_start3A_2236 = arith.constant 0 : i32
        %dma_start3A_2237 = tpu.memref_slice %arg4[%squeeze3A_2229, %dma_start3A_2235, %dma_start3A_2236] : memref<125000x8x64xf32, #tpu.memory_space<hbm>> -> memref<1x8x64xf32, #tpu.memory_space<hbm>>
        %dma_start3A_2238 = tpu.memref_squeeze %dma_start3A_2237 : memref<1x8x64xf32, #tpu.memory_space<hbm>> -> memref<8x64xf32, #tpu.memory_space<hbm>>
        %dma_start3A_2239 = arith.constant 0 : i32
        %dma_start3A_2240 = arith.constant 0 : i32
        %dma_start3A_2241 = tpu.memref_slice %arg9[%dma_start3A_2230, %dma_start3A_2239, %dma_start3A_2240] : memref<16x8x64xf32, #tpu.memory_space<vmem>> -> memref<1x8x64xf32, #tpu.memory_space<vmem>>
        %dma_start3A_2242 = tpu.memref_squeeze %dma_start3A_2241 : memref<1x8x64xf32, #tpu.memory_space<vmem>> -> memref<8x64xf32, #tpu.memory_space<vmem>>
        %dma_start3A_2243 = arith.constant 0 : i32
        %dma_start3A_2244 = arith.constant 0 : i32
        %dma_start3A_2245 = tpu.memref_slice %arg4[%squeeze3A_2229, %dma_start3A_2243, %dma_start3A_2244] : memref<125000x8x64xf32, #tpu.memory_space<hbm>> -> memref<1x8x64xf32, #tpu.memory_space<hbm>>
        %dma_start3A_2246 = tpu.memref_squeeze %dma_start3A_2245 : memref<1x8x64xf32, #tpu.memory_space<hbm>> -> memref<8x64xf32, #tpu.memory_space<hbm>>
        tpu.enqueue_dma source(%dma_start3A_2246 : memref<8x64xf32, #tpu.memory_space<hbm>>) target(%dma_start3A_2242 : memref<8x64xf32, #tpu.memory_space<vmem>>) target_semaphore(%arg14 : memref<!tpu.dma_semaphore, #tpu.memory_space<semaphore_mem>>)
        %slice3A_2247 = vector.extract_strided_slice %shift_right_logical3A_2113 {offsets = [3], sizes = [1], strides = [1]} : vector<16xi32> to vector<1xi32>
        %squeeze3A_2248 = vector.extract %slice3A_2247[0] : i32 from vector<1xi32>
        %dma_start3A_2249 = arith.constant 3 : i32
        %dma_start3A_2250 = arith.constant 0 : i32
        %dma_start3A_2251 = arith.constant 0 : i32
        %dma_start3A_2252 = tpu.memref_slice %arg10[%dma_start3A_2249, %dma_start3A_2250, %dma_start3A_2251] : memref<16x8x64xf32, #tpu.memory_space<vmem>> -> memref<1x8x64xf32, #tpu.memory_space<vmem>>
        %dma_start3A_2253 = tpu.memref_squeeze %dma_start3A_2252 : memref<1x8x64xf32, #tpu.memory_space<vmem>> -> memref<8x64xf32, #tpu.memory_space<vmem>>
        %dma_start3A_2254 = arith.constant 0 : i32
        %dma_start3A_2255 = arith.constant 0 : i32
        %dma_start3A_2256 = tpu.memref_slice %arg5[%squeeze3A_2248, %dma_start3A_2254, %dma_start3A_2255] : memref<125000x8x64xf32, #tpu.memory_space<hbm>> -> memref<1x8x64xf32, #tpu.memory_space<hbm>>
        %dma_start3A_2257 = tpu.memref_squeeze %dma_start3A_2256 : memref<1x8x64xf32, #tpu.memory_space<hbm>> -> memref<8x64xf32, #tpu.memory_space<hbm>>
        %dma_start3A_2258 = arith.constant 0 : i32
        %dma_start3A_2259 = arith.constant 0 : i32
        %dma_start3A_2260 = tpu.memref_slice %arg10[%dma_start3A_2249, %dma_start3A_2258, %dma_start3A_2259] : memref<16x8x64xf32, #tpu.memory_space<vmem>> -> memref<1x8x64xf32, #tpu.memory_space<vmem>>
        %dma_start3A_2261 = tpu.memref_squeeze %dma_start3A_2260 : memref<1x8x64xf32, #tpu.memory_space<vmem>> -> memref<8x64xf32, #tpu.memory_space<vmem>>
        %dma_start3A_2262 = arith.constant 0 : i32
        %dma_start3A_2263 = arith.constant 0 : i32
        %dma_start3A_2264 = tpu.memref_slice %arg5[%squeeze3A_2248, %dma_start3A_2262, %dma_start3A_2263] : memref<125000x8x64xf32, #tpu.memory_space<hbm>> -> memref<1x8x64xf32, #tpu.memory_space<hbm>>
        %dma_start3A_2265 = tpu.memref_squeeze %dma_start3A_2264 : memref<1x8x64xf32, #tpu.memory_space<hbm>> -> memref<8x64xf32, #tpu.memory_space<hbm>>
        tpu.enqueue_dma source(%dma_start3A_2265 : memref<8x64xf32, #tpu.memory_space<hbm>>) target(%dma_start3A_2261 : memref<8x64xf32, #tpu.memory_space<vmem>>) target_semaphore(%arg15 : memref<!tpu.dma_semaphore, #tpu.memory_space<semaphore_mem>>)
        %slice3A_2266 = vector.extract_strided_slice %shift_right_logical3A_2108 {offsets = [4], sizes = [1], strides = [1]} : vector<16xi32> to vector<1xi32>
        %squeeze3A_2267 = vector.extract %slice3A_2266[0] : i32 from vector<1xi32>
        %dma_start3A_2268 = arith.constant 4 : i32
        %dma_start3A_2269 = arith.constant 0 : i32
        %dma_start3A_2270 = arith.constant 0 : i32
        %dma_start3A_2271 = tpu.memref_slice %arg9[%dma_start3A_2268, %dma_start3A_2269, %dma_start3A_2270] : memref<16x8x64xf32, #tpu.memory_space<vmem>> -> memref<1x8x64xf32, #tpu.memory_space<vmem>>
        %dma_start3A_2272 = tpu.memref_squeeze %dma_start3A_2271 : memref<1x8x64xf32, #tpu.memory_space<vmem>> -> memref<8x64xf32, #tpu.memory_space<vmem>>
        %dma_start3A_2273 = arith.constant 0 : i32
        %dma_start3A_2274 = arith.constant 0 : i32
        %dma_start3A_2275 = tpu.memref_slice %arg4[%squeeze3A_2267, %dma_start3A_2273, %dma_start3A_2274] : memref<125000x8x64xf32, #tpu.memory_space<hbm>> -> memref<1x8x64xf32, #tpu.memory_space<hbm>>
        %dma_start3A_2276 = tpu.memref_squeeze %dma_start3A_2275 : memref<1x8x64xf32, #tpu.memory_space<hbm>> -> memref<8x64xf32, #tpu.memory_space<hbm>>
        %dma_start3A_2277 = arith.constant 0 : i32
        %dma_start3A_2278 = arith.constant 0 : i32
        %dma_start3A_2279 = tpu.memref_slice %arg9[%dma_start3A_2268, %dma_start3A_2277, %dma_start3A_2278] : memref<16x8x64xf32, #tpu.memory_space<vmem>> -> memref<1x8x64xf32, #tpu.memory_space<vmem>>
        %dma_start3A_2280 = tpu.memref_squeeze %dma_start3A_2279 : memref<1x8x64xf32, #tpu.memory_space<vmem>> -> memref<8x64xf32, #tpu.memory_space<vmem>>
        %dma_start3A_2281 = arith.constant 0 : i32
        %dma_start3A_2282 = arith.constant 0 : i32
        %dma_start3A_2283 = tpu.memref_slice %arg4[%squeeze3A_2267, %dma_start3A_2281, %dma_start3A_2282] : memref<125000x8x64xf32, #tpu.memory_space<hbm>> -> memref<1x8x64xf32, #tpu.memory_space<hbm>>
        %dma_start3A_2284 = tpu.memref_squeeze %dma_start3A_2283 : memref<1x8x64xf32, #tpu.memory_space<hbm>> -> memref<8x64xf32, #tpu.memory_space<hbm>>
        tpu.enqueue_dma source(%dma_start3A_2284 : memref<8x64xf32, #tpu.memory_space<hbm>>) target(%dma_start3A_2280 : memref<8x64xf32, #tpu.memory_space<vmem>>) target_semaphore(%arg14 : memref<!tpu.dma_semaphore, #tpu.memory_space<semaphore_mem>>)
        %slice3A_2285 = vector.extract_strided_slice %shift_right_logical3A_2113 {offsets = [4], sizes = [1], strides = [1]} : vector<16xi32> to vector<1xi32>
        %squeeze3A_2286 = vector.extract %slice3A_2285[0] : i32 from vector<1xi32>
        %dma_start3A_2287 = arith.constant 4 : i32
        %dma_start3A_2288 = arith.constant 0 : i32
        %dma_start3A_2289 = arith.constant 0 : i32
        %dma_start3A_2290 = tpu.memref_slice %arg10[%dma_start3A_2287, %dma_start3A_2288, %dma_start3A_2289] : memref<16x8x64xf32, #tpu.memory_space<vmem>> -> memref<1x8x64xf32, #tpu.memory_space<vmem>>
        %dma_start3A_2291 = tpu.memref_squeeze %dma_start3A_2290 : memref<1x8x64xf32, #tpu.memory_space<vmem>> -> memref<8x64xf32, #tpu.memory_space<vmem>>
        %dma_start3A_2292 = arith.constant 0 : i32
        %dma_start3A_2293 = arith.constant 0 : i32
        %dma_start3A_2294 = tpu.memref_slice %arg5[%squeeze3A_2286, %dma_start3A_2292, %dma_start3A_2293] : memref<125000x8x64xf32, #tpu.memory_space<hbm>> -> memref<1x8x64xf32, #tpu.memory_space<hbm>>
        %dma_start3A_2295 = tpu.memref_squeeze %dma_start3A_2294 : memref<1x8x64xf32, #tpu.memory_space<hbm>> -> memref<8x64xf32, #tpu.memory_space<hbm>>
        %dma_start3A_2296 = arith.constant 0 : i32
        %dma_start3A_2297 = arith.constant 0 : i32
        %dma_start3A_2298 = tpu.memref_slice %arg10[%dma_start3A_2287, %dma_start3A_2296, %dma_start3A_2297] : memref<16x8x64xf32, #tpu.memory_space<vmem>> -> memref<1x8x64xf32, #tpu.memory_space<vmem>>
        %dma_start3A_2299 = tpu.memref_squeeze %dma_start3A_2298 : memref<1x8x64xf32, #tpu.memory_space<vmem>> -> memref<8x64xf32, #tpu.memory_space<vmem>>
        %dma_start3A_2300 = arith.constant 0 : i32
        %dma_start3A_2301 = arith.constant 0 : i32
        %dma_start3A_2302 = tpu.memref_slice %arg5[%squeeze3A_2286, %dma_start3A_2300, %dma_start3A_2301] : memref<125000x8x64xf32, #tpu.memory_space<hbm>> -> memref<1x8x64xf32, #tpu.memory_space<hbm>>
        %dma_start3A_2303 = tpu.memref_squeeze %dma_start3A_2302 : memref<1x8x64xf32, #tpu.memory_space<hbm>> -> memref<8x64xf32, #tpu.memory_space<hbm>>
        tpu.enqueue_dma source(%dma_start3A_2303 : memref<8x64xf32, #tpu.memory_space<hbm>>) target(%dma_start3A_2299 : memref<8x64xf32, #tpu.memory_space<vmem>>) target_semaphore(%arg15 : memref<!tpu.dma_semaphore, #tpu.memory_space<semaphore_mem>>)
        %slice3A_2304 = vector.extract_strided_slice %shift_right_logical3A_2108 {offsets = [5], sizes = [1], strides = [1]} : vector<16xi32> to vector<1xi32>
        %squeeze3A_2305 = vector.extract %slice3A_2304[0] : i32 from vector<1xi32>
        %dma_start3A_2306 = arith.constant 5 : i32
        %dma_start3A_2307 = arith.constant 0 : i32
        %dma_start3A_2308 = arith.constant 0 : i32
        %dma_start3A_2309 = tpu.memref_slice %arg9[%dma_start3A_2306, %dma_start3A_2307, %dma_start3A_2308] : memref<16x8x64xf32, #tpu.memory_space<vmem>> -> memref<1x8x64xf32, #tpu.memory_space<vmem>>
        %dma_start3A_2310 = tpu.memref_squeeze %dma_start3A_2309 : memref<1x8x64xf32, #tpu.memory_space<vmem>> -> memref<8x64xf32, #tpu.memory_space<vmem>>
        %dma_start3A_2311 = arith.constant 0 : i32
        %dma_start3A_2312 = arith.constant 0 : i32
        %dma_start3A_2313 = tpu.memref_slice %arg4[%squeeze3A_2305, %dma_start3A_2311, %dma_start3A_2312] : memref<125000x8x64xf32, #tpu.memory_space<hbm>> -> memref<1x8x64xf32, #tpu.memory_space<hbm>>
        %dma_start3A_2314 = tpu.memref_squeeze %dma_start3A_2313 : memref<1x8x64xf32, #tpu.memory_space<hbm>> -> memref<8x64xf32, #tpu.memory_space<hbm>>
        %dma_start3A_2315 = arith.constant 0 : i32
        %dma_start3A_2316 = arith.constant 0 : i32
        %dma_start3A_2317 = tpu.memref_slice %arg9[%dma_start3A_2306, %dma_start3A_2315, %dma_start3A_2316] : memref<16x8x64xf32, #tpu.memory_space<vmem>> -> memref<1x8x64xf32, #tpu.memory_space<vmem>>
        %dma_start3A_2318 = tpu.memref_squeeze %dma_start3A_2317 : memref<1x8x64xf32, #tpu.memory_space<vmem>> -> memref<8x64xf32, #tpu.memory_space<vmem>>
        %dma_start3A_2319 = arith.constant 0 : i32
        %dma_start3A_2320 = arith.constant 0 : i32
        %dma_start3A_2321 = tpu.memref_slice %arg4[%squeeze3A_2305, %dma_start3A_2319, %dma_start3A_2320] : memref<125000x8x64xf32, #tpu.memory_space<hbm>> -> memref<1x8x64xf32, #tpu.memory_space<hbm>>
        %dma_start3A_2322 = tpu.memref_squeeze %dma_start3A_2321 : memref<1x8x64xf32, #tpu.memory_space<hbm>> -> memref<8x64xf32, #tpu.memory_space<hbm>>
        tpu.enqueue_dma source(%dma_start3A_2322 : memref<8x64xf32, #tpu.memory_space<hbm>>) target(%dma_start3A_2318 : memref<8x64xf32, #tpu.memory_space<vmem>>) target_semaphore(%arg14 : memref<!tpu.dma_semaphore, #tpu.memory_space<semaphore_mem>>)
        %slice3A_2323 = vector.extract_strided_slice %shift_right_logical3A_2113 {offsets = [5], sizes = [1], strides = [1]} : vector<16xi32> to vector<1xi32>
        %squeeze3A_2324 = vector.extract %slice3A_2323[0] : i32 from vector<1xi32>
        %dma_start3A_2325 = arith.constant 5 : i32
        %dma_start3A_2326 = arith.constant 0 : i32
        %dma_start3A_2327 = arith.constant 0 : i32
        %dma_start3A_2328 = tpu.memref_slice %arg10[%dma_start3A_2325, %dma_start3A_2326, %dma_start3A_2327] : memref<16x8x64xf32, #tpu.memory_space<vmem>> -> memref<1x8x64xf32, #tpu.memory_space<vmem>>
        %dma_start3A_2329 = tpu.memref_squeeze %dma_start3A_2328 : memref<1x8x64xf32, #tpu.memory_space<vmem>> -> memref<8x64xf32, #tpu.memory_space<vmem>>
        %dma_start3A_2330 = arith.constant 0 : i32
        %dma_start3A_2331 = arith.constant 0 : i32
        %dma_start3A_2332 = tpu.memref_slice %arg5[%squeeze3A_2324, %dma_start3A_2330, %dma_start3A_2331] : memref<125000x8x64xf32, #tpu.memory_space<hbm>> -> memref<1x8x64xf32, #tpu.memory_space<hbm>>
        %dma_start3A_2333 = tpu.memref_squeeze %dma_start3A_2332 : memref<1x8x64xf32, #tpu.memory_space<hbm>> -> memref<8x64xf32, #tpu.memory_space<hbm>>
        %dma_start3A_2334 = arith.constant 0 : i32
        %dma_start3A_2335 = arith.constant 0 : i32
        %dma_start3A_2336 = tpu.memref_slice %arg10[%dma_start3A_2325, %dma_start3A_2334, %dma_start3A_2335] : memref<16x8x64xf32, #tpu.memory_space<vmem>> -> memref<1x8x64xf32, #tpu.memory_space<vmem>>
        %dma_start3A_2337 = tpu.memref_squeeze %dma_start3A_2336 : memref<1x8x64xf32, #tpu.memory_space<vmem>> -> memref<8x64xf32, #tpu.memory_space<vmem>>
        %dma_start3A_2338 = arith.constant 0 : i32
        %dma_start3A_2339 = arith.constant 0 : i32
        %dma_start3A_2340 = tpu.memref_slice %arg5[%squeeze3A_2324, %dma_start3A_2338, %dma_start3A_2339] : memref<125000x8x64xf32, #tpu.memory_space<hbm>> -> memref<1x8x64xf32, #tpu.memory_space<hbm>>
        %dma_start3A_2341 = tpu.memref_squeeze %dma_start3A_2340 : memref<1x8x64xf32, #tpu.memory_space<hbm>> -> memref<8x64xf32, #tpu.memory_space<hbm>>
        tpu.enqueue_dma source(%dma_start3A_2341 : memref<8x64xf32, #tpu.memory_space<hbm>>) target(%dma_start3A_2337 : memref<8x64xf32, #tpu.memory_space<vmem>>) target_semaphore(%arg15 : memref<!tpu.dma_semaphore, #tpu.memory_space<semaphore_mem>>)
        %slice3A_2342 = vector.extract_strided_slice %shift_right_logical3A_2108 {offsets = [6], sizes = [1], strides = [1]} : vector<16xi32> to vector<1xi32>
        %squeeze3A_2343 = vector.extract %slice3A_2342[0] : i32 from vector<1xi32>
        %dma_start3A_2344 = arith.constant 6 : i32
        %dma_start3A_2345 = arith.constant 0 : i32
        %dma_start3A_2346 = arith.constant 0 : i32
        %dma_start3A_2347 = tpu.memref_slice %arg9[%dma_start3A_2344, %dma_start3A_2345, %dma_start3A_2346] : memref<16x8x64xf32, #tpu.memory_space<vmem>> -> memref<1x8x64xf32, #tpu.memory_space<vmem>>
        %dma_start3A_2348 = tpu.memref_squeeze %dma_start3A_2347 : memref<1x8x64xf32, #tpu.memory_space<vmem>> -> memref<8x64xf32, #tpu.memory_space<vmem>>
        %dma_start3A_2349 = arith.constant 0 : i32
        %dma_start3A_2350 = arith.constant 0 : i32
        %dma_start3A_2351 = tpu.memref_slice %arg4[%squeeze3A_2343, %dma_start3A_2349, %dma_start3A_2350] : memref<125000x8x64xf32, #tpu.memory_space<hbm>> -> memref<1x8x64xf32, #tpu.memory_space<hbm>>
        %dma_start3A_2352 = tpu.memref_squeeze %dma_start3A_2351 : memref<1x8x64xf32, #tpu.memory_space<hbm>> -> memref<8x64xf32, #tpu.memory_space<hbm>>
        %dma_start3A_2353 = arith.constant 0 : i32
        %dma_start3A_2354 = arith.constant 0 : i32
        %dma_start3A_2355 = tpu.memref_slice %arg9[%dma_start3A_2344, %dma_start3A_2353, %dma_start3A_2354] : memref<16x8x64xf32, #tpu.memory_space<vmem>> -> memref<1x8x64xf32, #tpu.memory_space<vmem>>
        %dma_start3A_2356 = tpu.memref_squeeze %dma_start3A_2355 : memref<1x8x64xf32, #tpu.memory_space<vmem>> -> memref<8x64xf32, #tpu.memory_space<vmem>>
        %dma_start3A_2357 = arith.constant 0 : i32
        %dma_start3A_2358 = arith.constant 0 : i32
        %dma_start3A_2359 = tpu.memref_slice %arg4[%squeeze3A_2343, %dma_start3A_2357, %dma_start3A_2358] : memref<125000x8x64xf32, #tpu.memory_space<hbm>> -> memref<1x8x64xf32, #tpu.memory_space<hbm>>
        %dma_start3A_2360 = tpu.memref_squeeze %dma_start3A_2359 : memref<1x8x64xf32, #tpu.memory_space<hbm>> -> memref<8x64xf32, #tpu.memory_space<hbm>>
        tpu.enqueue_dma source(%dma_start3A_2360 : memref<8x64xf32, #tpu.memory_space<hbm>>) target(%dma_start3A_2356 : memref<8x64xf32, #tpu.memory_space<vmem>>) target_semaphore(%arg14 : memref<!tpu.dma_semaphore, #tpu.memory_space<semaphore_mem>>)
        %slice3A_2361 = vector.extract_strided_slice %shift_right_logical3A_2113 {offsets = [6], sizes = [1], strides = [1]} : vector<16xi32> to vector<1xi32>
        %squeeze3A_2362 = vector.extract %slice3A_2361[0] : i32 from vector<1xi32>
        %dma_start3A_2363 = arith.constant 6 : i32
        %dma_start3A_2364 = arith.constant 0 : i32
        %dma_start3A_2365 = arith.constant 0 : i32
        %dma_start3A_2366 = tpu.memref_slice %arg10[%dma_start3A_2363, %dma_start3A_2364, %dma_start3A_2365] : memref<16x8x64xf32, #tpu.memory_space<vmem>> -> memref<1x8x64xf32, #tpu.memory_space<vmem>>
        %dma_start3A_2367 = tpu.memref_squeeze %dma_start3A_2366 : memref<1x8x64xf32, #tpu.memory_space<vmem>> -> memref<8x64xf32, #tpu.memory_space<vmem>>
        %dma_start3A_2368 = arith.constant 0 : i32
        %dma_start3A_2369 = arith.constant 0 : i32
        %dma_start3A_2370 = tpu.memref_slice %arg5[%squeeze3A_2362, %dma_start3A_2368, %dma_start3A_2369] : memref<125000x8x64xf32, #tpu.memory_space<hbm>> -> memref<1x8x64xf32, #tpu.memory_space<hbm>>
        %dma_start3A_2371 = tpu.memref_squeeze %dma_start3A_2370 : memref<1x8x64xf32, #tpu.memory_space<hbm>> -> memref<8x64xf32, #tpu.memory_space<hbm>>
        %dma_start3A_2372 = arith.constant 0 : i32
        %dma_start3A_2373 = arith.constant 0 : i32
        %dma_start3A_2374 = tpu.memref_slice %arg10[%dma_start3A_2363, %dma_start3A_2372, %dma_start3A_2373] : memref<16x8x64xf32, #tpu.memory_space<vmem>> -> memref<1x8x64xf32, #tpu.memory_space<vmem>>
        %dma_start3A_2375 = tpu.memref_squeeze %dma_start3A_2374 : memref<1x8x64xf32, #tpu.memory_space<vmem>> -> memref<8x64xf32, #tpu.memory_space<vmem>>
        %dma_start3A_2376 = arith.constant 0 : i32
        %dma_start3A_2377 = arith.constant 0 : i32
        %dma_start3A_2378 = tpu.memref_slice %arg5[%squeeze3A_2362, %dma_start3A_2376, %dma_start3A_2377] : memref<125000x8x64xf32, #tpu.memory_space<hbm>> -> memref<1x8x64xf32, #tpu.memory_space<hbm>>
        %dma_start3A_2379 = tpu.memref_squeeze %dma_start3A_2378 : memref<1x8x64xf32, #tpu.memory_space<hbm>> -> memref<8x64xf32, #tpu.memory_space<hbm>>
        tpu.enqueue_dma source(%dma_start3A_2379 : memref<8x64xf32, #tpu.memory_space<hbm>>) target(%dma_start3A_2375 : memref<8x64xf32, #tpu.memory_space<vmem>>) target_semaphore(%arg15 : memref<!tpu.dma_semaphore, #tpu.memory_space<semaphore_mem>>)
        %slice3A_2380 = vector.extract_strided_slice %shift_right_logical3A_2108 {offsets = [7], sizes = [1], strides = [1]} : vector<16xi32> to vector<1xi32>
        %squeeze3A_2381 = vector.extract %slice3A_2380[0] : i32 from vector<1xi32>
        %dma_start3A_2382 = arith.constant 7 : i32
        %dma_start3A_2383 = arith.constant 0 : i32
        %dma_start3A_2384 = arith.constant 0 : i32
        %dma_start3A_2385 = tpu.memref_slice %arg9[%dma_start3A_2382, %dma_start3A_2383, %dma_start3A_2384] : memref<16x8x64xf32, #tpu.memory_space<vmem>> -> memref<1x8x64xf32, #tpu.memory_space<vmem>>
        %dma_start3A_2386 = tpu.memref_squeeze %dma_start3A_2385 : memref<1x8x64xf32, #tpu.memory_space<vmem>> -> memref<8x64xf32, #tpu.memory_space<vmem>>
        %dma_start3A_2387 = arith.constant 0 : i32
        %dma_start3A_2388 = arith.constant 0 : i32
        %dma_start3A_2389 = tpu.memref_slice %arg4[%squeeze3A_2381, %dma_start3A_2387, %dma_start3A_2388] : memref<125000x8x64xf32, #tpu.memory_space<hbm>> -> memref<1x8x64xf32, #tpu.memory_space<hbm>>
        %dma_start3A_2390 = tpu.memref_squeeze %dma_start3A_2389 : memref<1x8x64xf32, #tpu.memory_space<hbm>> -> memref<8x64xf32, #tpu.memory_space<hbm>>
        %dma_start3A_2391 = arith.constant 0 : i32
        %dma_start3A_2392 = arith.constant 0 : i32
        %dma_start3A_2393 = tpu.memref_slice %arg9[%dma_start3A_2382, %dma_start3A_2391, %dma_start3A_2392] : memref<16x8x64xf32, #tpu.memory_space<vmem>> -> memref<1x8x64xf32, #tpu.memory_space<vmem>>
        %dma_start3A_2394 = tpu.memref_squeeze %dma_start3A_2393 : memref<1x8x64xf32, #tpu.memory_space<vmem>> -> memref<8x64xf32, #tpu.memory_space<vmem>>
        %dma_start3A_2395 = arith.constant 0 : i32
        %dma_start3A_2396 = arith.constant 0 : i32
        %dma_start3A_2397 = tpu.memref_slice %arg4[%squeeze3A_2381, %dma_start3A_2395, %dma_start3A_2396] : memref<125000x8x64xf32, #tpu.memory_space<hbm>> -> memref<1x8x64xf32, #tpu.memory_space<hbm>>
        %dma_start3A_2398 = tpu.memref_squeeze %dma_start3A_2397 : memref<1x8x64xf32, #tpu.memory_space<hbm>> -> memref<8x64xf32, #tpu.memory_space<hbm>>
        tpu.enqueue_dma source(%dma_start3A_2398 : memref<8x64xf32, #tpu.memory_space<hbm>>) target(%dma_start3A_2394 : memref<8x64xf32, #tpu.memory_space<vmem>>) target_semaphore(%arg14 : memref<!tpu.dma_semaphore, #tpu.memory_space<semaphore_mem>>)
        %slice3A_2399 = vector.extract_strided_slice %shift_right_logical3A_2113 {offsets = [7], sizes = [1], strides = [1]} : vector<16xi32> to vector<1xi32>
        %squeeze3A_2400 = vector.extract %slice3A_2399[0] : i32 from vector<1xi32>
        %dma_start3A_2401 = arith.constant 7 : i32
        %dma_start3A_2402 = arith.constant 0 : i32
        %dma_start3A_2403 = arith.constant 0 : i32
        %dma_start3A_2404 = tpu.memref_slice %arg10[%dma_start3A_2401, %dma_start3A_2402, %dma_start3A_2403] : memref<16x8x64xf32, #tpu.memory_space<vmem>> -> memref<1x8x64xf32, #tpu.memory_space<vmem>>
        %dma_start3A_2405 = tpu.memref_squeeze %dma_start3A_2404 : memref<1x8x64xf32, #tpu.memory_space<vmem>> -> memref<8x64xf32, #tpu.memory_space<vmem>>
        %dma_start3A_2406 = arith.constant 0 : i32
        %dma_start3A_2407 = arith.constant 0 : i32
        %dma_start3A_2408 = tpu.memref_slice %arg5[%squeeze3A_2400, %dma_start3A_2406, %dma_start3A_2407] : memref<125000x8x64xf32, #tpu.memory_space<hbm>> -> memref<1x8x64xf32, #tpu.memory_space<hbm>>
        %dma_start3A_2409 = tpu.memref_squeeze %dma_start3A_2408 : memref<1x8x64xf32, #tpu.memory_space<hbm>> -> memref<8x64xf32, #tpu.memory_space<hbm>>
        %dma_start3A_2410 = arith.constant 0 : i32
        %dma_start3A_2411 = arith.constant 0 : i32
        %dma_start3A_2412 = tpu.memref_slice %arg10[%dma_start3A_2401, %dma_start3A_2410, %dma_start3A_2411] : memref<16x8x64xf32, #tpu.memory_space<vmem>> -> memref<1x8x64xf32, #tpu.memory_space<vmem>>
        %dma_start3A_2413 = tpu.memref_squeeze %dma_start3A_2412 : memref<1x8x64xf32, #tpu.memory_space<vmem>> -> memref<8x64xf32, #tpu.memory_space<vmem>>
        %dma_start3A_2414 = arith.constant 0 : i32
        %dma_start3A_2415 = arith.constant 0 : i32
        %dma_start3A_2416 = tpu.memref_slice %arg5[%squeeze3A_2400, %dma_start3A_2414, %dma_start3A_2415] : memref<125000x8x64xf32, #tpu.memory_space<hbm>> -> memref<1x8x64xf32, #tpu.memory_space<hbm>>
        %dma_start3A_2417 = tpu.memref_squeeze %dma_start3A_2416 : memref<1x8x64xf32, #tpu.memory_space<hbm>> -> memref<8x64xf32, #tpu.memory_space<hbm>>
        tpu.enqueue_dma source(%dma_start3A_2417 : memref<8x64xf32, #tpu.memory_space<hbm>>) target(%dma_start3A_2413 : memref<8x64xf32, #tpu.memory_space<vmem>>) target_semaphore(%arg15 : memref<!tpu.dma_semaphore, #tpu.memory_space<semaphore_mem>>)
        %slice3A_2418 = vector.extract_strided_slice %shift_right_logical3A_2108 {offsets = [8], sizes = [1], strides = [1]} : vector<16xi32> to vector<1xi32>
        %squeeze3A_2419 = vector.extract %slice3A_2418[0] : i32 from vector<1xi32>
        %dma_start3A_2420 = arith.constant 8 : i32
        %dma_start3A_2421 = arith.constant 0 : i32
        %dma_start3A_2422 = arith.constant 0 : i32
        %dma_start3A_2423 = tpu.memref_slice %arg9[%dma_start3A_2420, %dma_start3A_2421, %dma_start3A_2422] : memref<16x8x64xf32, #tpu.memory_space<vmem>> -> memref<1x8x64xf32, #tpu.memory_space<vmem>>
        %dma_start3A_2424 = tpu.memref_squeeze %dma_start3A_2423 : memref<1x8x64xf32, #tpu.memory_space<vmem>> -> memref<8x64xf32, #tpu.memory_space<vmem>>
        %dma_start3A_2425 = arith.constant 0 : i32
        %dma_start3A_2426 = arith.constant 0 : i32
        %dma_start3A_2427 = tpu.memref_slice %arg4[%squeeze3A_2419, %dma_start3A_2425, %dma_start3A_2426] : memref<125000x8x64xf32, #tpu.memory_space<hbm>> -> memref<1x8x64xf32, #tpu.memory_space<hbm>>
        %dma_start3A_2428 = tpu.memref_squeeze %dma_start3A_2427 : memref<1x8x64xf32, #tpu.memory_space<hbm>> -> memref<8x64xf32, #tpu.memory_space<hbm>>
        %dma_start3A_2429 = arith.constant 0 : i32
        %dma_start3A_2430 = arith.constant 0 : i32
        %dma_start3A_2431 = tpu.memref_slice %arg9[%dma_start3A_2420, %dma_start3A_2429, %dma_start3A_2430] : memref<16x8x64xf32, #tpu.memory_space<vmem>> -> memref<1x8x64xf32, #tpu.memory_space<vmem>>
        %dma_start3A_2432 = tpu.memref_squeeze %dma_start3A_2431 : memref<1x8x64xf32, #tpu.memory_space<vmem>> -> memref<8x64xf32, #tpu.memory_space<vmem>>
        %dma_start3A_2433 = arith.constant 0 : i32
        %dma_start3A_2434 = arith.constant 0 : i32
        %dma_start3A_2435 = tpu.memref_slice %arg4[%squeeze3A_2419, %dma_start3A_2433, %dma_start3A_2434] : memref<125000x8x64xf32, #tpu.memory_space<hbm>> -> memref<1x8x64xf32, #tpu.memory_space<hbm>>
        %dma_start3A_2436 = tpu.memref_squeeze %dma_start3A_2435 : memref<1x8x64xf32, #tpu.memory_space<hbm>> -> memref<8x64xf32, #tpu.memory_space<hbm>>
        tpu.enqueue_dma source(%dma_start3A_2436 : memref<8x64xf32, #tpu.memory_space<hbm>>) target(%dma_start3A_2432 : memref<8x64xf32, #tpu.memory_space<vmem>>) target_semaphore(%arg14 : memref<!tpu.dma_semaphore, #tpu.memory_space<semaphore_mem>>)
        %slice3A_2437 = vector.extract_strided_slice %shift_right_logical3A_2113 {offsets = [8], sizes = [1], strides = [1]} : vector<16xi32> to vector<1xi32>
        %squeeze3A_2438 = vector.extract %slice3A_2437[0] : i32 from vector<1xi32>
        %dma_start3A_2439 = arith.constant 8 : i32
        %dma_start3A_2440 = arith.constant 0 : i32
        %dma_start3A_2441 = arith.constant 0 : i32
        %dma_start3A_2442 = tpu.memref_slice %arg10[%dma_start3A_2439, %dma_start3A_2440, %dma_start3A_2441] : memref<16x8x64xf32, #tpu.memory_space<vmem>> -> memref<1x8x64xf32, #tpu.memory_space<vmem>>
        %dma_start3A_2443 = tpu.memref_squeeze %dma_start3A_2442 : memref<1x8x64xf32, #tpu.memory_space<vmem>> -> memref<8x64xf32, #tpu.memory_space<vmem>>
        %dma_start3A_2444 = arith.constant 0 : i32
        %dma_start3A_2445 = arith.constant 0 : i32
        %dma_start3A_2446 = tpu.memref_slice %arg5[%squeeze3A_2438, %dma_start3A_2444, %dma_start3A_2445] : memref<125000x8x64xf32, #tpu.memory_space<hbm>> -> memref<1x8x64xf32, #tpu.memory_space<hbm>>
        %dma_start3A_2447 = tpu.memref_squeeze %dma_start3A_2446 : memref<1x8x64xf32, #tpu.memory_space<hbm>> -> memref<8x64xf32, #tpu.memory_space<hbm>>
        %dma_start3A_2448 = arith.constant 0 : i32
        %dma_start3A_2449 = arith.constant 0 : i32
        %dma_start3A_2450 = tpu.memref_slice %arg10[%dma_start3A_2439, %dma_start3A_2448, %dma_start3A_2449] : memref<16x8x64xf32, #tpu.memory_space<vmem>> -> memref<1x8x64xf32, #tpu.memory_space<vmem>>
        %dma_start3A_2451 = tpu.memref_squeeze %dma_start3A_2450 : memref<1x8x64xf32, #tpu.memory_space<vmem>> -> memref<8x64xf32, #tpu.memory_space<vmem>>
        %dma_start3A_2452 = arith.constant 0 : i32
        %dma_start3A_2453 = arith.constant 0 : i32
        %dma_start3A_2454 = tpu.memref_slice %arg5[%squeeze3A_2438, %dma_start3A_2452, %dma_start3A_2453] : memref<125000x8x64xf32, #tpu.memory_space<hbm>> -> memref<1x8x64xf32, #tpu.memory_space<hbm>>
        %dma_start3A_2455 = tpu.memref_squeeze %dma_start3A_2454 : memref<1x8x64xf32, #tpu.memory_space<hbm>> -> memref<8x64xf32, #tpu.memory_space<hbm>>
        tpu.enqueue_dma source(%dma_start3A_2455 : memref<8x64xf32, #tpu.memory_space<hbm>>) target(%dma_start3A_2451 : memref<8x64xf32, #tpu.memory_space<vmem>>) target_semaphore(%arg15 : memref<!tpu.dma_semaphore, #tpu.memory_space<semaphore_mem>>)
        %slice3A_2456 = vector.extract_strided_slice %shift_right_logical3A_2108 {offsets = [9], sizes = [1], strides = [1]} : vector<16xi32> to vector<1xi32>
        %squeeze3A_2457 = vector.extract %slice3A_2456[0] : i32 from vector<1xi32>
        %dma_start3A_2458 = arith.constant 9 : i32
        %dma_start3A_2459 = arith.constant 0 : i32
        %dma_start3A_2460 = arith.constant 0 : i32
        %dma_start3A_2461 = tpu.memref_slice %arg9[%dma_start3A_2458, %dma_start3A_2459, %dma_start3A_2460] : memref<16x8x64xf32, #tpu.memory_space<vmem>> -> memref<1x8x64xf32, #tpu.memory_space<vmem>>
        %dma_start3A_2462 = tpu.memref_squeeze %dma_start3A_2461 : memref<1x8x64xf32, #tpu.memory_space<vmem>> -> memref<8x64xf32, #tpu.memory_space<vmem>>
        %dma_start3A_2463 = arith.constant 0 : i32
        %dma_start3A_2464 = arith.constant 0 : i32
        %dma_start3A_2465 = tpu.memref_slice %arg4[%squeeze3A_2457, %dma_start3A_2463, %dma_start3A_2464] : memref<125000x8x64xf32, #tpu.memory_space<hbm>> -> memref<1x8x64xf32, #tpu.memory_space<hbm>>
        %dma_start3A_2466 = tpu.memref_squeeze %dma_start3A_2465 : memref<1x8x64xf32, #tpu.memory_space<hbm>> -> memref<8x64xf32, #tpu.memory_space<hbm>>
        %dma_start3A_2467 = arith.constant 0 : i32
        %dma_start3A_2468 = arith.constant 0 : i32
        %dma_start3A_2469 = tpu.memref_slice %arg9[%dma_start3A_2458, %dma_start3A_2467, %dma_start3A_2468] : memref<16x8x64xf32, #tpu.memory_space<vmem>> -> memref<1x8x64xf32, #tpu.memory_space<vmem>>
        %dma_start3A_2470 = tpu.memref_squeeze %dma_start3A_2469 : memref<1x8x64xf32, #tpu.memory_space<vmem>> -> memref<8x64xf32, #tpu.memory_space<vmem>>
        %dma_start3A_2471 = arith.constant 0 : i32
        %dma_start3A_2472 = arith.constant 0 : i32
        %dma_start3A_2473 = tpu.memref_slice %arg4[%squeeze3A_2457, %dma_start3A_2471, %dma_start3A_2472] : memref<125000x8x64xf32, #tpu.memory_space<hbm>> -> memref<1x8x64xf32, #tpu.memory_space<hbm>>
        %dma_start3A_2474 = tpu.memref_squeeze %dma_start3A_2473 : memref<1x8x64xf32, #tpu.memory_space<hbm>> -> memref<8x64xf32, #tpu.memory_space<hbm>>
        tpu.enqueue_dma source(%dma_start3A_2474 : memref<8x64xf32, #tpu.memory_space<hbm>>) target(%dma_start3A_2470 : memref<8x64xf32, #tpu.memory_space<vmem>>) target_semaphore(%arg14 : memref<!tpu.dma_semaphore, #tpu.memory_space<semaphore_mem>>)
        %slice3A_2475 = vector.extract_strided_slice %shift_right_logical3A_2113 {offsets = [9], sizes = [1], strides = [1]} : vector<16xi32> to vector<1xi32>
        %squeeze3A_2476 = vector.extract %slice3A_2475[0] : i32 from vector<1xi32>
        %dma_start3A_2477 = arith.constant 9 : i32
        %dma_start3A_2478 = arith.constant 0 : i32
        %dma_start3A_2479 = arith.constant 0 : i32
        %dma_start3A_2480 = tpu.memref_slice %arg10[%dma_start3A_2477, %dma_start3A_2478, %dma_start3A_2479] : memref<16x8x64xf32, #tpu.memory_space<vmem>> -> memref<1x8x64xf32, #tpu.memory_space<vmem>>
        %dma_start3A_2481 = tpu.memref_squeeze %dma_start3A_2480 : memref<1x8x64xf32, #tpu.memory_space<vmem>> -> memref<8x64xf32, #tpu.memory_space<vmem>>
        %dma_start3A_2482 = arith.constant 0 : i32
        %dma_start3A_2483 = arith.constant 0 : i32
        %dma_start3A_2484 = tpu.memref_slice %arg5[%squeeze3A_2476, %dma_start3A_2482, %dma_start3A_2483] : memref<125000x8x64xf32, #tpu.memory_space<hbm>> -> memref<1x8x64xf32, #tpu.memory_space<hbm>>
        %dma_start3A_2485 = tpu.memref_squeeze %dma_start3A_2484 : memref<1x8x64xf32, #tpu.memory_space<hbm>> -> memref<8x64xf32, #tpu.memory_space<hbm>>
        %dma_start3A_2486 = arith.constant 0 : i32
        %dma_start3A_2487 = arith.constant 0 : i32
        %dma_start3A_2488 = tpu.memref_slice %arg10[%dma_start3A_2477, %dma_start3A_2486, %dma_start3A_2487] : memref<16x8x64xf32, #tpu.memory_space<vmem>> -> memref<1x8x64xf32, #tpu.memory_space<vmem>>
        %dma_start3A_2489 = tpu.memref_squeeze %dma_start3A_2488 : memref<1x8x64xf32, #tpu.memory_space<vmem>> -> memref<8x64xf32, #tpu.memory_space<vmem>>
        %dma_start3A_2490 = arith.constant 0 : i32
        %dma_start3A_2491 = arith.constant 0 : i32
        %dma_start3A_2492 = tpu.memref_slice %arg5[%squeeze3A_2476, %dma_start3A_2490, %dma_start3A_2491] : memref<125000x8x64xf32, #tpu.memory_space<hbm>> -> memref<1x8x64xf32, #tpu.memory_space<hbm>>
        %dma_start3A_2493 = tpu.memref_squeeze %dma_start3A_2492 : memref<1x8x64xf32, #tpu.memory_space<hbm>> -> memref<8x64xf32, #tpu.memory_space<hbm>>
        tpu.enqueue_dma source(%dma_start3A_2493 : memref<8x64xf32, #tpu.memory_space<hbm>>) target(%dma_start3A_2489 : memref<8x64xf32, #tpu.memory_space<vmem>>) target_semaphore(%arg15 : memref<!tpu.dma_semaphore, #tpu.memory_space<semaphore_mem>>)
        %slice3A_2494 = vector.extract_strided_slice %shift_right_logical3A_2108 {offsets = [10], sizes = [1], strides = [1]} : vector<16xi32> to vector<1xi32>
        %squeeze3A_2495 = vector.extract %slice3A_2494[0] : i32 from vector<1xi32>
        %dma_start3A_2496 = arith.constant 10 : i32
        %dma_start3A_2497 = arith.constant 0 : i32
        %dma_start3A_2498 = arith.constant 0 : i32
        %dma_start3A_2499 = tpu.memref_slice %arg9[%dma_start3A_2496, %dma_start3A_2497, %dma_start3A_2498] : memref<16x8x64xf32, #tpu.memory_space<vmem>> -> memref<1x8x64xf32, #tpu.memory_space<vmem>>
        %dma_start3A_2500 = tpu.memref_squeeze %dma_start3A_2499 : memref<1x8x64xf32, #tpu.memory_space<vmem>> -> memref<8x64xf32, #tpu.memory_space<vmem>>
        %dma_start3A_2501 = arith.constant 0 : i32
        %dma_start3A_2502 = arith.constant 0 : i32
        %dma_start3A_2503 = tpu.memref_slice %arg4[%squeeze3A_2495, %dma_start3A_2501, %dma_start3A_2502] : memref<125000x8x64xf32, #tpu.memory_space<hbm>> -> memref<1x8x64xf32, #tpu.memory_space<hbm>>
        %dma_start3A_2504 = tpu.memref_squeeze %dma_start3A_2503 : memref<1x8x64xf32, #tpu.memory_space<hbm>> -> memref<8x64xf32, #tpu.memory_space<hbm>>
        %dma_start3A_2505 = arith.constant 0 : i32
        %dma_start3A_2506 = arith.constant 0 : i32
        %dma_start3A_2507 = tpu.memref_slice %arg9[%dma_start3A_2496, %dma_start3A_2505, %dma_start3A_2506] : memref<16x8x64xf32, #tpu.memory_space<vmem>> -> memref<1x8x64xf32, #tpu.memory_space<vmem>>
        %dma_start3A_2508 = tpu.memref_squeeze %dma_start3A_2507 : memref<1x8x64xf32, #tpu.memory_space<vmem>> -> memref<8x64xf32, #tpu.memory_space<vmem>>
        %dma_start3A_2509 = arith.constant 0 : i32
        %dma_start3A_2510 = arith.constant 0 : i32
        %dma_start3A_2511 = tpu.memref_slice %arg4[%squeeze3A_2495, %dma_start3A_2509, %dma_start3A_2510] : memref<125000x8x64xf32, #tpu.memory_space<hbm>> -> memref<1x8x64xf32, #tpu.memory_space<hbm>>
        %dma_start3A_2512 = tpu.memref_squeeze %dma_start3A_2511 : memref<1x8x64xf32, #tpu.memory_space<hbm>> -> memref<8x64xf32, #tpu.memory_space<hbm>>
        tpu.enqueue_dma source(%dma_start3A_2512 : memref<8x64xf32, #tpu.memory_space<hbm>>) target(%dma_start3A_2508 : memref<8x64xf32, #tpu.memory_space<vmem>>) target_semaphore(%arg14 : memref<!tpu.dma_semaphore, #tpu.memory_space<semaphore_mem>>)
        %slice3A_2513 = vector.extract_strided_slice %shift_right_logical3A_2113 {offsets = [10], sizes = [1], strides = [1]} : vector<16xi32> to vector<1xi32>
        %squeeze3A_2514 = vector.extract %slice3A_2513[0] : i32 from vector<1xi32>
        %dma_start3A_2515 = arith.constant 10 : i32
        %dma_start3A_2516 = arith.constant 0 : i32
        %dma_start3A_2517 = arith.constant 0 : i32
        %dma_start3A_2518 = tpu.memref_slice %arg10[%dma_start3A_2515, %dma_start3A_2516, %dma_start3A_2517] : memref<16x8x64xf32, #tpu.memory_space<vmem>> -> memref<1x8x64xf32, #tpu.memory_space<vmem>>
        %dma_start3A_2519 = tpu.memref_squeeze %dma_start3A_2518 : memref<1x8x64xf32, #tpu.memory_space<vmem>> -> memref<8x64xf32, #tpu.memory_space<vmem>>
        %dma_start3A_2520 = arith.constant 0 : i32
        %dma_start3A_2521 = arith.constant 0 : i32
        %dma_start3A_2522 = tpu.memref_slice %arg5[%squeeze3A_2514, %dma_start3A_2520, %dma_start3A_2521] : memref<125000x8x64xf32, #tpu.memory_space<hbm>> -> memref<1x8x64xf32, #tpu.memory_space<hbm>>
        %dma_start3A_2523 = tpu.memref_squeeze %dma_start3A_2522 : memref<1x8x64xf32, #tpu.memory_space<hbm>> -> memref<8x64xf32, #tpu.memory_space<hbm>>
        %dma_start3A_2524 = arith.constant 0 : i32
        %dma_start3A_2525 = arith.constant 0 : i32
        %dma_start3A_2526 = tpu.memref_slice %arg10[%dma_start3A_2515, %dma_start3A_2524, %dma_start3A_2525] : memref<16x8x64xf32, #tpu.memory_space<vmem>> -> memref<1x8x64xf32, #tpu.memory_space<vmem>>
        %dma_start3A_2527 = tpu.memref_squeeze %dma_start3A_2526 : memref<1x8x64xf32, #tpu.memory_space<vmem>> -> memref<8x64xf32, #tpu.memory_space<vmem>>
        %dma_start3A_2528 = arith.constant 0 : i32
        %dma_start3A_2529 = arith.constant 0 : i32
        %dma_start3A_2530 = tpu.memref_slice %arg5[%squeeze3A_2514, %dma_start3A_2528, %dma_start3A_2529] : memref<125000x8x64xf32, #tpu.memory_space<hbm>> -> memref<1x8x64xf32, #tpu.memory_space<hbm>>
        %dma_start3A_2531 = tpu.memref_squeeze %dma_start3A_2530 : memref<1x8x64xf32, #tpu.memory_space<hbm>> -> memref<8x64xf32, #tpu.memory_space<hbm>>
        tpu.enqueue_dma source(%dma_start3A_2531 : memref<8x64xf32, #tpu.memory_space<hbm>>) target(%dma_start3A_2527 : memref<8x64xf32, #tpu.memory_space<vmem>>) target_semaphore(%arg15 : memref<!tpu.dma_semaphore, #tpu.memory_space<semaphore_mem>>)
        %slice3A_2532 = vector.extract_strided_slice %shift_right_logical3A_2108 {offsets = [11], sizes = [1], strides = [1]} : vector<16xi32> to vector<1xi32>
        %squeeze3A_2533 = vector.extract %slice3A_2532[0] : i32 from vector<1xi32>
        %dma_start3A_2534 = arith.constant 11 : i32
        %dma_start3A_2535 = arith.constant 0 : i32
        %dma_start3A_2536 = arith.constant 0 : i32
        %dma_start3A_2537 = tpu.memref_slice %arg9[%dma_start3A_2534, %dma_start3A_2535, %dma_start3A_2536] : memref<16x8x64xf32, #tpu.memory_space<vmem>> -> memref<1x8x64xf32, #tpu.memory_space<vmem>>
        %dma_start3A_2538 = tpu.memref_squeeze %dma_start3A_2537 : memref<1x8x64xf32, #tpu.memory_space<vmem>> -> memref<8x64xf32, #tpu.memory_space<vmem>>
        %dma_start3A_2539 = arith.constant 0 : i32
        %dma_start3A_2540 = arith.constant 0 : i32
        %dma_start3A_2541 = tpu.memref_slice %arg4[%squeeze3A_2533, %dma_start3A_2539, %dma_start3A_2540] : memref<125000x8x64xf32, #tpu.memory_space<hbm>> -> memref<1x8x64xf32, #tpu.memory_space<hbm>>
        %dma_start3A_2542 = tpu.memref_squeeze %dma_start3A_2541 : memref<1x8x64xf32, #tpu.memory_space<hbm>> -> memref<8x64xf32, #tpu.memory_space<hbm>>
        %dma_start3A_2543 = arith.constant 0 : i32
        %dma_start3A_2544 = arith.constant 0 : i32
        %dma_start3A_2545 = tpu.memref_slice %arg9[%dma_start3A_2534, %dma_start3A_2543, %dma_start3A_2544] : memref<16x8x64xf32, #tpu.memory_space<vmem>> -> memref<1x8x64xf32, #tpu.memory_space<vmem>>
        %dma_start3A_2546 = tpu.memref_squeeze %dma_start3A_2545 : memref<1x8x64xf32, #tpu.memory_space<vmem>> -> memref<8x64xf32, #tpu.memory_space<vmem>>
        %dma_start3A_2547 = arith.constant 0 : i32
        %dma_start3A_2548 = arith.constant 0 : i32
        %dma_start3A_2549 = tpu.memref_slice %arg4[%squeeze3A_2533, %dma_start3A_2547, %dma_start3A_2548] : memref<125000x8x64xf32, #tpu.memory_space<hbm>> -> memref<1x8x64xf32, #tpu.memory_space<hbm>>
        %dma_start3A_2550 = tpu.memref_squeeze %dma_start3A_2549 : memref<1x8x64xf32, #tpu.memory_space<hbm>> -> memref<8x64xf32, #tpu.memory_space<hbm>>
        tpu.enqueue_dma source(%dma_start3A_2550 : memref<8x64xf32, #tpu.memory_space<hbm>>) target(%dma_start3A_2546 : memref<8x64xf32, #tpu.memory_space<vmem>>) target_semaphore(%arg14 : memref<!tpu.dma_semaphore, #tpu.memory_space<semaphore_mem>>)
        %slice3A_2551 = vector.extract_strided_slice %shift_right_logical3A_2113 {offsets = [11], sizes = [1], strides = [1]} : vector<16xi32> to vector<1xi32>
        %squeeze3A_2552 = vector.extract %slice3A_2551[0] : i32 from vector<1xi32>
        %dma_start3A_2553 = arith.constant 11 : i32
        %dma_start3A_2554 = arith.constant 0 : i32
        %dma_start3A_2555 = arith.constant 0 : i32
        %dma_start3A_2556 = tpu.memref_slice %arg10[%dma_start3A_2553, %dma_start3A_2554, %dma_start3A_2555] : memref<16x8x64xf32, #tpu.memory_space<vmem>> -> memref<1x8x64xf32, #tpu.memory_space<vmem>>
        %dma_start3A_2557 = tpu.memref_squeeze %dma_start3A_2556 : memref<1x8x64xf32, #tpu.memory_space<vmem>> -> memref<8x64xf32, #tpu.memory_space<vmem>>
        %dma_start3A_2558 = arith.constant 0 : i32
        %dma_start3A_2559 = arith.constant 0 : i32
        %dma_start3A_2560 = tpu.memref_slice %arg5[%squeeze3A_2552, %dma_start3A_2558, %dma_start3A_2559] : memref<125000x8x64xf32, #tpu.memory_space<hbm>> -> memref<1x8x64xf32, #tpu.memory_space<hbm>>
        %dma_start3A_2561 = tpu.memref_squeeze %dma_start3A_2560 : memref<1x8x64xf32, #tpu.memory_space<hbm>> -> memref<8x64xf32, #tpu.memory_space<hbm>>
        %dma_start3A_2562 = arith.constant 0 : i32
        %dma_start3A_2563 = arith.constant 0 : i32
        %dma_start3A_2564 = tpu.memref_slice %arg10[%dma_start3A_2553, %dma_start3A_2562, %dma_start3A_2563] : memref<16x8x64xf32, #tpu.memory_space<vmem>> -> memref<1x8x64xf32, #tpu.memory_space<vmem>>
        %dma_start3A_2565 = tpu.memref_squeeze %dma_start3A_2564 : memref<1x8x64xf32, #tpu.memory_space<vmem>> -> memref<8x64xf32, #tpu.memory_space<vmem>>
        %dma_start3A_2566 = arith.constant 0 : i32
        %dma_start3A_2567 = arith.constant 0 : i32
        %dma_start3A_2568 = tpu.memref_slice %arg5[%squeeze3A_2552, %dma_start3A_2566, %dma_start3A_2567] : memref<125000x8x64xf32, #tpu.memory_space<hbm>> -> memref<1x8x64xf32, #tpu.memory_space<hbm>>
        %dma_start3A_2569 = tpu.memref_squeeze %dma_start3A_2568 : memref<1x8x64xf32, #tpu.memory_space<hbm>> -> memref<8x64xf32, #tpu.memory_space<hbm>>
        tpu.enqueue_dma source(%dma_start3A_2569 : memref<8x64xf32, #tpu.memory_space<hbm>>) target(%dma_start3A_2565 : memref<8x64xf32, #tpu.memory_space<vmem>>) target_semaphore(%arg15 : memref<!tpu.dma_semaphore, #tpu.memory_space<semaphore_mem>>)
        %slice3A_2570 = vector.extract_strided_slice %shift_right_logical3A_2108 {offsets = [12], sizes = [1], strides = [1]} : vector<16xi32> to vector<1xi32>
        %squeeze3A_2571 = vector.extract %slice3A_2570[0] : i32 from vector<1xi32>
        %dma_start3A_2572 = arith.constant 12 : i32
        %dma_start3A_2573 = arith.constant 0 : i32
        %dma_start3A_2574 = arith.constant 0 : i32
        %dma_start3A_2575 = tpu.memref_slice %arg9[%dma_start3A_2572, %dma_start3A_2573, %dma_start3A_2574] : memref<16x8x64xf32, #tpu.memory_space<vmem>> -> memref<1x8x64xf32, #tpu.memory_space<vmem>>
        %dma_start3A_2576 = tpu.memref_squeeze %dma_start3A_2575 : memref<1x8x64xf32, #tpu.memory_space<vmem>> -> memref<8x64xf32, #tpu.memory_space<vmem>>
        %dma_start3A_2577 = arith.constant 0 : i32
        %dma_start3A_2578 = arith.constant 0 : i32
        %dma_start3A_2579 = tpu.memref_slice %arg4[%squeeze3A_2571, %dma_start3A_2577, %dma_start3A_2578] : memref<125000x8x64xf32, #tpu.memory_space<hbm>> -> memref<1x8x64xf32, #tpu.memory_space<hbm>>
        %dma_start3A_2580 = tpu.memref_squeeze %dma_start3A_2579 : memref<1x8x64xf32, #tpu.memory_space<hbm>> -> memref<8x64xf32, #tpu.memory_space<hbm>>
        %dma_start3A_2581 = arith.constant 0 : i32
        %dma_start3A_2582 = arith.constant 0 : i32
        %dma_start3A_2583 = tpu.memref_slice %arg9[%dma_start3A_2572, %dma_start3A_2581, %dma_start3A_2582] : memref<16x8x64xf32, #tpu.memory_space<vmem>> -> memref<1x8x64xf32, #tpu.memory_space<vmem>>
        %dma_start3A_2584 = tpu.memref_squeeze %dma_start3A_2583 : memref<1x8x64xf32, #tpu.memory_space<vmem>> -> memref<8x64xf32, #tpu.memory_space<vmem>>
        %dma_start3A_2585 = arith.constant 0 : i32
        %dma_start3A_2586 = arith.constant 0 : i32
        %dma_start3A_2587 = tpu.memref_slice %arg4[%squeeze3A_2571, %dma_start3A_2585, %dma_start3A_2586] : memref<125000x8x64xf32, #tpu.memory_space<hbm>> -> memref<1x8x64xf32, #tpu.memory_space<hbm>>
        %dma_start3A_2588 = tpu.memref_squeeze %dma_start3A_2587 : memref<1x8x64xf32, #tpu.memory_space<hbm>> -> memref<8x64xf32, #tpu.memory_space<hbm>>
        tpu.enqueue_dma source(%dma_start3A_2588 : memref<8x64xf32, #tpu.memory_space<hbm>>) target(%dma_start3A_2584 : memref<8x64xf32, #tpu.memory_space<vmem>>) target_semaphore(%arg14 : memref<!tpu.dma_semaphore, #tpu.memory_space<semaphore_mem>>)
        %slice3A_2589 = vector.extract_strided_slice %shift_right_logical3A_2113 {offsets = [12], sizes = [1], strides = [1]} : vector<16xi32> to vector<1xi32>
        %squeeze3A_2590 = vector.extract %slice3A_2589[0] : i32 from vector<1xi32>
        %dma_start3A_2591 = arith.constant 12 : i32
        %dma_start3A_2592 = arith.constant 0 : i32
        %dma_start3A_2593 = arith.constant 0 : i32
        %dma_start3A_2594 = tpu.memref_slice %arg10[%dma_start3A_2591, %dma_start3A_2592, %dma_start3A_2593] : memref<16x8x64xf32, #tpu.memory_space<vmem>> -> memref<1x8x64xf32, #tpu.memory_space<vmem>>
        %dma_start3A_2595 = tpu.memref_squeeze %dma_start3A_2594 : memref<1x8x64xf32, #tpu.memory_space<vmem>> -> memref<8x64xf32, #tpu.memory_space<vmem>>
        %dma_start3A_2596 = arith.constant 0 : i32
        %dma_start3A_2597 = arith.constant 0 : i32
        %dma_start3A_2598 = tpu.memref_slice %arg5[%squeeze3A_2590, %dma_start3A_2596, %dma_start3A_2597] : memref<125000x8x64xf32, #tpu.memory_space<hbm>> -> memref<1x8x64xf32, #tpu.memory_space<hbm>>
        %dma_start3A_2599 = tpu.memref_squeeze %dma_start3A_2598 : memref<1x8x64xf32, #tpu.memory_space<hbm>> -> memref<8x64xf32, #tpu.memory_space<hbm>>
        %dma_start3A_2600 = arith.constant 0 : i32
        %dma_start3A_2601 = arith.constant 0 : i32
        %dma_start3A_2602 = tpu.memref_slice %arg10[%dma_start3A_2591, %dma_start3A_2600, %dma_start3A_2601] : memref<16x8x64xf32, #tpu.memory_space<vmem>> -> memref<1x8x64xf32, #tpu.memory_space<vmem>>
        %dma_start3A_2603 = tpu.memref_squeeze %dma_start3A_2602 : memref<1x8x64xf32, #tpu.memory_space<vmem>> -> memref<8x64xf32, #tpu.memory_space<vmem>>
        %dma_start3A_2604 = arith.constant 0 : i32
        %dma_start3A_2605 = arith.constant 0 : i32
        %dma_start3A_2606 = tpu.memref_slice %arg5[%squeeze3A_2590, %dma_start3A_2604, %dma_start3A_2605] : memref<125000x8x64xf32, #tpu.memory_space<hbm>> -> memref<1x8x64xf32, #tpu.memory_space<hbm>>
        %dma_start3A_2607 = tpu.memref_squeeze %dma_start3A_2606 : memref<1x8x64xf32, #tpu.memory_space<hbm>> -> memref<8x64xf32, #tpu.memory_space<hbm>>
        tpu.enqueue_dma source(%dma_start3A_2607 : memref<8x64xf32, #tpu.memory_space<hbm>>) target(%dma_start3A_2603 : memref<8x64xf32, #tpu.memory_space<vmem>>) target_semaphore(%arg15 : memref<!tpu.dma_semaphore, #tpu.memory_space<semaphore_mem>>)
        %slice3A_2608 = vector.extract_strided_slice %shift_right_logical3A_2108 {offsets = [13], sizes = [1], strides = [1]} : vector<16xi32> to vector<1xi32>
        %squeeze3A_2609 = vector.extract %slice3A_2608[0] : i32 from vector<1xi32>
        %dma_start3A_2610 = arith.constant 13 : i32
        %dma_start3A_2611 = arith.constant 0 : i32
        %dma_start3A_2612 = arith.constant 0 : i32
        %dma_start3A_2613 = tpu.memref_slice %arg9[%dma_start3A_2610, %dma_start3A_2611, %dma_start3A_2612] : memref<16x8x64xf32, #tpu.memory_space<vmem>> -> memref<1x8x64xf32, #tpu.memory_space<vmem>>
        %dma_start3A_2614 = tpu.memref_squeeze %dma_start3A_2613 : memref<1x8x64xf32, #tpu.memory_space<vmem>> -> memref<8x64xf32, #tpu.memory_space<vmem>>
        %dma_start3A_2615 = arith.constant 0 : i32
        %dma_start3A_2616 = arith.constant 0 : i32
        %dma_start3A_2617 = tpu.memref_slice %arg4[%squeeze3A_2609, %dma_start3A_2615, %dma_start3A_2616] : memref<125000x8x64xf32, #tpu.memory_space<hbm>> -> memref<1x8x64xf32, #tpu.memory_space<hbm>>
        %dma_start3A_2618 = tpu.memref_squeeze %dma_start3A_2617 : memref<1x8x64xf32, #tpu.memory_space<hbm>> -> memref<8x64xf32, #tpu.memory_space<hbm>>
        %dma_start3A_2619 = arith.constant 0 : i32
        %dma_start3A_2620 = arith.constant 0 : i32
        %dma_start3A_2621 = tpu.memref_slice %arg9[%dma_start3A_2610, %dma_start3A_2619, %dma_start3A_2620] : memref<16x8x64xf32, #tpu.memory_space<vmem>> -> memref<1x8x64xf32, #tpu.memory_space<vmem>>
        %dma_start3A_2622 = tpu.memref_squeeze %dma_start3A_2621 : memref<1x8x64xf32, #tpu.memory_space<vmem>> -> memref<8x64xf32, #tpu.memory_space<vmem>>
        %dma_start3A_2623 = arith.constant 0 : i32
        %dma_start3A_2624 = arith.constant 0 : i32
        %dma_start3A_2625 = tpu.memref_slice %arg4[%squeeze3A_2609, %dma_start3A_2623, %dma_start3A_2624] : memref<125000x8x64xf32, #tpu.memory_space<hbm>> -> memref<1x8x64xf32, #tpu.memory_space<hbm>>
        %dma_start3A_2626 = tpu.memref_squeeze %dma_start3A_2625 : memref<1x8x64xf32, #tpu.memory_space<hbm>> -> memref<8x64xf32, #tpu.memory_space<hbm>>
        tpu.enqueue_dma source(%dma_start3A_2626 : memref<8x64xf32, #tpu.memory_space<hbm>>) target(%dma_start3A_2622 : memref<8x64xf32, #tpu.memory_space<vmem>>) target_semaphore(%arg14 : memref<!tpu.dma_semaphore, #tpu.memory_space<semaphore_mem>>)
        %slice3A_2627 = vector.extract_strided_slice %shift_right_logical3A_2113 {offsets = [13], sizes = [1], strides = [1]} : vector<16xi32> to vector<1xi32>
        %squeeze3A_2628 = vector.extract %slice3A_2627[0] : i32 from vector<1xi32>
        %dma_start3A_2629 = arith.constant 13 : i32
        %dma_start3A_2630 = arith.constant 0 : i32
        %dma_start3A_2631 = arith.constant 0 : i32
        %dma_start3A_2632 = tpu.memref_slice %arg10[%dma_start3A_2629, %dma_start3A_2630, %dma_start3A_2631] : memref<16x8x64xf32, #tpu.memory_space<vmem>> -> memref<1x8x64xf32, #tpu.memory_space<vmem>>
        %dma_start3A_2633 = tpu.memref_squeeze %dma_start3A_2632 : memref<1x8x64xf32, #tpu.memory_space<vmem>> -> memref<8x64xf32, #tpu.memory_space<vmem>>
        %dma_start3A_2634 = arith.constant 0 : i32
        %dma_start3A_2635 = arith.constant 0 : i32
        %dma_start3A_2636 = tpu.memref_slice %arg5[%squeeze3A_2628, %dma_start3A_2634, %dma_start3A_2635] : memref<125000x8x64xf32, #tpu.memory_space<hbm>> -> memref<1x8x64xf32, #tpu.memory_space<hbm>>
        %dma_start3A_2637 = tpu.memref_squeeze %dma_start3A_2636 : memref<1x8x64xf32, #tpu.memory_space<hbm>> -> memref<8x64xf32, #tpu.memory_space<hbm>>
        %dma_start3A_2638 = arith.constant 0 : i32
        %dma_start3A_2639 = arith.constant 0 : i32
        %dma_start3A_2640 = tpu.memref_slice %arg10[%dma_start3A_2629, %dma_start3A_2638, %dma_start3A_2639] : memref<16x8x64xf32, #tpu.memory_space<vmem>> -> memref<1x8x64xf32, #tpu.memory_space<vmem>>
        %dma_start3A_2641 = tpu.memref_squeeze %dma_start3A_2640 : memref<1x8x64xf32, #tpu.memory_space<vmem>> -> memref<8x64xf32, #tpu.memory_space<vmem>>
        %dma_start3A_2642 = arith.constant 0 : i32
        %dma_start3A_2643 = arith.constant 0 : i32
        %dma_start3A_2644 = tpu.memref_slice %arg5[%squeeze3A_2628, %dma_start3A_2642, %dma_start3A_2643] : memref<125000x8x64xf32, #tpu.memory_space<hbm>> -> memref<1x8x64xf32, #tpu.memory_space<hbm>>
        %dma_start3A_2645 = tpu.memref_squeeze %dma_start3A_2644 : memref<1x8x64xf32, #tpu.memory_space<hbm>> -> memref<8x64xf32, #tpu.memory_space<hbm>>
        tpu.enqueue_dma source(%dma_start3A_2645 : memref<8x64xf32, #tpu.memory_space<hbm>>) target(%dma_start3A_2641 : memref<8x64xf32, #tpu.memory_space<vmem>>) target_semaphore(%arg15 : memref<!tpu.dma_semaphore, #tpu.memory_space<semaphore_mem>>)
        %slice3A_2646 = vector.extract_strided_slice %shift_right_logical3A_2108 {offsets = [14], sizes = [1], strides = [1]} : vector<16xi32> to vector<1xi32>
        %squeeze3A_2647 = vector.extract %slice3A_2646[0] : i32 from vector<1xi32>
        %dma_start3A_2648 = arith.constant 14 : i32
        %dma_start3A_2649 = arith.constant 0 : i32
        %dma_start3A_2650 = arith.constant 0 : i32
        %dma_start3A_2651 = tpu.memref_slice %arg9[%dma_start3A_2648, %dma_start3A_2649, %dma_start3A_2650] : memref<16x8x64xf32, #tpu.memory_space<vmem>> -> memref<1x8x64xf32, #tpu.memory_space<vmem>>
        %dma_start3A_2652 = tpu.memref_squeeze %dma_start3A_2651 : memref<1x8x64xf32, #tpu.memory_space<vmem>> -> memref<8x64xf32, #tpu.memory_space<vmem>>
        %dma_start3A_2653 = arith.constant 0 : i32
        %dma_start3A_2654 = arith.constant 0 : i32
        %dma_start3A_2655 = tpu.memref_slice %arg4[%squeeze3A_2647, %dma_start3A_2653, %dma_start3A_2654] : memref<125000x8x64xf32, #tpu.memory_space<hbm>> -> memref<1x8x64xf32, #tpu.memory_space<hbm>>
        %dma_start3A_2656 = tpu.memref_squeeze %dma_start3A_2655 : memref<1x8x64xf32, #tpu.memory_space<hbm>> -> memref<8x64xf32, #tpu.memory_space<hbm>>
        %dma_start3A_2657 = arith.constant 0 : i32
        %dma_start3A_2658 = arith.constant 0 : i32
        %dma_start3A_2659 = tpu.memref_slice %arg9[%dma_start3A_2648, %dma_start3A_2657, %dma_start3A_2658] : memref<16x8x64xf32, #tpu.memory_space<vmem>> -> memref<1x8x64xf32, #tpu.memory_space<vmem>>
        %dma_start3A_2660 = tpu.memref_squeeze %dma_start3A_2659 : memref<1x8x64xf32, #tpu.memory_space<vmem>> -> memref<8x64xf32, #tpu.memory_space<vmem>>
        %dma_start3A_2661 = arith.constant 0 : i32
        %dma_start3A_2662 = arith.constant 0 : i32
        %dma_start3A_2663 = tpu.memref_slice %arg4[%squeeze3A_2647, %dma_start3A_2661, %dma_start3A_2662] : memref<125000x8x64xf32, #tpu.memory_space<hbm>> -> memref<1x8x64xf32, #tpu.memory_space<hbm>>
        %dma_start3A_2664 = tpu.memref_squeeze %dma_start3A_2663 : memref<1x8x64xf32, #tpu.memory_space<hbm>> -> memref<8x64xf32, #tpu.memory_space<hbm>>
        tpu.enqueue_dma source(%dma_start3A_2664 : memref<8x64xf32, #tpu.memory_space<hbm>>) target(%dma_start3A_2660 : memref<8x64xf32, #tpu.memory_space<vmem>>) target_semaphore(%arg14 : memref<!tpu.dma_semaphore, #tpu.memory_space<semaphore_mem>>)
        %slice3A_2665 = vector.extract_strided_slice %shift_right_logical3A_2113 {offsets = [14], sizes = [1], strides = [1]} : vector<16xi32> to vector<1xi32>
        %squeeze3A_2666 = vector.extract %slice3A_2665[0] : i32 from vector<1xi32>
        %dma_start3A_2667 = arith.constant 14 : i32
        %dma_start3A_2668 = arith.constant 0 : i32
        %dma_start3A_2669 = arith.constant 0 : i32
        %dma_start3A_2670 = tpu.memref_slice %arg10[%dma_start3A_2667, %dma_start3A_2668, %dma_start3A_2669] : memref<16x8x64xf32, #tpu.memory_space<vmem>> -> memref<1x8x64xf32, #tpu.memory_space<vmem>>
        %dma_start3A_2671 = tpu.memref_squeeze %dma_start3A_2670 : memref<1x8x64xf32, #tpu.memory_space<vmem>> -> memref<8x64xf32, #tpu.memory_space<vmem>>
        %dma_start3A_2672 = arith.constant 0 : i32
        %dma_start3A_2673 = arith.constant 0 : i32
        %dma_start3A_2674 = tpu.memref_slice %arg5[%squeeze3A_2666, %dma_start3A_2672, %dma_start3A_2673] : memref<125000x8x64xf32, #tpu.memory_space<hbm>> -> memref<1x8x64xf32, #tpu.memory_space<hbm>>
        %dma_start3A_2675 = tpu.memref_squeeze %dma_start3A_2674 : memref<1x8x64xf32, #tpu.memory_space<hbm>> -> memref<8x64xf32, #tpu.memory_space<hbm>>
        %dma_start3A_2676 = arith.constant 0 : i32
        %dma_start3A_2677 = arith.constant 0 : i32
        %dma_start3A_2678 = tpu.memref_slice %arg10[%dma_start3A_2667, %dma_start3A_2676, %dma_start3A_2677] : memref<16x8x64xf32, #tpu.memory_space<vmem>> -> memref<1x8x64xf32, #tpu.memory_space<vmem>>
        %dma_start3A_2679 = tpu.memref_squeeze %dma_start3A_2678 : memref<1x8x64xf32, #tpu.memory_space<vmem>> -> memref<8x64xf32, #tpu.memory_space<vmem>>
        %dma_start3A_2680 = arith.constant 0 : i32
        %dma_start3A_2681 = arith.constant 0 : i32
        %dma_start3A_2682 = tpu.memref_slice %arg5[%squeeze3A_2666, %dma_start3A_2680, %dma_start3A_2681] : memref<125000x8x64xf32, #tpu.memory_space<hbm>> -> memref<1x8x64xf32, #tpu.memory_space<hbm>>
        %dma_start3A_2683 = tpu.memref_squeeze %dma_start3A_2682 : memref<1x8x64xf32, #tpu.memory_space<hbm>> -> memref<8x64xf32, #tpu.memory_space<hbm>>
        tpu.enqueue_dma source(%dma_start3A_2683 : memref<8x64xf32, #tpu.memory_space<hbm>>) target(%dma_start3A_2679 : memref<8x64xf32, #tpu.memory_space<vmem>>) target_semaphore(%arg15 : memref<!tpu.dma_semaphore, #tpu.memory_space<semaphore_mem>>)
        %slice3A_2684 = vector.extract_strided_slice %shift_right_logical3A_2108 {offsets = [15], sizes = [1], strides = [1]} : vector<16xi32> to vector<1xi32>
        %squeeze3A_2685 = vector.extract %slice3A_2684[0] : i32 from vector<1xi32>
        %dma_start3A_2686 = arith.constant 15 : i32
        %dma_start3A_2687 = arith.constant 0 : i32
        %dma_start3A_2688 = arith.constant 0 : i32
        %dma_start3A_2689 = tpu.memref_slice %arg9[%dma_start3A_2686, %dma_start3A_2687, %dma_start3A_2688] : memref<16x8x64xf32, #tpu.memory_space<vmem>> -> memref<1x8x64xf32, #tpu.memory_space<vmem>>
        %dma_start3A_2690 = tpu.memref_squeeze %dma_start3A_2689 : memref<1x8x64xf32, #tpu.memory_space<vmem>> -> memref<8x64xf32, #tpu.memory_space<vmem>>
        %dma_start3A_2691 = arith.constant 0 : i32
        %dma_start3A_2692 = arith.constant 0 : i32
        %dma_start3A_2693 = tpu.memref_slice %arg4[%squeeze3A_2685, %dma_start3A_2691, %dma_start3A_2692] : memref<125000x8x64xf32, #tpu.memory_space<hbm>> -> memref<1x8x64xf32, #tpu.memory_space<hbm>>
        %dma_start3A_2694 = tpu.memref_squeeze %dma_start3A_2693 : memref<1x8x64xf32, #tpu.memory_space<hbm>> -> memref<8x64xf32, #tpu.memory_space<hbm>>
        %dma_start3A_2695 = arith.constant 0 : i32
        %dma_start3A_2696 = arith.constant 0 : i32
        %dma_start3A_2697 = tpu.memref_slice %arg9[%dma_start3A_2686, %dma_start3A_2695, %dma_start3A_2696] : memref<16x8x64xf32, #tpu.memory_space<vmem>> -> memref<1x8x64xf32, #tpu.memory_space<vmem>>
        %dma_start3A_2698 = tpu.memref_squeeze %dma_start3A_2697 : memref<1x8x64xf32, #tpu.memory_space<vmem>> -> memref<8x64xf32, #tpu.memory_space<vmem>>
        %dma_start3A_2699 = arith.constant 0 : i32
        %dma_start3A_2700 = arith.constant 0 : i32
        %dma_start3A_2701 = tpu.memref_slice %arg4[%squeeze3A_2685, %dma_start3A_2699, %dma_start3A_2700] : memref<125000x8x64xf32, #tpu.memory_space<hbm>> -> memref<1x8x64xf32, #tpu.memory_space<hbm>>
        %dma_start3A_2702 = tpu.memref_squeeze %dma_start3A_2701 : memref<1x8x64xf32, #tpu.memory_space<hbm>> -> memref<8x64xf32, #tpu.memory_space<hbm>>
        tpu.enqueue_dma source(%dma_start3A_2702 : memref<8x64xf32, #tpu.memory_space<hbm>>) target(%dma_start3A_2698 : memref<8x64xf32, #tpu.memory_space<vmem>>) target_semaphore(%arg14 : memref<!tpu.dma_semaphore, #tpu.memory_space<semaphore_mem>>)
        %slice3A_2703 = vector.extract_strided_slice %shift_right_logical3A_2113 {offsets = [15], sizes = [1], strides = [1]} : vector<16xi32> to vector<1xi32>
        %squeeze3A_2704 = vector.extract %slice3A_2703[0] : i32 from vector<1xi32>
        %dma_start3A_2705 = arith.constant 15 : i32
        %dma_start3A_2706 = arith.constant 0 : i32
        %dma_start3A_2707 = arith.constant 0 : i32
        %dma_start3A_2708 = tpu.memref_slice %arg10[%dma_start3A_2705, %dma_start3A_2706, %dma_start3A_2707] : memref<16x8x64xf32, #tpu.memory_space<vmem>> -> memref<1x8x64xf32, #tpu.memory_space<vmem>>
        %dma_start3A_2709 = tpu.memref_squeeze %dma_start3A_2708 : memref<1x8x64xf32, #tpu.memory_space<vmem>> -> memref<8x64xf32, #tpu.memory_space<vmem>>
        %dma_start3A_2710 = arith.constant 0 : i32
        %dma_start3A_2711 = arith.constant 0 : i32
        %dma_start3A_2712 = tpu.memref_slice %arg5[%squeeze3A_2704, %dma_start3A_2710, %dma_start3A_2711] : memref<125000x8x64xf32, #tpu.memory_space<hbm>> -> memref<1x8x64xf32, #tpu.memory_space<hbm>>
        %dma_start3A_2713 = tpu.memref_squeeze %dma_start3A_2712 : memref<1x8x64xf32, #tpu.memory_space<hbm>> -> memref<8x64xf32, #tpu.memory_space<hbm>>
        %dma_start3A_2714 = arith.constant 0 : i32
        %dma_start3A_2715 = arith.constant 0 : i32
        %dma_start3A_2716 = tpu.memref_slice %arg10[%dma_start3A_2705, %dma_start3A_2714, %dma_start3A_2715] : memref<16x8x64xf32, #tpu.memory_space<vmem>> -> memref<1x8x64xf32, #tpu.memory_space<vmem>>
        %dma_start3A_2717 = tpu.memref_squeeze %dma_start3A_2716 : memref<1x8x64xf32, #tpu.memory_space<vmem>> -> memref<8x64xf32, #tpu.memory_space<vmem>>
        %dma_start3A_2718 = arith.constant 0 : i32
        %dma_start3A_2719 = arith.constant 0 : i32
        %dma_start3A_2720 = tpu.memref_slice %arg5[%squeeze3A_2704, %dma_start3A_2718, %dma_start3A_2719] : memref<125000x8x64xf32, #tpu.memory_space<hbm>> -> memref<1x8x64xf32, #tpu.memory_space<hbm>>
        %dma_start3A_2721 = tpu.memref_squeeze %dma_start3A_2720 : memref<1x8x64xf32, #tpu.memory_space<hbm>> -> memref<8x64xf32, #tpu.memory_space<hbm>>
        tpu.enqueue_dma source(%dma_start3A_2721 : memref<8x64xf32, #tpu.memory_space<hbm>>) target(%dma_start3A_2717 : memref<8x64xf32, #tpu.memory_space<vmem>>) target_semaphore(%arg15 : memref<!tpu.dma_semaphore, #tpu.memory_space<semaphore_mem>>)
      } else {
      }
      %dma_wait3A_1670 = arith.constant 0 : i32
      %dma_wait3A_1671 = arith.constant 0 : i32
      %dma_wait3A_1672 = arith.constant 0 : i32
      %dma_wait3A_1673 = tpu.memref_slice %arg4[%dma_wait3A_1670, %dma_wait3A_1671, %dma_wait3A_1672] : memref<125000x8x64xf32, #tpu.memory_space<hbm>> -> memref<16x8x64xf32, #tpu.memory_space<hbm>>
      %dma_wait3A_1674 = arith.constant 0 : i32
      %dma_wait3A_1675 = arith.constant 0 : i32
      %dma_wait3A_1676 = arith.constant 0 : i32
      %dma_wait3A_1677 = tpu.memref_slice %arg4[%dma_wait3A_1674, %dma_wait3A_1675, %dma_wait3A_1676] : memref<125000x8x64xf32, #tpu.memory_space<hbm>> -> memref<16x8x64xf32, #tpu.memory_space<hbm>>
      tpu.wait_dma2 semaphore(%arg16 : memref<!tpu.dma_semaphore, #tpu.memory_space<semaphore_mem>>) src(%dma_wait3A_1677 : memref<16x8x64xf32, #tpu.memory_space<hbm>>) dst(%arg11 : memref<16x8x64xf32, #tpu.memory_space<vmem>>)
      %dma_wait3A_1678 = arith.constant 0 : i32
      %dma_wait3A_1679 = arith.constant 0 : i32
      %dma_wait3A_1680 = arith.constant 0 : i32
      %dma_wait3A_1681 = tpu.memref_slice %arg5[%dma_wait3A_1678, %dma_wait3A_1679, %dma_wait3A_1680] : memref<125000x8x64xf32, #tpu.memory_space<hbm>> -> memref<16x8x64xf32, #tpu.memory_space<hbm>>
      %dma_wait3A_1682 = arith.constant 0 : i32
      %dma_wait3A_1683 = arith.constant 0 : i32
      %dma_wait3A_1684 = arith.constant 0 : i32
      %dma_wait3A_1685 = tpu.memref_slice %arg5[%dma_wait3A_1682, %dma_wait3A_1683, %dma_wait3A_1684] : memref<125000x8x64xf32, #tpu.memory_space<hbm>> -> memref<16x8x64xf32, #tpu.memory_space<hbm>>
      tpu.wait_dma2 semaphore(%arg17 : memref<!tpu.dma_semaphore, #tpu.memory_space<semaphore_mem>>) src(%dma_wait3A_1685 : memref<16x8x64xf32, #tpu.memory_space<hbm>>) dst(%arg12 : memref<16x8x64xf32, #tpu.memory_space<vmem>>)
      %add3A_1686 = arith.constant 1 : i32
      %add3A_1687 = arith.addi %mul3A_623, %add3A_1686 : i32
      %mul3A_1688 = arith.constant 16 : i32
      %mul3A_1689 = arith.muli %add3A_1687, %mul3A_1688 : i32
      %add3A_1690 = arith.constant 0 : i32
      %add3A_1691 = arith.addi %mul3A_1689, %add3A_1690 : i32
      %get3A_1692 = arith.index_cast %add3A_1691 : i32 to index
      %get3A_1693 = tpu.vector_load %arg7[%get3A_1692] {strides = array<i32>} : memref<512xi32, #tpu.memory_space<vmem>>, vector<16xi32>,
      %and3A_1694 = arith.constant 7 : i32
      %and3A_1695 = vector.broadcast %and3A_1694 : i32 to vector<16xi32>
      %and3A_1696 = arith.andi %get3A_1693, %and3A_1695 : vector<16xi32>
      %get3A_1697 = arith.index_cast %add3A_1691 : i32 to index
      %get3A_1698 = tpu.vector_load %arg8[%get3A_1697] {strides = array<i32>} : memref<512xi32, #tpu.memory_space<vmem>>, vector<16xi32>,
      %and3A_1699 = arith.constant 7 : i32
      %and3A_1700 = vector.broadcast %and3A_1699 : i32 to vector<16xi32>
      %and3A_1701 = arith.andi %get3A_1698, %and3A_1700 : vector<16xi32>
      %iota3A_1702 = tpu.iota {dimensions = array<i32: 0>} : vector<16xi32>
      %add3A_1703 = arith.constant 0 : i32
      %add3A_1704 = vector.broadcast %add3A_1703 : i32 to vector<16xi32>
      %add3A_1705 = arith.addi %iota3A_1702, %add3A_1704 : vector<16xi32>
      %broadcast_in_dim3A_1706 = arith.constant 0.000000e+00 : f32
      %broadcast_in_dim3A_1707 = vector.broadcast %broadcast_in_dim3A_1706 : f32 to vector<16xf32>
      %broadcast_in_dim3A_1708 = arith.constant 0 : i32
      %broadcast_in_dim3A_1709 = vector.broadcast %broadcast_in_dim3A_1708 : i32 to vector<16xi32>
      %gather3A_1710 = tpu.vector_load_idx %arg11[%add3A_1705, %and3A_1696, %broadcast_in_dim3A_1709] : memref<16x8x64xf32, #tpu.memory_space<vmem>>[vector<16xi32>, vector<16xi32>, vector<16xi32>], vector<16xf32>,
      %gather3A_1711 = tpu.vector_load_idx %arg12[%add3A_1705, %and3A_1701, %broadcast_in_dim3A_1709] : memref<16x8x64xf32, #tpu.memory_space<vmem>>[vector<16xi32>, vector<16xi32>, vector<16xi32>], vector<16xf32>,
      %mul3A_1712 = arith.mulf %gather3A_1710, %gather3A_1711 : vector<16xf32>
      %add3A_1713 = arith.addf %broadcast_in_dim3A_1707, %mul3A_1712 : vector<16xf32>
      %broadcast_in_dim3A_1714 = arith.constant 1 : i32
      %broadcast_in_dim3A_1715 = vector.broadcast %broadcast_in_dim3A_1714 : i32 to vector<16xi32>
      %gather3A_1716 = tpu.vector_load_idx %arg11[%add3A_1705, %and3A_1696, %broadcast_in_dim3A_1715] : memref<16x8x64xf32, #tpu.memory_space<vmem>>[vector<16xi32>, vector<16xi32>, vector<16xi32>], vector<16xf32>,
      %gather3A_1717 = tpu.vector_load_idx %arg12[%add3A_1705, %and3A_1701, %broadcast_in_dim3A_1715] : memref<16x8x64xf32, #tpu.memory_space<vmem>>[vector<16xi32>, vector<16xi32>, vector<16xi32>], vector<16xf32>,
      %mul3A_1718 = arith.mulf %gather3A_1716, %gather3A_1717 : vector<16xf32>
      %add3A_1719 = arith.addf %add3A_1713, %mul3A_1718 : vector<16xf32>
      %broadcast_in_dim3A_1720 = arith.constant 2 : i32
      %broadcast_in_dim3A_1721 = vector.broadcast %broadcast_in_dim3A_1720 : i32 to vector<16xi32>
      %gather3A_1722 = tpu.vector_load_idx %arg11[%add3A_1705, %and3A_1696, %broadcast_in_dim3A_1721] : memref<16x8x64xf32, #tpu.memory_space<vmem>>[vector<16xi32>, vector<16xi32>, vector<16xi32>], vector<16xf32>,
      %gather3A_1723 = tpu.vector_load_idx %arg12[%add3A_1705, %and3A_1701, %broadcast_in_dim3A_1721] : memref<16x8x64xf32, #tpu.memory_space<vmem>>[vector<16xi32>, vector<16xi32>, vector<16xi32>], vector<16xf32>,
      %mul3A_1724 = arith.mulf %gather3A_1722, %gather3A_1723 : vector<16xf32>
      %add3A_1725 = arith.addf %add3A_1719, %mul3A_1724 : vector<16xf32>
      %broadcast_in_dim3A_1726 = arith.constant 3 : i32
      %broadcast_in_dim3A_1727 = vector.broadcast %broadcast_in_dim3A_1726 : i32 to vector<16xi32>
      %gather3A_1728 = tpu.vector_load_idx %arg11[%add3A_1705, %and3A_1696, %broadcast_in_dim3A_1727] : memref<16x8x64xf32, #tpu.memory_space<vmem>>[vector<16xi32>, vector<16xi32>, vector<16xi32>], vector<16xf32>,
      %gather3A_1729 = tpu.vector_load_idx %arg12[%add3A_1705, %and3A_1701, %broadcast_in_dim3A_1727] : memref<16x8x64xf32, #tpu.memory_space<vmem>>[vector<16xi32>, vector<16xi32>, vector<16xi32>], vector<16xf32>,
      %mul3A_1730 = arith.mulf %gather3A_1728, %gather3A_1729 : vector<16xf32>
      %add3A_1731 = arith.addf %add3A_1725, %mul3A_1730 : vector<16xf32>
      %broadcast_in_dim3A_1732 = arith.constant 4 : i32
      %broadcast_in_dim3A_1733 = vector.broadcast %broadcast_in_dim3A_1732 : i32 to vector<16xi32>
      %gather3A_1734 = tpu.vector_load_idx %arg11[%add3A_1705, %and3A_1696, %broadcast_in_dim3A_1733] : memref<16x8x64xf32, #tpu.memory_space<vmem>>[vector<16xi32>, vector<16xi32>, vector<16xi32>], vector<16xf32>,
      %gather3A_1735 = tpu.vector_load_idx %arg12[%add3A_1705, %and3A_1701, %broadcast_in_dim3A_1733] : memref<16x8x64xf32, #tpu.memory_space<vmem>>[vector<16xi32>, vector<16xi32>, vector<16xi32>], vector<16xf32>,
      %mul3A_1736 = arith.mulf %gather3A_1734, %gather3A_1735 : vector<16xf32>
      %add3A_1737 = arith.addf %add3A_1731, %mul3A_1736 : vector<16xf32>
      %broadcast_in_dim3A_1738 = arith.constant 5 : i32
      %broadcast_in_dim3A_1739 = vector.broadcast %broadcast_in_dim3A_1738 : i32 to vector<16xi32>
      %gather3A_1740 = tpu.vector_load_idx %arg11[%add3A_1705, %and3A_1696, %broadcast_in_dim3A_1739] : memref<16x8x64xf32, #tpu.memory_space<vmem>>[vector<16xi32>, vector<16xi32>, vector<16xi32>], vector<16xf32>,
      %gather3A_1741 = tpu.vector_load_idx %arg12[%add3A_1705, %and3A_1701, %broadcast_in_dim3A_1739] : memref<16x8x64xf32, #tpu.memory_space<vmem>>[vector<16xi32>, vector<16xi32>, vector<16xi32>], vector<16xf32>,
      %mul3A_1742 = arith.mulf %gather3A_1740, %gather3A_1741 : vector<16xf32>
      %add3A_1743 = arith.addf %add3A_1737, %mul3A_1742 : vector<16xf32>
      %broadcast_in_dim3A_1744 = arith.constant 6 : i32
      %broadcast_in_dim3A_1745 = vector.broadcast %broadcast_in_dim3A_1744 : i32 to vector<16xi32>
      %gather3A_1746 = tpu.vector_load_idx %arg11[%add3A_1705, %and3A_1696, %broadcast_in_dim3A_1745] : memref<16x8x64xf32, #tpu.memory_space<vmem>>[vector<16xi32>, vector<16xi32>, vector<16xi32>], vector<16xf32>,
      %gather3A_1747 = tpu.vector_load_idx %arg12[%add3A_1705, %and3A_1701, %broadcast_in_dim3A_1745] : memref<16x8x64xf32, #tpu.memory_space<vmem>>[vector<16xi32>, vector<16xi32>, vector<16xi32>], vector<16xf32>,
      %mul3A_1748 = arith.mulf %gather3A_1746, %gather3A_1747 : vector<16xf32>
      %add3A_1749 = arith.addf %add3A_1743, %mul3A_1748 : vector<16xf32>
      %broadcast_in_dim3A_1750 = arith.constant 7 : i32
      %broadcast_in_dim3A_1751 = vector.broadcast %broadcast_in_dim3A_1750 : i32 to vector<16xi32>
      %gather3A_1752 = tpu.vector_load_idx %arg11[%add3A_1705, %and3A_1696, %broadcast_in_dim3A_1751] : memref<16x8x64xf32, #tpu.memory_space<vmem>>[vector<16xi32>, vector<16xi32>, vector<16xi32>], vector<16xf32>,
      %gather3A_1753 = tpu.vector_load_idx %arg12[%add3A_1705, %and3A_1701, %broadcast_in_dim3A_1751] : memref<16x8x64xf32, #tpu.memory_space<vmem>>[vector<16xi32>, vector<16xi32>, vector<16xi32>], vector<16xf32>,
      %mul3A_1754 = arith.mulf %gather3A_1752, %gather3A_1753 : vector<16xf32>
      %add3A_1755 = arith.addf %add3A_1749, %mul3A_1754 : vector<16xf32>
      %broadcast_in_dim3A_1756 = arith.constant 8 : i32
      %broadcast_in_dim3A_1757 = vector.broadcast %broadcast_in_dim3A_1756 : i32 to vector<16xi32>
      %gather3A_1758 = tpu.vector_load_idx %arg11[%add3A_1705, %and3A_1696, %broadcast_in_dim3A_1757] : memref<16x8x64xf32, #tpu.memory_space<vmem>>[vector<16xi32>, vector<16xi32>, vector<16xi32>], vector<16xf32>,
      %gather3A_1759 = tpu.vector_load_idx %arg12[%add3A_1705, %and3A_1701, %broadcast_in_dim3A_1757] : memref<16x8x64xf32, #tpu.memory_space<vmem>>[vector<16xi32>, vector<16xi32>, vector<16xi32>], vector<16xf32>,
      %mul3A_1760 = arith.mulf %gather3A_1758, %gather3A_1759 : vector<16xf32>
      %add3A_1761 = arith.addf %add3A_1755, %mul3A_1760 : vector<16xf32>
      %broadcast_in_dim3A_1762 = arith.constant 9 : i32
      %broadcast_in_dim3A_1763 = vector.broadcast %broadcast_in_dim3A_1762 : i32 to vector<16xi32>
      %gather3A_1764 = tpu.vector_load_idx %arg11[%add3A_1705, %and3A_1696, %broadcast_in_dim3A_1763] : memref<16x8x64xf32, #tpu.memory_space<vmem>>[vector<16xi32>, vector<16xi32>, vector<16xi32>], vector<16xf32>,
      %gather3A_1765 = tpu.vector_load_idx %arg12[%add3A_1705, %and3A_1701, %broadcast_in_dim3A_1763] : memref<16x8x64xf32, #tpu.memory_space<vmem>>[vector<16xi32>, vector<16xi32>, vector<16xi32>], vector<16xf32>,
      %mul3A_1766 = arith.mulf %gather3A_1764, %gather3A_1765 : vector<16xf32>
      %add3A_1767 = arith.addf %add3A_1761, %mul3A_1766 : vector<16xf32>
      %broadcast_in_dim3A_1768 = arith.constant 10 : i32
      %broadcast_in_dim3A_1769 = vector.broadcast %broadcast_in_dim3A_1768 : i32 to vector<16xi32>
      %gather3A_1770 = tpu.vector_load_idx %arg11[%add3A_1705, %and3A_1696, %broadcast_in_dim3A_1769] : memref<16x8x64xf32, #tpu.memory_space<vmem>>[vector<16xi32>, vector<16xi32>, vector<16xi32>], vector<16xf32>,
      %gather3A_1771 = tpu.vector_load_idx %arg12[%add3A_1705, %and3A_1701, %broadcast_in_dim3A_1769] : memref<16x8x64xf32, #tpu.memory_space<vmem>>[vector<16xi32>, vector<16xi32>, vector<16xi32>], vector<16xf32>,
      %mul3A_1772 = arith.mulf %gather3A_1770, %gather3A_1771 : vector<16xf32>
      %add3A_1773 = arith.addf %add3A_1767, %mul3A_1772 : vector<16xf32>
      %broadcast_in_dim3A_1774 = arith.constant 11 : i32
      %broadcast_in_dim3A_1775 = vector.broadcast %broadcast_in_dim3A_1774 : i32 to vector<16xi32>
      %gather3A_1776 = tpu.vector_load_idx %arg11[%add3A_1705, %and3A_1696, %broadcast_in_dim3A_1775] : memref<16x8x64xf32, #tpu.memory_space<vmem>>[vector<16xi32>, vector<16xi32>, vector<16xi32>], vector<16xf32>,
      %gather3A_1777 = tpu.vector_load_idx %arg12[%add3A_1705, %and3A_1701, %broadcast_in_dim3A_1775] : memref<16x8x64xf32, #tpu.memory_space<vmem>>[vector<16xi32>, vector<16xi32>, vector<16xi32>], vector<16xf32>,
      %mul3A_1778 = arith.mulf %gather3A_1776, %gather3A_1777 : vector<16xf32>
      %add3A_1779 = arith.addf %add3A_1773, %mul3A_1778 : vector<16xf32>
      %broadcast_in_dim3A_1780 = arith.constant 12 : i32
      %broadcast_in_dim3A_1781 = vector.broadcast %broadcast_in_dim3A_1780 : i32 to vector<16xi32>
      %gather3A_1782 = tpu.vector_load_idx %arg11[%add3A_1705, %and3A_1696, %broadcast_in_dim3A_1781] : memref<16x8x64xf32, #tpu.memory_space<vmem>>[vector<16xi32>, vector<16xi32>, vector<16xi32>], vector<16xf32>,
      %gather3A_1783 = tpu.vector_load_idx %arg12[%add3A_1705, %and3A_1701, %broadcast_in_dim3A_1781] : memref<16x8x64xf32, #tpu.memory_space<vmem>>[vector<16xi32>, vector<16xi32>, vector<16xi32>], vector<16xf32>,
      %mul3A_1784 = arith.mulf %gather3A_1782, %gather3A_1783 : vector<16xf32>
      %add3A_1785 = arith.addf %add3A_1779, %mul3A_1784 : vector<16xf32>
      %broadcast_in_dim3A_1786 = arith.constant 13 : i32
      %broadcast_in_dim3A_1787 = vector.broadcast %broadcast_in_dim3A_1786 : i32 to vector<16xi32>
      %gather3A_1788 = tpu.vector_load_idx %arg11[%add3A_1705, %and3A_1696, %broadcast_in_dim3A_1787] : memref<16x8x64xf32, #tpu.memory_space<vmem>>[vector<16xi32>, vector<16xi32>, vector<16xi32>], vector<16xf32>,
      %gather3A_1789 = tpu.vector_load_idx %arg12[%add3A_1705, %and3A_1701, %broadcast_in_dim3A_1787] : memref<16x8x64xf32, #tpu.memory_space<vmem>>[vector<16xi32>, vector<16xi32>, vector<16xi32>], vector<16xf32>,
      %mul3A_1790 = arith.mulf %gather3A_1788, %gather3A_1789 : vector<16xf32>
      %add3A_1791 = arith.addf %add3A_1785, %mul3A_1790 : vector<16xf32>
      %broadcast_in_dim3A_1792 = arith.constant 14 : i32
      %broadcast_in_dim3A_1793 = vector.broadcast %broadcast_in_dim3A_1792 : i32 to vector<16xi32>
      %gather3A_1794 = tpu.vector_load_idx %arg11[%add3A_1705, %and3A_1696, %broadcast_in_dim3A_1793] : memref<16x8x64xf32, #tpu.memory_space<vmem>>[vector<16xi32>, vector<16xi32>, vector<16xi32>], vector<16xf32>,
      %gather3A_1795 = tpu.vector_load_idx %arg12[%add3A_1705, %and3A_1701, %broadcast_in_dim3A_1793] : memref<16x8x64xf32, #tpu.memory_space<vmem>>[vector<16xi32>, vector<16xi32>, vector<16xi32>], vector<16xf32>,
      %mul3A_1796 = arith.mulf %gather3A_1794, %gather3A_1795 : vector<16xf32>
      %add3A_1797 = arith.addf %add3A_1791, %mul3A_1796 : vector<16xf32>
      %broadcast_in_dim3A_1798 = arith.constant 15 : i32
      %broadcast_in_dim3A_1799 = vector.broadcast %broadcast_in_dim3A_1798 : i32 to vector<16xi32>
      %gather3A_1800 = tpu.vector_load_idx %arg11[%add3A_1705, %and3A_1696, %broadcast_in_dim3A_1799] : memref<16x8x64xf32, #tpu.memory_space<vmem>>[vector<16xi32>, vector<16xi32>, vector<16xi32>], vector<16xf32>,
      %gather3A_1801 = tpu.vector_load_idx %arg12[%add3A_1705, %and3A_1701, %broadcast_in_dim3A_1799] : memref<16x8x64xf32, #tpu.memory_space<vmem>>[vector<16xi32>, vector<16xi32>, vector<16xi32>], vector<16xf32>,
      %mul3A_1802 = arith.mulf %gather3A_1800, %gather3A_1801 : vector<16xf32>
      %add3A_1803 = arith.addf %add3A_1797, %mul3A_1802 : vector<16xf32>
      %broadcast_in_dim3A_1804 = arith.constant 16 : i32
      %broadcast_in_dim3A_1805 = vector.broadcast %broadcast_in_dim3A_1804 : i32 to vector<16xi32>
      %gather3A_1806 = tpu.vector_load_idx %arg11[%add3A_1705, %and3A_1696, %broadcast_in_dim3A_1805] : memref<16x8x64xf32, #tpu.memory_space<vmem>>[vector<16xi32>, vector<16xi32>, vector<16xi32>], vector<16xf32>,
      %gather3A_1807 = tpu.vector_load_idx %arg12[%add3A_1705, %and3A_1701, %broadcast_in_dim3A_1805] : memref<16x8x64xf32, #tpu.memory_space<vmem>>[vector<16xi32>, vector<16xi32>, vector<16xi32>], vector<16xf32>,
      %mul3A_1808 = arith.mulf %gather3A_1806, %gather3A_1807 : vector<16xf32>
      %add3A_1809 = arith.addf %add3A_1803, %mul3A_1808 : vector<16xf32>
      %broadcast_in_dim3A_1810 = arith.constant 17 : i32
      %broadcast_in_dim3A_1811 = vector.broadcast %broadcast_in_dim3A_1810 : i32 to vector<16xi32>
      %gather3A_1812 = tpu.vector_load_idx %arg11[%add3A_1705, %and3A_1696, %broadcast_in_dim3A_1811] : memref<16x8x64xf32, #tpu.memory_space<vmem>>[vector<16xi32>, vector<16xi32>, vector<16xi32>], vector<16xf32>,
      %gather3A_1813 = tpu.vector_load_idx %arg12[%add3A_1705, %and3A_1701, %broadcast_in_dim3A_1811] : memref<16x8x64xf32, #tpu.memory_space<vmem>>[vector<16xi32>, vector<16xi32>, vector<16xi32>], vector<16xf32>,
      %mul3A_1814 = arith.mulf %gather3A_1812, %gather3A_1813 : vector<16xf32>
      %add3A_1815 = arith.addf %add3A_1809, %mul3A_1814 : vector<16xf32>
      %broadcast_in_dim3A_1816 = arith.constant 18 : i32
      %broadcast_in_dim3A_1817 = vector.broadcast %broadcast_in_dim3A_1816 : i32 to vector<16xi32>
      %gather3A_1818 = tpu.vector_load_idx %arg11[%add3A_1705, %and3A_1696, %broadcast_in_dim3A_1817] : memref<16x8x64xf32, #tpu.memory_space<vmem>>[vector<16xi32>, vector<16xi32>, vector<16xi32>], vector<16xf32>,
      %gather3A_1819 = tpu.vector_load_idx %arg12[%add3A_1705, %and3A_1701, %broadcast_in_dim3A_1817] : memref<16x8x64xf32, #tpu.memory_space<vmem>>[vector<16xi32>, vector<16xi32>, vector<16xi32>], vector<16xf32>,
      %mul3A_1820 = arith.mulf %gather3A_1818, %gather3A_1819 : vector<16xf32>
      %add3A_1821 = arith.addf %add3A_1815, %mul3A_1820 : vector<16xf32>
      %broadcast_in_dim3A_1822 = arith.constant 19 : i32
      %broadcast_in_dim3A_1823 = vector.broadcast %broadcast_in_dim3A_1822 : i32 to vector<16xi32>
      %gather3A_1824 = tpu.vector_load_idx %arg11[%add3A_1705, %and3A_1696, %broadcast_in_dim3A_1823] : memref<16x8x64xf32, #tpu.memory_space<vmem>>[vector<16xi32>, vector<16xi32>, vector<16xi32>], vector<16xf32>,
      %gather3A_1825 = tpu.vector_load_idx %arg12[%add3A_1705, %and3A_1701, %broadcast_in_dim3A_1823] : memref<16x8x64xf32, #tpu.memory_space<vmem>>[vector<16xi32>, vector<16xi32>, vector<16xi32>], vector<16xf32>,
      %mul3A_1826 = arith.mulf %gather3A_1824, %gather3A_1825 : vector<16xf32>
      %add3A_1827 = arith.addf %add3A_1821, %mul3A_1826 : vector<16xf32>
      %broadcast_in_dim3A_1828 = arith.constant 20 : i32
      %broadcast_in_dim3A_1829 = vector.broadcast %broadcast_in_dim3A_1828 : i32 to vector<16xi32>
      %gather3A_1830 = tpu.vector_load_idx %arg11[%add3A_1705, %and3A_1696, %broadcast_in_dim3A_1829] : memref<16x8x64xf32, #tpu.memory_space<vmem>>[vector<16xi32>, vector<16xi32>, vector<16xi32>], vector<16xf32>,
      %gather3A_1831 = tpu.vector_load_idx %arg12[%add3A_1705, %and3A_1701, %broadcast_in_dim3A_1829] : memref<16x8x64xf32, #tpu.memory_space<vmem>>[vector<16xi32>, vector<16xi32>, vector<16xi32>], vector<16xf32>,
      %mul3A_1832 = arith.mulf %gather3A_1830, %gather3A_1831 : vector<16xf32>
      %add3A_1833 = arith.addf %add3A_1827, %mul3A_1832 : vector<16xf32>
      %broadcast_in_dim3A_1834 = arith.constant 21 : i32
      %broadcast_in_dim3A_1835 = vector.broadcast %broadcast_in_dim3A_1834 : i32 to vector<16xi32>
      %gather3A_1836 = tpu.vector_load_idx %arg11[%add3A_1705, %and3A_1696, %broadcast_in_dim3A_1835] : memref<16x8x64xf32, #tpu.memory_space<vmem>>[vector<16xi32>, vector<16xi32>, vector<16xi32>], vector<16xf32>,
      %gather3A_1837 = tpu.vector_load_idx %arg12[%add3A_1705, %and3A_1701, %broadcast_in_dim3A_1835] : memref<16x8x64xf32, #tpu.memory_space<vmem>>[vector<16xi32>, vector<16xi32>, vector<16xi32>], vector<16xf32>,
      %mul3A_1838 = arith.mulf %gather3A_1836, %gather3A_1837 : vector<16xf32>
      %add3A_1839 = arith.addf %add3A_1833, %mul3A_1838 : vector<16xf32>
      %broadcast_in_dim3A_1840 = arith.constant 22 : i32
      %broadcast_in_dim3A_1841 = vector.broadcast %broadcast_in_dim3A_1840 : i32 to vector<16xi32>
      %gather3A_1842 = tpu.vector_load_idx %arg11[%add3A_1705, %and3A_1696, %broadcast_in_dim3A_1841] : memref<16x8x64xf32, #tpu.memory_space<vmem>>[vector<16xi32>, vector<16xi32>, vector<16xi32>], vector<16xf32>,
      %gather3A_1843 = tpu.vector_load_idx %arg12[%add3A_1705, %and3A_1701, %broadcast_in_dim3A_1841] : memref<16x8x64xf32, #tpu.memory_space<vmem>>[vector<16xi32>, vector<16xi32>, vector<16xi32>], vector<16xf32>,
      %mul3A_1844 = arith.mulf %gather3A_1842, %gather3A_1843 : vector<16xf32>
      %add3A_1845 = arith.addf %add3A_1839, %mul3A_1844 : vector<16xf32>
      %broadcast_in_dim3A_1846 = arith.constant 23 : i32
      %broadcast_in_dim3A_1847 = vector.broadcast %broadcast_in_dim3A_1846 : i32 to vector<16xi32>
      %gather3A_1848 = tpu.vector_load_idx %arg11[%add3A_1705, %and3A_1696, %broadcast_in_dim3A_1847] : memref<16x8x64xf32, #tpu.memory_space<vmem>>[vector<16xi32>, vector<16xi32>, vector<16xi32>], vector<16xf32>,
      %gather3A_1849 = tpu.vector_load_idx %arg12[%add3A_1705, %and3A_1701, %broadcast_in_dim3A_1847] : memref<16x8x64xf32, #tpu.memory_space<vmem>>[vector<16xi32>, vector<16xi32>, vector<16xi32>], vector<16xf32>,
      %mul3A_1850 = arith.mulf %gather3A_1848, %gather3A_1849 : vector<16xf32>
      %add3A_1851 = arith.addf %add3A_1845, %mul3A_1850 : vector<16xf32>
      %broadcast_in_dim3A_1852 = arith.constant 24 : i32
      %broadcast_in_dim3A_1853 = vector.broadcast %broadcast_in_dim3A_1852 : i32 to vector<16xi32>
      %gather3A_1854 = tpu.vector_load_idx %arg11[%add3A_1705, %and3A_1696, %broadcast_in_dim3A_1853] : memref<16x8x64xf32, #tpu.memory_space<vmem>>[vector<16xi32>, vector<16xi32>, vector<16xi32>], vector<16xf32>,
      %gather3A_1855 = tpu.vector_load_idx %arg12[%add3A_1705, %and3A_1701, %broadcast_in_dim3A_1853] : memref<16x8x64xf32, #tpu.memory_space<vmem>>[vector<16xi32>, vector<16xi32>, vector<16xi32>], vector<16xf32>,
      %mul3A_1856 = arith.mulf %gather3A_1854, %gather3A_1855 : vector<16xf32>
      %add3A_1857 = arith.addf %add3A_1851, %mul3A_1856 : vector<16xf32>
      %broadcast_in_dim3A_1858 = arith.constant 25 : i32
      %broadcast_in_dim3A_1859 = vector.broadcast %broadcast_in_dim3A_1858 : i32 to vector<16xi32>
      %gather3A_1860 = tpu.vector_load_idx %arg11[%add3A_1705, %and3A_1696, %broadcast_in_dim3A_1859] : memref<16x8x64xf32, #tpu.memory_space<vmem>>[vector<16xi32>, vector<16xi32>, vector<16xi32>], vector<16xf32>,
      %gather3A_1861 = tpu.vector_load_idx %arg12[%add3A_1705, %and3A_1701, %broadcast_in_dim3A_1859] : memref<16x8x64xf32, #tpu.memory_space<vmem>>[vector<16xi32>, vector<16xi32>, vector<16xi32>], vector<16xf32>,
      %mul3A_1862 = arith.mulf %gather3A_1860, %gather3A_1861 : vector<16xf32>
      %add3A_1863 = arith.addf %add3A_1857, %mul3A_1862 : vector<16xf32>
      %broadcast_in_dim3A_1864 = arith.constant 26 : i32
      %broadcast_in_dim3A_1865 = vector.broadcast %broadcast_in_dim3A_1864 : i32 to vector<16xi32>
      %gather3A_1866 = tpu.vector_load_idx %arg11[%add3A_1705, %and3A_1696, %broadcast_in_dim3A_1865] : memref<16x8x64xf32, #tpu.memory_space<vmem>>[vector<16xi32>, vector<16xi32>, vector<16xi32>], vector<16xf32>,
      %gather3A_1867 = tpu.vector_load_idx %arg12[%add3A_1705, %and3A_1701, %broadcast_in_dim3A_1865] : memref<16x8x64xf32, #tpu.memory_space<vmem>>[vector<16xi32>, vector<16xi32>, vector<16xi32>], vector<16xf32>,
      %mul3A_1868 = arith.mulf %gather3A_1866, %gather3A_1867 : vector<16xf32>
      %add3A_1869 = arith.addf %add3A_1863, %mul3A_1868 : vector<16xf32>
      %broadcast_in_dim3A_1870 = arith.constant 27 : i32
      %broadcast_in_dim3A_1871 = vector.broadcast %broadcast_in_dim3A_1870 : i32 to vector<16xi32>
      %gather3A_1872 = tpu.vector_load_idx %arg11[%add3A_1705, %and3A_1696, %broadcast_in_dim3A_1871] : memref<16x8x64xf32, #tpu.memory_space<vmem>>[vector<16xi32>, vector<16xi32>, vector<16xi32>], vector<16xf32>,
      %gather3A_1873 = tpu.vector_load_idx %arg12[%add3A_1705, %and3A_1701, %broadcast_in_dim3A_1871] : memref<16x8x64xf32, #tpu.memory_space<vmem>>[vector<16xi32>, vector<16xi32>, vector<16xi32>], vector<16xf32>,
      %mul3A_1874 = arith.mulf %gather3A_1872, %gather3A_1873 : vector<16xf32>
      %add3A_1875 = arith.addf %add3A_1869, %mul3A_1874 : vector<16xf32>
      %broadcast_in_dim3A_1876 = arith.constant 28 : i32
      %broadcast_in_dim3A_1877 = vector.broadcast %broadcast_in_dim3A_1876 : i32 to vector<16xi32>
      %gather3A_1878 = tpu.vector_load_idx %arg11[%add3A_1705, %and3A_1696, %broadcast_in_dim3A_1877] : memref<16x8x64xf32, #tpu.memory_space<vmem>>[vector<16xi32>, vector<16xi32>, vector<16xi32>], vector<16xf32>,
      %gather3A_1879 = tpu.vector_load_idx %arg12[%add3A_1705, %and3A_1701, %broadcast_in_dim3A_1877] : memref<16x8x64xf32, #tpu.memory_space<vmem>>[vector<16xi32>, vector<16xi32>, vector<16xi32>], vector<16xf32>,
      %mul3A_1880 = arith.mulf %gather3A_1878, %gather3A_1879 : vector<16xf32>
      %add3A_1881 = arith.addf %add3A_1875, %mul3A_1880 : vector<16xf32>
      %broadcast_in_dim3A_1882 = arith.constant 29 : i32
      %broadcast_in_dim3A_1883 = vector.broadcast %broadcast_in_dim3A_1882 : i32 to vector<16xi32>
      %gather3A_1884 = tpu.vector_load_idx %arg11[%add3A_1705, %and3A_1696, %broadcast_in_dim3A_1883] : memref<16x8x64xf32, #tpu.memory_space<vmem>>[vector<16xi32>, vector<16xi32>, vector<16xi32>], vector<16xf32>,
      %gather3A_1885 = tpu.vector_load_idx %arg12[%add3A_1705, %and3A_1701, %broadcast_in_dim3A_1883] : memref<16x8x64xf32, #tpu.memory_space<vmem>>[vector<16xi32>, vector<16xi32>, vector<16xi32>], vector<16xf32>,
      %mul3A_1886 = arith.mulf %gather3A_1884, %gather3A_1885 : vector<16xf32>
      %add3A_1887 = arith.addf %add3A_1881, %mul3A_1886 : vector<16xf32>
      %broadcast_in_dim3A_1888 = arith.constant 30 : i32
      %broadcast_in_dim3A_1889 = vector.broadcast %broadcast_in_dim3A_1888 : i32 to vector<16xi32>
      %gather3A_1890 = tpu.vector_load_idx %arg11[%add3A_1705, %and3A_1696, %broadcast_in_dim3A_1889] : memref<16x8x64xf32, #tpu.memory_space<vmem>>[vector<16xi32>, vector<16xi32>, vector<16xi32>], vector<16xf32>,
      %gather3A_1891 = tpu.vector_load_idx %arg12[%add3A_1705, %and3A_1701, %broadcast_in_dim3A_1889] : memref<16x8x64xf32, #tpu.memory_space<vmem>>[vector<16xi32>, vector<16xi32>, vector<16xi32>], vector<16xf32>,
      %mul3A_1892 = arith.mulf %gather3A_1890, %gather3A_1891 : vector<16xf32>
      %add3A_1893 = arith.addf %add3A_1887, %mul3A_1892 : vector<16xf32>
      %broadcast_in_dim3A_1894 = arith.constant 31 : i32
      %broadcast_in_dim3A_1895 = vector.broadcast %broadcast_in_dim3A_1894 : i32 to vector<16xi32>
      %gather3A_1896 = tpu.vector_load_idx %arg11[%add3A_1705, %and3A_1696, %broadcast_in_dim3A_1895] : memref<16x8x64xf32, #tpu.memory_space<vmem>>[vector<16xi32>, vector<16xi32>, vector<16xi32>], vector<16xf32>,
      %gather3A_1897 = tpu.vector_load_idx %arg12[%add3A_1705, %and3A_1701, %broadcast_in_dim3A_1895] : memref<16x8x64xf32, #tpu.memory_space<vmem>>[vector<16xi32>, vector<16xi32>, vector<16xi32>], vector<16xf32>,
      %mul3A_1898 = arith.mulf %gather3A_1896, %gather3A_1897 : vector<16xf32>
      %add3A_1899 = arith.addf %add3A_1893, %mul3A_1898 : vector<16xf32>
      %broadcast_in_dim3A_1900 = arith.constant 32 : i32
      %broadcast_in_dim3A_1901 = vector.broadcast %broadcast_in_dim3A_1900 : i32 to vector<16xi32>
      %gather3A_1902 = tpu.vector_load_idx %arg11[%add3A_1705, %and3A_1696, %broadcast_in_dim3A_1901] : memref<16x8x64xf32, #tpu.memory_space<vmem>>[vector<16xi32>, vector<16xi32>, vector<16xi32>], vector<16xf32>,
      %gather3A_1903 = tpu.vector_load_idx %arg12[%add3A_1705, %and3A_1701, %broadcast_in_dim3A_1901] : memref<16x8x64xf32, #tpu.memory_space<vmem>>[vector<16xi32>, vector<16xi32>, vector<16xi32>], vector<16xf32>,
      %mul3A_1904 = arith.mulf %gather3A_1902, %gather3A_1903 : vector<16xf32>
      %add3A_1905 = arith.addf %add3A_1899, %mul3A_1904 : vector<16xf32>
      %broadcast_in_dim3A_1906 = arith.constant 33 : i32
      %broadcast_in_dim3A_1907 = vector.broadcast %broadcast_in_dim3A_1906 : i32 to vector<16xi32>
      %gather3A_1908 = tpu.vector_load_idx %arg11[%add3A_1705, %and3A_1696, %broadcast_in_dim3A_1907] : memref<16x8x64xf32, #tpu.memory_space<vmem>>[vector<16xi32>, vector<16xi32>, vector<16xi32>], vector<16xf32>,
      %gather3A_1909 = tpu.vector_load_idx %arg12[%add3A_1705, %and3A_1701, %broadcast_in_dim3A_1907] : memref<16x8x64xf32, #tpu.memory_space<vmem>>[vector<16xi32>, vector<16xi32>, vector<16xi32>], vector<16xf32>,
      %mul3A_1910 = arith.mulf %gather3A_1908, %gather3A_1909 : vector<16xf32>
      %add3A_1911 = arith.addf %add3A_1905, %mul3A_1910 : vector<16xf32>
      %broadcast_in_dim3A_1912 = arith.constant 34 : i32
      %broadcast_in_dim3A_1913 = vector.broadcast %broadcast_in_dim3A_1912 : i32 to vector<16xi32>
      %gather3A_1914 = tpu.vector_load_idx %arg11[%add3A_1705, %and3A_1696, %broadcast_in_dim3A_1913] : memref<16x8x64xf32, #tpu.memory_space<vmem>>[vector<16xi32>, vector<16xi32>, vector<16xi32>], vector<16xf32>,
      %gather3A_1915 = tpu.vector_load_idx %arg12[%add3A_1705, %and3A_1701, %broadcast_in_dim3A_1913] : memref<16x8x64xf32, #tpu.memory_space<vmem>>[vector<16xi32>, vector<16xi32>, vector<16xi32>], vector<16xf32>,
      %mul3A_1916 = arith.mulf %gather3A_1914, %gather3A_1915 : vector<16xf32>
      %add3A_1917 = arith.addf %add3A_1911, %mul3A_1916 : vector<16xf32>
      %broadcast_in_dim3A_1918 = arith.constant 35 : i32
      %broadcast_in_dim3A_1919 = vector.broadcast %broadcast_in_dim3A_1918 : i32 to vector<16xi32>
      %gather3A_1920 = tpu.vector_load_idx %arg11[%add3A_1705, %and3A_1696, %broadcast_in_dim3A_1919] : memref<16x8x64xf32, #tpu.memory_space<vmem>>[vector<16xi32>, vector<16xi32>, vector<16xi32>], vector<16xf32>,
      %gather3A_1921 = tpu.vector_load_idx %arg12[%add3A_1705, %and3A_1701, %broadcast_in_dim3A_1919] : memref<16x8x64xf32, #tpu.memory_space<vmem>>[vector<16xi32>, vector<16xi32>, vector<16xi32>], vector<16xf32>,
      %mul3A_1922 = arith.mulf %gather3A_1920, %gather3A_1921 : vector<16xf32>
      %add3A_1923 = arith.addf %add3A_1917, %mul3A_1922 : vector<16xf32>
      %broadcast_in_dim3A_1924 = arith.constant 36 : i32
      %broadcast_in_dim3A_1925 = vector.broadcast %broadcast_in_dim3A_1924 : i32 to vector<16xi32>
      %gather3A_1926 = tpu.vector_load_idx %arg11[%add3A_1705, %and3A_1696, %broadcast_in_dim3A_1925] : memref<16x8x64xf32, #tpu.memory_space<vmem>>[vector<16xi32>, vector<16xi32>, vector<16xi32>], vector<16xf32>,
      %gather3A_1927 = tpu.vector_load_idx %arg12[%add3A_1705, %and3A_1701, %broadcast_in_dim3A_1925] : memref<16x8x64xf32, #tpu.memory_space<vmem>>[vector<16xi32>, vector<16xi32>, vector<16xi32>], vector<16xf32>,
      %mul3A_1928 = arith.mulf %gather3A_1926, %gather3A_1927 : vector<16xf32>
      %add3A_1929 = arith.addf %add3A_1923, %mul3A_1928 : vector<16xf32>
      %broadcast_in_dim3A_1930 = arith.constant 37 : i32
      %broadcast_in_dim3A_1931 = vector.broadcast %broadcast_in_dim3A_1930 : i32 to vector<16xi32>
      %gather3A_1932 = tpu.vector_load_idx %arg11[%add3A_1705, %and3A_1696, %broadcast_in_dim3A_1931] : memref<16x8x64xf32, #tpu.memory_space<vmem>>[vector<16xi32>, vector<16xi32>, vector<16xi32>], vector<16xf32>,
      %gather3A_1933 = tpu.vector_load_idx %arg12[%add3A_1705, %and3A_1701, %broadcast_in_dim3A_1931] : memref<16x8x64xf32, #tpu.memory_space<vmem>>[vector<16xi32>, vector<16xi32>, vector<16xi32>], vector<16xf32>,
      %mul3A_1934 = arith.mulf %gather3A_1932, %gather3A_1933 : vector<16xf32>
      %add3A_1935 = arith.addf %add3A_1929, %mul3A_1934 : vector<16xf32>
      %broadcast_in_dim3A_1936 = arith.constant 38 : i32
      %broadcast_in_dim3A_1937 = vector.broadcast %broadcast_in_dim3A_1936 : i32 to vector<16xi32>
      %gather3A_1938 = tpu.vector_load_idx %arg11[%add3A_1705, %and3A_1696, %broadcast_in_dim3A_1937] : memref<16x8x64xf32, #tpu.memory_space<vmem>>[vector<16xi32>, vector<16xi32>, vector<16xi32>], vector<16xf32>,
      %gather3A_1939 = tpu.vector_load_idx %arg12[%add3A_1705, %and3A_1701, %broadcast_in_dim3A_1937] : memref<16x8x64xf32, #tpu.memory_space<vmem>>[vector<16xi32>, vector<16xi32>, vector<16xi32>], vector<16xf32>,
      %mul3A_1940 = arith.mulf %gather3A_1938, %gather3A_1939 : vector<16xf32>
      %add3A_1941 = arith.addf %add3A_1935, %mul3A_1940 : vector<16xf32>
      %broadcast_in_dim3A_1942 = arith.constant 39 : i32
      %broadcast_in_dim3A_1943 = vector.broadcast %broadcast_in_dim3A_1942 : i32 to vector<16xi32>
      %gather3A_1944 = tpu.vector_load_idx %arg11[%add3A_1705, %and3A_1696, %broadcast_in_dim3A_1943] : memref<16x8x64xf32, #tpu.memory_space<vmem>>[vector<16xi32>, vector<16xi32>, vector<16xi32>], vector<16xf32>,
      %gather3A_1945 = tpu.vector_load_idx %arg12[%add3A_1705, %and3A_1701, %broadcast_in_dim3A_1943] : memref<16x8x64xf32, #tpu.memory_space<vmem>>[vector<16xi32>, vector<16xi32>, vector<16xi32>], vector<16xf32>,
      %mul3A_1946 = arith.mulf %gather3A_1944, %gather3A_1945 : vector<16xf32>
      %add3A_1947 = arith.addf %add3A_1941, %mul3A_1946 : vector<16xf32>
      %broadcast_in_dim3A_1948 = arith.constant 40 : i32
      %broadcast_in_dim3A_1949 = vector.broadcast %broadcast_in_dim3A_1948 : i32 to vector<16xi32>
      %gather3A_1950 = tpu.vector_load_idx %arg11[%add3A_1705, %and3A_1696, %broadcast_in_dim3A_1949] : memref<16x8x64xf32, #tpu.memory_space<vmem>>[vector<16xi32>, vector<16xi32>, vector<16xi32>], vector<16xf32>,
      %gather3A_1951 = tpu.vector_load_idx %arg12[%add3A_1705, %and3A_1701, %broadcast_in_dim3A_1949] : memref<16x8x64xf32, #tpu.memory_space<vmem>>[vector<16xi32>, vector<16xi32>, vector<16xi32>], vector<16xf32>,
      %mul3A_1952 = arith.mulf %gather3A_1950, %gather3A_1951 : vector<16xf32>
      %add3A_1953 = arith.addf %add3A_1947, %mul3A_1952 : vector<16xf32>
      %broadcast_in_dim3A_1954 = arith.constant 41 : i32
      %broadcast_in_dim3A_1955 = vector.broadcast %broadcast_in_dim3A_1954 : i32 to vector<16xi32>
      %gather3A_1956 = tpu.vector_load_idx %arg11[%add3A_1705, %and3A_1696, %broadcast_in_dim3A_1955] : memref<16x8x64xf32, #tpu.memory_space<vmem>>[vector<16xi32>, vector<16xi32>, vector<16xi32>], vector<16xf32>,
      %gather3A_1957 = tpu.vector_load_idx %arg12[%add3A_1705, %and3A_1701, %broadcast_in_dim3A_1955] : memref<16x8x64xf32, #tpu.memory_space<vmem>>[vector<16xi32>, vector<16xi32>, vector<16xi32>], vector<16xf32>,
      %mul3A_1958 = arith.mulf %gather3A_1956, %gather3A_1957 : vector<16xf32>
      %add3A_1959 = arith.addf %add3A_1953, %mul3A_1958 : vector<16xf32>
      %broadcast_in_dim3A_1960 = arith.constant 42 : i32
      %broadcast_in_dim3A_1961 = vector.broadcast %broadcast_in_dim3A_1960 : i32 to vector<16xi32>
      %gather3A_1962 = tpu.vector_load_idx %arg11[%add3A_1705, %and3A_1696, %broadcast_in_dim3A_1961] : memref<16x8x64xf32, #tpu.memory_space<vmem>>[vector<16xi32>, vector<16xi32>, vector<16xi32>], vector<16xf32>,
      %gather3A_1963 = tpu.vector_load_idx %arg12[%add3A_1705, %and3A_1701, %broadcast_in_dim3A_1961] : memref<16x8x64xf32, #tpu.memory_space<vmem>>[vector<16xi32>, vector<16xi32>, vector<16xi32>], vector<16xf32>,
      %mul3A_1964 = arith.mulf %gather3A_1962, %gather3A_1963 : vector<16xf32>
      %add3A_1965 = arith.addf %add3A_1959, %mul3A_1964 : vector<16xf32>
      %broadcast_in_dim3A_1966 = arith.constant 43 : i32
      %broadcast_in_dim3A_1967 = vector.broadcast %broadcast_in_dim3A_1966 : i32 to vector<16xi32>
      %gather3A_1968 = tpu.vector_load_idx %arg11[%add3A_1705, %and3A_1696, %broadcast_in_dim3A_1967] : memref<16x8x64xf32, #tpu.memory_space<vmem>>[vector<16xi32>, vector<16xi32>, vector<16xi32>], vector<16xf32>,
      %gather3A_1969 = tpu.vector_load_idx %arg12[%add3A_1705, %and3A_1701, %broadcast_in_dim3A_1967] : memref<16x8x64xf32, #tpu.memory_space<vmem>>[vector<16xi32>, vector<16xi32>, vector<16xi32>], vector<16xf32>,
      %mul3A_1970 = arith.mulf %gather3A_1968, %gather3A_1969 : vector<16xf32>
      %add3A_1971 = arith.addf %add3A_1965, %mul3A_1970 : vector<16xf32>
      %broadcast_in_dim3A_1972 = arith.constant 44 : i32
      %broadcast_in_dim3A_1973 = vector.broadcast %broadcast_in_dim3A_1972 : i32 to vector<16xi32>
      %gather3A_1974 = tpu.vector_load_idx %arg11[%add3A_1705, %and3A_1696, %broadcast_in_dim3A_1973] : memref<16x8x64xf32, #tpu.memory_space<vmem>>[vector<16xi32>, vector<16xi32>, vector<16xi32>], vector<16xf32>,
      %gather3A_1975 = tpu.vector_load_idx %arg12[%add3A_1705, %and3A_1701, %broadcast_in_dim3A_1973] : memref<16x8x64xf32, #tpu.memory_space<vmem>>[vector<16xi32>, vector<16xi32>, vector<16xi32>], vector<16xf32>,
      %mul3A_1976 = arith.mulf %gather3A_1974, %gather3A_1975 : vector<16xf32>
      %add3A_1977 = arith.addf %add3A_1971, %mul3A_1976 : vector<16xf32>
      %broadcast_in_dim3A_1978 = arith.constant 45 : i32
      %broadcast_in_dim3A_1979 = vector.broadcast %broadcast_in_dim3A_1978 : i32 to vector<16xi32>
      %gather3A_1980 = tpu.vector_load_idx %arg11[%add3A_1705, %and3A_1696, %broadcast_in_dim3A_1979] : memref<16x8x64xf32, #tpu.memory_space<vmem>>[vector<16xi32>, vector<16xi32>, vector<16xi32>], vector<16xf32>,
      %gather3A_1981 = tpu.vector_load_idx %arg12[%add3A_1705, %and3A_1701, %broadcast_in_dim3A_1979] : memref<16x8x64xf32, #tpu.memory_space<vmem>>[vector<16xi32>, vector<16xi32>, vector<16xi32>], vector<16xf32>,
      %mul3A_1982 = arith.mulf %gather3A_1980, %gather3A_1981 : vector<16xf32>
      %add3A_1983 = arith.addf %add3A_1977, %mul3A_1982 : vector<16xf32>
      %broadcast_in_dim3A_1984 = arith.constant 46 : i32
      %broadcast_in_dim3A_1985 = vector.broadcast %broadcast_in_dim3A_1984 : i32 to vector<16xi32>
      %gather3A_1986 = tpu.vector_load_idx %arg11[%add3A_1705, %and3A_1696, %broadcast_in_dim3A_1985] : memref<16x8x64xf32, #tpu.memory_space<vmem>>[vector<16xi32>, vector<16xi32>, vector<16xi32>], vector<16xf32>,
      %gather3A_1987 = tpu.vector_load_idx %arg12[%add3A_1705, %and3A_1701, %broadcast_in_dim3A_1985] : memref<16x8x64xf32, #tpu.memory_space<vmem>>[vector<16xi32>, vector<16xi32>, vector<16xi32>], vector<16xf32>,
      %mul3A_1988 = arith.mulf %gather3A_1986, %gather3A_1987 : vector<16xf32>
      %add3A_1989 = arith.addf %add3A_1983, %mul3A_1988 : vector<16xf32>
      %broadcast_in_dim3A_1990 = arith.constant 47 : i32
      %broadcast_in_dim3A_1991 = vector.broadcast %broadcast_in_dim3A_1990 : i32 to vector<16xi32>
      %gather3A_1992 = tpu.vector_load_idx %arg11[%add3A_1705, %and3A_1696, %broadcast_in_dim3A_1991] : memref<16x8x64xf32, #tpu.memory_space<vmem>>[vector<16xi32>, vector<16xi32>, vector<16xi32>], vector<16xf32>,
      %gather3A_1993 = tpu.vector_load_idx %arg12[%add3A_1705, %and3A_1701, %broadcast_in_dim3A_1991] : memref<16x8x64xf32, #tpu.memory_space<vmem>>[vector<16xi32>, vector<16xi32>, vector<16xi32>], vector<16xf32>,
      %mul3A_1994 = arith.mulf %gather3A_1992, %gather3A_1993 : vector<16xf32>
      %add3A_1995 = arith.addf %add3A_1989, %mul3A_1994 : vector<16xf32>
      %broadcast_in_dim3A_1996 = arith.constant 48 : i32
      %broadcast_in_dim3A_1997 = vector.broadcast %broadcast_in_dim3A_1996 : i32 to vector<16xi32>
      %gather3A_1998 = tpu.vector_load_idx %arg11[%add3A_1705, %and3A_1696, %broadcast_in_dim3A_1997] : memref<16x8x64xf32, #tpu.memory_space<vmem>>[vector<16xi32>, vector<16xi32>, vector<16xi32>], vector<16xf32>,
      %gather3A_1999 = tpu.vector_load_idx %arg12[%add3A_1705, %and3A_1701, %broadcast_in_dim3A_1997] : memref<16x8x64xf32, #tpu.memory_space<vmem>>[vector<16xi32>, vector<16xi32>, vector<16xi32>], vector<16xf32>,
      %mul3A_2000 = arith.mulf %gather3A_1998, %gather3A_1999 : vector<16xf32>
      %add3A_2001 = arith.addf %add3A_1995, %mul3A_2000 : vector<16xf32>
      %broadcast_in_dim3A_2002 = arith.constant 49 : i32
      %broadcast_in_dim3A_2003 = vector.broadcast %broadcast_in_dim3A_2002 : i32 to vector<16xi32>
      %gather3A_2004 = tpu.vector_load_idx %arg11[%add3A_1705, %and3A_1696, %broadcast_in_dim3A_2003] : memref<16x8x64xf32, #tpu.memory_space<vmem>>[vector<16xi32>, vector<16xi32>, vector<16xi32>], vector<16xf32>,
      %gather3A_2005 = tpu.vector_load_idx %arg12[%add3A_1705, %and3A_1701, %broadcast_in_dim3A_2003] : memref<16x8x64xf32, #tpu.memory_space<vmem>>[vector<16xi32>, vector<16xi32>, vector<16xi32>], vector<16xf32>,
      %mul3A_2006 = arith.mulf %gather3A_2004, %gather3A_2005 : vector<16xf32>
      %add3A_2007 = arith.addf %add3A_2001, %mul3A_2006 : vector<16xf32>
      %broadcast_in_dim3A_2008 = arith.constant 50 : i32
      %broadcast_in_dim3A_2009 = vector.broadcast %broadcast_in_dim3A_2008 : i32 to vector<16xi32>
      %gather3A_2010 = tpu.vector_load_idx %arg11[%add3A_1705, %and3A_1696, %broadcast_in_dim3A_2009] : memref<16x8x64xf32, #tpu.memory_space<vmem>>[vector<16xi32>, vector<16xi32>, vector<16xi32>], vector<16xf32>,
      %gather3A_2011 = tpu.vector_load_idx %arg12[%add3A_1705, %and3A_1701, %broadcast_in_dim3A_2009] : memref<16x8x64xf32, #tpu.memory_space<vmem>>[vector<16xi32>, vector<16xi32>, vector<16xi32>], vector<16xf32>,
      %mul3A_2012 = arith.mulf %gather3A_2010, %gather3A_2011 : vector<16xf32>
      %add3A_2013 = arith.addf %add3A_2007, %mul3A_2012 : vector<16xf32>
      %broadcast_in_dim3A_2014 = arith.constant 51 : i32
      %broadcast_in_dim3A_2015 = vector.broadcast %broadcast_in_dim3A_2014 : i32 to vector<16xi32>
      %gather3A_2016 = tpu.vector_load_idx %arg11[%add3A_1705, %and3A_1696, %broadcast_in_dim3A_2015] : memref<16x8x64xf32, #tpu.memory_space<vmem>>[vector<16xi32>, vector<16xi32>, vector<16xi32>], vector<16xf32>,
      %gather3A_2017 = tpu.vector_load_idx %arg12[%add3A_1705, %and3A_1701, %broadcast_in_dim3A_2015] : memref<16x8x64xf32, #tpu.memory_space<vmem>>[vector<16xi32>, vector<16xi32>, vector<16xi32>], vector<16xf32>,
      %mul3A_2018 = arith.mulf %gather3A_2016, %gather3A_2017 : vector<16xf32>
      %add3A_2019 = arith.addf %add3A_2013, %mul3A_2018 : vector<16xf32>
      %broadcast_in_dim3A_2020 = arith.constant 52 : i32
      %broadcast_in_dim3A_2021 = vector.broadcast %broadcast_in_dim3A_2020 : i32 to vector<16xi32>
      %gather3A_2022 = tpu.vector_load_idx %arg11[%add3A_1705, %and3A_1696, %broadcast_in_dim3A_2021] : memref<16x8x64xf32, #tpu.memory_space<vmem>>[vector<16xi32>, vector<16xi32>, vector<16xi32>], vector<16xf32>,
      %gather3A_2023 = tpu.vector_load_idx %arg12[%add3A_1705, %and3A_1701, %broadcast_in_dim3A_2021] : memref<16x8x64xf32, #tpu.memory_space<vmem>>[vector<16xi32>, vector<16xi32>, vector<16xi32>], vector<16xf32>,
      %mul3A_2024 = arith.mulf %gather3A_2022, %gather3A_2023 : vector<16xf32>
      %add3A_2025 = arith.addf %add3A_2019, %mul3A_2024 : vector<16xf32>
      %broadcast_in_dim3A_2026 = arith.constant 53 : i32
      %broadcast_in_dim3A_2027 = vector.broadcast %broadcast_in_dim3A_2026 : i32 to vector<16xi32>
      %gather3A_2028 = tpu.vector_load_idx %arg11[%add3A_1705, %and3A_1696, %broadcast_in_dim3A_2027] : memref<16x8x64xf32, #tpu.memory_space<vmem>>[vector<16xi32>, vector<16xi32>, vector<16xi32>], vector<16xf32>,
      %gather3A_2029 = tpu.vector_load_idx %arg12[%add3A_1705, %and3A_1701, %broadcast_in_dim3A_2027] : memref<16x8x64xf32, #tpu.memory_space<vmem>>[vector<16xi32>, vector<16xi32>, vector<16xi32>], vector<16xf32>,
      %mul3A_2030 = arith.mulf %gather3A_2028, %gather3A_2029 : vector<16xf32>
      %add3A_2031 = arith.addf %add3A_2025, %mul3A_2030 : vector<16xf32>
      %broadcast_in_dim3A_2032 = arith.constant 54 : i32
      %broadcast_in_dim3A_2033 = vector.broadcast %broadcast_in_dim3A_2032 : i32 to vector<16xi32>
      %gather3A_2034 = tpu.vector_load_idx %arg11[%add3A_1705, %and3A_1696, %broadcast_in_dim3A_2033] : memref<16x8x64xf32, #tpu.memory_space<vmem>>[vector<16xi32>, vector<16xi32>, vector<16xi32>], vector<16xf32>,
      %gather3A_2035 = tpu.vector_load_idx %arg12[%add3A_1705, %and3A_1701, %broadcast_in_dim3A_2033] : memref<16x8x64xf32, #tpu.memory_space<vmem>>[vector<16xi32>, vector<16xi32>, vector<16xi32>], vector<16xf32>,
      %mul3A_2036 = arith.mulf %gather3A_2034, %gather3A_2035 : vector<16xf32>
      %add3A_2037 = arith.addf %add3A_2031, %mul3A_2036 : vector<16xf32>
      %broadcast_in_dim3A_2038 = arith.constant 55 : i32
      %broadcast_in_dim3A_2039 = vector.broadcast %broadcast_in_dim3A_2038 : i32 to vector<16xi32>
      %gather3A_2040 = tpu.vector_load_idx %arg11[%add3A_1705, %and3A_1696, %broadcast_in_dim3A_2039] : memref<16x8x64xf32, #tpu.memory_space<vmem>>[vector<16xi32>, vector<16xi32>, vector<16xi32>], vector<16xf32>,
      %gather3A_2041 = tpu.vector_load_idx %arg12[%add3A_1705, %and3A_1701, %broadcast_in_dim3A_2039] : memref<16x8x64xf32, #tpu.memory_space<vmem>>[vector<16xi32>, vector<16xi32>, vector<16xi32>], vector<16xf32>,
      %mul3A_2042 = arith.mulf %gather3A_2040, %gather3A_2041 : vector<16xf32>
      %add3A_2043 = arith.addf %add3A_2037, %mul3A_2042 : vector<16xf32>
      %broadcast_in_dim3A_2044 = arith.constant 56 : i32
      %broadcast_in_dim3A_2045 = vector.broadcast %broadcast_in_dim3A_2044 : i32 to vector<16xi32>
      %gather3A_2046 = tpu.vector_load_idx %arg11[%add3A_1705, %and3A_1696, %broadcast_in_dim3A_2045] : memref<16x8x64xf32, #tpu.memory_space<vmem>>[vector<16xi32>, vector<16xi32>, vector<16xi32>], vector<16xf32>,
      %gather3A_2047 = tpu.vector_load_idx %arg12[%add3A_1705, %and3A_1701, %broadcast_in_dim3A_2045] : memref<16x8x64xf32, #tpu.memory_space<vmem>>[vector<16xi32>, vector<16xi32>, vector<16xi32>], vector<16xf32>,
      %mul3A_2048 = arith.mulf %gather3A_2046, %gather3A_2047 : vector<16xf32>
      %add3A_2049 = arith.addf %add3A_2043, %mul3A_2048 : vector<16xf32>
      %broadcast_in_dim3A_2050 = arith.constant 57 : i32
      %broadcast_in_dim3A_2051 = vector.broadcast %broadcast_in_dim3A_2050 : i32 to vector<16xi32>
      %gather3A_2052 = tpu.vector_load_idx %arg11[%add3A_1705, %and3A_1696, %broadcast_in_dim3A_2051] : memref<16x8x64xf32, #tpu.memory_space<vmem>>[vector<16xi32>, vector<16xi32>, vector<16xi32>], vector<16xf32>,
      %gather3A_2053 = tpu.vector_load_idx %arg12[%add3A_1705, %and3A_1701, %broadcast_in_dim3A_2051] : memref<16x8x64xf32, #tpu.memory_space<vmem>>[vector<16xi32>, vector<16xi32>, vector<16xi32>], vector<16xf32>,
      %mul3A_2054 = arith.mulf %gather3A_2052, %gather3A_2053 : vector<16xf32>
      %add3A_2055 = arith.addf %add3A_2049, %mul3A_2054 : vector<16xf32>
      %broadcast_in_dim3A_2056 = arith.constant 58 : i32
      %broadcast_in_dim3A_2057 = vector.broadcast %broadcast_in_dim3A_2056 : i32 to vector<16xi32>
      %gather3A_2058 = tpu.vector_load_idx %arg11[%add3A_1705, %and3A_1696, %broadcast_in_dim3A_2057] : memref<16x8x64xf32, #tpu.memory_space<vmem>>[vector<16xi32>, vector<16xi32>, vector<16xi32>], vector<16xf32>,
      %gather3A_2059 = tpu.vector_load_idx %arg12[%add3A_1705, %and3A_1701, %broadcast_in_dim3A_2057] : memref<16x8x64xf32, #tpu.memory_space<vmem>>[vector<16xi32>, vector<16xi32>, vector<16xi32>], vector<16xf32>,
      %mul3A_2060 = arith.mulf %gather3A_2058, %gather3A_2059 : vector<16xf32>
      %add3A_2061 = arith.addf %add3A_2055, %mul3A_2060 : vector<16xf32>
      %broadcast_in_dim3A_2062 = arith.constant 59 : i32
      %broadcast_in_dim3A_2063 = vector.broadcast %broadcast_in_dim3A_2062 : i32 to vector<16xi32>
      %gather3A_2064 = tpu.vector_load_idx %arg11[%add3A_1705, %and3A_1696, %broadcast_in_dim3A_2063] : memref<16x8x64xf32, #tpu.memory_space<vmem>>[vector<16xi32>, vector<16xi32>, vector<16xi32>], vector<16xf32>,
      %gather3A_2065 = tpu.vector_load_idx %arg12[%add3A_1705, %and3A_1701, %broadcast_in_dim3A_2063] : memref<16x8x64xf32, #tpu.memory_space<vmem>>[vector<16xi32>, vector<16xi32>, vector<16xi32>], vector<16xf32>,
      %mul3A_2066 = arith.mulf %gather3A_2064, %gather3A_2065 : vector<16xf32>
      %add3A_2067 = arith.addf %add3A_2061, %mul3A_2066 : vector<16xf32>
      %broadcast_in_dim3A_2068 = arith.constant 60 : i32
      %broadcast_in_dim3A_2069 = vector.broadcast %broadcast_in_dim3A_2068 : i32 to vector<16xi32>
      %gather3A_2070 = tpu.vector_load_idx %arg11[%add3A_1705, %and3A_1696, %broadcast_in_dim3A_2069] : memref<16x8x64xf32, #tpu.memory_space<vmem>>[vector<16xi32>, vector<16xi32>, vector<16xi32>], vector<16xf32>,
      %gather3A_2071 = tpu.vector_load_idx %arg12[%add3A_1705, %and3A_1701, %broadcast_in_dim3A_2069] : memref<16x8x64xf32, #tpu.memory_space<vmem>>[vector<16xi32>, vector<16xi32>, vector<16xi32>], vector<16xf32>,
      %mul3A_2072 = arith.mulf %gather3A_2070, %gather3A_2071 : vector<16xf32>
      %add3A_2073 = arith.addf %add3A_2067, %mul3A_2072 : vector<16xf32>
      %broadcast_in_dim3A_2074 = arith.constant 61 : i32
      %broadcast_in_dim3A_2075 = vector.broadcast %broadcast_in_dim3A_2074 : i32 to vector<16xi32>
      %gather3A_2076 = tpu.vector_load_idx %arg11[%add3A_1705, %and3A_1696, %broadcast_in_dim3A_2075] : memref<16x8x64xf32, #tpu.memory_space<vmem>>[vector<16xi32>, vector<16xi32>, vector<16xi32>], vector<16xf32>,
      %gather3A_2077 = tpu.vector_load_idx %arg12[%add3A_1705, %and3A_1701, %broadcast_in_dim3A_2075] : memref<16x8x64xf32, #tpu.memory_space<vmem>>[vector<16xi32>, vector<16xi32>, vector<16xi32>], vector<16xf32>,
      %mul3A_2078 = arith.mulf %gather3A_2076, %gather3A_2077 : vector<16xf32>
      %add3A_2079 = arith.addf %add3A_2073, %mul3A_2078 : vector<16xf32>
      %broadcast_in_dim3A_2080 = arith.constant 62 : i32
      %broadcast_in_dim3A_2081 = vector.broadcast %broadcast_in_dim3A_2080 : i32 to vector<16xi32>
      %gather3A_2082 = tpu.vector_load_idx %arg11[%add3A_1705, %and3A_1696, %broadcast_in_dim3A_2081] : memref<16x8x64xf32, #tpu.memory_space<vmem>>[vector<16xi32>, vector<16xi32>, vector<16xi32>], vector<16xf32>,
      %gather3A_2083 = tpu.vector_load_idx %arg12[%add3A_1705, %and3A_1701, %broadcast_in_dim3A_2081] : memref<16x8x64xf32, #tpu.memory_space<vmem>>[vector<16xi32>, vector<16xi32>, vector<16xi32>], vector<16xf32>,
      %mul3A_2084 = arith.mulf %gather3A_2082, %gather3A_2083 : vector<16xf32>
      %add3A_2085 = arith.addf %add3A_2079, %mul3A_2084 : vector<16xf32>
      %broadcast_in_dim3A_2086 = arith.constant 63 : i32
      %broadcast_in_dim3A_2087 = vector.broadcast %broadcast_in_dim3A_2086 : i32 to vector<16xi32>
      %gather3A_2088 = tpu.vector_load_idx %arg11[%add3A_1705, %and3A_1696, %broadcast_in_dim3A_2087] : memref<16x8x64xf32, #tpu.memory_space<vmem>>[vector<16xi32>, vector<16xi32>, vector<16xi32>], vector<16xf32>,
      %gather3A_2089 = tpu.vector_load_idx %arg12[%add3A_1705, %and3A_1701, %broadcast_in_dim3A_2087] : memref<16x8x64xf32, #tpu.memory_space<vmem>>[vector<16xi32>, vector<16xi32>, vector<16xi32>], vector<16xf32>,
      %mul3A_2090 = arith.mulf %gather3A_2088, %gather3A_2089 : vector<16xf32>
      %add3A_2091 = arith.addf %add3A_2085, %mul3A_2090 : vector<16xf32>
      %mul3A_2092 = arith.constant 16 : i32
      %mul3A_2093 = arith.muli %add3A_1687, %mul3A_2092 : i32
      %add3A_2094 = arith.constant 0 : i32
      %add3A_2095 = arith.addi %mul3A_2093, %add3A_2094 : i32
      %swap3A_2096 = arith.index_cast %add3A_2095 : i32 to index
      %swap3A_2097 = tpu.vector_load %arg13[%swap3A_2096] {strides = array<i32>} : memref<512xf32, #tpu.memory_space<vmem>>, vector<16xf32>,
      tpu.vector_store %arg13[%swap3A_2096], %add3A_2091 {strides = array<i32>} : memref<512xf32, #tpu.memory_space<vmem>>, vector<16xf32>,
    }
    %scan3A_620 = arith.constant 16 : i32
    "tpu.region"() ({
      %run_scoped3A = tpu.sem_alloc : memref<!tpu.dma_semaphore, #tpu.memory_space<semaphore_mem>>
      %dma_start3A_621 = tpu.memref_slice %arg6[%mul3A_2] : memref<16384xf32, #tpu.memory_space<hbm>> -> memref<512xf32, #tpu.memory_space<hbm>>
      %dma_start3A_622 = tpu.memref_slice %arg6[%mul3A_2] : memref<16384xf32, #tpu.memory_space<hbm>> -> memref<512xf32, #tpu.memory_space<hbm>>
      tpu.enqueue_dma source(%arg13 : memref<512xf32, #tpu.memory_space<vmem>>) target(%dma_start3A_622 : memref<512xf32, #tpu.memory_space<hbm>>) target_semaphore(%run_scoped3A : memref<!tpu.dma_semaphore, #tpu.memory_space<semaphore_mem>>)
      %dma_wait3A = tpu.memref_slice %arg6[%mul3A_2] : memref<16384xf32, #tpu.memory_space<hbm>> -> memref<512xf32, #tpu.memory_space<hbm>>
      %dma_wait3A_623 = tpu.memref_slice %arg6[%mul3A_2] : memref<16384xf32, #tpu.memory_space<hbm>> -> memref<512xf32, #tpu.memory_space<hbm>>
      tpu.wait_dma2 semaphore(%run_scoped3A : memref<!tpu.dma_semaphore, #tpu.memory_space<semaphore_mem>>) src(%arg13 : memref<512xf32, #tpu.memory_space<vmem>>) dst(%dma_wait3A_623 : memref<512xf32, #tpu.memory_space<hbm>>)
      tpu.yield
    }) : () -> ()
    return
  }
}

</mosaic_0001>

<sc_bundles>
// kernel: kernel.3.cloned.1.call-start
scs
__scs_entry_jumppad:
0x0: {  	(pc) =	sbr.rel $0x88, $3  }
0x1: {  	(tag) =	ssettag $0x0;
	lr =	simm.s32 $0x1  }
0x2: {  	[smem:$0x3F9D] =	sst lr;
	_ =	strace $0xD0000000  }
0x3: {  	_ = 	snop  }
0x4: {  	_ = 	snop  }
0x5: {  	_ = 	snop  }
0x6: {  	_ = 	snop  }
0x7: {  	_ = 	snop  }
__scs_overlays_trampoline_lowered:
0x8: {  	[smem:$0x3FAC] =	sst s0  }
0x9: {  	[smem:$0x3FAD] =	sst s1  }
0xa: {  	[smem:$0x3FAE] =	sst s2  }
0xb: {  	[smem:$0x3FAF] =	sst s3  }
0xc: {  	[smem:$0x3FB0] =	sst s4  }
0xd: {  	[smem:$0x3FB1] =	sst s5  }
0xe: {  	[smem:$0x3FB2] =	sst s6  }
0xf: {  	[smem:$0x3FB3] =	sst s7  }
0x10: {  	[smem:$0x3FB4] =	sst s8  }
0x11: {  	[smem:$0x3FB5] =	sst s9;
	s0 =	simm.s32 @!p0 $0x0  }
0x12: {  	s1 =	sld [smem:$0x3F9B];
	s0 =	simm.s32 @p0 $0x1  }
0x13: {  	[smem:$0x3FB6] =	sst s0;
	s0 =	simm.s32 @!p1 $0x0  }
0x14: {  	s2 =	sld [smem:$0x3F9A];
	s0 =	simm.s32 @p1 $0x1  }
0x15: {  	[smem:$0x3FB7] =	sst s0;
	s0 =	simm.s32 @!p2 $0x0  }
0x16: {  	s3 =	sld [smem:$0x3FDB];
	s0 =	simm.s32 @p2 $0x1  }
0x17: {  	s4 =	simm.s32 $0x1BF5;
	[smem:$0x3FB9] =	sst s0  }
0x18: {  	s0 =	sld [smem:$0x3F9C];
	_ =	swait.ge [sflag:s4], $0x0  }
0x19: {  	s7 =	sld [smem:$0x3F9D]  }
0x1a: {  	s8 =	sadd.s32 $0xFFFFE003, lr  }
0x1b: {  	s9 =	sadd.s32 $0xFFFFFEF7, lr;
	s5 =	simm.s32 $0xFFFFFFFF;
	p2 =	slt.u32 s8, $0xFFFFF086  }
0x1c: {  	p1 =	slt.u32 s9, $0xF7A;
	s5 =	simm.s32 @!p2 $0x0  }
0x1d: {  	s5 =	simm.s32 @p1 $0x1;
	p0 =	seq.s32 s7, s2  }
0x1e: {  	s7 =	smul.u32 @!p0 $0xF7A, s2;
	p2 =	seq.s32 @!p0 s5, $0x0  }
0x1f: {  	s9 =	smul.u32 $0xF7A, s1;
	s8 =	simm.s32 @!p0 $0x1BF5;
	p2 =	por !p2, p0  }
0x20: {  	[sflag:s8] =	ssyncset.s32 @!p0 $0xFFFFF086;
	s6 =	sadd.s32 @!p0 s3, s7;
	s7 =	simm.s32 @!p0 $0x108  }
0x21: {  	s3 =	sadd.s32 s3, s9;
	s6 =	sadd.s32 @!p0 $0x88, s6;
	s7 =	simm.s32 @p2 $0x1082  }
0x22: {  	[simem:s7], [sflag:s8] =	dma.local @!p0 [hbm:s6], $0xF7A  }
0x23: {  	s9 =	sor.u32 $0xD0000000, s2;
	s6 =	simm.s32 $0x108;
	_ =	swait.ge @!p0 [sflag:s8], $0x0  }
0x24: {  	s3 =	sadd.s32 $0x88, s3;
	s6 =	simm.s32 @!p1 $0x1082;
	[sflag:s4] =	ssyncset.s32 $0xFFFFF086  }
0x25: {  	[simem:s6], [sflag:s4] =	dma.local [hbm:s3], $0xF7A  }
0x26: {  	[smem:$0x3F9D] =	sst s1;
	(tag) =	ssettag s2;
	_ =	strace s9  }
0x27: {  	s1 =	sld [smem:$0x3FAD]  }
0x28: {  	s2 =	sld [smem:$0x3FAE]  }
0x29: {  	s4 =	sld [smem:$0x3FB0]  }
0x2a: {  	p0 =	seq.s32 s5, $0x0;
	s5 =	sld [smem:$0x3FB1]  }
0x2b: {  	s6 =	sld [smem:$0x3FB2]  }
0x2c: {  	s7 =	sld [smem:$0x3FB3]  }
0x2d: {  	s3 =	simm.s32 $0x108;
	s8 =	sld [smem:$0x3FB4]  }
0x2e: {  	s3 =	simm.s32 @!p0 $0x1082;
	s9 =	sld [smem:$0x3FB5]  }
0x2f: {  	lr =	sadd.s32 s0, s3;
	s0 =	sld [smem:$0x3FAC]  }
0x30: {  	s3 =	sld [smem:$0x3FAF]  }
0x31: {  	[smem:$0x3FB8] =	sst s10  }
0x32: {  	s10 =	sld [smem:$0x3FB6];
	_ =	sdelay $0x3  }
0x33: {  	p0 =	seq.s32 s10, $0x1;
	s10 =	sld [smem:$0x3FB8];
	_ =	sdelay $0x3  }
0x34: {  	[smem:$0x3FB8] =	sst s10  }
0x35: {  	s10 =	sld [smem:$0x3FB7];
	_ =	sdelay $0x3  }
0x36: {  	p1 =	seq.s32 s10, $0x1;
	s10 =	sld [smem:$0x3FB8];
	_ =	sdelay $0x3  }
0x37: {  	[smem:$0x3FB8] =	sst s10  }
0x38: {  	s10 =	sld [smem:$0x3FB9]  }
0x39: {  	_ = 	snop;
	(pc) =	sbr.ind lr, $3  }
0x3a: {  	_ = 	snop  }
0x3b: {  	_ = 	snop  }
0x3c: {  	p2 =	seq.s32 s10, $0x1;
	s10 =	sld [smem:$0x3FB8]  }
0x3d: {  	_ =	shalt  }
0x3e: {  	_ =	shalt  }
0x3f: {  	_ =	shalt  }
0x40: {  	_ =	shalt  }
0x41: {  	_ =	shalt  }
0x42: {  	_ =	shalt  }
0x43: {  	_ =	shalt  }
0x44: {  	_ =	shalt  }
0x45: {  	_ =	shalt  }
0x46: {  	_ =	shalt  }
0x47: {  	_ =	shalt  }
0x48: {  	_ =	shalt  }
0x49: {  	_ =	shalt  }
0x4a: {  	_ =	shalt  }
0x4b: {  	_ =	shalt  }
0x4c: {  	_ =	shalt  }
0x4d: {  	_ =	shalt  }
0x4e: {  	_ =	shalt  }
0x4f: {  	_ =	shalt  }
0x50: {  	_ =	shalt  }
0x51: {  	_ =	shalt  }
0x52: {  	_ =	shalt  }
0x53: {  	_ =	shalt  }
0x54: {  	_ =	shalt  }
0x55: {  	_ =	shalt  }
0x56: {  	_ =	shalt  }
0x57: {  	_ =	shalt  }
0x58: {  	_ =	shalt  }
0x59: {  	_ =	shalt  }
0x5a: {  	_ =	shalt  }
0x5b: {  	_ =	shalt  }
0x5c: {  	_ =	shalt  }
0x5d: {  	_ =	shalt  }
0x5e: {  	_ =	shalt  }
0x5f: {  	_ =	shalt  }
0x60: {  	_ =	shalt  }
0x61: {  	_ =	shalt  }
0x62: {  	_ =	shalt  }
0x63: {  	_ =	shalt  }
0x64: {  	_ =	shalt  }
0x65: {  	_ =	shalt  }
0x66: {  	_ =	shalt  }
0x67: {  	_ =	shalt  }
0x68: {  	_ =	shalt  }
0x69: {  	_ =	shalt  }
0x6a: {  	_ =	shalt  }
0x6b: {  	_ =	shalt  }
0x6c: {  	_ =	shalt  }
0x6d: {  	_ =	shalt  }
0x6e: {  	_ =	shalt  }
0x6f: {  	_ =	shalt  }
0x70: {  	_ =	shalt  }
0x71: {  	_ =	shalt  }
0x72: {  	_ =	shalt  }
0x73: {  	_ =	shalt  }
0x74: {  	_ =	shalt  }
0x75: {  	_ =	shalt  }
0x76: {  	_ =	shalt  }
0x77: {  	_ =	shalt  }
0x78: {  	_ =	shalt  }
0x79: {  	_ =	shalt  }
0x7a: {  	_ =	shalt  }
0x7b: {  	_ =	shalt  }
0x7c: {  	_ =	shalt  }
0x7d: {  	_ =	shalt  }
0x7e: {  	_ =	shalt  }
0x7f: {  	_ =	shalt  }
0x80: {  	_ =	shalt  }
0x81: {  	_ =	shalt  }
0x82: {  	_ =	shalt  }
0x83: {  	_ =	shalt  }
0x84: {  	_ =	shalt  }
0x85: {  	_ =	shalt  }
0x86: {  	_ =	shalt  }
0x87: {  	_ =	shalt  }
.Lfunc_end0:
.L_simem_size_0:
called_computation_lowered:
.L_overlay_start_0:
0x88: {  	s2 =	sld [smem:$0x3FD9]  }
0x89: {  	s3 =	sld [smem:$0x3FFE];
	_ =	sdelay $0x1  }
0x8a: {  	s1 =	srdreg.scid  }
0x8b: {  	s0 =	sand.u32 $0x1, s1  }
0x8c: {  	s17 =	sshll.u32 s0, $0xA;
	s2 =	sadd.s32 s3, s2  }
0x8d: {  	s2 =	sadd.s32 s2, s17  }
0x8e: {  	[smem:$0x3FC4] =	sst s2  }
0x8f: {  	_ = 	snop  }
0x90: {  	s2 =	sld [smem:$0x3FC9]  }
0x91: {  	s18 =	sld [smem:$0x3FC8]  }
0x92: {  	s4 =	sld [smem:$0x3FD0];
	(tm) =	ssettm $0x1  }
0x93: {  	s5 =	sld [smem:$0x3FFB];
	_ =	sdelay $0x3  }
0x94: {  	_ =	strace s5  }
0x95: {  	s5 =	sld [smem:$0x3FFC];
	_ =	sdelay $0x3  }
0x96: {  	_ =	strace s5  }
0x97: {  	s5 =	sld [smem:$0x3FFD];
	_ =	sdelay $0x3  }
0x98: {  	_ =	strace s5  }
0x99: {  	_ =	strace $0x8FFFFFFF  }
0x9a: {  	s19 =	sld [smem:$0x3FDB];
	_ =	sdelay $0x1  }
0x9b: {  	s6 =	simm.s32 $_scs_section_size  }
0x9c: {  	s7 =	simm.s32 $_size__tile_overlayer_lowered;
	s8 =	simm.s32 $_tile_overlayer_lowered  }
0x9d: {  	s22 =	simm.s32 $0x1BFF;
	s21 =	sshll.u32 s8, $0x1;
	s5 =	sadd.s32 s6, s19  }
0x9e: {  	s9 =	simm.s32 $0x0;
	s20 =	sshll.u32 s7, $0x1;
	s7 =	sadd.s32 s21, s5  }
0x9f: {  	[timem:s9], [sflag:s22] =	dma.local [hbm:s7], s20  }
0xa0: {  	_ =	swait.ge [sflag:s22], s20  }
0xa1: {  	s6 =	ssub.s32 $0x0, s20;
	[sflag:s22] =	ssyncset.done $0x0  }
0xa2: {  	[sflag:s22] =	ssyncadd.s32 s6;
	_ =	sdelay $0x1  }
0xa3: {  	s23 =	simm.s32 $0x1B8B  }
0xa4: {  	_ =	swait.ge [sflag:s23], $0x1  }
0xa5: {  	[sflag:s23] =	ssyncset.done $0x0  }
0xa6: {  	s25 =	simm.s32 $0x1B8E;
	s24 =	sld [smem:$0x3FFE];
	[sflag:s23] =	ssyncadd.s32 $0xFFFFFFFF  }
0xa7: {  	s26 =	simm.s32 $execute0_lowered;
	[smem:$0x3FD2] =	sst s25  }
0xa8: {  	s7 =	sshll.u32 s26, $0x1;
	_ =	strace $0x80000046;
	[dreg:$0x1] =	wrdreg $0xFFFFFFFF  }
0xa9: {  	s28 =	simm.s32 $_size_execute0_lowered;
	s5 =	sadd.s32 s5, s7;
	[dreg:$0x0] =	wrdreg $0x0  }
0xaa: {  	s7 =	sshll.u32 s28, $0x1;
	[dreg:$0x2] =	wrdreg s5  }
0xab: {  	[dreg:$0x3] =	wrdreg s7  }
0xac: {  	[dreg:$0x4] =	wrdreg $0xC0  }
0xad: {  	_ =	task [dreg:s9], $0x5FFFF  }
0xae: {  	[dreg:$0x1] =	wrdreg $0xFFFFFFFF  }
0xaf: {  	[dreg:$0x0] =	wrdreg $0x60  }
0xb0: {  	[dreg:$0x2] =	wrdreg s2  }
0xb1: {  	[dreg:$0x3] =	wrdreg s18  }
0xb2: {  	[dreg:$0x4] =	wrdreg s24  }
0xb3: {  	[dreg:$0x5] =	wrdreg s4  }
0xb4: {  	[dreg:$0x6] =	wrdreg $0x9  }
0xb5: {  	_ =	task.clear_ibuf [dreg:s9], $0x7FFFF;
	_ =	strace $0x90000046  }
0xb6: {  	s29 =	simm.s32 $0x9;
	_ =	strace $0x80000048  }
0xb7: {  	_ =	swait.ge [sflag:s29], $0x1  }
0xb8: {  	[sflag:s29] =	ssyncadd.s32 $0xFFFFFFFF  }
0xb9: {  	_ =	strace $0x90000048  }
0xba: {  	_ =	sfence  }
0xbb: {  	s30 =	sld [smem:$0x0];
	_ =	sdelay $0x2  }
0xbc: {  	s31 =	sshll.u32 s1, $0xD;
	s1 =	sshrl.u32 s1, $0x2  }
0xbd: {  	s3 =	sand.u32 $0x4000, s31;
	s1 =	sadd.s32 s1, s30  }
0xbe: {  	s0 =	sor.u32 s3, s0;
	s1 =	sshll.u32 s1, $0x11  }
0xbf: {  	s0 =	sor.u32 s1, s0  }
0xc0: {  	s0 =	sadd.s32 $0x8F2B, s0  }
0xc1: {  	[sflag:s0] =	ssyncadd.remote.s32 $0x1  }
0xc2: {  	_ =	sfence.sel $0xFFFF  }
0xc3: {  	[dreg:$0x0] =	wrdreg $0xFFFFFFFF;
	(pc) =	sbr.abs _section_cstart, $3  }
0xc4: {  	[dreg:$0x1] =	wrdreg $0xFFFFFFFF  }
0xc5: {  	_ =	task.clear_ibuf [dreg:s9], $0x2FFFF;
	_ =	strace $0x9FFFFFFF  }
0xc6: {  	(tm) =	ssettm $0x7FFFFFFF  }
0xc7: {  	_ =	shalt  }
tec
execute0_lowered:
.L_overlay_start_1:
0x0: {  	(tag) =	ssettag $0x1  }
0x1: {  	s0 =	rddreg [dreg:$0x0]  }
0x2: {  	s1 =	rddreg [dreg:$0x1];
	v0 =	vlaneseq.u32  }
0x3: {  	s4 =	rddreg [dreg:$0x2];
	s2 =	simm.s32 $0x0;
	v2 =	vmul.u32 $0x400, v0  }
0x4: {  	[smem:$0x7FF] =	sst s2  }
0x5: {  	s5 =	rddreg [dreg:$0x3];
	_ =	strace $0x80000047;
	v0 =	vor.u32 $0x1, v2;
	[tilespmem:$0x1FFC0] =	vst v2  }
0x6: {  	v61 =	vor.u32 $0x2, v2;
	[tilespmem:$0x1FC20] =	vst v0  }
0x7: {  	v62 =	vor.u32 $0x3, v2;
	[tilespmem:$0x1FC30] =	vst v61  }
0x8: {  	v63 =	vor.u32 $0x4, v2;
	[tilespmem:$0x1FC40] =	vst v62  }
0x9: {  	v4 =	vor.u32 $0x5, v2;
	[tilespmem:$0x1FC50] =	vst v63  }
0xa: {  	v5 =	vor.u32 $0x6, v2;
	[tilespmem:$0x1FC60] =	vst v4  }
0xb: {  	v1 =	vor.u32 $0x9, v2;
	[tilespmem:$0x1FC70] =	vst v5  }
0xc: {  	v6 =	vor.u32 $0xA, v2;
	[tilespmem:$0x1FC80] =	vst v1  }
0xd: {  	v7 =	vor.u32 $0xB, v2;
	[tilespmem:$0x1FC90] =	vst v6  }
0xe: {  	v8 =	vor.u32 $0xC, v2;
	[tilespmem:$0x1FCA0] =	vst v7  }
0xf: {  	v9 =	vor.u32 $0xD, v2;
	[tilespmem:$0x1FCB0] =	vst v8  }
0x10: {  	v10 =	vor.u32 $0xE, v2;
	[tilespmem:$0x1FCC0] =	vst v9  }
0x11: {  	v11 =	vor.u32 $0xF, v2;
	[tilespmem:$0x1FCD0] =	vst v10  }
0x12: {  	v18 =	vor.u32 $0x10, v2;
	[tilespmem:$0x1FCE0] =	vst v11  }
0x13: {  	v19 =	vor.u32 $0x11, v2;
	[tilespmem:$0x1FCF0] =	vst v18  }
0x14: {  	v20 =	vor.u32 $0x12, v2;
	[tilespmem:$0x1FD00] =	vst v19  }
0x15: {  	v21 =	vor.u32 $0x13, v2;
	[tilespmem:$0x1FD10] =	vst v20  }
0x16: {  	v22 =	vor.u32 $0x14, v2;
	[tilespmem:$0x1FD20] =	vst v21  }
0x17: {  	v23 =	vor.u32 $0x15, v2;
	[tilespmem:$0x1FD30] =	vst v22  }
0x18: {  	v24 =	vor.u32 $0x16, v2;
	[tilespmem:$0x1FD40] =	vst v23  }
0x19: {  	v25 =	vor.u32 $0x17, v2;
	[tilespmem:$0x1FD50] =	vst v24  }
0x1a: {  	v26 =	vor.u32 $0x18, v2;
	[tilespmem:$0x1FD60] =	vst v25  }
0x1b: {  	v27 =	vor.u32 $0x19, v2;
	[tilespmem:$0x1FD70] =	vst v26  }
0x1c: {  	v28 =	vor.u32 $0x1A, v2;
	[tilespmem:$0x1FD80] =	vst v27  }
0x1d: {  	v29 =	vor.u32 $0x1B, v2;
	[tilespmem:$0x1FD90] =	vst v28  }
0x1e: {  	v30 =	vor.u32 $0x1C, v2;
	[tilespmem:$0x1FDA0] =	vst v29  }
0x1f: {  	v31 =	vor.u32 $0x1D, v2;
	[tilespmem:$0x1FDB0] =	vst v30  }
0x20: {  	v32 =	vor.u32 $0x1E, v2;
	[tilespmem:$0x1FDC0] =	vst v31  }
0x21: {  	v33 =	vor.u32 $0x1F, v2;
	[tilespmem:$0x1FDD0] =	vst v32  }
0x22: {  	v34 =	vor.u32 $0x20, v2;
	[tilespmem:$0x1FDE0] =	vst v33  }
0x23: {  	v35 =	vor.u32 $0x21, v2;
	[tilespmem:$0x1FDF0] =	vst v34  }
0x24: {  	v36 =	vor.u32 $0x22, v2;
	[tilespmem:$0x1FE00] =	vst v35  }
0x25: {  	v37 =	vor.u32 $0x23, v2;
	[tilespmem:$0x1FE10] =	vst v36  }
0x26: {  	v38 =	vor.u32 $0x24, v2;
	[tilespmem:$0x1FE20] =	vst v37  }
0x27: {  	v39 =	vor.u32 $0x25, v2;
	[tilespmem:$0x1FE30] =	vst v38  }
0x28: {  	v40 =	vor.u32 $0x26, v2;
	[tilespmem:$0x1FE40] =	vst v39  }
0x29: {  	v41 =	vor.u32 $0x27, v2;
	[tilespmem:$0x1FE50] =	vst v40  }
0x2a: {  	v42 =	vor.u32 $0x28, v2;
	[tilespmem:$0x1FE60] =	vst v41  }
0x2b: {  	v43 =	vor.u32 $0x29, v2;
	[tilespmem:$0x1FE70] =	vst v42  }
0x2c: {  	v44 =	vor.u32 $0x2A, v2;
	[tilespmem:$0x1FE80] =	vst v43  }
0x2d: {  	v45 =	vor.u32 $0x2B, v2;
	[tilespmem:$0x1FE90] =	vst v44  }
0x2e: {  	v46 =	vor.u32 $0x2C, v2;
	[tilespmem:$0x1FEA0] =	vst v45  }
0x2f: {  	v47 =	vor.u32 $0x2D, v2;
	[tilespmem:$0x1FEB0] =	vst v46  }
0x30: {  	v48 =	vor.u32 $0x2E, v2;
	[tilespmem:$0x1FEC0] =	vst v47  }
0x31: {  	v49 =	vor.u32 $0x2F, v2;
	[tilespmem:$0x1FED0] =	vst v48  }
0x32: {  	v50 =	vor.u32 $0x30, v2;
	[tilespmem:$0x1FEE0] =	vst v49  }
0x33: {  	s3 =	srdreg.scid;
	v51 =	vor.u32 $0x31, v2;
	[tilespmem:$0x1FEF0] =	vst v50  }
0x34: {  	s7 =	stileid.u32;
	s30 =	simm.s32 $0x5;
	s11 =	simm.s32 $0x400;
	v52 =	vor.u32 $0x32, v2;
	[tilespmem:$0x1FF00] =	vst v51  }
0x35: {  	s12 =	simm.s32 $0x4400;
	s17 =	simm.s32 $0x8400;
	s18 =	simm.s32 $0xC400;
	v53 =	vor.u32 $0x33, v2;
	[tilespmem:$0x1FF10] =	vst v52  }
0x36: {  	s13 =	simm.s32 $0xB000;
	s14 =	simm.s32 $0xF000;
	s15 =	simm.s32 $0xB400;
	v54 =	vor.u32 $0x34, v2;
	[tilespmem:$0x1FF20] =	vst v53  }
0x37: {  	s16 =	simm.s32 $0xF400;
	s19 =	simm.s32 $0xB800;
	s20 =	simm.s32 $0xF800;
	v55 =	vor.u32 $0x35, v2;
	[tilespmem:$0x1FF30] =	vst v54  }
0x38: {  	s21 =	simm.s32 $0xBC00;
	s22 =	simm.s32 $0xFC00;
	s23 =	simm.s32 $0xC000;
	v56 =	vor.u32 $0x36, v2;
	[tilespmem:$0x1FF40] =	vst v55  }
0x39: {  	s24 =	simm.s32 $0x10000;
	s28 =	simm.s32 $0x3;
	s29 =	simm.s32 $0x4;
	v57 =	vor.u32 $0x37, v2;
	[tilespmem:$0x1FF50] =	vst v56  }
0x3a: {  	s10 =	simm.s32 $0x0;
	s3 =	sand.u32 $0x1, s3;
	s7 =	sshll.u32 s7, $0x7;
	v58 =	vor.u32 $0x38, v2;
	[tilespmem:$0x1FF60] =	vst v57  }
0x3b: {  	s6 =	ssub.s32 $0x2, s3;
	s8 =	sshll.u32 s3, $0x6;
	s3 =	sadd.s32 $0x400, s4;
	v59 =	vor.u32 $0x39, v2;
	[tilespmem:$0x1FF70] =	vst v58  }
0x3c: {  	s4 =	sadd.s32 $0xF42800, s4;
	s9 =	sshrl.u32 s6, $0x1;
	s7 =	sor.u32 s8, s7;
	v60 =	vor.u32 $0x3A, v2;
	[tilespmem:$0x1FF80] =	vst v59  }
0x3d: {  	v14 =	vor.u32 $0x7, v2;
	s8 =	simm.s32 $0xAC00;
	s6 =	ssub.s32 s6, s9;
	s0 =	sadd.s32 s0, s7;
	[tilespmem:$0x1FF90] =	vst v60  }
.Ltmp0:
0x3e: {  	v15 =	vor.u32 $0x8, v2;
	s25 =	sadd.s32 s1, s7;
	s26 =	sadd.s32 s5, s7;
	[tilespmem:$0x1FFE0] =	vst v14;
	(pc) =	sbr.rel .LBB2_1-.Ltmp0, $4  }
0x3f: {  	s1 =	simm.s32 $0x8800;
	s5 =	simm.s32 $0xE400;
	v61 =	vor.u32 $0x3B, v2;
	[tilespmem:$0x1FFF0] =	vst v15;
	[dreg:$0x5] =	wrdreg s0  }
0x40: {  	s7 =	simm.s32 $0xE800;
	s9 =	simm.s32 $0xEC00;
	v62 =	vor.u32 $0x3C, v2;
	[dreg:$0x6] =	wrdreg s25;
	[tilespmem:$0x1FFA0] =	vst v61  }
0x41: {  	v63 =	vor.u32 $0x3D, v2;
	[dreg:$0x7] =	wrdreg s26;
	s31 =	smax.u32 s6, $0x1;
	s6 =	simm.s32 $0xA800;
	[tilespmem:$0x1FFB0] =	vst v62  }
0x42: {  	s25 =	simm.s32 $0x1;
	s26 =	simm.s32 $0x2;
	[tilespmem:$0x1FFD0] =	vst v63;
	[dreg:$0x8] =	wrdreg s31  }
.LBB2_5:
0x43: {  	s0 =	rddreg [dreg:$0x7];
	s10 =	simm.s32 $0x10400;
	s30 =	simm.s32 $0x5  }
0x44: {  	[hbm4b:s0+s2] =	stream.linear.scatter [tilespmem:s10], [sflag:$0x5], $0x200, $0x38;
	[tilespmem:$0x10600] =	vst v63  }
0x45: {  	_ =	swait.ge [sflag:s30], $0x200  }
0x46: {  	s0 =	rddreg [dreg:$0x9]  }
0x47: {  	s31 =	rddreg [dreg:$0x8];
	s10 =	sadd.s32 $0x1, s0  }
0x48: {  	p0 =	sne.s32 s10, s31  }
.Ltmp1:
0x49: {  	_ = 	snop;
	(pc) =	sbr.rel @!p0 .LBB2_6-.Ltmp1, $3  }
0x4a: {  	_ =	sdelay $0x1  }
0x4b: {  	[sflag:s30] =	ssyncset.done $0x0  }
0x4c: {  	[sflag:s30] =	ssyncadd.s32 $0xFFFFFE00  }
.LBB2_1:
0x4d: {  	[dreg:$0x9] =	wrdreg s10  }
0x4e: {  	s0 =	rddreg [dreg:$0x5]  }
0x4f: {  	[tilespmem:s2], [sflag:$0x5] =	stream.linear.gather [hbm4b:s0+s2], $0x200, $0x38;
	[tilespmem:$0x10600] =	vst v63  }
0x50: {  	_ =	swait.ge [sflag:s30], $0x200  }
0x51: {  	[sflag:s30] =	ssyncset.done $0x0  }
0x52: {  	s31 =	simm.s32 $0x200;
	s10 =	rddreg [dreg:$0x6];
	[sflag:s30] =	ssyncadd.s32 $0xFFFFFE00  }
0x53: {  	[tilespmem:s31], [sflag:$0x5] =	stream.linear.gather [hbm4b:s10+s2], $0x200, $0x38;
	[tilespmem:$0x10600] =	vst v63  }
0x54: {  	_ =	swait.ge [sflag:s30], $0x200  }
0x55: {  	[sflag:s30] =	ssyncset.done $0x0  }
0x56: {  	[sflag:s30] =	ssyncadd.s32 $0xFFFFFE00  }
0x57: {  	v1 =	vld [tilespmem:$0x0];
	_ =	sdelay $0x3  }
0x58: {  	v62 =	vld [tilespmem:$0x200]  }
0x59: {  	v1 =	vshrl.u32 v1, $0x3  }
0x5a: {  	v2 =	vshll.u32 v1, $0x7  }
0x5b: {  	(v2sf) =	vpush v2, $0x0;
	_ =	sdelay $0x1  }
0x5c: {  	v1 =	vshrl.u32 v62, $0x3  }
0x5d: {  	v1 =	vshll.u32 v1, $0x7  }
0x5e: {  	(v2sf) =	vpush v1, $0x0;
	_ =	sdelay $0x3  }
0x5f: {  	(v2sf) =	vpush v2, $0x1;
	_ =	sdelay $0x3  }
0x60: {  	(v2sf) =	vpush v1, $0x1;
	_ =	sdelay $0x2  }
0x61: {  	s30 =	spop (v2sf)  }
0x62: {  	(v2sf) =	vpush v2, $0x2;
	s30 =	sand.u32 $0x1FFFFF80, s30  }
0x63: {  	s30 =	sadd.s32 s3, s30  }
0x64: {  	[tilespmem:s11], [sflag:$0x1] =	stream.linear.gather [hbm4b:s30+s2], $0x400, $0x38;
	[tilespmem:$0x10600] =	vst v63  }
0x65: {  	s30 =	spop (v2sf)  }
0x66: {  	(v2sf) =	vpush v1, $0x2;
	s30 =	sand.u32 $0x1FFFFF80, s30  }
0x67: {  	s30 =	sadd.s32 s4, s30  }
0x68: {  	[tilespmem:s12], [sflag:$0x2] =	stream.linear.gather [hbm4b:s30+s2], $0x400, $0x38;
	[tilespmem:$0x10600] =	vst v63  }
0x69: {  	s30 =	spop (v2sf)  }
0x6a: {  	(v2sf) =	vpush v2, $0x3;
	s30 =	sand.u32 $0x1FFFFF80, s30  }
0x6b: {  	s10 =	simm.s32 $0x800;
	s30 =	sadd.s32 s3, s30  }
0x6c: {  	[tilespmem:s10], [sflag:$0x1] =	stream.linear.gather [hbm4b:s30+s2], $0x400, $0x38;
	[tilespmem:$0x10600] =	vst v63  }
0x6d: {  	s30 =	spop (v2sf)  }
0x6e: {  	(v2sf) =	vpush v1, $0x3;
	s30 =	sand.u32 $0x1FFFFF80, s30  }
0x6f: {  	s31 =	simm.s32 $0x4800;
	s30 =	sadd.s32 s4, s30  }
0x70: {  	[tilespmem:s31], [sflag:$0x2] =	stream.linear.gather [hbm4b:s30+s2], $0x400, $0x38;
	[tilespmem:$0x10600] =	vst v63  }
0x71: {  	s30 =	spop (v2sf)  }
0x72: {  	(v2sf) =	vpush v2, $0x4;
	s30 =	sand.u32 $0x1FFFFF80, s30  }
0x73: {  	s10 =	simm.s32 $0xC00;
	s30 =	sadd.s32 s3, s30  }
0x74: {  	[tilespmem:s10], [sflag:$0x1] =	stream.linear.gather [hbm4b:s30+s2], $0x400, $0x38;
	[tilespmem:$0x10600] =	vst v63  }
0x75: {  	s30 =	spop (v2sf)  }
0x76: {  	(v2sf) =	vpush v1, $0x4;
	s30 =	sand.u32 $0x1FFFFF80, s30  }
0x77: {  	s31 =	simm.s32 $0x4C00;
	s30 =	sadd.s32 s4, s30  }
0x78: {  	[tilespmem:s31], [sflag:$0x2] =	stream.linear.gather [hbm4b:s30+s2], $0x400, $0x38;
	[tilespmem:$0x10600] =	vst v63  }
0x79: {  	s30 =	spop (v2sf)  }
0x7a: {  	(v2sf) =	vpush v2, $0x5;
	s30 =	sand.u32 $0x1FFFFF80, s30  }
0x7b: {  	s10 =	simm.s32 $0x1000;
	s30 =	sadd.s32 s3, s30  }
0x7c: {  	[tilespmem:s10], [sflag:$0x1] =	stream.linear.gather [hbm4b:s30+s2], $0x400, $0x38;
	[tilespmem:$0x10600] =	vst v63  }
0x7d: {  	s30 =	spop (v2sf)  }
0x7e: {  	(v2sf) =	vpush v1, $0x5;
	s30 =	sand.u32 $0x1FFFFF80, s30  }
0x7f: {  	s31 =	simm.s32 $0x5000;
	s30 =	sadd.s32 s4, s30  }
0x80: {  	[tilespmem:s31], [sflag:$0x2] =	stream.linear.gather [hbm4b:s30+s2], $0x400, $0x38;
	[tilespmem:$0x10600] =	vst v63  }
0x81: {  	s30 =	spop (v2sf)  }
0x82: {  	(v2sf) =	vpush v2, $0x6;
	s30 =	sand.u32 $0x1FFFFF80, s30  }
0x83: {  	s10 =	simm.s32 $0x1400;
	s30 =	sadd.s32 s3, s30  }
0x84: {  	[tilespmem:s10], [sflag:$0x1] =	stream.linear.gather [hbm4b:s30+s2], $0x400, $0x38;
	[tilespmem:$0x10600] =	vst v63  }
0x85: {  	s30 =	spop (v2sf)  }
0x86: {  	(v2sf) =	vpush v1, $0x6;
	s30 =	sand.u32 $0x1FFFFF80, s30  }
0x87: {  	s31 =	simm.s32 $0x5400;
	s30 =	sadd.s32 s4, s30  }
0x88: {  	[tilespmem:s31], [sflag:$0x2] =	stream.linear.gather [hbm4b:s30+s2], $0x400, $0x38;
	[tilespmem:$0x10600] =	vst v63  }
0x89: {  	s30 =	spop (v2sf)  }
0x8a: {  	(v2sf) =	vpush v2, $0x7;
	s30 =	sand.u32 $0x1FFFFF80, s30  }
0x8b: {  	s10 =	simm.s32 $0x1800;
	s30 =	sadd.s32 s3, s30  }
0x8c: {  	[tilespmem:s10], [sflag:$0x1] =	stream.linear.gather [hbm4b:s30+s2], $0x400, $0x38;
	[tilespmem:$0x10600] =	vst v63  }
0x8d: {  	s30 =	spop (v2sf)  }
0x8e: {  	(v2sf) =	vpush v1, $0x7;
	s30 =	sand.u32 $0x1FFFFF80, s30  }
0x8f: {  	s31 =	simm.s32 $0x5800;
	s30 =	sadd.s32 s4, s30  }
0x90: {  	[tilespmem:s31], [sflag:$0x2] =	stream.linear.gather [hbm4b:s30+s2], $0x400, $0x38;
	[tilespmem:$0x10600] =	vst v63  }
0x91: {  	s30 =	spop (v2sf)  }
0x92: {  	(v2sf) =	vpush v2, $0x8;
	s30 =	sand.u32 $0x1FFFFF80, s30  }
0x93: {  	s10 =	simm.s32 $0x1C00;
	s30 =	sadd.s32 s3, s30  }
0x94: {  	[tilespmem:s10], [sflag:$0x1] =	stream.linear.gather [hbm4b:s30+s2], $0x400, $0x38;
	[tilespmem:$0x10600] =	vst v63  }
0x95: {  	s30 =	spop (v2sf)  }
0x96: {  	(v2sf) =	vpush v1, $0x8;
	s30 =	sand.u32 $0x1FFFFF80, s30  }
0x97: {  	s31 =	simm.s32 $0x5C00;
	s30 =	sadd.s32 s4, s30  }
0x98: {  	[tilespmem:s31], [sflag:$0x2] =	stream.linear.gather [hbm4b:s30+s2], $0x400, $0x38;
	[tilespmem:$0x10600] =	vst v63  }
0x99: {  	s30 =	spop (v2sf)  }
0x9a: {  	(v2sf) =	vpush v2, $0x9;
	s30 =	sand.u32 $0x1FFFFF80, s30  }
0x9b: {  	s10 =	simm.s32 $0x2000;
	s30 =	sadd.s32 s3, s30  }
0x9c: {  	[tilespmem:s10], [sflag:$0x1] =	stream.linear.gather [hbm4b:s30+s2], $0x400, $0x38;
	[tilespmem:$0x10600] =	vst v63  }
0x9d: {  	s30 =	spop (v2sf)  }
0x9e: {  	(v2sf) =	vpush v1, $0x9;
	s30 =	sand.u32 $0x1FFFFF80, s30  }
0x9f: {  	s31 =	simm.s32 $0x6000;
	s30 =	sadd.s32 s4, s30  }
0xa0: {  	[tilespmem:s31], [sflag:$0x2] =	stream.linear.gather [hbm4b:s30+s2], $0x400, $0x38;
	[tilespmem:$0x10600] =	vst v63  }
0xa1: {  	s30 =	spop (v2sf)  }
0xa2: {  	(v2sf) =	vpush v2, $0xA;
	s30 =	sand.u32 $0x1FFFFF80, s30  }
0xa3: {  	s10 =	simm.s32 $0x2400;
	s30 =	sadd.s32 s3, s30  }
0xa4: {  	[tilespmem:s10], [sflag:$0x1] =	stream.linear.gather [hbm4b:s30+s2], $0x400, $0x38;
	[tilespmem:$0x10600] =	vst v63  }
0xa5: {  	s30 =	spop (v2sf)  }
0xa6: {  	(v2sf) =	vpush v1, $0xA;
	s30 =	sand.u32 $0x1FFFFF80, s30  }
0xa7: {  	s31 =	simm.s32 $0x6400;
	s30 =	sadd.s32 s4, s30  }
0xa8: {  	[tilespmem:s31], [sflag:$0x2] =	stream.linear.gather [hbm4b:s30+s2], $0x400, $0x38;
	[tilespmem:$0x10600] =	vst v63  }
0xa9: {  	s30 =	spop (v2sf)  }
0xaa: {  	(v2sf) =	vpush v2, $0xB;
	s30 =	sand.u32 $0x1FFFFF80, s30  }
0xab: {  	s10 =	simm.s32 $0x2800;
	s30 =	sadd.s32 s3, s30  }
0xac: {  	[tilespmem:s10], [sflag:$0x1] =	stream.linear.gather [hbm4b:s30+s2], $0x400, $0x38;
	[tilespmem:$0x10600] =	vst v63  }
0xad: {  	s30 =	spop (v2sf)  }
0xae: {  	(v2sf) =	vpush v1, $0xB;
	s30 =	sand.u32 $0x1FFFFF80, s30  }
0xaf: {  	s31 =	simm.s32 $0x6800;
	s30 =	sadd.s32 s4, s30  }
0xb0: {  	[tilespmem:s31], [sflag:$0x2] =	stream.linear.gather [hbm4b:s30+s2], $0x400, $0x38;
	[tilespmem:$0x10600] =	vst v63  }
0xb1: {  	s30 =	spop (v2sf)  }
0xb2: {  	(v2sf) =	vpush v2, $0xC;
	s30 =	sand.u32 $0x1FFFFF80, s30  }
0xb3: {  	s10 =	simm.s32 $0x2C00;
	s30 =	sadd.s32 s3, s30  }
0xb4: {  	v31 =	vld [tilespmem:$0x1FCE0];
	[tilespmem:s10], [sflag:$0x1] =	stream.linear.gather [hbm4b:s30+s2], $0x400, $0x38  }
0xb5: {  	v32 =	vld [tilespmem:$0x1FCF0];
	s30 =	spop (v2sf)  }
0xb6: {  	v30 =	vld [tilespmem:$0x1FD00];
	(v2sf) =	vpush v1, $0xC;
	s30 =	sand.u32 $0x1FFFFF80, s30  }
0xb7: {  	v33 =	vld [tilespmem:$0x1FD10];
	s31 =	simm.s32 $0x6C00;
	s30 =	sadd.s32 s4, s30  }
0xb8: {  	v34 =	vld [tilespmem:$0x1FD20];
	[tilespmem:s31], [sflag:$0x2] =	stream.linear.gather [hbm4b:s30+s2], $0x400, $0x38  }
0xb9: {  	v35 =	vld [tilespmem:$0x1FD30];
	s30 =	spop (v2sf)  }
0xba: {  	v36 =	vld [tilespmem:$0x1FD40];
	(v2sf) =	vpush v2, $0xD;
	s30 =	sand.u32 $0x1FFFFF80, s30  }
0xbb: {  	v37 =	vld [tilespmem:$0x1FD50];
	s10 =	simm.s32 $0x3000;
	s30 =	sadd.s32 s3, s30  }
0xbc: {  	v38 =	vld [tilespmem:$0x1FD60];
	[tilespmem:s10], [sflag:$0x1] =	stream.linear.gather [hbm4b:s30+s2], $0x400, $0x38  }
0xbd: {  	v39 =	vld [tilespmem:$0x1FD70];
	s30 =	spop (v2sf)  }
0xbe: {  	v40 =	vld [tilespmem:$0x1FD80];
	(v2sf) =	vpush v1, $0xD;
	s30 =	sand.u32 $0x1FFFFF80, s30  }
0xbf: {  	v41 =	vld [tilespmem:$0x1FD90];
	s31 =	simm.s32 $0x7000;
	s30 =	sadd.s32 s4, s30  }
0xc0: {  	v42 =	vld [tilespmem:$0x1FDA0];
	[tilespmem:s31], [sflag:$0x2] =	stream.linear.gather [hbm4b:s30+s2], $0x400, $0x38  }
0xc1: {  	v43 =	vld [tilespmem:$0x1FDB0];
	s30 =	spop (v2sf)  }
0xc2: {  	v44 =	vld [tilespmem:$0x1FDC0];
	(v2sf) =	vpush v2, $0xE;
	s30 =	sand.u32 $0x1FFFFF80, s30  }
0xc3: {  	v45 =	vld [tilespmem:$0x1FDD0];
	s10 =	simm.s32 $0x3400;
	s30 =	sadd.s32 s3, s30  }
0xc4: {  	v46 =	vld [tilespmem:$0x1FDE0];
	[tilespmem:s10], [sflag:$0x1] =	stream.linear.gather [hbm4b:s30+s2], $0x400, $0x38  }
0xc5: {  	v47 =	vld [tilespmem:$0x1FDF0];
	s30 =	spop (v2sf)  }
0xc6: {  	v48 =	vld [tilespmem:$0x1FE00];
	(v2sf) =	vpush v1, $0xE;
	s30 =	sand.u32 $0x1FFFFF80, s30  }
0xc7: {  	v49 =	vld [tilespmem:$0x1FE10];
	s31 =	simm.s32 $0x7400;
	s30 =	sadd.s32 s4, s30  }
0xc8: {  	v50 =	vld [tilespmem:$0x1FE20];
	[tilespmem:s31], [sflag:$0x2] =	stream.linear.gather [hbm4b:s30+s2], $0x400, $0x38  }
0xc9: {  	v51 =	vld [tilespmem:$0x1FE30];
	s30 =	spop (v2sf)  }
0xca: {  	v52 =	vld [tilespmem:$0x1FE40];
	(v2sf) =	vpush v2, $0xF;
	s30 =	sand.u32 $0x1FFFFF80, s30  }
0xcb: {  	v53 =	vld [tilespmem:$0x1FE50];
	s10 =	simm.s32 $0x3800;
	s30 =	sadd.s32 s3, s30  }
0xcc: {  	v54 =	vld [tilespmem:$0x1FE60];
	[tilespmem:s10], [sflag:$0x1] =	stream.linear.gather [hbm4b:s30+s2], $0x400, $0x38  }
0xcd: {  	v55 =	vld [tilespmem:$0x1FE70];
	s30 =	spop (v2sf)  }
0xce: {  	v56 =	vld [tilespmem:$0x1FE80];
	(v2sf) =	vpush v1, $0xF;
	s30 =	sand.u32 $0x1FFFFF80, s30  }
0xcf: {  	v57 =	vld [tilespmem:$0x1FE90];
	s31 =	simm.s32 $0x7800;
	s30 =	sadd.s32 s4, s30  }
0xd0: {  	v58 =	vld [tilespmem:$0x1FEA0];
	[tilespmem:s31], [sflag:$0x2] =	stream.linear.gather [hbm4b:s30+s2], $0x400, $0x38  }
0xd1: {  	v59 =	vld [tilespmem:$0x1FEB0];
	s30 =	spop (v2sf)  }
0xd2: {  	v60 =	vld [tilespmem:$0x1FEC0];
	s30 =	sand.u32 $0x1FFFFF80, s30  }
0xd3: {  	v61 =	vld [tilespmem:$0x1FED0];
	s10 =	simm.s32 $0x3C00;
	s30 =	sadd.s32 s3, s30  }
0xd4: {  	v0 =	vld [tilespmem:$0x1FEE0];
	[tilespmem:s10], [sflag:$0x1] =	stream.linear.gather [hbm4b:s30+s2], $0x400, $0x38  }
0xd5: {  	v17 =	vld [tilespmem:$0x1FEF0];
	s30 =	spop (v2sf)  }
0xd6: {  	v18 =	vld [tilespmem:$0x1FF00];
	s30 =	sand.u32 $0x1FFFFF80, s30  }
0xd7: {  	v19 =	vld [tilespmem:$0x1FF10];
	s31 =	simm.s32 $0x7C00;
	s30 =	sadd.s32 s4, s30  }
0xd8: {  	v20 =	vld [tilespmem:$0x1FF20];
	[tilespmem:s31], [sflag:$0x2] =	stream.linear.gather [hbm4b:s30+s2], $0x400, $0x38  }
0xd9: {  	v21 =	vld [tilespmem:$0x1FF40];
	s30 =	spop (v2sf)  }
0xda: {  	v22 =	vld [tilespmem:$0x1FF50];
	s30 =	sand.u32 $0x1FFFFF80, s30  }
0xdb: {  	v24 =	vld [tilespmem:$0x1FF60];
	s10 =	simm.s32 $0x4000;
	s30 =	sadd.s32 s3, s30  }
0xdc: {  	v29 =	vld [tilespmem:$0x1FF70];
	[tilespmem:s10], [sflag:$0x1] =	stream.linear.gather [hbm4b:s30+s2], $0x400, $0x38  }
.Ltmp2:
0xdd: {  	v23 =	vld [tilespmem:$0x1FF80];
	s30 =	spop (v2sf);
	(pc) =	sbr.rel .LBB2_2-.Ltmp2, $4  }
0xde: {  	v25 =	vld [tilespmem:$0x1FF90];
	s30 =	sand.u32 $0x1FFFFF80, s30  }
0xdf: {  	v26 =	vld [tilespmem:$0x1FFA0];
	s31 =	simm.s32 $0x8000;
	s30 =	sadd.s32 s4, s30  }
0xe0: {  	v27 =	vld [tilespmem:$0x1FFB0];
	[tilespmem:s31], [sflag:$0x2] =	stream.linear.gather [hbm4b:s30+s2], $0x400, $0x38  }
0xe1: {  	v28 =	vld [tilespmem:$0x1FFD0];
	s30 =	simm.s32 $0x0  }
.LBB2_4:
0xe2: {  	_ =	swait.ge [sflag:s28], $0x4000  }
0xe3: {  	[sflag:s28] =	ssyncset.done $0x0  }
0xe4: {  	[sflag:s28] =	ssyncadd.s32 $0xFFFFC000  }
0xe5: {  	_ =	swait.ge [sflag:s29], $0x4000  }
0xe6: {  	[sflag:s29] =	ssyncset.done $0x0  }
0xe7: {  	v0 =	vld [tilespmem:$0x1FC20];
	[sflag:s29] =	ssyncadd.s32 $0xFFFFC000  }
0xe8: {  	v1 =	vld [tilespmem:s31+$0x10]  }
0xe9: {  	v2 =	vld [tilespmem:s31+$0x210]  }
0xea: {  	v15 =	vld [tilespmem:$0x1FC70]  }
0xeb: {  	v63 =	vld [tilespmem:$0x1FFE0]  }
0xec: {  	v31 =	vld [tilespmem:$0x1FD00]  }
0xed: {  	v17 =	vld [tilespmem:$0x1FEF0]  }
0xee: {  	v18 =	vld [tilespmem:$0x1FF00];
	v1 =	vshll.u32 v1, $0x7;
	v2 =	vshll.u32 v2, $0x7  }
0xef: {  	v19 =	vld [tilespmem:$0x1FF10];
	v1 =	vand.u32 $0x380, v1;
	v2 =	vand.u32 $0x380, v2  }
0xf0: {  	v5 =	vor.u32 v0, v1;
	v6 =	vor.u32 v0, v2;
	v0 =	vld [tilespmem:$0x1FC30]  }
0xf1: {  	v20 =	vld [tilespmem:$0x1FF20]  }
0xf2: {  	v21 =	vld [tilespmem:$0x1FF40]  }
0xf3: {  	v22 =	vld [tilespmem:$0x1FF50]  }
0xf4: {  	v24 =	vld [tilespmem:$0x1FF60]  }
0xf5: {  	v7 =	vor.u32 v0, v1;
	v8 =	vor.u32 v0, v2;
	v0 =	vld [tilespmem:$0x1FC40]  }
0xf6: {  	v29 =	vld [tilespmem:$0x1FF70]  }
0xf7: {  	v23 =	vld [tilespmem:$0x1FF80];
	v3 =	vor.u32 v16, v1  }
0xf8: {  	v25 =	vld [tilespmem:$0x1FF90];
	v4 =	vor.u32 v16, v2  }
0xf9: {  	v26 =	vld [tilespmem:$0x1FFA0]  }
0xfa: {  	v9 =	vor.u32 v0, v1;
	v10 =	vor.u32 v0, v2;
	v0 =	vld [tilespmem:$0x1FC50]  }
0xfb: {  	v27 =	vld [tilespmem:$0x1FFB0]  }
0xfc: {  	v14 =	vor.u32 v15, v1;
	v59 =	vor.u32 v15, v2;
	v15 =	vor.u32 v63, v1;
	v3 =	vld.idx.msk [tilespmem:v3+s17+$0x0], $0xffff  }
0xfd: {  	v4 =	vld.idx.msk [tilespmem:v4+s18+$0x0], $0xffff  }
0xfe: {  	v5 =	vld.idx.msk [tilespmem:v5+s17+$0x0], $0xffff  }
0xff: {  	v11 =	vor.u32 v0, v1;
	v12 =	vor.u32 v0, v2;
	v0 =	vld [tilespmem:$0x1FC60]  }
0x100: {  	v6 =	vld.idx.msk [tilespmem:v6+s18+$0x0], $0xffff  }
0x101: {  	v36 =	vld.idx.msk [tilespmem:v15+s17+$0x0], $0xffff  }
0x102: {  	v7 =	vld.idx.msk [tilespmem:v7+s17+$0x0], $0xffff  }
0x103: {  	v8 =	vld.idx.msk [tilespmem:v8+s18+$0x0], $0xffff  }
0x104: {  	v56 =	vld.idx.msk [tilespmem:v9+s17+$0x0], $0xffff;
	v13 =	vor.u32 v0, v1  }
0x105: {  	v57 =	vor.u32 v0, v2;
	v0 =	vld [tilespmem:$0x1FFF0]  }
0x106: {  	v32 =	vor.u32 v63, v2;
	v10 =	vld.idx.msk [tilespmem:v10+s18+$0x0], $0xffff  }
0x107: {  	v58 =	vld.idx.msk [tilespmem:v11+s17+$0x0], $0xffff  }
0x108: {  	v3 =	vmul.f32 v4, v3;
	v12 =	vld.idx.msk [tilespmem:v12+s18+$0x0], $0xffff  }
0x109: {  	v5 =	vmul.f32 v6, v5;
	v62 =	vld.idx.msk [tilespmem:v13+s17+$0x0], $0xffff  }
0x10a: {  	v3 =	vadd.f32 $0.0e+00, v3;
	v13 =	vor.u32 v0, v1;
	v34 =	vor.u32 v0, v2;
	v0 =	vld [tilespmem:$0x1FC80]  }
0x10b: {  	v61 =	vmul.f32 v8, v7;
	v8 =	vld.idx.msk [tilespmem:v32+s18+$0x0], $0xffff  }
0x10c: {  	v33 =	vld.idx.msk [tilespmem:v14+s17+$0x0], $0xffff;
	v3 =	vadd.f32 v5, v3  }
0x10d: {  	v11 =	vld.idx.msk [tilespmem:v59+s18+$0x0], $0xffff  }
0x10e: {  	v32 =	vld [tilespmem:$0x1FCF0];
	v3 =	vadd.f32 v61, v3;
	v4 =	vmul.f32 v10, v56  }
0x10f: {  	v35 =	vmul.f32 v12, v58;
	v14 =	vor.u32 v0, v1;
	v12 =	vor.u32 v0, v2;
	v0 =	vld [tilespmem:$0x1FC90]  }
0x110: {  	v43 =	vmul.f32 v8, v36;
	v36 =	vld [tilespmem:$0x1FD40]  }
0x111: {  	v3 =	vadd.f32 v4, v3;
	v9 =	vld.idx.msk [tilespmem:v57+s18+$0x0], $0xffff  }
0x112: {  	v40 =	vmul.f32 v11, v33;
	v33 =	vld [tilespmem:$0x1FD10]  }
0x113: {  	v3 =	vadd.f32 v35, v3;
	v35 =	vld [tilespmem:$0x1FD30]  }
0x114: {  	v15 =	vor.u32 v0, v1;
	v39 =	vor.u32 v0, v2;
	v0 =	vld [tilespmem:$0x1FCA0]  }
0x115: {  	v38 =	vld.idx.msk [tilespmem:v13+s17+$0x0], $0xffff  }
0x116: {  	v10 =	vld.idx.msk [tilespmem:v34+s18+$0x0], $0xffff  }
0x117: {  	v37 =	vmul.f32 v9, v62;
	v62 =	vld [tilespmem:$0x1FCE0]  }
0x118: {  	v34 =	vld [tilespmem:$0x1FD20]  }
0x119: {  	v13 =	vor.u32 v0, v1;
	v42 =	vor.u32 v0, v2;
	v0 =	vld [tilespmem:$0x1FCB0]  }
0x11a: {  	v3 =	vadd.f32 v37, v3;
	v37 =	vld [tilespmem:$0x1FD50]  }
0x11b: {  	v41 =	vld.idx.msk [tilespmem:v14+s17+$0x0], $0xffff  }
0x11c: {  	v12 =	vld.idx.msk [tilespmem:v12+s18+$0x0], $0xffff  }
0x11d: {  	v46 =	vmul.f32 v10, v38;
	v38 =	vld [tilespmem:$0x1FD60]  }
0x11e: {  	v14 =	vor.u32 v0, v1;
	v45 =	vor.u32 v0, v2;
	v0 =	vld [tilespmem:$0x1FCC0]  }
0x11f: {  	v44 =	vld.idx.msk [tilespmem:v15+s17+$0x0], $0xffff  }
0x120: {  	v53 =	vor.u32 v62, v2;
	v9 =	vld.idx.msk [tilespmem:v39+s18+$0x0], $0xffff  }
0x121: {  	v47 =	vld.idx.msk [tilespmem:v13+s17+$0x0], $0xffff  }
0x122: {  	v11 =	vld.idx.msk [tilespmem:v42+s18+$0x0], $0xffff  }
0x123: {  	v56 =	vor.u32 v32, v2;
	v15 =	vor.u32 v0, v1;
	v48 =	vor.u32 v0, v2;
	v0 =	vld [tilespmem:$0x1FCD0]  }
0x124: {  	v39 =	vld [tilespmem:$0x1FD70]  }
0x125: {  	v51 =	vmul.f32 v9, v44;
	v9 =	vld.idx.msk [tilespmem:v53+s18+$0x0], $0xffff  }
0x126: {  	v50 =	vld.idx.msk [tilespmem:v14+s17+$0x0], $0xffff;
	v14 =	vor.u32 v62, v1  }
0x127: {  	v59 =	vor.u32 v31, v2;
	v8 =	vld.idx.msk [tilespmem:v45+s18+$0x0], $0xffff  }
0x128: {  	v54 =	vmul.f32 v11, v47;
	v11 =	vld.idx.msk [tilespmem:v56+s18+$0x0], $0xffff;
	v13 =	vor.u32 v0, v1  }
0x129: {  	v3 =	vadd.f32 v40, v3;
	v49 =	vmul.f32 v12, v41;
	v12 =	vor.u32 v0, v2;
	v52 =	vld.idx.msk [tilespmem:v15+s17+$0x0], $0xffff  }
0x12a: {  	v10 =	vld.idx.msk [tilespmem:v48+s18+$0x0], $0xffff;
	v15 =	vor.u32 v32, v1  }
0x12b: {  	v3 =	vadd.f32 v43, v3;
	v58 =	vld.idx.msk [tilespmem:v14+s17+$0x0], $0xffff;
	v14 =	vor.u32 v33, v1  }
0x12c: {  	v40 =	vor.u32 v33, v2;
	v57 =	vmul.f32 v8, v50;
	v8 =	vld.idx.msk [tilespmem:v59+s18+$0x0], $0xffff  }
0x12d: {  	v3 =	vadd.f32 v46, v3;
	v45 =	vor.u32 v35, v2;
	v55 =	vld.idx.msk [tilespmem:v13+s17+$0x0], $0xffff  }
0x12e: {  	v12 =	vld.idx.msk [tilespmem:v12+s18+$0x0], $0xffff  }
0x12f: {  	v3 =	vadd.f32 v49, v3;
	v61 =	vld.idx.msk [tilespmem:v15+s17+$0x0], $0xffff  }
0x130: {  	v13 =	vor.u32 v31, v1;
	v44 =	vld.idx.msk [tilespmem:v14+s17+$0x0], $0xffff  }
0x131: {  	v3 =	vadd.f32 v51, v3;
	v60 =	vmul.f32 v10, v52;
	v15 =	vor.u32 v34, v1;
	v10 =	vld.idx.msk [tilespmem:v40+s18+$0x0], $0xffff  }
0x132: {  	v43 =	vmul.f32 v9, v58;
	v14 =	vor.u32 v36, v1;
	v9 =	vld.idx.msk [tilespmem:v45+s18+$0x0], $0xffff  }
0x133: {  	v3 =	vadd.f32 v54, v3;
	v48 =	vor.u32 v36, v2;
	v40 =	vld [tilespmem:$0x1FD80]  }
0x134: {  	v54 =	vor.u32 v38, v2;
	v45 =	vld [tilespmem:$0x1FDD0]  }
0x135: {  	v3 =	vadd.f32 v57, v3;
	v42 =	vld.idx.msk [tilespmem:v13+s17+$0x0], $0xffff  }
0x136: {  	v47 =	vld.idx.msk [tilespmem:v15+s17+$0x0], $0xffff  }
0x137: {  	v3 =	vadd.f32 v60, v3;
	v53 =	vld.idx.msk [tilespmem:v14+s17+$0x0], $0xffff  }
0x138: {  	v41 =	vmul.f32 v12, v55;
	v12 =	vor.u32 v34, v2;
	v46 =	vmul.f32 v11, v61;
	v11 =	vld.idx.msk [tilespmem:v48+s18+$0x0], $0xffff  }
0x139: {  	v13 =	vor.u32 v35, v1;
	v52 =	vmul.f32 v10, v44;
	v10 =	vld.idx.msk [tilespmem:v54+s18+$0x0], $0xffff  }
0x13a: {  	v15 =	vor.u32 v37, v1;
	v44 =	vld [tilespmem:$0x1FDC0];
	v3 =	vadd.f32 v41, v3  }
0x13b: {  	v41 =	vld [tilespmem:$0x1FD90]  }
0x13c: {  	v51 =	vor.u32 v37, v2;
	v3 =	vadd.f32 v43, v3;
	v43 =	vld [tilespmem:$0x1FDB0]  }
0x13d: {  	v14 =	vor.u32 v39, v1;
	v12 =	vld.idx.msk [tilespmem:v12+s18+$0x0], $0xffff  }
0x13e: {  	v50 =	vld.idx.msk [tilespmem:v13+s17+$0x0], $0xffff;
	v13 =	vor.u32 v38, v1  }
0x13f: {  	v56 =	vld.idx.msk [tilespmem:v15+s17+$0x0], $0xffff;
	v15 =	vor.u32 v40, v1  }
0x140: {  	v59 =	vor.u32 v40, v2;
	v49 =	vmul.f32 v8, v42;
	v42 =	vld [tilespmem:$0x1FDA0]  }
0x141: {  	v8 =	vld.idx.msk [tilespmem:v51+s18+$0x0], $0xffff;
	v3 =	vadd.f32 v46, v3;
	v46 =	vor.u32 v41, v2  }
0x142: {  	v61 =	vld.idx.msk [tilespmem:v14+s17+$0x0], $0xffff  }
0x143: {  	v55 =	vmul.f32 v12, v47;
	v12 =	vor.u32 v39, v2;
	v58 =	vld.idx.msk [tilespmem:v13+s17+$0x0], $0xffff  }
0x144: {  	v13 =	vor.u32 v41, v1;
	v48 =	vld.idx.msk [tilespmem:v15+s17+$0x0], $0xffff  }
0x145: {  	v57 =	vmul.f32 v9, v50;
	v14 =	vor.u32 v42, v1;
	v9 =	vld.idx.msk [tilespmem:v59+s18+$0x0], $0xffff  }
0x146: {  	v60 =	vmul.f32 v11, v53;
	v3 =	vadd.f32 v49, v3;
	v49 =	vor.u32 v42, v2;
	v11 =	vld.idx.msk [tilespmem:v46+s18+$0x0], $0xffff  }
0x147: {  	v15 =	vor.u32 v43, v1;
	v46 =	vld [tilespmem:$0x1FDE0]  }
0x148: {  	v3 =	vadd.f32 v52, v3;
	v52 =	vor.u32 v43, v2;
	v12 =	vld.idx.msk [tilespmem:v12+s18+$0x0], $0xffff  }
0x149: {  	v51 =	vld.idx.msk [tilespmem:v13+s17+$0x0], $0xffff  }
0x14a: {  	v3 =	vadd.f32 v55, v3;
	v54 =	vld.idx.msk [tilespmem:v14+s17+$0x0], $0xffff  }
0x14b: {  	v47 =	vmul.f32 v8, v56;
	v8 =	vld.idx.msk [tilespmem:v49+s18+$0x0], $0xffff  }
0x14c: {  	v3 =	vadd.f32 v57, v3;
	v57 =	vor.u32 v45, v2;
	v56 =	vld.idx.msk [tilespmem:v15+s17+$0x0], $0xffff  }
0x14d: {  	v50 =	vmul.f32 v10, v58;
	v13 =	vor.u32 v44, v1;
	v10 =	vld.idx.msk [tilespmem:v52+s18+$0x0], $0xffff  }
0x14e: {  	v14 =	vor.u32 v45, v1;
	v55 =	vmul.f32 v9, v48;
	v48 =	vld [tilespmem:$0x1FE00];
	v3 =	vadd.f32 v60, v3  }
0x14f: {  	v49 =	vld [tilespmem:$0x1FE10]  }
0x150: {  	v3 =	vadd.f32 v47, v3;
	v47 =	vld [tilespmem:$0x1FDF0]  }
0x151: {  	v60 =	vor.u32 v46, v2;
	v9 =	vld.idx.msk [tilespmem:v57+s18+$0x0], $0xffff  }
0x152: {  	v15 =	vor.u32 v46, v1;
	v59 =	vld.idx.msk [tilespmem:v13+s17+$0x0], $0xffff  }
0x153: {  	v3 =	vadd.f32 v50, v3;
	v53 =	vmul.f32 v12, v61;
	v12 =	vor.u32 v44, v2;
	v52 =	vld.idx.msk [tilespmem:v14+s17+$0x0], $0xffff  }
0x154: {  	v61 =	vmul.f32 v8, v54;
	v54 =	vmul.f32 v10, v56;
	v56 =	vor.u32 v48, v2;
	v50 =	vld [tilespmem:$0x1FE20]  }
0x155: {  	v58 =	vmul.f32 v11, v51;
	v51 =	vld [tilespmem:$0x1FE30];
	v3 =	vadd.f32 v53, v3  }
0x156: {  	v14 =	vor.u32 v48, v1;
	v11 =	vld.idx.msk [tilespmem:v60+s18+$0x0], $0xffff  }
0x157: {  	v13 =	vor.u32 v47, v1;
	v3 =	vadd.f32 v55, v3;
	v55 =	vld.idx.msk [tilespmem:v15+s17+$0x0], $0xffff  }
0x158: {  	v53 =	vor.u32 v47, v2;
	v12 =	vld.idx.msk [tilespmem:v12+s18+$0x0], $0xffff  }
0x159: {  	v10 =	vld.idx.msk [tilespmem:v56+s18+$0x0], $0xffff  }
0x15a: {  	v15 =	vor.u32 v49, v1;
	v57 =	vmul.f32 v9, v52;
	v52 =	vld [tilespmem:$0x1FE40]  }
0x15b: {  	v3 =	vadd.f32 v58, v3;
	v58 =	vld.idx.msk [tilespmem:v14+s17+$0x0], $0xffff  }
0x15c: {  	v56 =	vor.u32 v51, v2;
	v60 =	vld.idx.msk [tilespmem:v13+s17+$0x0], $0xffff  }
0x15d: {  	v3 =	vadd.f32 v61, v3;
	v8 =	vld.idx.msk [tilespmem:v53+s18+$0x0], $0xffff  }
0x15e: {  	v53 =	vld [tilespmem:$0x1FE50]  }
0x15f: {  	v6 =	vld.idx.msk [tilespmem:v15+s17+$0x0], $0xffff;
	v3 =	vadd.f32 v54, v3;
	v59 =	vmul.f32 v12, v59;
	v12 =	vor.u32 v49, v2  }
0x160: {  	v13 =	vor.u32 v50, v1;
	v61 =	vmul.f32 v11, v55;
	v55 =	vld [tilespmem:$0x1FE70]  }
0x161: {  	v11 =	vld.idx.msk [tilespmem:v56+s18+$0x0], $0xffff;
	v3 =	vadd.f32 v59, v3;
	v59 =	vor.u32 v50, v2  }
0x162: {  	v14 =	vor.u32 v51, v1;
	v54 =	vld [tilespmem:$0x1FE60]  }
0x163: {  	v56 =	vld [tilespmem:$0x1FE80];
	v3 =	vadd.f32 v57, v3;
	v57 =	vor.u32 v52, v2  }
0x164: {  	v12 =	vld.idx.msk [tilespmem:v12+s18+$0x0], $0xffff  }
0x165: {  	v15 =	vor.u32 v52, v1;
	v60 =	vmul.f32 v8, v60;
	v3 =	vadd.f32 v61, v3;
	v61 =	vld.idx.msk [tilespmem:v13+s17+$0x0], $0xffff  }
0x166: {  	v9 =	vld.idx.msk [tilespmem:v59+s18+$0x0], $0xffff  }
0x167: {  	v58 =	vmul.f32 v10, v58;
	v5 =	vld.idx.msk [tilespmem:v14+s17+$0x0], $0xffff;
	v13 =	vor.u32 v53, v1;
	v3 =	vadd.f32 v60, v3  }
0x168: {  	v59 =	vor.u32 v53, v2;
	v8 =	vld.idx.msk [tilespmem:v57+s18+$0x0], $0xffff  }
0x169: {  	v14 =	vor.u32 v54, v1;
	v57 =	vld [tilespmem:$0x1FE90];
	v3 =	vadd.f32 v58, v3;
	v60 =	vmul.f32 v12, v6  }
0x16a: {  	v6 =	vld.idx.msk [tilespmem:v15+s17+$0x0], $0xffff  }
0x16b: {  	v12 =	vor.u32 v54, v2;
	v58 =	vld [tilespmem:$0x1FEA0];
	v3 =	vadd.f32 v60, v3;
	v61 =	vmul.f32 v9, v61  }
0x16c: {  	v15 =	vor.u32 v55, v1;
	v7 =	vld.idx.msk [tilespmem:v13+s17+$0x0], $0xffff  }
0x16d: {  	v9 =	vor.u32 v55, v2;
	v10 =	vld.idx.msk [tilespmem:v59+s18+$0x0], $0xffff;
	v60 =	vmul.f32 v11, v5;
	v3 =	vadd.f32 v61, v3  }
0x16e: {  	v5 =	vld.idx.msk [tilespmem:v14+s17+$0x0], $0xffff;
	v11 =	vor.u32 v56, v2  }
0x16f: {  	v59 =	vld [tilespmem:$0x1FEB0];
	v3 =	vadd.f32 v60, v3;
	v60 =	vor.u32 v57, v2  }
0x170: {  	v12 =	vld.idx.msk [tilespmem:v12+s18+$0x0], $0xffff  }
0x171: {  	v13 =	vor.u32 v56, v1;
	v61 =	vmul.f32 v8, v6;
	v6 =	vld.idx.msk [tilespmem:v15+s17+$0x0], $0xffff  }
0x172: {  	v9 =	vld.idx.msk [tilespmem:v9+s18+$0x0], $0xffff  }
0x173: {  	v11 =	vld.idx.msk [tilespmem:v11+s18+$0x0], $0xffff  }
0x174: {  	v14 =	vor.u32 v57, v1;
	v8 =	vld.idx.msk [tilespmem:v60+s18+$0x0], $0xffff  }
0x175: {  	v15 =	vor.u32 v58, v1;
	v3 =	vadd.f32 v61, v3;
	v61 =	vmul.f32 v10, v7;
	v60 =	vld [tilespmem:$0x1FEC0]  }
0x176: {  	v7 =	vld.idx.msk [tilespmem:v13+s17+$0x0], $0xffff;
	v10 =	vor.u32 v58, v2  }
0x177: {  	v13 =	vor.u32 v59, v1;
	v3 =	vadd.f32 v61, v3;
	v61 =	vld [tilespmem:$0x1FED0]  }
0x178: {  	v0 =	vld [tilespmem:$0x1FEE0];
	v4 =	vmul.f32 v12, v5;
	v12 =	vor.u32 v59, v2  }
0x179: {  	v5 =	vld.idx.msk [tilespmem:v14+s17+$0x0], $0xffff  }
0x17a: {  	v3 =	vadd.f32 v4, v3;
	v4 =	vmul.f32 v9, v6;
	v6 =	vld.idx.msk [tilespmem:v15+s17+$0x0], $0xffff;
	v14 =	vor.u32 v60, v1  }
0x17b: {  	v10 =	vld.idx.msk [tilespmem:v10+s18+$0x0], $0xffff;
	v9 =	vor.u32 v60, v2  }
0x17c: {  	v3 =	vadd.f32 v4, v3;
	v4 =	vmul.f32 v11, v7;
	v7 =	vld.idx.msk [tilespmem:v13+s17+$0x0], $0xffff;
	v15 =	vor.u32 v61, v1  }
0x17d: {  	v11 =	vor.u32 v61, v2;
	v12 =	vld.idx.msk [tilespmem:v12+s18+$0x0], $0xffff  }
0x17e: {  	v16 =	vld [tilespmem:$0x1FC00];
	v13 =	vor.u32 v0, v1;
	v3 =	vadd.f32 v4, v3;
	v4 =	vmul.f32 v8, v5  }
0x17f: {  	v8 =	vor.u32 v0, v2;
	v5 =	vld.idx.msk [tilespmem:v14+s17+$0x0], $0xffff  }
0x180: {  	v3 =	vadd.f32 v4, v3;
	v4 =	vmul.f32 v10, v6;
	v10 =	vor.u32 v17, v2;
	v9 =	vld.idx.msk [tilespmem:v9+s18+$0x0], $0xffff  }
0x181: {  	v6 =	vld.idx.msk [tilespmem:v15+s17+$0x0], $0xffff;
	v14 =	vor.u32 v17, v1  }
0x182: {  	v11 =	vld.idx.msk [tilespmem:v11+s18+$0x0], $0xffff;
	v3 =	vadd.f32 v4, v3;
	v4 =	vmul.f32 v12, v7;
	v12 =	vor.u32 v18, v2  }
0x183: {  	v15 =	vor.u32 v18, v1;
	v7 =	vld.idx.msk [tilespmem:v13+s17+$0x0], $0xffff  }
0x184: {  	v13 =	vor.u32 v19, v1;
	v8 =	vld.idx.msk [tilespmem:v8+s18+$0x0], $0xffff  }
0x185: {  	v3 =	vadd.f32 v4, v3;
	v10 =	vld.idx.msk [tilespmem:v10+s18+$0x0], $0xffff;
	v4 =	vmul.f32 v9, v5;
	v9 =	vor.u32 v19, v2  }
0x186: {  	v5 =	vld.idx.msk [tilespmem:v14+s17+$0x0], $0xffff;
	v14 =	vor.u32 v20, v1  }
0x187: {  	v12 =	vld.idx.msk [tilespmem:v12+s18+$0x0], $0xffff;
	v3 =	vadd.f32 v4, v3;
	v4 =	vmul.f32 v11, v6;
	v11 =	vor.u32 v20, v2  }
0x188: {  	v6 =	vld.idx.msk [tilespmem:v15+s17+$0x0], $0xffff;
	v15 =	vor.u32 v30, v1  }
0x189: {  	v3 =	vadd.f32 v4, v3;
	v4 =	vmul.f32 v8, v7;
	v7 =	vld.idx.msk [tilespmem:v13+s17+$0x0], $0xffff;
	v8 =	vor.u32 v30, v2  }
0x18a: {  	v13 =	vor.u32 v21, v1;
	v9 =	vld.idx.msk [tilespmem:v9+s18+$0x0], $0xffff  }
0x18b: {  	v3 =	vadd.f32 v4, v3;
	v4 =	vmul.f32 v10, v5;
	v5 =	vld.idx.msk [tilespmem:v14+s17+$0x0], $0xffff;
	v10 =	vor.u32 v21, v2  }
0x18c: {  	v14 =	vor.u32 v22, v1;
	v11 =	vld.idx.msk [tilespmem:v11+s18+$0x0], $0xffff  }
0x18d: {  	v3 =	vadd.f32 v4, v3;
	v4 =	vmul.f32 v12, v6;
	v6 =	vld.idx.msk [tilespmem:v15+s17+$0x0], $0xffff;
	v12 =	vor.u32 v22, v2  }
0x18e: {  	v15 =	vor.u32 v24, v1;
	v8 =	vld.idx.msk [tilespmem:v8+s18+$0x0], $0xffff  }
0x18f: {  	v3 =	vadd.f32 v4, v3;
	v4 =	vmul.f32 v9, v7;
	v7 =	vld.idx.msk [tilespmem:v13+s17+$0x0], $0xffff;
	v9 =	vor.u32 v24, v2  }
0x190: {  	v13 =	vor.u32 v29, v1;
	v10 =	vld.idx.msk [tilespmem:v10+s18+$0x0], $0xffff  }
0x191: {  	v3 =	vadd.f32 v4, v3;
	v4 =	vmul.f32 v11, v5;
	v5 =	vld.idx.msk [tilespmem:v14+s17+$0x0], $0xffff;
	v11 =	vor.u32 v29, v2  }
0x192: {  	v14 =	vor.u32 v23, v1;
	v12 =	vld.idx.msk [tilespmem:v12+s18+$0x0], $0xffff  }
0x193: {  	v3 =	vadd.f32 v4, v3;
	v4 =	vmul.f32 v8, v6;
	v6 =	vld.idx.msk [tilespmem:v15+s17+$0x0], $0xffff;
	v8 =	vor.u32 v23, v2  }
0x194: {  	v9 =	vld.idx.msk [tilespmem:v9+s18+$0x0], $0xffff  }
0x195: {  	v3 =	vadd.f32 v4, v3;
	v4 =	vmul.f32 v10, v7;
	v7 =	vld.idx.msk [tilespmem:v13+s17+$0x0], $0xffff  }
0x196: {  	v15 =	vor.u32 v25, v1;
	v11 =	vld.idx.msk [tilespmem:v11+s18+$0x0], $0xffff  }
0x197: {  	v13 =	vor.u32 v26, v1;
	v3 =	vadd.f32 v4, v3;
	v4 =	vmul.f32 v12, v5;
	v5 =	vld.idx.msk [tilespmem:v14+s17+$0x0], $0xffff  }
0x198: {  	v8 =	vld.idx.msk [tilespmem:v8+s18+$0x0], $0xffff  }
0x199: {  	v28 =	vld [tilespmem:$0x1FFD0];
	v10 =	vor.u32 v25, v2;
	v3 =	vadd.f32 v4, v3;
	v4 =	vmul.f32 v9, v6;
	_ =	sdelay $0x1  }
0x19a: {  	v12 =	vor.u32 v26, v2;
	v6 =	vld.idx.msk [tilespmem:v15+s17+$0x0], $0xffff;
	v3 =	vadd.f32 v4, v3;
	v4 =	vmul.f32 v11, v7  }
0x19b: {  	v14 =	vor.u32 v27, v1;
	v9 =	vor.u32 v27, v2;
	v7 =	vld.idx.msk [tilespmem:v13+s17+$0x0], $0xffff;
	v13 =	vor.u32 v16, v1  }
0x19c: {  	v3 =	vadd.f32 v4, v3;
	v4 =	vmul.f32 v8, v5;
	v8 =	vor.u32 v16, v2;
	v16 =	vld [tilespmem:$0x1FC10]  }
0x19d: {  	v15 =	vor.u32 v28, v1;
	v10 =	vld.idx.msk [tilespmem:v10+s18+$0x0], $0xffff  }
0x19e: {  	v11 =	vor.u32 v28, v2  }
0x19f: {  	v12 =	vld.idx.msk [tilespmem:v12+s18+$0x0], $0xffff  }
0x1a0: {  	v5 =	vld.idx.msk [tilespmem:v14+s17+$0x0], $0xffff  }
0x1a1: {  	v14 =	vmov v63;
	v9 =	vld.idx.msk [tilespmem:v9+s18+$0x0], $0xffff;
	v1 =	vor.u32 v16, v1  }
0x1a2: {  	v3 =	vadd.f32 v4, v3;
	v63 =	vmul.f32 v10, v6;
	v6 =	vld.idx.msk [tilespmem:v15+s17+$0x0], $0xffff;
	v2 =	vor.u32 v16, v2  }
0x1a3: {  	v10 =	vld.idx.msk [tilespmem:v11+s18+$0x0], $0xffff  }
0x1a4: {  	v30 =	vmovc v31;
	v31 =	vmov v62;
	v3 =	vadd.f32 v63, v3;
	v62 =	vmul.f32 v12, v7;
	v63 =	vld.idx.msk [tilespmem:v13+s17+$0x0], $0xffff  }
0x1a5: {  	v8 =	vld.idx.msk [tilespmem:v8+s18+$0x0], $0xffff  }
0x1a6: {  	v3 =	vadd.f32 v62, v3;
	v11 =	vmul.f32 v9, v5;
	v1 =	vld.idx.msk [tilespmem:v1+s17+$0x0], $0xffff  }
0x1a7: {  	v2 =	vld.idx.msk [tilespmem:v2+s18+$0x0], $0xffff  }
0x1a8: {  	v3 =	vadd.f32 v11, v3;
	v62 =	vmul.f32 v10, v6;
	_ =	sdelay $0x1  }
0x1a9: {  	s30 =	sadd.s32 $0x80, s30;
	v3 =	vadd.f32 v62, v3;
	v63 =	vmul.f32 v8, v63  }
0x1aa: {  	p0 =	sne.s32 s30, $0x800  }
.Ltmp3:
0x1ab: {  	v3 =	vadd.f32 v63, v3;
	v1 =	vmul.f32 v2, v1;
	(pc) =	sbr.rel @!p0 .LBB2_5-.Ltmp3, $3  }
0x1ac: {  	_ = 	snop  }
0x1ad: {  	v1 =	vadd.f32 v1, v3;
	_ =	sdelay $0x1  }
0x1ae: {  	v15 =	vld [tilespmem:$0x1FFF0];
	[tilespmem:s31+$0x10410] =	vst v1  }
.LBB2_2:
0x1af: {  	s31 =	sshra.s32 s30, $0x2  }
0x1b0: {  	v1 =	vld [tilespmem:s31+$0x10];
	_ =	sdelay $0x3  }
0x1b1: {  	v62 =	vld [tilespmem:s31+$0x210]  }
0x1b2: {  	v1 =	vshrl.u32 v1, $0x3  }
0x1b3: {  	v2 =	vshll.u32 v1, $0x7  }
0x1b4: {  	(v2sf) =	vpush v2, $0x0;
	_ =	sdelay $0x1  }
0x1b5: {  	v9 =	vshrl.u32 v62, $0x3  }
0x1b6: {  	v1 =	vshll.u32 v9, $0x7  }
0x1b7: {  	(v2sf) =	vpush v1, $0x0;
	_ =	sdelay $0x2  }
0x1b8: {  	(v2sf) =	vpush v2, $0x1;
	_ =	sdelay $0x2  }
0x1b9: {  	(v2sf) =	vpush v1, $0x1;
	_ =	sdelay $0x4  }
0x1ba: {  	s0 =	spop (v2sf);
	(v2sf) =	vpush v2, $0x2;
	_ =	sdelay $0x2  }
0x1bb: {  	s0 =	sand.u32 $0x1FFFFF80, s0  }
0x1bc: {  	s10 =	spop (v2sf);
	(v2sf) =	vpush v1, $0x2;
	s0 =	sadd.s32 s3, s0  }
0x1bd: {  	[tilespmem:s17], [sflag:$0x3] =	stream.linear.gather [hbm4b:s0+s2], $0x400, $0x38;
	[tilespmem:$0x10600] =	vst v63  }
0x1be: {  	s0 =	sand.u32 $0x1FFFFF80, s10  }
0x1bf: {  	s10 =	spop (v2sf);
	s0 =	sadd.s32 s4, s0  }
0x1c0: {  	(v2sf) =	vpush v2, $0x3;
	[tilespmem:s18], [sflag:$0x4] =	stream.linear.gather [hbm4b:s0+s2], $0x400, $0x38;
	[tilespmem:$0x10600] =	vst v63  }
0x1c1: {  	s0 =	sand.u32 $0x1FFFFF80, s10  }
0x1c2: {  	s10 =	spop (v2sf);
	s0 =	sadd.s32 s3, s0  }
0x1c3: {  	[tilespmem:s1], [sflag:$0x3] =	stream.linear.gather [hbm4b:s0+s2], $0x400, $0x38;
	[tilespmem:$0x10600] =	vst v63  }
0x1c4: {  	(v2sf) =	vpush v1, $0x3;
	s0 =	sand.u32 $0x1FFFFF80, s10  }
0x1c5: {  	s10 =	simm.s32 $0xC800;
	s0 =	sadd.s32 s4, s0  }
0x1c6: {  	[tilespmem:s10], [sflag:$0x4] =	stream.linear.gather [hbm4b:s0+s2], $0x400, $0x38;
	[tilespmem:$0x10600] =	vst v63  }
0x1c7: {  	s10 =	spop (v2sf)  }
0x1c8: {  	(v2sf) =	vpush v2, $0x4;
	s0 =	sand.u32 $0x1FFFFF80, s10  }
0x1c9: {  	s10 =	simm.s32 $0x8C00;
	s0 =	sadd.s32 s3, s0  }
0x1ca: {  	[tilespmem:s10], [sflag:$0x3] =	stream.linear.gather [hbm4b:s0+s2], $0x400, $0x38;
	[tilespmem:$0x10600] =	vst v63  }
0x1cb: {  	s10 =	spop (v2sf)  }
0x1cc: {  	(v2sf) =	vpush v1, $0x4;
	s0 =	sand.u32 $0x1FFFFF80, s10  }
0x1cd: {  	s10 =	simm.s32 $0xCC00;
	s0 =	sadd.s32 s4, s0  }
0x1ce: {  	[tilespmem:s10], [sflag:$0x4] =	stream.linear.gather [hbm4b:s0+s2], $0x400, $0x38;
	[tilespmem:$0x10600] =	vst v63  }
0x1cf: {  	s10 =	spop (v2sf)  }
0x1d0: {  	(v2sf) =	vpush v2, $0x5;
	s0 =	sand.u32 $0x1FFFFF80, s10  }
0x1d1: {  	s10 =	simm.s32 $0x9000;
	s0 =	sadd.s32 s3, s0  }
0x1d2: {  	[tilespmem:s10], [sflag:$0x3] =	stream.linear.gather [hbm4b:s0+s2], $0x400, $0x38;
	[tilespmem:$0x10600] =	vst v63  }
0x1d3: {  	s10 =	spop (v2sf)  }
0x1d4: {  	(v2sf) =	vpush v1, $0x5;
	s0 =	sand.u32 $0x1FFFFF80, s10  }
0x1d5: {  	s10 =	simm.s32 $0xD000;
	s0 =	sadd.s32 s4, s0  }
0x1d6: {  	[tilespmem:s10], [sflag:$0x4] =	stream.linear.gather [hbm4b:s0+s2], $0x400, $0x38;
	[tilespmem:$0x10600] =	vst v63  }
0x1d7: {  	s10 =	spop (v2sf)  }
0x1d8: {  	(v2sf) =	vpush v2, $0x6;
	s0 =	sand.u32 $0x1FFFFF80, s10  }
0x1d9: {  	s10 =	simm.s32 $0x9400;
	s0 =	sadd.s32 s3, s0  }
0x1da: {  	[tilespmem:s10], [sflag:$0x3] =	stream.linear.gather [hbm4b:s0+s2], $0x400, $0x38;
	[tilespmem:$0x10600] =	vst v63  }
0x1db: {  	s10 =	spop (v2sf)  }
0x1dc: {  	(v2sf) =	vpush v1, $0x6;
	s0 =	sand.u32 $0x1FFFFF80, s10  }
0x1dd: {  	s10 =	simm.s32 $0xD400;
	s0 =	sadd.s32 s4, s0  }
0x1de: {  	[tilespmem:s10], [sflag:$0x4] =	stream.linear.gather [hbm4b:s0+s2], $0x400, $0x38;
	[tilespmem:$0x10600] =	vst v63  }
0x1df: {  	s10 =	spop (v2sf)  }
0x1e0: {  	(v2sf) =	vpush v2, $0x7;
	s0 =	sand.u32 $0x1FFFFF80, s10  }
0x1e1: {  	s10 =	simm.s32 $0x9800;
	s0 =	sadd.s32 s3, s0  }
0x1e2: {  	[tilespmem:s10], [sflag:$0x3] =	stream.linear.gather [hbm4b:s0+s2], $0x400, $0x38;
	[tilespmem:$0x10600] =	vst v63  }
0x1e3: {  	s10 =	spop (v2sf)  }
0x1e4: {  	(v2sf) =	vpush v1, $0x7;
	s0 =	sand.u32 $0x1FFFFF80, s10  }
0x1e5: {  	s10 =	simm.s32 $0xD800;
	s0 =	sadd.s32 s4, s0  }
0x1e6: {  	[tilespmem:s10], [sflag:$0x4] =	stream.linear.gather [hbm4b:s0+s2], $0x400, $0x38;
	[tilespmem:$0x10600] =	vst v63  }
0x1e7: {  	s10 =	spop (v2sf)  }
0x1e8: {  	(v2sf) =	vpush v2, $0x8;
	s0 =	sand.u32 $0x1FFFFF80, s10  }
0x1e9: {  	s10 =	simm.s32 $0x9C00;
	s0 =	sadd.s32 s3, s0  }
0x1ea: {  	[tilespmem:s10], [sflag:$0x3] =	stream.linear.gather [hbm4b:s0+s2], $0x400, $0x38;
	[tilespmem:$0x10600] =	vst v63  }
0x1eb: {  	s10 =	spop (v2sf)  }
0x1ec: {  	(v2sf) =	vpush v1, $0x8;
	s0 =	sand.u32 $0x1FFFFF80, s10  }
0x1ed: {  	s10 =	simm.s32 $0xDC00;
	s0 =	sadd.s32 s4, s0  }
0x1ee: {  	[tilespmem:s10], [sflag:$0x4] =	stream.linear.gather [hbm4b:s0+s2], $0x400, $0x38;
	[tilespmem:$0x10600] =	vst v63  }
0x1ef: {  	s10 =	spop (v2sf)  }
0x1f0: {  	(v2sf) =	vpush v2, $0x9;
	s0 =	sand.u32 $0x1FFFFF80, s10  }
0x1f1: {  	s10 =	simm.s32 $0xA000;
	s0 =	sadd.s32 s3, s0  }
0x1f2: {  	[tilespmem:s10], [sflag:$0x3] =	stream.linear.gather [hbm4b:s0+s2], $0x400, $0x38;
	[tilespmem:$0x10600] =	vst v63  }
0x1f3: {  	s10 =	spop (v2sf)  }
0x1f4: {  	(v2sf) =	vpush v1, $0x9;
	s0 =	sand.u32 $0x1FFFFF80, s10  }
0x1f5: {  	s10 =	simm.s32 $0xE000;
	s0 =	sadd.s32 s4, s0  }
0x1f6: {  	[tilespmem:s10], [sflag:$0x4] =	stream.linear.gather [hbm4b:s0+s2], $0x400, $0x38;
	[tilespmem:$0x10600] =	vst v63  }
0x1f7: {  	s10 =	spop (v2sf)  }
0x1f8: {  	(v2sf) =	vpush v2, $0xA;
	s0 =	sand.u32 $0x1FFFFF80, s10  }
0x1f9: {  	s10 =	simm.s32 $0xA400;
	s0 =	sadd.s32 s3, s0  }
0x1fa: {  	[tilespmem:s10], [sflag:$0x3] =	stream.linear.gather [hbm4b:s0+s2], $0x400, $0x38;
	[tilespmem:$0x10600] =	vst v63  }
0x1fb: {  	s10 =	spop (v2sf)  }
0x1fc: {  	(v2sf) =	vpush v1, $0xA;
	s0 =	sand.u32 $0x1FFFFF80, s10  }
0x1fd: {  	s0 =	sadd.s32 s4, s0  }
0x1fe: {  	[tilespmem:s5], [sflag:$0x4] =	stream.linear.gather [hbm4b:s0+s2], $0x400, $0x38;
	[tilespmem:$0x10600] =	vst v63  }
0x1ff: {  	s10 =	spop (v2sf)  }
0x200: {  	(v2sf) =	vpush v2, $0xB;
	s0 =	sand.u32 $0x1FFFFF80, s10  }
0x201: {  	s0 =	sadd.s32 s3, s0  }
0x202: {  	[tilespmem:s6], [sflag:$0x3] =	stream.linear.gather [hbm4b:s0+s2], $0x400, $0x38;
	[tilespmem:$0x10600] =	vst v63  }
0x203: {  	s10 =	spop (v2sf)  }
0x204: {  	(v2sf) =	vpush v1, $0xB;
	s0 =	sand.u32 $0x1FFFFF80, s10  }
0x205: {  	s0 =	sadd.s32 s4, s0  }
0x206: {  	[tilespmem:s7], [sflag:$0x4] =	stream.linear.gather [hbm4b:s0+s2], $0x400, $0x38;
	[tilespmem:$0x10600] =	vst v63  }
0x207: {  	s10 =	spop (v2sf)  }
0x208: {  	(v2sf) =	vpush v2, $0xC;
	s0 =	sand.u32 $0x1FFFFF80, s10  }
0x209: {  	s0 =	sadd.s32 s3, s0  }
0x20a: {  	[tilespmem:s8], [sflag:$0x3] =	stream.linear.gather [hbm4b:s0+s2], $0x400, $0x38;
	[tilespmem:$0x10600] =	vst v63  }
0x20b: {  	s10 =	spop (v2sf)  }
0x20c: {  	(v2sf) =	vpush v1, $0xC;
	s0 =	sand.u32 $0x1FFFFF80, s10  }
0x20d: {  	s0 =	sadd.s32 s4, s0  }
0x20e: {  	[tilespmem:s9], [sflag:$0x4] =	stream.linear.gather [hbm4b:s0+s2], $0x400, $0x38;
	[tilespmem:$0x10600] =	vst v63  }
0x20f: {  	s10 =	spop (v2sf)  }
0x210: {  	(v2sf) =	vpush v2, $0xD;
	s0 =	sand.u32 $0x1FFFFF80, s10  }
0x211: {  	s0 =	sadd.s32 s3, s0  }
0x212: {  	[tilespmem:s13], [sflag:$0x3] =	stream.linear.gather [hbm4b:s0+s2], $0x400, $0x38;
	[tilespmem:$0x10600] =	vst v63  }
0x213: {  	s10 =	spop (v2sf)  }
0x214: {  	(v2sf) =	vpush v1, $0xD;
	s0 =	sand.u32 $0x1FFFFF80, s10  }
0x215: {  	s0 =	sadd.s32 s4, s0  }
0x216: {  	[tilespmem:s14], [sflag:$0x4] =	stream.linear.gather [hbm4b:s0+s2], $0x400, $0x38;
	[tilespmem:$0x10600] =	vst v63  }
0x217: {  	s10 =	spop (v2sf)  }
0x218: {  	(v2sf) =	vpush v2, $0xE;
	s0 =	sand.u32 $0x1FFFFF80, s10  }
0x219: {  	s0 =	sadd.s32 s3, s0  }
0x21a: {  	[tilespmem:s15], [sflag:$0x3] =	stream.linear.gather [hbm4b:s0+s2], $0x400, $0x38;
	[tilespmem:$0x10600] =	vst v63  }
0x21b: {  	s10 =	spop (v2sf)  }
0x21c: {  	(v2sf) =	vpush v1, $0xE;
	s0 =	sand.u32 $0x1FFFFF80, s10  }
0x21d: {  	s0 =	sadd.s32 s4, s0  }
0x21e: {  	[tilespmem:s16], [sflag:$0x4] =	stream.linear.gather [hbm4b:s0+s2], $0x400, $0x38;
	[tilespmem:$0x10600] =	vst v63  }
0x21f: {  	s10 =	spop (v2sf)  }
0x220: {  	(v2sf) =	vpush v2, $0xF;
	s0 =	sand.u32 $0x1FFFFF80, s10  }
0x221: {  	s0 =	sadd.s32 s3, s0  }
0x222: {  	[tilespmem:s19], [sflag:$0x3] =	stream.linear.gather [hbm4b:s0+s2], $0x400, $0x38;
	[tilespmem:$0x10600] =	vst v63  }
0x223: {  	s10 =	spop (v2sf)  }
0x224: {  	(v2sf) =	vpush v1, $0xF;
	s0 =	sand.u32 $0x1FFFFF80, s10  }
0x225: {  	s0 =	sadd.s32 s4, s0  }
0x226: {  	[tilespmem:s20], [sflag:$0x4] =	stream.linear.gather [hbm4b:s0+s2], $0x400, $0x38;
	[tilespmem:$0x10600] =	vst v63  }
0x227: {  	s10 =	spop (v2sf)  }
0x228: {  	s0 =	sand.u32 $0x1FFFFF80, s10  }
0x229: {  	s0 =	sadd.s32 s3, s0  }
0x22a: {  	[tilespmem:s21], [sflag:$0x3] =	stream.linear.gather [hbm4b:s0+s2], $0x400, $0x38;
	[tilespmem:$0x10600] =	vst v63  }
0x22b: {  	s10 =	spop (v2sf)  }
0x22c: {  	s0 =	sand.u32 $0x1FFFFF80, s10  }
0x22d: {  	s0 =	sadd.s32 s4, s0  }
0x22e: {  	[tilespmem:s22], [sflag:$0x4] =	stream.linear.gather [hbm4b:s0+s2], $0x400, $0x38;
	[tilespmem:$0x10600] =	vst v63  }
0x22f: {  	s10 =	spop (v2sf)  }
0x230: {  	s0 =	sand.u32 $0x1FFFFF80, s10  }
0x231: {  	s0 =	sadd.s32 s3, s0  }
0x232: {  	[tilespmem:s23], [sflag:$0x3] =	stream.linear.gather [hbm4b:s0+s2], $0x400, $0x38;
	[tilespmem:$0x10600] =	vst v63  }
0x233: {  	s10 =	spop (v2sf)  }
0x234: {  	s0 =	sand.u32 $0x1FFFFF80, s10  }
0x235: {  	s0 =	sadd.s32 s4, s0  }
0x236: {  	[tilespmem:s24], [sflag:$0x4] =	stream.linear.gather [hbm4b:s0+s2], $0x400, $0x38;
	[tilespmem:$0x10600] =	vst v63  }
0x237: {  	_ =	swait.ge [sflag:s25], $0x4000  }
0x238: {  	[sflag:s25] =	ssyncset.done $0x0  }
0x239: {  	[sflag:s25] =	ssyncadd.s32 $0xFFFFC000  }
0x23a: {  	_ =	swait.ge [sflag:s26], $0x4000  }
0x23b: {  	[sflag:s26] =	ssyncset.done $0x0  }
0x23c: {  	[sflag:s26] =	ssyncadd.s32 $0xFFFFC000  }
0x23d: {  	v10 =	vld [tilespmem:s31+$0x0]  }
0x23e: {  	v11 =	vld [tilespmem:s31+$0x200]  }
0x23f: {  	v16 =	vld [tilespmem:$0x1FFC0];
	_ =	sdelay $0x1  }
0x240: {  	v4 =	vld [tilespmem:$0x1FC20]  }
0x241: {  	v1 =	vshll.u32 v10, $0x7  }
0x242: {  	v6 =	vld [tilespmem:$0x1FC30];
	v12 =	vshll.u32 v11, $0x7;
	v2 =	vand.u32 $0x380, v1  }
0x243: {  	v1 =	vand.u32 $0x380, v12;
	v13 =	vor.u32 v16, v2  }
0x244: {  	v63 =	vor.u32 v16, v1  }
0x245: {  	v8 =	vld [tilespmem:$0x1FC40];
	v3 =	vor.u32 v4, v2  }
0x246: {  	v10 =	vld [tilespmem:$0x1FC50];
	v4 =	vor.u32 v4, v1  }
0x247: {  	v12 =	vld [tilespmem:$0x1FC60];
	v5 =	vor.u32 v6, v2  }
0x248: {  	v6 =	vor.u32 v6, v1;
	v62 =	vld.idx.msk [tilespmem:v13+s11+$0x0], $0xffff  }
0x249: {  	v63 =	vld.idx.msk [tilespmem:v63+s12+$0x0], $0xffff  }
0x24a: {  	v7 =	vor.u32 v8, v2;
	v3 =	vld.idx.msk [tilespmem:v3+s11+$0x0], $0xffff  }
0x24b: {  	v8 =	vor.u32 v8, v1;
	v4 =	vld.idx.msk [tilespmem:v4+s12+$0x0], $0xffff  }
0x24c: {  	v9 =	vor.u32 v10, v2;
	v10 =	vor.u32 v10, v1;
	v5 =	vld.idx.msk [tilespmem:v5+s11+$0x0], $0xffff  }
0x24d: {  	v6 =	vld.idx.msk [tilespmem:v6+s12+$0x0], $0xffff  }
0x24e: {  	v11 =	vor.u32 v12, v2;
	v13 =	vld [tilespmem:$0x1FC70]  }
0x24f: {  	v7 =	vld.idx.msk [tilespmem:v7+s11+$0x0], $0xffff  }
0x250: {  	v8 =	vld.idx.msk [tilespmem:v8+s12+$0x0], $0xffff  }
0x251: {  	v10 =	vld.idx.msk [tilespmem:v10+s12+$0x0], $0xffff  }
0x252: {  	v62 =	vmul.f32 v63, v62;
	v63 =	vor.u32 v12, v1;
	v3 =	vmul.f32 v4, v3;
	v4 =	vld.idx.msk [tilespmem:v9+s11+$0x0], $0xffff  }
0x253: {  	v12 =	vor.u32 v13, v2;
	v9 =	vor.u32 v13, v1;
	v5 =	vmul.f32 v6, v5;
	v6 =	vld.idx.msk [tilespmem:v11+s11+$0x0], $0xffff  }
0x254: {  	v13 =	vor.u32 v14, v2;
	v11 =	vor.u32 v14, v1;
	v14 =	vld [tilespmem:$0x1FC80];
	v62 =	vadd.f32 $0.0e+00, v62;
	_ =	sdelay $0x1  }
0x255: {  	v3 =	vadd.f32 v3, v62  }
0x256: {  	v62 =	vld.idx.msk [tilespmem:v63+s12+$0x0], $0xffff  }
0x257: {  	v3 =	vadd.f32 v5, v3;
	v5 =	vmul.f32 v8, v7;
	v7 =	vld.idx.msk [tilespmem:v12+s11+$0x0], $0xffff  }
0x258: {  	v4 =	vmul.f32 v10, v4;
	v10 =	vor.u32 v14, v1;
	v12 =	vor.u32 v14, v2;
	v14 =	vld [tilespmem:$0x1FC90];
	_ =	sdelay $0x1  }
0x259: {  	v3 =	vadd.f32 v5, v3  }
0x25a: {  	v9 =	vld.idx.msk [tilespmem:v9+s12+$0x0], $0xffff  }
0x25b: {  	v63 =	vor.u32 v15, v2;
	v5 =	vld.idx.msk [tilespmem:v13+s11+$0x0], $0xffff;
	v3 =	vadd.f32 v4, v3  }
0x25c: {  	v4 =	vmul.f32 v62, v6;
	v13 =	vor.u32 v14, v2;
	v62 =	vor.u32 v14, v1;
	v14 =	vld [tilespmem:$0x1FCA0];
	_ =	sdelay $0x2  }
0x25d: {  	v11 =	vld.idx.msk [tilespmem:v11+s12+$0x0], $0xffff;
	v8 =	vor.u32 v15, v1  }
0x25e: {  	v6 =	vld.idx.msk [tilespmem:v63+s11+$0x0], $0xffff;
	v3 =	vadd.f32 v4, v3  }
0x25f: {  	v4 =	vmul.f32 v9, v7;
	v63 =	vor.u32 v14, v2;
	v9 =	vor.u32 v14, v1;
	v14 =	vld [tilespmem:$0x1FCB0];
	_ =	sdelay $0x2  }
0x260: {  	v8 =	vld.idx.msk [tilespmem:v8+s12+$0x0], $0xffff  }
0x261: {  	v7 =	vld.idx.msk [tilespmem:v12+s11+$0x0], $0xffff;
	v3 =	vadd.f32 v4, v3  }
0x262: {  	v4 =	vmul.f32 v11, v5;
	v12 =	vor.u32 v14, v2;
	v11 =	vor.u32 v14, v1;
	v14 =	vld [tilespmem:$0x1FCC0]  }
0x263: {  	v10 =	vld.idx.msk [tilespmem:v10+s12+$0x0], $0xffff  }
0x264: {  	v5 =	vld.idx.msk [tilespmem:v13+s11+$0x0], $0xffff  }
0x265: {  	v13 =	vld.idx.msk [tilespmem:v62+s12+$0x0], $0xffff  }
0x266: {  	v3 =	vadd.f32 v4, v3;
	v4 =	vmul.f32 v8, v6;
	v6 =	vld.idx.msk [tilespmem:v63+s11+$0x0], $0xffff  }
0x267: {  	v62 =	vor.u32 v14, v2;
	v8 =	vor.u32 v14, v1;
	v14 =	vld [tilespmem:$0x1FCD0]  }
0x268: {  	v9 =	vld.idx.msk [tilespmem:v9+s12+$0x0], $0xffff  }
0x269: {  	v3 =	vadd.f32 v4, v3;
	v4 =	vmul.f32 v10, v7;
	v7 =	vld.idx.msk [tilespmem:v12+s11+$0x0], $0xffff  }
0x26a: {  	v11 =	vld.idx.msk [tilespmem:v11+s12+$0x0], $0xffff;
	v12 =	vor.u32 v31, v2  }
0x26b: {  	v3 =	vadd.f32 v4, v3;
	v4 =	vmul.f32 v13, v5;
	v13 =	vor.u32 v31, v1  }
0x26c: {  	v63 =	vor.u32 v14, v2  }
0x26d: {  	v10 =	vor.u32 v14, v1;
	v5 =	vld.idx.msk [tilespmem:v62+s11+$0x0], $0xffff  }
0x26e: {  	v8 =	vld.idx.msk [tilespmem:v8+s12+$0x0], $0xffff;
	v62 =	vor.u32 v32, v2  }
0x26f: {  	v14 =	vmul.f32 v9, v6;
	v9 =	vor.u32 v32, v1;
	v32 =	vmul.f32 v11, v7;
	v7 =	vld.idx.msk [tilespmem:v12+s11+$0x0], $0xffff  }
0x270: {  	v3 =	vadd.f32 v4, v3;
	v12 =	vld.idx.msk [tilespmem:v13+s12+$0x0], $0xffff  }
0x271: {  	v11 =	vor.u32 v30, v1;
	v6 =	vld.idx.msk [tilespmem:v63+s11+$0x0], $0xffff  }
0x272: {  	v13 =	vor.u32 v33, v2;
	v3 =	vadd.f32 v14, v3;
	v10 =	vld.idx.msk [tilespmem:v10+s12+$0x0], $0xffff  }
0x273: {  	v63 =	vor.u32 v30, v2  }
0x274: {  	v3 =	vadd.f32 v32, v3;
	v32 =	vmul.f32 v8, v5;
	v5 =	vld.idx.msk [tilespmem:v62+s11+$0x0], $0xffff;
	v8 =	vor.u32 v33, v1  }
0x275: {  	v9 =	vld.idx.msk [tilespmem:v9+s12+$0x0], $0xffff;
	v62 =	vor.u32 v34, v2  }
0x276: {  	v11 =	vld.idx.msk [tilespmem:v11+s12+$0x0], $0xffff;
	v3 =	vadd.f32 v32, v3;
	v32 =	vor.u32 v34, v1  }
0x277: {  	v33 =	vor.u32 v35, v2;
	v34 =	vmul.f32 v12, v7;
	v7 =	vld.idx.msk [tilespmem:v13+s11+$0x0], $0xffff;
	v14 =	vmul.f32 v10, v6  }
0x278: {  	v35 =	vor.u32 v35, v1;
	v6 =	vld.idx.msk [tilespmem:v63+s11+$0x0], $0xffff  }
0x279: {  	v13 =	vor.u32 v36, v2;
	v8 =	vld.idx.msk [tilespmem:v8+s12+$0x0], $0xffff;
	v3 =	vadd.f32 v14, v3  }
0x27a: {  	v14 =	vmul.f32 v9, v5;
	v5 =	vld.idx.msk [tilespmem:v62+s11+$0x0], $0xffff;
	v9 =	vor.u32 v36, v1  }
0x27b: {  	v10 =	vld.idx.msk [tilespmem:v32+s12+$0x0], $0xffff;
	v62 =	vor.u32 v37, v2;
	v3 =	vadd.f32 v34, v3  }
0x27c: {  	v33 =	vld.idx.msk [tilespmem:v33+s11+$0x0], $0xffff;
	v34 =	vor.u32 v37, v1  }
0x27d: {  	v12 =	vld.idx.msk [tilespmem:v35+s12+$0x0], $0xffff;
	v35 =	vor.u32 v38, v2;
	v32 =	vmul.f32 v11, v6;
	v3 =	vadd.f32 v14, v3  }
0x27e: {  	v37 =	vor.u32 v38, v1;
	v36 =	vmul.f32 v8, v7;
	v7 =	vld.idx.msk [tilespmem:v13+s11+$0x0], $0xffff  }
0x27f: {  	v38 =	vor.u32 v39, v2;
	v9 =	vld.idx.msk [tilespmem:v9+s12+$0x0], $0xffff;
	v3 =	vadd.f32 v32, v3  }
0x280: {  	v14 =	vmul.f32 v10, v5;
	v5 =	vld.idx.msk [tilespmem:v62+s11+$0x0], $0xffff;
	v10 =	vor.u32 v39, v1  }
0x281: {  	v39 =	vor.u32 v41, v1;
	v11 =	vld.idx.msk [tilespmem:v34+s12+$0x0], $0xffff;
	v3 =	vadd.f32 v36, v3  }
0x282: {  	v32 =	vor.u32 v40, v2;
	v34 =	vld.idx.msk [tilespmem:v35+s11+$0x0], $0xffff  }
0x283: {  	v33 =	vmul.f32 v12, v33;
	v35 =	vor.u32 v40, v1;
	v8 =	vld.idx.msk [tilespmem:v37+s12+$0x0], $0xffff;
	v3 =	vadd.f32 v14, v3  }
0x284: {  	v38 =	vld.idx.msk [tilespmem:v38+s11+$0x0], $0xffff;
	v36 =	vor.u32 v41, v2  }
0x285: {  	v40 =	vor.u32 v42, v2;
	v37 =	vmul.f32 v9, v7;
	v10 =	vld.idx.msk [tilespmem:v10+s12+$0x0], $0xffff;
	v3 =	vadd.f32 v33, v3  }
0x286: {  	v9 =	vld.idx.msk [tilespmem:v39+s12+$0x0], $0xffff  }
0x287: {  	v41 =	vmul.f32 v11, v5;
	v5 =	vld.idx.msk [tilespmem:v32+s11+$0x0], $0xffff;
	v32 =	vor.u32 v42, v1;
	v3 =	vadd.f32 v37, v3  }
0x288: {  	v12 =	vld.idx.msk [tilespmem:v35+s12+$0x0], $0xffff;
	v33 =	vor.u32 v43, v2  }
0x289: {  	v34 =	vmul.f32 v8, v34;
	v35 =	vld.idx.msk [tilespmem:v36+s11+$0x0], $0xffff;
	v36 =	vor.u32 v43, v1;
	v3 =	vadd.f32 v41, v3  }
0x28a: {  	v39 =	vld.idx.msk [tilespmem:v40+s11+$0x0], $0xffff;
	v40 =	vor.u32 v44, v1  }
0x28b: {  	v30 =	vld [tilespmem:$0x1FF30];
	v37 =	vor.u32 v44, v2;
	v38 =	vmul.f32 v10, v38;
	v3 =	vadd.f32 v34, v3  }
0x28c: {  	v44 =	vor.u32 v45, v1;
	v11 =	vld.idx.msk [tilespmem:v32+s12+$0x0], $0xffff  }
0x28d: {  	v41 =	vor.u32 v45, v2;
	v42 =	vmul.f32 v12, v5;
	v43 =	vld.idx.msk [tilespmem:v33+s11+$0x0], $0xffff;
	v3 =	vadd.f32 v38, v3  }
0x28e: {  	v45 =	vor.u32 v46, v2;
	v8 =	vld.idx.msk [tilespmem:v36+s12+$0x0], $0xffff  }
0x28f: {  	v10 =	vld.idx.msk [tilespmem:v40+s12+$0x0], $0xffff;
	v32 =	vmul.f32 v9, v35;
	v34 =	vor.u32 v46, v1;
	v3 =	vadd.f32 v42, v3  }
0x290: {  	v35 =	vor.u32 v47, v2;
	v33 =	vld.idx.msk [tilespmem:v37+s11+$0x0], $0xffff  }
0x291: {  	v12 =	vld.idx.msk [tilespmem:v44+s12+$0x0], $0xffff;
	v38 =	vor.u32 v47, v1;
	v36 =	vmul.f32 v11, v39;
	v3 =	vadd.f32 v32, v3  }
0x292: {  	v37 =	vld.idx.msk [tilespmem:v41+s11+$0x0], $0xffff;
	v39 =	vor.u32 v48, v2  }
0x293: {  	v41 =	vld.idx.msk [tilespmem:v45+s11+$0x0], $0xffff;
	v42 =	vor.u32 v48, v1;
	v40 =	vmul.f32 v8, v43;
	v3 =	vadd.f32 v36, v3  }
0x294: {  	v46 =	vor.u32 v49, v1;
	v9 =	vld.idx.msk [tilespmem:v34+s12+$0x0], $0xffff  }
0x295: {  	v43 =	vor.u32 v49, v2;
	v45 =	vld.idx.msk [tilespmem:v35+s11+$0x0], $0xffff;
	v44 =	vmul.f32 v10, v33;
	v3 =	vadd.f32 v40, v3  }
0x296: {  	v47 =	vor.u32 v50, v2;
	v11 =	vld.idx.msk [tilespmem:v38+s12+$0x0], $0xffff  }
0x297: {  	v50 =	vor.u32 v50, v1;
	v48 =	vmul.f32 v12, v37;
	v49 =	vld.idx.msk [tilespmem:v39+s11+$0x0], $0xffff;
	v3 =	vadd.f32 v44, v3  }
0x298: {  	v35 =	vor.u32 v51, v1;
	v8 =	vld.idx.msk [tilespmem:v42+s12+$0x0], $0xffff  }
0x299: {  	v32 =	vor.u32 v51, v2;
	v10 =	vld.idx.msk [tilespmem:v46+s12+$0x0], $0xffff;
	v33 =	vmul.f32 v9, v41;
	v3 =	vadd.f32 v48, v3  }
0x29a: {  	v36 =	vor.u32 v52, v2;
	v34 =	vld.idx.msk [tilespmem:v43+s11+$0x0], $0xffff  }
0x29b: {  	v38 =	vld.idx.msk [tilespmem:v47+s11+$0x0], $0xffff;
	v39 =	vor.u32 v52, v1;
	v37 =	vmul.f32 v11, v45;
	v3 =	vadd.f32 v33, v3  }
0x29c: {  	v12 =	vld.idx.msk [tilespmem:v50+s12+$0x0], $0xffff;
	v40 =	vor.u32 v53, v2  }
0x29d: {  	v43 =	vor.u32 v53, v1;
	v9 =	vld.idx.msk [tilespmem:v35+s12+$0x0], $0xffff;
	v41 =	vmul.f32 v8, v49;
	v3 =	vadd.f32 v37, v3  }
0x29e: {  	v47 =	vor.u32 v54, v1;
	v42 =	vld.idx.msk [tilespmem:v32+s11+$0x0], $0xffff  }
0x29f: {  	v44 =	vor.u32 v54, v2;
	v46 =	vld.idx.msk [tilespmem:v36+s11+$0x0], $0xffff;
	v45 =	vmul.f32 v10, v34;
	v3 =	vadd.f32 v41, v3  }
0x2a0: {  	v51 =	vor.u32 v55, v1;
	v11 =	vld.idx.msk [tilespmem:v39+s12+$0x0], $0xffff  }
0x2a1: {  	v48 =	vor.u32 v55, v2;
	v49 =	vmul.f32 v12, v38;
	v50 =	vld.idx.msk [tilespmem:v40+s11+$0x0], $0xffff;
	v3 =	vadd.f32 v45, v3  }
0x2a2: {  	v52 =	vor.u32 v56, v2;
	v8 =	vld.idx.msk [tilespmem:v43+s12+$0x0], $0xffff  }
0x2a3: {  	v55 =	vor.u32 v56, v1;
	v10 =	vld.idx.msk [tilespmem:v47+s12+$0x0], $0xffff;
	v53 =	vmul.f32 v9, v42;
	v3 =	vadd.f32 v49, v3  }
0x2a4: {  	v56 =	vor.u32 v57, v2;
	v54 =	vld.idx.msk [tilespmem:v44+s11+$0x0], $0xffff  }
0x2a5: {  	v12 =	vld.idx.msk [tilespmem:v51+s12+$0x0], $0xffff;
	v34 =	vor.u32 v57, v1;
	v32 =	vmul.f32 v11, v46;
	v3 =	vadd.f32 v53, v3  }
0x2a6: {  	v38 =	vor.u32 v58, v1;
	v33 =	vld.idx.msk [tilespmem:v48+s11+$0x0], $0xffff  }
0x2a7: {  	v35 =	vor.u32 v58, v2;
	v37 =	vld.idx.msk [tilespmem:v52+s11+$0x0], $0xffff;
	v36 =	vmul.f32 v8, v50;
	v3 =	vadd.f32 v32, v3  }
0x2a8: {  	v42 =	vor.u32 v59, v1;
	v9 =	vld.idx.msk [tilespmem:v55+s12+$0x0], $0xffff  }
0x2a9: {  	v39 =	vor.u32 v59, v2;
	v41 =	vld.idx.msk [tilespmem:v56+s11+$0x0], $0xffff;
	v40 =	vmul.f32 v10, v54;
	v3 =	vadd.f32 v36, v3  }
0x2aa: {  	v46 =	vor.u32 v60, v1;
	v11 =	vld.idx.msk [tilespmem:v34+s12+$0x0], $0xffff  }
0x2ab: {  	v43 =	vor.u32 v60, v2;
	v8 =	vld.idx.msk [tilespmem:v38+s12+$0x0], $0xffff;
	v44 =	vmul.f32 v12, v33;
	v3 =	vadd.f32 v40, v3  }
0x2ac: {  	v47 =	vor.u32 v61, v2;
	v45 =	vld.idx.msk [tilespmem:v35+s11+$0x0], $0xffff  }
0x2ad: {  	v50 =	vor.u32 v61, v1;
	v10 =	vld.idx.msk [tilespmem:v42+s12+$0x0], $0xffff;
	v48 =	vmul.f32 v9, v37;
	v3 =	vadd.f32 v44, v3  }
0x2ae: {  	v51 =	vor.u32 v0, v2;
	v49 =	vld.idx.msk [tilespmem:v39+s11+$0x0], $0xffff  }
0x2af: {  	v54 =	vor.u32 v0, v1;
	v12 =	vld.idx.msk [tilespmem:v46+s12+$0x0], $0xffff;
	v52 =	vmul.f32 v11, v41;
	v3 =	vadd.f32 v48, v3  }
0x2b0: {  	v55 =	vor.u32 v17, v2;
	v53 =	vld.idx.msk [tilespmem:v43+s11+$0x0], $0xffff  }
0x2b1: {  	v58 =	vor.u32 v17, v1;
	v57 =	vld.idx.msk [tilespmem:v47+s11+$0x0], $0xffff;
	v56 =	vmul.f32 v8, v45;
	v3 =	vadd.f32 v52, v3  }
0x2b2: {  	v59 =	vor.u32 v18, v2;
	v9 =	vld.idx.msk [tilespmem:v50+s12+$0x0], $0xffff  }
0x2b3: {  	v34 =	vor.u32 v18, v1;
	v33 =	vld.idx.msk [tilespmem:v51+s11+$0x0], $0xffff;
	v32 =	vmul.f32 v10, v49;
	v3 =	vadd.f32 v56, v3  }
0x2b4: {  	v35 =	vor.u32 v19, v2;
	v11 =	vld.idx.msk [tilespmem:v54+s12+$0x0], $0xffff  }
0x2b5: {  	v38 =	vor.u32 v19, v1;
	v37 =	vld.idx.msk [tilespmem:v55+s11+$0x0], $0xffff;
	v36 =	vmul.f32 v12, v53;
	v3 =	vadd.f32 v32, v3  }
0x2b6: {  	v39 =	vor.u32 v20, v2;
	v8 =	vld.idx.msk [tilespmem:v58+s12+$0x0], $0xffff  }
0x2b7: {  	v42 =	vor.u32 v20, v1;
	v41 =	vld.idx.msk [tilespmem:v59+s11+$0x0], $0xffff;
	v40 =	vmul.f32 v9, v57;
	v3 =	vadd.f32 v36, v3  }
0x2b8: {  	v43 =	vor.u32 v30, v2;
	v10 =	vld.idx.msk [tilespmem:v34+s12+$0x0], $0xffff  }
0x2b9: {  	v46 =	vor.u32 v30, v1;
	v45 =	vld.idx.msk [tilespmem:v35+s11+$0x0], $0xffff;
	v44 =	vmul.f32 v11, v33;
	v3 =	vadd.f32 v40, v3  }
0x2ba: {  	v47 =	vor.u32 v21, v2;
	v12 =	vld.idx.msk [tilespmem:v38+s12+$0x0], $0xffff  }
0x2bb: {  	v50 =	vor.u32 v21, v1;
	v49 =	vld.idx.msk [tilespmem:v39+s11+$0x0], $0xffff;
	v48 =	vmul.f32 v8, v37;
	v3 =	vadd.f32 v44, v3  }
0x2bc: {  	v51 =	vor.u32 v22, v2;
	v9 =	vld.idx.msk [tilespmem:v42+s12+$0x0], $0xffff  }
0x2bd: {  	v54 =	vor.u32 v22, v1;
	v53 =	vld.idx.msk [tilespmem:v43+s11+$0x0], $0xffff;
	v52 =	vmul.f32 v10, v41;
	v3 =	vadd.f32 v48, v3  }
0x2be: {  	v55 =	vor.u32 v24, v2;
	v11 =	vld.idx.msk [tilespmem:v46+s12+$0x0], $0xffff  }
0x2bf: {  	v58 =	vor.u32 v24, v1;
	v57 =	vld.idx.msk [tilespmem:v47+s11+$0x0], $0xffff;
	v56 =	vmul.f32 v12, v45;
	v3 =	vadd.f32 v52, v3  }
0x2c0: {  	v59 =	vor.u32 v29, v2;
	v8 =	vld.idx.msk [tilespmem:v50+s12+$0x0], $0xffff  }
0x2c1: {  	v21 =	vor.u32 v29, v1;
	v20 =	vld.idx.msk [tilespmem:v51+s11+$0x0], $0xffff;
	v14 =	vmul.f32 v9, v49;
	v3 =	vadd.f32 v56, v3  }
0x2c2: {  	v33 =	vor.u32 v23, v1;
	v10 =	vld.idx.msk [tilespmem:v54+s12+$0x0], $0xffff  }
0x2c3: {  	v24 =	vld.idx.msk [tilespmem:v55+s11+$0x0], $0xffff;
	v22 =	vmul.f32 v11, v53;
	v32 =	vor.u32 v23, v2;
	v3 =	vadd.f32 v14, v3  }
0x2c4: {  	v37 =	vor.u32 v25, v1;
	v12 =	vld.idx.msk [tilespmem:v58+s12+$0x0], $0xffff  }
0x2c5: {  	v35 =	vld.idx.msk [tilespmem:v59+s11+$0x0], $0xffff;
	v34 =	vmul.f32 v8, v57;
	v36 =	vor.u32 v25, v2;
	v3 =	vadd.f32 v22, v3  }
0x2c6: {  	v39 =	vor.u32 v26, v2;
	v9 =	vld.idx.msk [tilespmem:v21+s12+$0x0], $0xffff  }
0x2c7: {  	v41 =	vor.u32 v26, v1;
	v43 =	vld.idx.msk [tilespmem:v33+s12+$0x0], $0xffff;
	v38 =	vmul.f32 v10, v20;
	v3 =	vadd.f32 v34, v3  }
0x2c8: {  	v45 =	vor.u32 v27, v1;
	v40 =	vld.idx.msk [tilespmem:v32+s11+$0x0], $0xffff  }
0x2c9: {  	v47 =	vld.idx.msk [tilespmem:v37+s12+$0x0], $0xffff;
	v42 =	vmul.f32 v12, v24;
	v44 =	vor.u32 v27, v2;
	v3 =	vadd.f32 v38, v3  }
0x2ca: {  	v50 =	vor.u32 $0x3E, v16;
	v49 =	vor.u32 v28, v1;
	v8 =	vld.idx.msk [tilespmem:v36+s11+$0x0], $0xffff  }
0x2cb: {  	v7 =	vld.idx.msk [tilespmem:v39+s11+$0x0], $0xffff;
	v46 =	vmul.f32 v9, v35;
	v48 =	vor.u32 v28, v2;
	v3 =	vadd.f32 v42, v3  }
0x2cc: {  	v55 =	vor.u32 $0x3F, v16;
	v54 =	vor.u32 v50, v1;
	v51 =	vld.idx.msk [tilespmem:v41+s12+$0x0], $0xffff  }
0x2cd: {  	v13 =	vld.idx.msk [tilespmem:v45+s12+$0x0], $0xffff;
	v52 =	vor.u32 v50, v2;
	v5 =	vmul.f32 v43, v40;
	v3 =	vadd.f32 v46, v3  }
0x2ce: {  	v1 =	vor.u32 v55, v1;
	v53 =	vld.idx.msk [tilespmem:v44+s11+$0x0], $0xffff  }
0x2cf: {  	v58 =	vld.idx.msk [tilespmem:v49+s12+$0x0], $0xffff;
	v2 =	vor.u32 v55, v2;
	v56 =	vmul.f32 v47, v8;
	v3 =	vadd.f32 v5, v3  }
0x2d0: {  	v57 =	vld.idx.msk [tilespmem:v48+s11+$0x0], $0xffff  }
0x2d1: {  	v60 =	vld.idx.msk [tilespmem:v54+s12+$0x0], $0xffff;
	v4 =	vmul.f32 v51, v7;
	v3 =	vadd.f32 v56, v3  }
0x2d2: {  	v59 =	vld.idx.msk [tilespmem:v52+s11+$0x0], $0xffff  }
0x2d3: {  	v1 =	vld.idx.msk [tilespmem:v1+s12+$0x0], $0xffff;
	v61 =	vmul.f32 v13, v53;
	v3 =	vadd.f32 v4, v3  }
0x2d4: {  	v2 =	vld.idx.msk [tilespmem:v2+s11+$0x0], $0xffff  }
0x2d5: {  	v62 =	vmul.f32 v58, v57;
	v3 =	vadd.f32 v61, v3;
	_ =	sdelay $0x1  }
0x2d6: {  	v63 =	vmul.f32 v60, v59;
	v3 =	vadd.f32 v62, v3  }
0x2d7: {  	p0 =	seq.s32 s30, $0x780  }
.Ltmp4:
0x2d8: {  	v1 =	vmul.f32 v1, v2;
	v3 =	vadd.f32 v63, v3;
	(pc) =	sbr.rel @p0 .LBB2_4-.Ltmp4, $4  }
0x2d9: {  	_ = 	snop  }
0x2da: {  	[tilespmem:$0x1FC10] =	vst v55;
	v1 =	vadd.f32 v1, v3  }
0x2db: {  	[tilespmem:$0x1FC00] =	vst v50  }
0x2dc: {  	[tilespmem:s31+$0x10400] =	vst v1  }
0x2dd: {  	v1 =	vld [tilespmem:s31+$0x20];
	_ =	sdelay $0x1  }
0x2de: {  	v3 =	vld [tilespmem:s31+$0x220];
	_ =	sdelay $0x2  }
0x2df: {  	v1 =	vshrl.u32 v1, $0x3  }
0x2e0: {  	v2 =	vshll.u32 v1, $0x7  }
0x2e1: {  	v63 =	vshrl.u32 v3, $0x3;
	(v2sf) =	vpush v2, $0x0  }
0x2e2: {  	v1 =	vshll.u32 v63, $0x7  }
0x2e3: {  	(v2sf) =	vpush v1, $0x0;
	_ =	sdelay $0x2  }
0x2e4: {  	(v2sf) =	vpush v2, $0x1;
	_ =	sdelay $0x5  }
0x2e5: {  	(v2sf) =	vpush v1, $0x1;
	_ =	sdelay $0x3  }
0x2e6: {  	s0 =	spop (v2sf);
	(v2sf) =	vpush v2, $0x2;
	_ =	sdelay $0x1  }
0x2e7: {  	s0 =	sand.u32 $0x1FFFFF80, s0;
	s1 =	spop (v2sf);
	(v2sf) =	vpush v1, $0x2  }
0x2e8: {  	s0 =	sadd.s32 s3, s0  }
0x2e9: {  	[tilespmem:s11], [sflag:$0x1] =	stream.linear.gather [hbm4b:s0+s2], $0x400, $0x38;
	[tilespmem:$0x10600] =	vst v63  }
0x2ea: {  	s10 =	spop (v2sf);
	(v2sf) =	vpush v2, $0x3;
	s0 =	sand.u32 $0x1FFFFF80, s1  }
0x2eb: {  	s0 =	sadd.s32 s4, s0  }
0x2ec: {  	[tilespmem:s12], [sflag:$0x2] =	stream.linear.gather [hbm4b:s0+s2], $0x400, $0x38;
	[tilespmem:$0x10600] =	vst v63  }
0x2ed: {  	s0 =	sand.u32 $0x1FFFFF80, s10  }
0x2ee: {  	s1 =	simm.s32 $0x800;
	s0 =	sadd.s32 s3, s0  }
0x2ef: {  	[tilespmem:s1], [sflag:$0x1] =	stream.linear.gather [hbm4b:s0+s2], $0x400, $0x38;
	[tilespmem:$0x10600] =	vst v63  }
0x2f0: {  	s1 =	spop (v2sf);
	(v2sf) =	vpush v1, $0x3;
	_ =	sdelay $0x2  }
0x2f1: {  	s0 =	sand.u32 $0x1FFFFF80, s1  }
0x2f2: {  	s10 =	simm.s32 $0x4800;
	s0 =	sadd.s32 s4, s0;
	s1 =	spop (v2sf);
	(v2sf) =	vpush v2, $0x4  }
0x2f3: {  	[tilespmem:s10], [sflag:$0x2] =	stream.linear.gather [hbm4b:s0+s2], $0x400, $0x38;
	[tilespmem:$0x10600] =	vst v63  }
0x2f4: {  	s0 =	sand.u32 $0x1FFFFF80, s1;
	s1 =	spop (v2sf);
	(v2sf) =	vpush v1, $0x4  }
0x2f5: {  	s10 =	simm.s32 $0xC00;
	s0 =	sadd.s32 s3, s0  }
0x2f6: {  	[tilespmem:s10], [sflag:$0x1] =	stream.linear.gather [hbm4b:s0+s2], $0x400, $0x38;
	[tilespmem:$0x10600] =	vst v63  }
0x2f7: {  	s0 =	sand.u32 $0x1FFFFF80, s1;
	s1 =	spop (v2sf);
	(v2sf) =	vpush v2, $0x5;
	_ =	sdelay $0x3  }
0x2f8: {  	s10 =	simm.s32 $0x4C00;
	s0 =	sadd.s32 s4, s0  }
0x2f9: {  	[tilespmem:s10], [sflag:$0x2] =	stream.linear.gather [hbm4b:s0+s2], $0x400, $0x38;
	[tilespmem:$0x10600] =	vst v63  }
0x2fa: {  	s0 =	sand.u32 $0x1FFFFF80, s1;
	s1 =	spop (v2sf);
	(v2sf) =	vpush v1, $0x5  }
0x2fb: {  	s10 =	simm.s32 $0x1000;
	s0 =	sadd.s32 s3, s0  }
0x2fc: {  	[tilespmem:s10], [sflag:$0x1] =	stream.linear.gather [hbm4b:s0+s2], $0x400, $0x38;
	[tilespmem:$0x10600] =	vst v63  }
0x2fd: {  	s0 =	sand.u32 $0x1FFFFF80, s1  }
0x2fe: {  	s10 =	simm.s32 $0x5000;
	s0 =	sadd.s32 s4, s0;
	s1 =	spop (v2sf);
	(v2sf) =	vpush v2, $0x6  }
0x2ff: {  	[tilespmem:s10], [sflag:$0x2] =	stream.linear.gather [hbm4b:s0+s2], $0x400, $0x38;
	[tilespmem:$0x10600] =	vst v63  }
0x300: {  	s0 =	sand.u32 $0x1FFFFF80, s1;
	s1 =	spop (v2sf);
	(v2sf) =	vpush v1, $0x6  }
0x301: {  	s10 =	simm.s32 $0x1400;
	s0 =	sadd.s32 s3, s0  }
0x302: {  	[tilespmem:s10], [sflag:$0x1] =	stream.linear.gather [hbm4b:s0+s2], $0x400, $0x38;
	[tilespmem:$0x10600] =	vst v63  }
0x303: {  	s0 =	sand.u32 $0x1FFFFF80, s1;
	s1 =	spop (v2sf);
	(v2sf) =	vpush v2, $0x7;
	_ =	sdelay $0x3  }
0x304: {  	s10 =	simm.s32 $0x5400;
	s0 =	sadd.s32 s4, s0  }
0x305: {  	[tilespmem:s10], [sflag:$0x2] =	stream.linear.gather [hbm4b:s0+s2], $0x400, $0x38;
	[tilespmem:$0x10600] =	vst v63  }
0x306: {  	s0 =	sand.u32 $0x1FFFFF80, s1;
	s1 =	spop (v2sf);
	(v2sf) =	vpush v1, $0x7  }
0x307: {  	s10 =	simm.s32 $0x1800;
	s0 =	sadd.s32 s3, s0  }
0x308: {  	[tilespmem:s10], [sflag:$0x1] =	stream.linear.gather [hbm4b:s0+s2], $0x400, $0x38;
	[tilespmem:$0x10600] =	vst v63  }
0x309: {  	s0 =	sand.u32 $0x1FFFFF80, s1  }
0x30a: {  	s10 =	simm.s32 $0x5800;
	s0 =	sadd.s32 s4, s0;
	s1 =	spop (v2sf);
	(v2sf) =	vpush v2, $0x8  }
0x30b: {  	[tilespmem:s10], [sflag:$0x2] =	stream.linear.gather [hbm4b:s0+s2], $0x400, $0x38;
	[tilespmem:$0x10600] =	vst v63  }
0x30c: {  	s0 =	sand.u32 $0x1FFFFF80, s1;
	s1 =	spop (v2sf);
	(v2sf) =	vpush v1, $0x8  }
0x30d: {  	s10 =	simm.s32 $0x1C00;
	s0 =	sadd.s32 s3, s0  }
0x30e: {  	[tilespmem:s10], [sflag:$0x1] =	stream.linear.gather [hbm4b:s0+s2], $0x400, $0x38;
	[tilespmem:$0x10600] =	vst v63  }
0x30f: {  	s0 =	sand.u32 $0x1FFFFF80, s1;
	s1 =	spop (v2sf);
	(v2sf) =	vpush v2, $0x9;
	_ =	sdelay $0x3  }
0x310: {  	s10 =	simm.s32 $0x5C00;
	s0 =	sadd.s32 s4, s0  }
0x311: {  	[tilespmem:s10], [sflag:$0x2] =	stream.linear.gather [hbm4b:s0+s2], $0x400, $0x38;
	[tilespmem:$0x10600] =	vst v63  }
0x312: {  	s0 =	sand.u32 $0x1FFFFF80, s1;
	s1 =	spop (v2sf);
	(v2sf) =	vpush v1, $0x9  }
0x313: {  	s10 =	simm.s32 $0x2000;
	s0 =	sadd.s32 s3, s0  }
0x314: {  	[tilespmem:s10], [sflag:$0x1] =	stream.linear.gather [hbm4b:s0+s2], $0x400, $0x38;
	[tilespmem:$0x10600] =	vst v63  }
0x315: {  	s0 =	sand.u32 $0x1FFFFF80, s1  }
0x316: {  	s10 =	simm.s32 $0x6000;
	s0 =	sadd.s32 s4, s0;
	s1 =	spop (v2sf);
	(v2sf) =	vpush v2, $0xA  }
0x317: {  	[tilespmem:s10], [sflag:$0x2] =	stream.linear.gather [hbm4b:s0+s2], $0x400, $0x38;
	[tilespmem:$0x10600] =	vst v63  }
0x318: {  	s0 =	sand.u32 $0x1FFFFF80, s1;
	s1 =	spop (v2sf);
	(v2sf) =	vpush v1, $0xA  }
0x319: {  	s10 =	simm.s32 $0x2400;
	s0 =	sadd.s32 s3, s0  }
0x31a: {  	[tilespmem:s10], [sflag:$0x1] =	stream.linear.gather [hbm4b:s0+s2], $0x400, $0x38;
	[tilespmem:$0x10600] =	vst v63  }
0x31b: {  	s0 =	sand.u32 $0x1FFFFF80, s1;
	s1 =	spop (v2sf);
	(v2sf) =	vpush v2, $0xB;
	_ =	sdelay $0x3  }
0x31c: {  	s10 =	simm.s32 $0x6400;
	s0 =	sadd.s32 s4, s0  }
0x31d: {  	[tilespmem:s10], [sflag:$0x2] =	stream.linear.gather [hbm4b:s0+s2], $0x400, $0x38;
	[tilespmem:$0x10600] =	vst v63  }
0x31e: {  	s0 =	sand.u32 $0x1FFFFF80, s1;
	s1 =	spop (v2sf);
	(v2sf) =	vpush v1, $0xB  }
0x31f: {  	s10 =	simm.s32 $0x2800;
	s0 =	sadd.s32 s3, s0  }
0x320: {  	[tilespmem:s10], [sflag:$0x1] =	stream.linear.gather [hbm4b:s0+s2], $0x400, $0x38;
	[tilespmem:$0x10600] =	vst v63  }
0x321: {  	s0 =	sand.u32 $0x1FFFFF80, s1  }
0x322: {  	s10 =	simm.s32 $0x6800;
	s0 =	sadd.s32 s4, s0;
	s1 =	spop (v2sf);
	(v2sf) =	vpush v2, $0xC  }
0x323: {  	[tilespmem:s10], [sflag:$0x2] =	stream.linear.gather [hbm4b:s0+s2], $0x400, $0x38;
	[tilespmem:$0x10600] =	vst v63  }
0x324: {  	s0 =	sand.u32 $0x1FFFFF80, s1;
	s1 =	spop (v2sf);
	(v2sf) =	vpush v1, $0xC  }
0x325: {  	s10 =	simm.s32 $0x2C00;
	s0 =	sadd.s32 s3, s0  }
0x326: {  	[tilespmem:s10], [sflag:$0x1] =	stream.linear.gather [hbm4b:s0+s2], $0x400, $0x38;
	[tilespmem:$0x10600] =	vst v63  }
0x327: {  	s0 =	sand.u32 $0x1FFFFF80, s1;
	s1 =	spop (v2sf);
	(v2sf) =	vpush v2, $0xD;
	_ =	sdelay $0x3  }
0x328: {  	s10 =	simm.s32 $0x6C00;
	s0 =	sadd.s32 s4, s0  }
0x329: {  	[tilespmem:s10], [sflag:$0x2] =	stream.linear.gather [hbm4b:s0+s2], $0x400, $0x38;
	[tilespmem:$0x10600] =	vst v63  }
0x32a: {  	s0 =	sand.u32 $0x1FFFFF80, s1;
	s1 =	spop (v2sf);
	(v2sf) =	vpush v1, $0xD  }
0x32b: {  	s10 =	simm.s32 $0x3000;
	s0 =	sadd.s32 s3, s0  }
0x32c: {  	[tilespmem:s10], [sflag:$0x1] =	stream.linear.gather [hbm4b:s0+s2], $0x400, $0x38;
	[tilespmem:$0x10600] =	vst v63  }
0x32d: {  	s0 =	sand.u32 $0x1FFFFF80, s1  }
0x32e: {  	s10 =	simm.s32 $0x7000;
	s0 =	sadd.s32 s4, s0;
	s1 =	spop (v2sf);
	(v2sf) =	vpush v2, $0xE  }
0x32f: {  	[tilespmem:s10], [sflag:$0x2] =	stream.linear.gather [hbm4b:s0+s2], $0x400, $0x38;
	[tilespmem:$0x10600] =	vst v63  }
0x330: {  	s0 =	sand.u32 $0x1FFFFF80, s1;
	s1 =	spop (v2sf);
	(v2sf) =	vpush v1, $0xE  }
0x331: {  	s10 =	simm.s32 $0x3400;
	s0 =	sadd.s32 s3, s0  }
0x332: {  	[tilespmem:s10], [sflag:$0x1] =	stream.linear.gather [hbm4b:s0+s2], $0x400, $0x38;
	[tilespmem:$0x10600] =	vst v63  }
0x333: {  	s0 =	sand.u32 $0x1FFFFF80, s1;
	s1 =	spop (v2sf);
	(v2sf) =	vpush v2, $0xF  }
0x334: {  	s10 =	simm.s32 $0x7400;
	s0 =	sadd.s32 s4, s0  }
0x335: {  	[tilespmem:s10], [sflag:$0x2] =	stream.linear.gather [hbm4b:s0+s2], $0x400, $0x38;
	[tilespmem:$0x10600] =	vst v63  }
0x336: {  	s0 =	sand.u32 $0x1FFFFF80, s1  }
0x337: {  	s10 =	simm.s32 $0x3800;
	s0 =	sadd.s32 s3, s0  }
0x338: {  	[tilespmem:s10], [sflag:$0x1] =	stream.linear.gather [hbm4b:s0+s2], $0x400, $0x38;
	[tilespmem:$0x10600] =	vst v63  }
0x339: {  	s1 =	spop (v2sf);
	(v2sf) =	vpush v1, $0xF  }
0x33a: {  	s0 =	sand.u32 $0x1FFFFF80, s1  }
0x33b: {  	s10 =	simm.s32 $0x7800;
	s0 =	sadd.s32 s4, s0  }
0x33c: {  	[tilespmem:s10], [sflag:$0x2] =	stream.linear.gather [hbm4b:s0+s2], $0x400, $0x38;
	[tilespmem:$0x10600] =	vst v63  }
0x33d: {  	s1 =	spop (v2sf)  }
0x33e: {  	s0 =	sand.u32 $0x1FFFFF80, s1  }
0x33f: {  	s10 =	simm.s32 $0x3C00;
	s1 =	spop (v2sf);
	s0 =	sadd.s32 s3, s0  }
0x340: {  	[tilespmem:s10], [sflag:$0x1] =	stream.linear.gather [hbm4b:s0+s2], $0x400, $0x38;
	[tilespmem:$0x10600] =	vst v63  }
0x341: {  	s0 =	sand.u32 $0x1FFFFF80, s1  }
0x342: {  	s10 =	simm.s32 $0x7C00;
	s1 =	spop (v2sf);
	s0 =	sadd.s32 s4, s0  }
0x343: {  	[tilespmem:s10], [sflag:$0x2] =	stream.linear.gather [hbm4b:s0+s2], $0x400, $0x38;
	[tilespmem:$0x10600] =	vst v63  }
0x344: {  	s0 =	sand.u32 $0x1FFFFF80, s1  }
0x345: {  	s10 =	simm.s32 $0x4000;
	s0 =	sadd.s32 s3, s0  }
0x346: {  	[tilespmem:s10], [sflag:$0x1] =	stream.linear.gather [hbm4b:s0+s2], $0x400, $0x38;
	[tilespmem:$0x10600] =	vst v63  }
.Ltmp5:
0x347: {  	_ = 	snop;
	(pc) =	sbr.rel .LBB2_4-.Ltmp5, $4  }
0x348: {  	s1 =	spop (v2sf)  }
0x349: {  	s0 =	sand.u32 $0x1FFFFF80, s1  }
0x34a: {  	s10 =	simm.s32 $0x8000;
	s1 =	simm.s32 $0x8800;
	s0 =	sadd.s32 s4, s0  }
0x34b: {  	[tilespmem:s10], [sflag:$0x2] =	stream.linear.gather [hbm4b:s0+s2], $0x400, $0x38;
	[tilespmem:$0x10600] =	vst v63  }
.LBB2_6:
0x34c: {  	_ =	sfence.sel $0x180000  }
0x34d: {  	[bflag:$0x0] =	sbarrier.arrive $0xFFFF  }
0x34e: {  	_ =	strace $0x90000047  }
0x34f: {  	s0 =	stileid.u32;
	[bflag:$0x2] =	sbarrier.arrive $0xFFFF  }
0x350: {  	p0 =	sne.s32 s0, $0x0;
	s0 =	rddreg [dreg:$0x4]  }
0x351: {  	s0 =	sadd.s32 @!p0 $0x100000, s0  }
0x352: {  	[sflag:s0] =	ssyncadd.tile.s32 @!p0 $0x1;
	_ =	shalt  }
.Lfunc_end2:
_tile_overlayer_lowered:
.L_overlay_start_2:
0x353: {  	(tag) =	ssettag $0x2  }
0x354: {  	s0 =	rddreg [dreg:$0x0];
	s2 =	stileid.u32  }
0x355: {  	s1 =	rddreg [dreg:$0x1];
	p0 =	sne.s32 s2, $0x0  }
0x356: {  	s3 =	rddreg [dreg:$0x2];
	[bflag:$0x3] =	sbarrier.arrive $0xFFFF;
	s2 =	simm.s32 @!p0 $0x1C05  }
0x357: {  	[timem:s3], [sflag:s2] =	dma.local @!p0 [hbm:s0], s1  }
0x358: {  	s0 =	simm.s32 @!p0 $0x5  }
0x359: {  	_ =	swait.ge @!p0 [sflag:s0], s1  }
0x35a: {  	s1 =	ssub.s32 @!p0 $0x0, s1;
	[sflag:s0] =	ssyncset.done @!p0 $0x0  }
0x35b: {  	[sflag:s0] =	ssyncadd.s32 @!p0 s1  }
0x35c: {  	[bflag:$0x3] =	sbarrier.arrive $0xFFFF  }
0x35d: {  	_ =	shalt  }

</sc_bundles>
